<compile_context>
chip_gen: v7x
topology: tpu7x:2x2x1
jax: 0.10.2.dev20260603
libtpu: 0.0.44.dev20260713+nightly
codegen_flags: <defaults>
</compile_context>

<pallas_src>
import functools

import jax
import jax.numpy as jnp
from jax import lax
from jax.experimental import pallas as pl
from jax.experimental.pallas import tpu as pltpu
from jax.experimental.pallas import tpu_sc as plsc

N = 131072
D = 64
K = 1024
C = 8
NOISE_LOG_PROP = -5.0

NC = 2
NS = 16
NW = NC * NS
L = 16

SPW = N // NW
CHUNK = 64
GPC = CHUNK // L
NCHUNK = SPW // CHUNK
DCH = 8
FTS = D + 1

_SORT_NET = (
    (0, 1), (2, 3), (4, 5), (6, 7),
    (0, 2), (1, 3), (4, 6), (5, 7),
    (1, 2), (5, 6),
    (0, 4), (1, 5), (2, 6), (3, 7),
    (2, 4), (3, 5),
    (1, 2), (3, 4), (5, 6),
)


def _sc_body(feat_hbm, cand_hbm, meansT_hbm, lp_hbm,
             mparts_hbm, nuparts_hbm, newcand_hbm, mx_hbm, se_hbm, nll_hbm,
             means_v, qbuf, fbuf0, fbuf1, ft0, ft1, cbuf0, cbuf1,
             ncbuf0, ncbuf1, mxbuf0, mxbuf1, sebuf0, sebuf1,
             nllbuf0, nllbuf1, btab_v, b2_v, nu_v,
             insem0, insem1, outsem0, outsem1):
  wid = lax.axis_index("s") * NC + lax.axis_index("c")
  fbufs = (fbuf0, fbuf1)
  fts = (ft0, ft1)
  cbufs = (cbuf0, cbuf1)
  ncbufs = (ncbuf0, ncbuf1)
  mxbufs = (mxbuf0, mxbuf1)
  sebufs = (sebuf0, sebuf1)
  nllbufs = (nllbuf0, nllbuf1)
  insems = (insem0, insem1)
  outsems = (outsem0, outsem1)

  lane = lax.iota(jnp.int32, L)
  lane8 = lane * C
  laneft = lane * FTS
  zero = jnp.zeros((L,), jnp.float32)

  def in_descs(ch, p):
    base = wid * SPW + ch * CHUNK
    fd = pltpu.make_async_copy(
        feat_hbm.at[pl.ds(base * D, CHUNK * D)], fbufs[p], insems[p])
    cd = pltpu.make_async_copy(
        cand_hbm.at[pl.ds(base * C, CHUNK * C)], cbufs[p], insems[p])
    return fd, cd

  def start_in(ch, p):
    fd, cd = in_descs(ch, p)
    fd.start()
    cd.start()

  def wait_in(ch, p):
    fd, cd = in_descs(ch, p)
    fd.wait()
    cd.wait()

  def out_descs(ch, p):
    base = wid * SPW + ch * CHUNK
    return (
        pltpu.make_async_copy(
            ncbufs[p], newcand_hbm.at[pl.ds(base * C, CHUNK * C)],
            outsems[p]),
        pltpu.make_async_copy(
            mxbufs[p], mx_hbm.at[pl.ds(base, CHUNK)], outsems[p]),
        pltpu.make_async_copy(
            sebufs[p], se_hbm.at[pl.ds(base, CHUNK)], outsems[p]),
        pltpu.make_async_copy(
            nllbufs[p], nll_hbm.at[pl.ds(base, CHUNK)], outsems[p]),
    )

  def transpose_f(p):
    fbuf = fbufs[p]
    ft = fts[p]

    def tloop(s, _):
      so = s * D
      for q in range(D // L):
        v = fbuf[pl.ds(so + q * L, L)]
        plsc.store_scatter(ft, [laneft + (q * L * FTS + s)], v)
      return 0
    lax.fori_loop(0, CHUNK, tloop, 0)

  start_in(0, 0)
  start_in(1, 1)
  pltpu.sync_copy(meansT_hbm, means_v)
  pltpu.sync_copy(lp_hbm, btab_v)

  def b2_loop(kk, _):
    def dstep(d, a):
      v = means_v[pl.ds(d * K + kk * L, L)]
      return a + v * v
    nsq = lax.fori_loop(0, D, dstep, zero)
    b2_v[pl.ds(kk * L, L)] = btab_v[pl.ds(kk * L, L)] - 0.5 * nsq
    nu_v[pl.ds(kk * L, L)] = zero
    return 0
  lax.fori_loop(0, K // L, b2_loop, 0)

  def group_a(ch, g, ft, cbuf, ncbuf, mxbuf, sebuf, nllbuf):
    coff = g * (L * C)
    cands = [plsc.load_gather(cbuf, [lane8 + (coff + c)]) for c in range(C)]

    def dloop(dc, carry):
      dots = list(carry[:C])
      nacc = carry[C]
      d0 = dc * DCH
      fs = [ft[pl.ds((d0 + dd) * FTS + g * L, L)] for dd in range(DCH)]
      for dd in range(DCH):
        nacc = nacc + fs[dd] * fs[dd]
      for c in range(C):
        dot = dots[c]
        for dd in range(DCH):
          mu = plsc.load_gather(
              means_v.at[pl.ds((d0 + dd) * K, K)], [cands[c]])
          dot = dot + fs[dd] * mu
        dots[c] = dot
      return tuple(dots) + (nacc,)

    out = lax.fori_loop(0, D // DCH, dloop, tuple([zero] * C) + (zero,))
    nacc = out[C]

    b2s = [plsc.load_gather(b2_v, [cands[c]]) for c in range(C)]
    lls = [b2s[c] + out[c] for c in range(C)]

    mx = jnp.full((L,), NOISE_LOG_PROP, jnp.float32)
    for c in range(C):
      mx = jnp.maximum(mx, lls[c])
    es = [jnp.exp(lls[c] - mx) for c in range(C)]
    se = jnp.exp(NOISE_LOG_PROP - mx)
    for c in range(C):
      se = se + es[c]
    r = 1.0 / se
    qs = [es[c] * r for c in range(C)]

    soff = g * L
    mxbuf[pl.ds(soff, L)] = mx - 0.5 * nacc
    sebuf[pl.ds(soff, L)] = se
    nllbuf[pl.ds(soff, L)] = NOISE_LOG_PROP - 0.5 * nacc

    goff = (ch * GPC + g) * (L * C)
    for c in range(C):
      plsc.addupdate_scatter(nu_v, [cands[c]], qs[c])
      qbuf[pl.ds(goff + c * L, L)] = qs[c]

    keys = list(lls)
    vals = list(cands)
    for (i, j) in _SORT_NET:
      m = keys[i] >= keys[j]
      ki = jnp.where(m, keys[i], keys[j])
      kj = jnp.where(m, keys[j], keys[i])
      vi = jnp.where(m, vals[i], vals[j])
      vj = jnp.where(m, vals[j], vals[i])
      keys[i], keys[j] = ki, kj
      vals[i], vals[j] = vi, vj
    for c in range(C):
      plsc.store_scatter(ncbuf, [lane8 + (coff + c)], vals[c])

  def chunk_a(i, _):
    for p in range(2):
      ch = 2 * i + p
      wait_in(ch, p)
      transpose_f(p)

      @pl.when(ch >= 2)
      def _():
        for dsc in out_descs(ch - 2, p):
          dsc.wait()

      def ga(g, _):
        group_a(ch, g, fts[p], cbufs[p], ncbufs[p],
                mxbufs[p], sebufs[p], nllbufs[p])
        return 0
      lax.fori_loop(0, GPC, ga, 0)

      for dsc in out_descs(ch, p):
        dsc.start()

      @pl.when(ch + 2 < NCHUNK)
      def _():
        start_in(ch + 2, p)
    return 0

  lax.fori_loop(0, NCHUNK // 2, chunk_a, 0)

  start_in(0, 0)
  start_in(1, 1)

  for p in range(2):
    for dsc in out_descs(NCHUNK - 2 + p, p):
      dsc.wait()

  def zero_m(i, _):
    means_v[pl.ds(i * L, L)] = zero
    return 0
  lax.fori_loop(0, (K * D) // L, zero_m, 0)

  def group_b(ch, g, ft, cbuf):
    coff = g * (L * C)
    cands = [plsc.load_gather(cbuf, [lane8 + (coff + c)]) for c in range(C)]
    goff = (ch * GPC + g) * (L * C)
    qs = [qbuf[pl.ds(goff + c * L, L)] for c in range(C)]

    def dloop(dc, _):
      d0 = dc * DCH
      fs = [ft[pl.ds((d0 + dd) * FTS + g * L, L)] for dd in range(DCH)]
      for c in range(C):
        for dd in range(DCH):
          plsc.addupdate_scatter(
              means_v.at[pl.ds((d0 + dd) * K, K)], [cands[c]],
              qs[c] * fs[dd])
      return 0

    lax.fori_loop(0, D // DCH, dloop, 0)

  def chunk_b(i, _):
    for p in range(2):
      ch = 2 * i + p
      wait_in(ch, p)
      transpose_f(p)

      def gb(g, _):
        group_b(ch, g, fts[p], cbufs[p])
        return 0
      lax.fori_loop(0, GPC, gb, 0)

      @pl.when(ch + 2 < NCHUNK)
      def _():
        start_in(ch + 2, p)
    return 0

  lax.fori_loop(0, NCHUNK // 2, chunk_b, 0)

  pltpu.sync_copy(means_v, mparts_hbm.at[pl.ds(wid * (K * D), K * D)])
  pltpu.sync_copy(nu_v, nuparts_hbm.at[pl.ds(wid * K, K)])


_sc_kernel = functools.partial(
    pl.kernel,
    out_type=[
        jax.ShapeDtypeStruct((NW * K * D,), jnp.float32),
        jax.ShapeDtypeStruct((NW * K,), jnp.float32),
        jax.ShapeDtypeStruct((N * C,), jnp.int32),
        jax.ShapeDtypeStruct((N,), jnp.float32),
        jax.ShapeDtypeStruct((N,), jnp.float32),
        jax.ShapeDtypeStruct((N,), jnp.float32),
    ],
    mesh=plsc.VectorSubcoreMesh(
        core_axis_name="c", subcore_axis_name="s",
        num_cores=NC, num_subcores=NS),
    compiler_params=pltpu.CompilerParams(needs_layout_passes=False),
    scratch_types=[
        pltpu.VMEM((K * D,), jnp.float32),
        pltpu.VMEM((SPW * C,), jnp.float32),
        pltpu.VMEM((CHUNK * D,), jnp.float32),
        pltpu.VMEM((CHUNK * D,), jnp.float32),
        pltpu.VMEM((D * FTS,), jnp.float32),
        pltpu.VMEM((D * FTS,), jnp.float32),
        pltpu.VMEM((CHUNK * C,), jnp.int32),
        pltpu.VMEM((CHUNK * C,), jnp.int32),
        pltpu.VMEM((CHUNK * C,), jnp.int32),
        pltpu.VMEM((CHUNK * C,), jnp.int32),
        pltpu.VMEM((CHUNK,), jnp.float32),
        pltpu.VMEM((CHUNK,), jnp.float32),
        pltpu.VMEM((CHUNK,), jnp.float32),
        pltpu.VMEM((CHUNK,), jnp.float32),
        pltpu.VMEM((CHUNK,), jnp.float32),
        pltpu.VMEM((CHUNK,), jnp.float32),
        pltpu.VMEM((K,), jnp.float32),
        pltpu.VMEM((K,), jnp.float32),
        pltpu.VMEM((K,), jnp.float32),
        pltpu.SemaphoreType.DMA,
        pltpu.SemaphoreType.DMA,
        pltpu.SemaphoreType.DMA,
        pltpu.SemaphoreType.DMA,
    ],
)(_sc_body)


def _tc_stats(nuparts_ref, mx_ref, se_ref, nll_ref, nu_ref, elbo_ref, nn_ref):
  nu = jnp.sum(nuparts_ref[...], axis=0, keepdims=True)
  nu_ref[...] = nu
  mx = mx_ref[...]
  se = se_ref[...]
  logz = mx + jnp.log(se)
  elbo = jnp.sum(logz) * (1.0 / N)
  qn = jnp.exp(nll_ref[...] - mx) / se
  nn = jnp.sum(qn)
  elbo_ref[...] = jnp.full((8, 128), elbo, jnp.float32)
  nn_ref[...] = jnp.full((8, 128), nn, jnp.float32)


def _tc_mreduce(mpart_ref, nu_ref, m_ref, acc_ref):
  i = pl.program_id(0)

  @pl.when(i == 0)
  def _():
    acc_ref[...] = jnp.zeros_like(acc_ref)

  acc_ref[...] += mpart_ref[0]

  @pl.when(i == NW - 1)
  def _():
    nub = lax.broadcast_in_dim(nu_ref[0], (D, K), (1,))
    m_ref[...] = (acc_ref[...] / jnp.clip(nub, 1.0, None)).T


def kernel(features, means, log_proportions, candidates):
  feat_flat = features.reshape(-1)
  cand_flat = candidates.reshape(-1)
  meansT_flat = means.T.reshape(-1)

  mparts, nuparts, newcand, mx, se, nll = _sc_kernel(
      feat_flat, cand_flat, meansT_flat, log_proportions)

  nu, elbo, nn = pl.pallas_call(
      _tc_stats,
      out_shape=[
          jax.ShapeDtypeStruct((1, K), jnp.float32),
          jax.ShapeDtypeStruct((8, 128), jnp.float32),
          jax.ShapeDtypeStruct((8, 128), jnp.float32),
      ],
  )(nuparts.reshape(NW, K),
    mx.reshape(N // 128, 128), se.reshape(N // 128, 128),
    nll.reshape(N // 128, 128))

  m = pl.pallas_call(
      _tc_mreduce,
      grid=(NW,),
      in_specs=[
          pl.BlockSpec((1, D, K), lambda i: (i, 0, 0)),
          pl.BlockSpec((1, K), lambda i: (0, 0)),
      ],
      out_specs=pl.BlockSpec((K, D), lambda i: (0, 0)),
      out_shape=jax.ShapeDtypeStruct((K, D), jnp.float32),
      scratch_shapes=[pltpu.VMEM((D, K), jnp.float32)],
  )(mparts.reshape(NW, D, K), nu)

  N_units = nu.reshape(K)
  noise_N = nn[0, 0]
  obs_elbo = elbo[0, 0]
  new_candidates = newcand.reshape(N, C)
  return m, N_units, noise_N, obs_elbo, new_candidates

# --- scband reference (transcript-rebuilt; emitter-appended) ---
"""Pipeline reference for scband-truncated-expectation-processor-13477607375126 (READ-ONLY COPY).

The authoritative reference and input builder live on the scoring server;
editing this copy changes nothing except your own understanding.
"""

import jax, jax.numpy as jnp
import numpy as np

N = 131072
D = 64
K = 1024
C = 8
NOISE_LOG_PROP = -5.0


def setup_inputs(seed: int = 0) -> dict:
    key = jax.random.key(seed)
    k1, k2, k3, k4 = jax.random.split(key, 4)
    features = jax.random.normal(k1, (N, D), dtype=jnp.float32)
    candidates = jax.random.randint(k2, (N, C), 0, K, dtype=jnp.int32)
    means = jax.random.normal(k3, (K, D), dtype=jnp.float32) * 0.1
    log_proportions = jax.random.normal(k4, (K,), dtype=jnp.float32) * 0.1 - float(np.log(K))
    return {
        'features': features,
        'means': means,
        'log_proportions': log_proportions,
        'candidates': candidates,
    }


def reference(features, means, log_proportions, candidates):
    # --- E step over candidate units (gather-heavy) ---
    mu = jnp.take(means, candidates, axis=0)                      # [N, C, D] gather
    diff = features[:, None, :] - mu
    log_liks = -0.5 * jnp.sum(diff * diff, axis=-1)               # [N, C]
    log_liks = log_liks + jnp.take(log_proportions, candidates, axis=0)
    noise_ll = -0.5 * jnp.sum(features * features, axis=-1) + NOISE_LOG_PROP
    all_ll = jnp.concatenate([log_liks, noise_ll[:, None]], axis=1)   # [N, C+1]
    logZ = jax.nn.logsumexp(all_ll, axis=1, keepdims=True)
    Q = jnp.exp(all_ll - logZ)                                    # responsibilities
    # observed-data ELBO (spiketorch.elbo analogue)
    obs_elbo = jnp.mean(jnp.sum(Q * (all_ll - jnp.log(jnp.clip(Q, 1e-30, None))), axis=1))
    # --- M-step sufficient statistics via scatter-add ---
    Qc = Q[:, :C]
    flat_idx = candidates.reshape(-1)
    N_units = jnp.zeros((K,), features.dtype).at[flat_idx].add(Qc.reshape(-1))
    contrib = (Qc[:, :, None] * features[:, None, :]).reshape(-1, D)
    m = jnp.zeros((K, D), features.dtype).at[flat_idx].add(contrib)
    m = m / jnp.clip(N_units, 1.0, None)[:, None]                 # running-mean normalization
    noise_N = jnp.sum(Q[:, -1])
    # --- reorder candidates by responsibility (scatter-overwrite of top_candidates) ---
    order = jnp.argsort(-Qc, axis=1)
    new_candidates = jnp.take_along_axis(candidates, order, axis=1)
    return m, N_units, noise_N, obs_elbo, new_candidates

if __name__ == "__main__":
    import jax
    _d = setup_inputs()
    print(jax.jit(kernel)(*tuple(_d.values())))

</pallas_src>

<mosaic_0001>
#map = affine_map<(d0, d1) -> (0)>
module attributes {stable_mosaic.version = 14 : i64} {
  func.func @_sc_body(%arg0: i32, %arg1: i32, %arg2: memref<8388608xf32, #tpu.memory_space<hbm>>, %arg3: memref<1048576xi32, #tpu.memory_space<hbm>>, %arg4: memref<65536xf32, #tpu.memory_space<hbm>>, %arg5: memref<1024xf32, #tpu.memory_space<hbm>>, %arg6: memref<2097152xf32, #tpu.memory_space<hbm>>, %arg7: memref<32768xf32, #tpu.memory_space<hbm>>, %arg8: memref<1048576xi32, #tpu.memory_space<hbm>>, %arg9: memref<131072xf32, #tpu.memory_space<hbm>>, %arg10: memref<131072xf32, #tpu.memory_space<hbm>>, %arg11: memref<131072xf32, #tpu.memory_space<hbm>>, %arg12: memref<65536xf32, #tpu.memory_space<vmem>>, %arg13: memref<32768xf32, #tpu.memory_space<vmem>>, %arg14: memref<4096xf32, #tpu.memory_space<vmem>>, %arg15: memref<4096xf32, #tpu.memory_space<vmem>>, %arg16: memref<4160xf32, #tpu.memory_space<vmem>>, %arg17: memref<4160xf32, #tpu.memory_space<vmem>>, %arg18: memref<512xi32, #tpu.memory_space<vmem>>, %arg19: memref<512xi32, #tpu.memory_space<vmem>>, %arg20: memref<512xi32, #tpu.memory_space<vmem>>, %arg21: memref<512xi32, #tpu.memory_space<vmem>>, %arg22: memref<64xf32, #tpu.memory_space<vmem>>, %arg23: memref<64xf32, #tpu.memory_space<vmem>>, %arg24: memref<64xf32, #tpu.memory_space<vmem>>, %arg25: memref<64xf32, #tpu.memory_space<vmem>>, %arg26: memref<64xf32, #tpu.memory_space<vmem>>, %arg27: memref<64xf32, #tpu.memory_space<vmem>>, %arg28: memref<1024xf32, #tpu.memory_space<vmem>>, %arg29: memref<1024xf32, #tpu.memory_space<vmem>>, %arg30: memref<1024xf32, #tpu.memory_space<vmem>>, %arg31: memref<!tpu.dma_semaphore, #tpu.memory_space<semaphore_mem>>, %arg32: memref<!tpu.dma_semaphore, #tpu.memory_space<semaphore_mem>>, %arg33: memref<!tpu.dma_semaphore, #tpu.memory_space<semaphore_mem>>, %arg34: memref<!tpu.dma_semaphore, #tpu.memory_space<semaphore_mem>>) attributes {dimension_semantics = [#tpu.dimension_semantics<core_parallel>, #tpu.dimension_semantics<subcore_parallel>], iteration_bounds = array<i64: 2, 16>, scalar_prefetch = 0 : i64, scratch_operands = 23 : i64, tpu.core_type = #tpu.core_type<sc_vector_subcore>, window_params = [{transform_indices = #map}, {transform_indices = #map}, {transform_indices = #map}, {transform_indices = #map}, {transform_indices = #map}, {transform_indices = #map}, {transform_indices = #map}, {transform_indices = #map}, {transform_indices = #map}, {transform_indices = #map}]} {
    %mul3A = arith.constant 2 : i32
    %mul3A_0 = arith.muli %arg1, %mul3A : i32
    %add3A = arith.addi %mul3A_0, %arg0 : i32
    %iota3A = tpu.iota {dimensions = array<i32: 0>} : vector<16xi32>
    %mul3A_1 = arith.constant 8 : i32
    %mul3A_2 = vector.broadcast %mul3A_1 : i32 to vector<16xi32>
    %mul3A_3 = arith.muli %iota3A, %mul3A_2 : vector<16xi32>
    %mul3A_4 = arith.constant 65 : i32
    %mul3A_5 = vector.broadcast %mul3A_4 : i32 to vector<16xi32>
    %mul3A_6 = arith.muli %iota3A, %mul3A_5 : vector<16xi32>
    %broadcast_in_dim3A = arith.constant 0.000000e+00 : f32
    %broadcast_in_dim3A_7 = vector.broadcast %broadcast_in_dim3A : f32 to vector<16xf32>
    %mul3A_8 = arith.constant 4096 : i32
    %mul3A_9 = arith.muli %add3A, %mul3A_8 : i32
    %add3A_10 = arith.constant 0 : i32
    %add3A_11 = arith.addi %mul3A_9, %add3A_10 : i32
    %mul3A_12 = arith.constant 64 : i32
    %mul3A_13 = arith.muli %add3A_11, %mul3A_12 : i32
    %mul3A_14 = arith.constant 8 : i32
    %mul3A_15 = arith.muli %add3A_11, %mul3A_14 : i32
    %dma_start3A = tpu.memref_slice %arg2[%mul3A_13] : memref<8388608xf32, #tpu.memory_space<hbm>> -> memref<4096xf32, #tpu.memory_space<hbm>>
    %dma_start3A_16 = tpu.memref_slice %arg2[%mul3A_13] : memref<8388608xf32, #tpu.memory_space<hbm>> -> memref<4096xf32, #tpu.memory_space<hbm>>
    tpu.enqueue_dma source(%dma_start3A_16 : memref<4096xf32, #tpu.memory_space<hbm>>) target(%arg14 : memref<4096xf32, #tpu.memory_space<vmem>>) target_semaphore(%arg31 : memref<!tpu.dma_semaphore, #tpu.memory_space<semaphore_mem>>)
    %dma_start3A_17 = tpu.memref_slice %arg3[%mul3A_15] : memref<1048576xi32, #tpu.memory_space<hbm>> -> memref<512xi32, #tpu.memory_space<hbm>>
    %dma_start3A_18 = tpu.memref_slice %arg3[%mul3A_15] : memref<1048576xi32, #tpu.memory_space<hbm>> -> memref<512xi32, #tpu.memory_space<hbm>>
    tpu.enqueue_dma source(%dma_start3A_18 : memref<512xi32, #tpu.memory_space<hbm>>) target(%arg18 : memref<512xi32, #tpu.memory_space<vmem>>) target_semaphore(%arg31 : memref<!tpu.dma_semaphore, #tpu.memory_space<semaphore_mem>>)
    %mul3A_19 = arith.constant 4096 : i32
    %mul3A_20 = arith.muli %add3A, %mul3A_19 : i32
    %add3A_21 = arith.constant 64 : i32
    %add3A_22 = arith.addi %mul3A_20, %add3A_21 : i32
    %mul3A_23 = arith.constant 64 : i32
    %mul3A_24 = arith.muli %add3A_22, %mul3A_23 : i32
    %mul3A_25 = arith.constant 8 : i32
    %mul3A_26 = arith.muli %add3A_22, %mul3A_25 : i32
    %dma_start3A_27 = tpu.memref_slice %arg2[%mul3A_24] : memref<8388608xf32, #tpu.memory_space<hbm>> -> memref<4096xf32, #tpu.memory_space<hbm>>
    %dma_start3A_28 = tpu.memref_slice %arg2[%mul3A_24] : memref<8388608xf32, #tpu.memory_space<hbm>> -> memref<4096xf32, #tpu.memory_space<hbm>>
    tpu.enqueue_dma source(%dma_start3A_28 : memref<4096xf32, #tpu.memory_space<hbm>>) target(%arg15 : memref<4096xf32, #tpu.memory_space<vmem>>) target_semaphore(%arg32 : memref<!tpu.dma_semaphore, #tpu.memory_space<semaphore_mem>>)
    %dma_start3A_29 = tpu.memref_slice %arg3[%mul3A_26] : memref<1048576xi32, #tpu.memory_space<hbm>> -> memref<512xi32, #tpu.memory_space<hbm>>
    %dma_start3A_30 = tpu.memref_slice %arg3[%mul3A_26] : memref<1048576xi32, #tpu.memory_space<hbm>> -> memref<512xi32, #tpu.memory_space<hbm>>
    tpu.enqueue_dma source(%dma_start3A_30 : memref<512xi32, #tpu.memory_space<hbm>>) target(%arg19 : memref<512xi32, #tpu.memory_space<vmem>>) target_semaphore(%arg32 : memref<!tpu.dma_semaphore, #tpu.memory_space<semaphore_mem>>)
    "tpu.region"() ({
      %run_scoped3A = tpu.sem_alloc : memref<!tpu.dma_semaphore, #tpu.memory_space<semaphore_mem>>
      tpu.enqueue_dma source(%arg4 : memref<65536xf32, #tpu.memory_space<hbm>>) target(%arg12 : memref<65536xf32, #tpu.memory_space<vmem>>) target_semaphore(%run_scoped3A : memref<!tpu.dma_semaphore, #tpu.memory_space<semaphore_mem>>)
      tpu.wait_dma2 semaphore(%run_scoped3A : memref<!tpu.dma_semaphore, #tpu.memory_space<semaphore_mem>>) src(%arg4 : memref<65536xf32, #tpu.memory_space<hbm>>) dst(%arg12 : memref<65536xf32, #tpu.memory_space<vmem>>)
      tpu.yield
    }) : () -> ()
    "tpu.region"() ({
      %run_scoped3A = tpu.sem_alloc : memref<!tpu.dma_semaphore, #tpu.memory_space<semaphore_mem>>
      tpu.enqueue_dma source(%arg5 : memref<1024xf32, #tpu.memory_space<hbm>>) target(%arg28 : memref<1024xf32, #tpu.memory_space<vmem>>) target_semaphore(%run_scoped3A : memref<!tpu.dma_semaphore, #tpu.memory_space<semaphore_mem>>)
      tpu.wait_dma2 semaphore(%run_scoped3A : memref<!tpu.dma_semaphore, #tpu.memory_space<semaphore_mem>>) src(%arg5 : memref<1024xf32, #tpu.memory_space<hbm>>) dst(%arg28 : memref<1024xf32, #tpu.memory_space<vmem>>)
      tpu.yield
    }) : () -> ()
    %scan3A = arith.constant 0 : i32
    %scan3A_31 = arith.constant 0 : i32
    %scan3A_32 = arith.constant 64 : i32
    %scan3A_33 = arith.addi %scan3A_31, %scan3A_32 : i32
    %scan3A_34 = arith.constant 1 : i32
    %scan3A_35 = scf.for %scan3A_113 = %scan3A_31 to %scan3A_33 step %scan3A_34 iter_args(%scan3A_114 = %scan3A) -> (i32)  : i32 {
      %scan3A_115 = arith.constant 0 : i32
      %scan3A_116 = arith.constant 64 : i32
      %scan3A_117 = arith.addi %scan3A_115, %scan3A_116 : i32
      %scan3A_118 = arith.constant 1 : i32
      %scan3A_119 = scf.for %scan3A_135 = %scan3A_115 to %scan3A_117 step %scan3A_118 iter_args(%scan3A_136 = %broadcast_in_dim3A_7) -> (vector<16xf32>)  : i32 {
        %mul3A_137 = arith.constant 1024 : i32
        %mul3A_138 = arith.muli %scan3A_135, %mul3A_137 : i32
        %mul3A_139 = arith.constant 16 : i32
        %mul3A_140 = arith.muli %scan3A_113, %mul3A_139 : i32
        %add3A_141 = arith.addi %mul3A_138, %mul3A_140 : i32
        %get3A_142 = arith.index_cast %add3A_141 : i32 to index
        %get3A_143 = tpu.vector_load %arg12[%get3A_142] {strides = array<i32>} : memref<65536xf32, #tpu.memory_space<vmem>>, vector<16xf32>,
        %mul3A_144 = arith.mulf %get3A_143, %get3A_143 : vector<16xf32>
        %add3A_145 = arith.addf %scan3A_136, %mul3A_144 : vector<16xf32>
        scf.yield %add3A_145 : vector<16xf32>
      }
      %scan3A_120 = arith.constant 64 : i32
      %mul3A_121 = arith.constant 16 : i32
      %mul3A_122 = arith.muli %scan3A_113, %mul3A_121 : i32
      %get3A = arith.index_cast %mul3A_122 : i32 to index
      %get3A_123 = tpu.vector_load %arg28[%get3A] {strides = array<i32>} : memref<1024xf32, #tpu.memory_space<vmem>>, vector<16xf32>,
      %mul3A_124 = arith.constant 5.000000e-01 : f32
      %mul3A_125 = vector.broadcast %mul3A_124 : f32 to vector<16xf32>
      %mul3A_126 = arith.mulf %mul3A_125, %scan3A_119 : vector<16xf32>
      %sub3A = arith.subf %get3A_123, %mul3A_126 : vector<16xf32>
      %mul3A_127 = arith.constant 16 : i32
      %mul3A_128 = arith.muli %scan3A_113, %mul3A_127 : i32
      %swap3A = arith.index_cast %mul3A_128 : i32 to index
      %swap3A_129 = tpu.vector_load %arg29[%swap3A] {strides = array<i32>} : memref<1024xf32, #tpu.memory_space<vmem>>, vector<16xf32>,
      tpu.vector_store %arg29[%swap3A], %sub3A {strides = array<i32>} : memref<1024xf32, #tpu.memory_space<vmem>>, vector<16xf32>,
      %mul3A_130 = arith.constant 16 : i32
      %mul3A_131 = arith.muli %scan3A_113, %mul3A_130 : i32
      %swap3A_132 = arith.index_cast %mul3A_131 : i32 to index
      %swap3A_133 = tpu.vector_load %arg30[%swap3A_132] {strides = array<i32>} : memref<1024xf32, #tpu.memory_space<vmem>>, vector<16xf32>,
      tpu.vector_store %arg30[%swap3A_132], %broadcast_in_dim3A_7 {strides = array<i32>} : memref<1024xf32, #tpu.memory_space<vmem>>, vector<16xf32>,
      %scan3A_134 = arith.constant 0 : i32
      scf.yield %scan3A_134 : i32
    }
    %scan3A_36 = arith.constant 64 : i32
    %scan3A_37 = arith.constant 0 : i32
    %scan3A_38 = arith.constant 0 : i32
    %scan3A_39 = arith.constant 32 : i32
    %scan3A_40 = arith.addi %scan3A_38, %scan3A_39 : i32
    %scan3A_41 = arith.constant 1 : i32
    %scan3A_42 = scf.for %scan3A_113 = %scan3A_38 to %scan3A_40 step %scan3A_41 iter_args(%scan3A_114 = %scan3A_37) -> (i32)  : i32 {
      %mul3A_115 = arith.constant 2 : i32
      %mul3A_116 = arith.muli %mul3A_115, %scan3A_113 : i32
      %add3A_117 = arith.constant 0 : i32
      %add3A_118 = arith.addi %mul3A_116, %add3A_117 : i32
      %mul3A_119 = arith.constant 4096 : i32
      %mul3A_120 = arith.muli %add3A, %mul3A_119 : i32
      %mul3A_121 = arith.constant 64 : i32
      %mul3A_122 = arith.muli %add3A_118, %mul3A_121 : i32
      %add3A_123 = arith.addi %mul3A_120, %mul3A_122 : i32
      %mul3A_124 = arith.constant 64 : i32
      %mul3A_125 = arith.muli %add3A_123, %mul3A_124 : i32
      %mul3A_126 = arith.constant 8 : i32
      %mul3A_127 = arith.muli %add3A_123, %mul3A_126 : i32
      %dma_wait3A_128 = tpu.memref_slice %arg2[%mul3A_125] : memref<8388608xf32, #tpu.memory_space<hbm>> -> memref<4096xf32, #tpu.memory_space<hbm>>
      %dma_wait3A_129 = tpu.memref_slice %arg2[%mul3A_125] : memref<8388608xf32, #tpu.memory_space<hbm>> -> memref<4096xf32, #tpu.memory_space<hbm>>
      tpu.wait_dma2 semaphore(%arg31 : memref<!tpu.dma_semaphore, #tpu.memory_space<semaphore_mem>>) src(%dma_wait3A_129 : memref<4096xf32, #tpu.memory_space<hbm>>) dst(%arg14 : memref<4096xf32, #tpu.memory_space<vmem>>)
      %dma_wait3A_130 = tpu.memref_slice %arg3[%mul3A_127] : memref<1048576xi32, #tpu.memory_space<hbm>> -> memref<512xi32, #tpu.memory_space<hbm>>
      %dma_wait3A_131 = tpu.memref_slice %arg3[%mul3A_127] : memref<1048576xi32, #tpu.memory_space<hbm>> -> memref<512xi32, #tpu.memory_space<hbm>>
      tpu.wait_dma2 semaphore(%arg31 : memref<!tpu.dma_semaphore, #tpu.memory_space<semaphore_mem>>) src(%dma_wait3A_131 : memref<512xi32, #tpu.memory_space<hbm>>) dst(%arg18 : memref<512xi32, #tpu.memory_space<vmem>>)
      %scan3A_132 = arith.constant 0 : i32
      %scan3A_133 = arith.constant 0 : i32
      %scan3A_134 = arith.constant 64 : i32
      %scan3A_135 = arith.addi %scan3A_133, %scan3A_134 : i32
      %scan3A_136 = arith.constant 1 : i32
      %scan3A_137 = scf.for %scan3A_228 = %scan3A_133 to %scan3A_135 step %scan3A_136 iter_args(%scan3A_229 = %scan3A_132) -> (i32)  : i32 {
        %mul3A_230 = arith.constant 64 : i32
        %mul3A_231 = arith.muli %scan3A_228, %mul3A_230 : i32
        %add3A_232 = arith.constant 0 : i32
        %add3A_233 = arith.addi %mul3A_231, %add3A_232 : i32
        %get3A = arith.index_cast %add3A_233 : i32 to index
        %get3A_234 = tpu.vector_load %arg14[%get3A] {strides = array<i32>} : memref<4096xf32, #tpu.memory_space<vmem>>, vector<16xf32>,
        %add3A_235 = arith.constant 0 : i32
        %add3A_236 = arith.addi %add3A_235, %scan3A_228 : i32
        %add3A_237 = vector.broadcast %add3A_236 : i32 to vector<16xi32>
        %add3A_238 = arith.addi %mul3A_6, %add3A_237 : vector<16xi32>
        tpu.vector_store_idx %arg16[%add3A_238], %get3A_234 : memref<4160xf32, #tpu.memory_space<vmem>>[vector<16xi32>], vector<16xf32>,
        %add3A_239 = arith.constant 16 : i32
        %add3A_240 = arith.addi %mul3A_231, %add3A_239 : i32
        %get3A_241 = arith.index_cast %add3A_240 : i32 to index
        %get3A_242 = tpu.vector_load %arg14[%get3A_241] {strides = array<i32>} : memref<4096xf32, #tpu.memory_space<vmem>>, vector<16xf32>,
        %add3A_243 = arith.constant 1040 : i32
        %add3A_244 = arith.addi %add3A_243, %scan3A_228 : i32
        %add3A_245 = vector.broadcast %add3A_244 : i32 to vector<16xi32>
        %add3A_246 = arith.addi %mul3A_6, %add3A_245 : vector<16xi32>
        tpu.vector_store_idx %arg16[%add3A_246], %get3A_242 : memref<4160xf32, #tpu.memory_space<vmem>>[vector<16xi32>], vector<16xf32>,
        %add3A_247 = arith.constant 32 : i32
        %add3A_248 = arith.addi %mul3A_231, %add3A_247 : i32
        %get3A_249 = arith.index_cast %add3A_248 : i32 to index
        %get3A_250 = tpu.vector_load %arg14[%get3A_249] {strides = array<i32>} : memref<4096xf32, #tpu.memory_space<vmem>>, vector<16xf32>,
        %add3A_251 = arith.constant 2080 : i32
        %add3A_252 = arith.addi %add3A_251, %scan3A_228 : i32
        %add3A_253 = vector.broadcast %add3A_252 : i32 to vector<16xi32>
        %add3A_254 = arith.addi %mul3A_6, %add3A_253 : vector<16xi32>
        tpu.vector_store_idx %arg16[%add3A_254], %get3A_250 : memref<4160xf32, #tpu.memory_space<vmem>>[vector<16xi32>], vector<16xf32>,
        %add3A_255 = arith.constant 48 : i32
        %add3A_256 = arith.addi %mul3A_231, %add3A_255 : i32
        %get3A_257 = arith.index_cast %add3A_256 : i32 to index
        %get3A_258 = tpu.vector_load %arg14[%get3A_257] {strides = array<i32>} : memref<4096xf32, #tpu.memory_space<vmem>>, vector<16xf32>,
        %add3A_259 = arith.constant 3120 : i32
        %add3A_260 = arith.addi %add3A_259, %scan3A_228 : i32
        %add3A_261 = vector.broadcast %add3A_260 : i32 to vector<16xi32>
        %add3A_262 = arith.addi %mul3A_6, %add3A_261 : vector<16xi32>
        tpu.vector_store_idx %arg16[%add3A_262], %get3A_258 : memref<4160xf32, #tpu.memory_space<vmem>>[vector<16xi32>], vector<16xf32>,
        %scan3A_263 = arith.constant 0 : i32
        scf.yield %scan3A_263 : i32
      }
      %scan3A_138 = arith.constant 64 : i32
      %ge3A = arith.constant 2 : i32
      %ge3A_139 = arith.cmpi sge, %add3A_118, %ge3A : i32
      %convert_element_type3A = arith.extui %ge3A_139 : i1 to i32
      %cond3A = arith.constant 0 : i32
      %cond3A_140 = arith.cmpi ne, %convert_element_type3A, %cond3A : i32
      scf.if %cond3A_140 {
        %sub3A = arith.constant 2 : i32
        %sub3A_228 = arith.subi %add3A_118, %sub3A : i32
        %mul3A_229 = arith.constant 4096 : i32
        %mul3A_230 = arith.muli %add3A, %mul3A_229 : i32
        %mul3A_231 = arith.constant 64 : i32
        %mul3A_232 = arith.muli %sub3A_228, %mul3A_231 : i32
        %add3A_233 = arith.addi %mul3A_230, %mul3A_232 : i32
        %mul3A_234 = arith.constant 8 : i32
        %mul3A_235 = arith.muli %add3A_233, %mul3A_234 : i32
        %dma_wait3A_236 = tpu.memref_slice %arg8[%mul3A_235] : memref<1048576xi32, #tpu.memory_space<hbm>> -> memref<512xi32, #tpu.memory_space<hbm>>
        %dma_wait3A_237 = tpu.memref_slice %arg8[%mul3A_235] : memref<1048576xi32, #tpu.memory_space<hbm>> -> memref<512xi32, #tpu.memory_space<hbm>>
        tpu.wait_dma2 semaphore(%arg33 : memref<!tpu.dma_semaphore, #tpu.memory_space<semaphore_mem>>) src(%arg20 : memref<512xi32, #tpu.memory_space<vmem>>) dst(%dma_wait3A_237 : memref<512xi32, #tpu.memory_space<hbm>>)
        %dma_wait3A_238 = tpu.memref_slice %arg9[%add3A_233] : memref<131072xf32, #tpu.memory_space<hbm>> -> memref<64xf32, #tpu.memory_space<hbm>>
        %dma_wait3A_239 = tpu.memref_slice %arg9[%add3A_233] : memref<131072xf32, #tpu.memory_space<hbm>> -> memref<64xf32, #tpu.memory_space<hbm>>
        tpu.wait_dma2 semaphore(%arg33 : memref<!tpu.dma_semaphore, #tpu.memory_space<semaphore_mem>>) src(%arg22 : memref<64xf32, #tpu.memory_space<vmem>>) dst(%dma_wait3A_239 : memref<64xf32, #tpu.memory_space<hbm>>)
        %dma_wait3A_240 = tpu.memref_slice %arg10[%add3A_233] : memref<131072xf32, #tpu.memory_space<hbm>> -> memref<64xf32, #tpu.memory_space<hbm>>
        %dma_wait3A_241 = tpu.memref_slice %arg10[%add3A_233] : memref<131072xf32, #tpu.memory_space<hbm>> -> memref<64xf32, #tpu.memory_space<hbm>>
        tpu.wait_dma2 semaphore(%arg33 : memref<!tpu.dma_semaphore, #tpu.memory_space<semaphore_mem>>) src(%arg24 : memref<64xf32, #tpu.memory_space<vmem>>) dst(%dma_wait3A_241 : memref<64xf32, #tpu.memory_space<hbm>>)
        %dma_wait3A_242 = tpu.memref_slice %arg11[%add3A_233] : memref<131072xf32, #tpu.memory_space<hbm>> -> memref<64xf32, #tpu.memory_space<hbm>>
        %dma_wait3A_243 = tpu.memref_slice %arg11[%add3A_233] : memref<131072xf32, #tpu.memory_space<hbm>> -> memref<64xf32, #tpu.memory_space<hbm>>
        tpu.wait_dma2 semaphore(%arg33 : memref<!tpu.dma_semaphore, #tpu.memory_space<semaphore_mem>>) src(%arg26 : memref<64xf32, #tpu.memory_space<vmem>>) dst(%dma_wait3A_243 : memref<64xf32, #tpu.memory_space<hbm>>)
      } else {
      }
      %scan3A_141 = arith.constant 0 : i32
      %scan3A_142 = arith.constant 0 : i32
      %scan3A_143 = arith.constant 4 : i32
      %scan3A_144 = arith.addi %scan3A_142, %scan3A_143 : i32
      %scan3A_145 = arith.constant 1 : i32
      %scan3A_146 = scf.for %scan3A_228 = %scan3A_142 to %scan3A_144 step %scan3A_145 iter_args(%scan3A_229 = %scan3A_141) -> (i32)  : i32 {
        %mul3A_230 = arith.constant 128 : i32
        %mul3A_231 = arith.muli %scan3A_228, %mul3A_230 : i32
        %add3A_232 = arith.constant 0 : i32
        %add3A_233 = arith.addi %mul3A_231, %add3A_232 : i32
        %add3A_234 = vector.broadcast %add3A_233 : i32 to vector<16xi32>
        %add3A_235 = arith.addi %mul3A_3, %add3A_234 : vector<16xi32>
        %gather3A = tpu.vector_load_idx %arg18[%add3A_235] : memref<512xi32, #tpu.memory_space<vmem>>[vector<16xi32>], vector<16xi32>,
        %add3A_236 = arith.constant 1 : i32
        %add3A_237 = arith.addi %mul3A_231, %add3A_236 : i32
        %add3A_238 = vector.broadcast %add3A_237 : i32 to vector<16xi32>
        %add3A_239 = arith.addi %mul3A_3, %add3A_238 : vector<16xi32>
        %gather3A_240 = tpu.vector_load_idx %arg18[%add3A_239] : memref<512xi32, #tpu.memory_space<vmem>>[vector<16xi32>], vector<16xi32>,
        %add3A_241 = arith.constant 2 : i32
        %add3A_242 = arith.addi %mul3A_231, %add3A_241 : i32
        %add3A_243 = vector.broadcast %add3A_242 : i32 to vector<16xi32>
        %add3A_244 = arith.addi %mul3A_3, %add3A_243 : vector<16xi32>
        %gather3A_245 = tpu.vector_load_idx %arg18[%add3A_244] : memref<512xi32, #tpu.memory_space<vmem>>[vector<16xi32>], vector<16xi32>,
        %add3A_246 = arith.constant 3 : i32
        %add3A_247 = arith.addi %mul3A_231, %add3A_246 : i32
        %add3A_248 = vector.broadcast %add3A_247 : i32 to vector<16xi32>
        %add3A_249 = arith.addi %mul3A_3, %add3A_248 : vector<16xi32>
        %gather3A_250 = tpu.vector_load_idx %arg18[%add3A_249] : memref<512xi32, #tpu.memory_space<vmem>>[vector<16xi32>], vector<16xi32>,
        %add3A_251 = arith.constant 4 : i32
        %add3A_252 = arith.addi %mul3A_231, %add3A_251 : i32
        %add3A_253 = vector.broadcast %add3A_252 : i32 to vector<16xi32>
        %add3A_254 = arith.addi %mul3A_3, %add3A_253 : vector<16xi32>
        %gather3A_255 = tpu.vector_load_idx %arg18[%add3A_254] : memref<512xi32, #tpu.memory_space<vmem>>[vector<16xi32>], vector<16xi32>,
        %add3A_256 = arith.constant 5 : i32
        %add3A_257 = arith.addi %mul3A_231, %add3A_256 : i32
        %add3A_258 = vector.broadcast %add3A_257 : i32 to vector<16xi32>
        %add3A_259 = arith.addi %mul3A_3, %add3A_258 : vector<16xi32>
        %gather3A_260 = tpu.vector_load_idx %arg18[%add3A_259] : memref<512xi32, #tpu.memory_space<vmem>>[vector<16xi32>], vector<16xi32>,
        %add3A_261 = arith.constant 6 : i32
        %add3A_262 = arith.addi %mul3A_231, %add3A_261 : i32
        %add3A_263 = vector.broadcast %add3A_262 : i32 to vector<16xi32>
        %add3A_264 = arith.addi %mul3A_3, %add3A_263 : vector<16xi32>
        %gather3A_265 = tpu.vector_load_idx %arg18[%add3A_264] : memref<512xi32, #tpu.memory_space<vmem>>[vector<16xi32>], vector<16xi32>,
        %add3A_266 = arith.constant 7 : i32
        %add3A_267 = arith.addi %mul3A_231, %add3A_266 : i32
        %add3A_268 = vector.broadcast %add3A_267 : i32 to vector<16xi32>
        %add3A_269 = arith.addi %mul3A_3, %add3A_268 : vector<16xi32>
        %gather3A_270 = tpu.vector_load_idx %arg18[%add3A_269] : memref<512xi32, #tpu.memory_space<vmem>>[vector<16xi32>], vector<16xi32>,
        %scan3A_271 = arith.constant 0 : i32
        %scan3A_272 = arith.constant 8 : i32
        %scan3A_273 = arith.addi %scan3A_271, %scan3A_272 : i32
        %scan3A_274 = arith.constant 1 : i32
        %scan3A_275:9 = scf.for %scan3A_519 = %scan3A_271 to %scan3A_273 step %scan3A_274 iter_args(%scan3A_520 = %broadcast_in_dim3A_7, %scan3A_521 = %broadcast_in_dim3A_7, %scan3A_522 = %broadcast_in_dim3A_7, %scan3A_523 = %broadcast_in_dim3A_7, %scan3A_524 = %broadcast_in_dim3A_7, %scan3A_525 = %broadcast_in_dim3A_7, %scan3A_526 = %broadcast_in_dim3A_7, %scan3A_527 = %broadcast_in_dim3A_7, %scan3A_528 = %broadcast_in_dim3A_7) -> (vector<16xf32>, vector<16xf32>, vector<16xf32>, vector<16xf32>, vector<16xf32>, vector<16xf32>, vector<16xf32>, vector<16xf32>, vector<16xf32>)  : i32 {
          %mul3A_529 = arith.constant 8 : i32
          %mul3A_530 = arith.muli %scan3A_519, %mul3A_529 : i32
          %add3A_531 = arith.constant 0 : i32
          %add3A_532 = arith.addi %mul3A_530, %add3A_531 : i32
          %mul3A_533 = arith.constant 65 : i32
          %mul3A_534 = arith.muli %add3A_532, %mul3A_533 : i32
          %mul3A_535 = arith.constant 16 : i32
          %mul3A_536 = arith.muli %scan3A_228, %mul3A_535 : i32
          %add3A_537 = arith.addi %mul3A_534, %mul3A_536 : i32
          %get3A = arith.index_cast %add3A_537 : i32 to index
          %get3A_538 = tpu.vector_load %arg16[%get3A] {strides = array<i32>} : memref<4160xf32, #tpu.memory_space<vmem>>, vector<16xf32>,
          %add3A_539 = arith.constant 1 : i32
          %add3A_540 = arith.addi %mul3A_530, %add3A_539 : i32
          %mul3A_541 = arith.constant 65 : i32
          %mul3A_542 = arith.muli %add3A_540, %mul3A_541 : i32
          %mul3A_543 = arith.constant 16 : i32
          %mul3A_544 = arith.muli %scan3A_228, %mul3A_543 : i32
          %add3A_545 = arith.addi %mul3A_542, %mul3A_544 : i32
          %get3A_546 = arith.index_cast %add3A_545 : i32 to index
          %get3A_547 = tpu.vector_load %arg16[%get3A_546] {strides = array<i32>} : memref<4160xf32, #tpu.memory_space<vmem>>, vector<16xf32>,
          %add3A_548 = arith.constant 2 : i32
          %add3A_549 = arith.addi %mul3A_530, %add3A_548 : i32
          %mul3A_550 = arith.constant 65 : i32
          %mul3A_551 = arith.muli %add3A_549, %mul3A_550 : i32
          %mul3A_552 = arith.constant 16 : i32
          %mul3A_553 = arith.muli %scan3A_228, %mul3A_552 : i32
          %add3A_554 = arith.addi %mul3A_551, %mul3A_553 : i32
          %get3A_555 = arith.index_cast %add3A_554 : i32 to index
          %get3A_556 = tpu.vector_load %arg16[%get3A_555] {strides = array<i32>} : memref<4160xf32, #tpu.memory_space<vmem>>, vector<16xf32>,
          %add3A_557 = arith.constant 3 : i32
          %add3A_558 = arith.addi %mul3A_530, %add3A_557 : i32
          %mul3A_559 = arith.constant 65 : i32
          %mul3A_560 = arith.muli %add3A_558, %mul3A_559 : i32
          %mul3A_561 = arith.constant 16 : i32
          %mul3A_562 = arith.muli %scan3A_228, %mul3A_561 : i32
          %add3A_563 = arith.addi %mul3A_560, %mul3A_562 : i32
          %get3A_564 = arith.index_cast %add3A_563 : i32 to index
          %get3A_565 = tpu.vector_load %arg16[%get3A_564] {strides = array<i32>} : memref<4160xf32, #tpu.memory_space<vmem>>, vector<16xf32>,
          %add3A_566 = arith.constant 4 : i32
          %add3A_567 = arith.addi %mul3A_530, %add3A_566 : i32
          %mul3A_568 = arith.constant 65 : i32
          %mul3A_569 = arith.muli %add3A_567, %mul3A_568 : i32
          %mul3A_570 = arith.constant 16 : i32
          %mul3A_571 = arith.muli %scan3A_228, %mul3A_570 : i32
          %add3A_572 = arith.addi %mul3A_569, %mul3A_571 : i32
          %get3A_573 = arith.index_cast %add3A_572 : i32 to index
          %get3A_574 = tpu.vector_load %arg16[%get3A_573] {strides = array<i32>} : memref<4160xf32, #tpu.memory_space<vmem>>, vector<16xf32>,
          %add3A_575 = arith.constant 5 : i32
          %add3A_576 = arith.addi %mul3A_530, %add3A_575 : i32
          %mul3A_577 = arith.constant 65 : i32
          %mul3A_578 = arith.muli %add3A_576, %mul3A_577 : i32
          %mul3A_579 = arith.constant 16 : i32
          %mul3A_580 = arith.muli %scan3A_228, %mul3A_579 : i32
          %add3A_581 = arith.addi %mul3A_578, %mul3A_580 : i32
          %get3A_582 = arith.index_cast %add3A_581 : i32 to index
          %get3A_583 = tpu.vector_load %arg16[%get3A_582] {strides = array<i32>} : memref<4160xf32, #tpu.memory_space<vmem>>, vector<16xf32>,
          %add3A_584 = arith.constant 6 : i32
          %add3A_585 = arith.addi %mul3A_530, %add3A_584 : i32
          %mul3A_586 = arith.constant 65 : i32
          %mul3A_587 = arith.muli %add3A_585, %mul3A_586 : i32
          %mul3A_588 = arith.constant 16 : i32
          %mul3A_589 = arith.muli %scan3A_228, %mul3A_588 : i32
          %add3A_590 = arith.addi %mul3A_587, %mul3A_589 : i32
          %get3A_591 = arith.index_cast %add3A_590 : i32 to index
          %get3A_592 = tpu.vector_load %arg16[%get3A_591] {strides = array<i32>} : memref<4160xf32, #tpu.memory_space<vmem>>, vector<16xf32>,
          %add3A_593 = arith.constant 7 : i32
          %add3A_594 = arith.addi %mul3A_530, %add3A_593 : i32
          %mul3A_595 = arith.constant 65 : i32
          %mul3A_596 = arith.muli %add3A_594, %mul3A_595 : i32
          %mul3A_597 = arith.constant 16 : i32
          %mul3A_598 = arith.muli %scan3A_228, %mul3A_597 : i32
          %add3A_599 = arith.addi %mul3A_596, %mul3A_598 : i32
          %get3A_600 = arith.index_cast %add3A_599 : i32 to index
          %get3A_601 = tpu.vector_load %arg16[%get3A_600] {strides = array<i32>} : memref<4160xf32, #tpu.memory_space<vmem>>, vector<16xf32>,
          %mul3A_602 = arith.mulf %get3A_538, %get3A_538 : vector<16xf32>
          %add3A_603 = arith.addf %scan3A_528, %mul3A_602 : vector<16xf32>
          %mul3A_604 = arith.mulf %get3A_547, %get3A_547 : vector<16xf32>
          %add3A_605 = arith.addf %add3A_603, %mul3A_604 : vector<16xf32>
          %mul3A_606 = arith.mulf %get3A_556, %get3A_556 : vector<16xf32>
          %add3A_607 = arith.addf %add3A_605, %mul3A_606 : vector<16xf32>
          %mul3A_608 = arith.mulf %get3A_565, %get3A_565 : vector<16xf32>
          %add3A_609 = arith.addf %add3A_607, %mul3A_608 : vector<16xf32>
          %mul3A_610 = arith.mulf %get3A_574, %get3A_574 : vector<16xf32>
          %add3A_611 = arith.addf %add3A_609, %mul3A_610 : vector<16xf32>
          %mul3A_612 = arith.mulf %get3A_583, %get3A_583 : vector<16xf32>
          %add3A_613 = arith.addf %add3A_611, %mul3A_612 : vector<16xf32>
          %mul3A_614 = arith.mulf %get3A_592, %get3A_592 : vector<16xf32>
          %add3A_615 = arith.addf %add3A_613, %mul3A_614 : vector<16xf32>
          %mul3A_616 = arith.mulf %get3A_601, %get3A_601 : vector<16xf32>
          %add3A_617 = arith.addf %add3A_615, %mul3A_616 : vector<16xf32>
          %add3A_618 = arith.constant 0 : i32
          %add3A_619 = arith.addi %mul3A_530, %add3A_618 : i32
          %mul3A_620 = arith.constant 1024 : i32
          %mul3A_621 = arith.muli %add3A_619, %mul3A_620 : i32
          %gather3A_622 = tpu.memref_slice %arg12[%mul3A_621] : memref<65536xf32, #tpu.memory_space<vmem>> -> memref<1024xf32, #tpu.memory_space<vmem>>
          %gather3A_623 = tpu.vector_load_idx %gather3A_622[%gather3A] : memref<1024xf32, #tpu.memory_space<vmem>>[vector<16xi32>], vector<16xf32>,
          %mul3A_624 = arith.mulf %get3A_538, %gather3A_623 : vector<16xf32>
          %add3A_625 = arith.addf %scan3A_520, %mul3A_624 : vector<16xf32>
          %add3A_626 = arith.constant 1 : i32
          %add3A_627 = arith.addi %mul3A_530, %add3A_626 : i32
          %mul3A_628 = arith.constant 1024 : i32
          %mul3A_629 = arith.muli %add3A_627, %mul3A_628 : i32
          %gather3A_630 = tpu.memref_slice %arg12[%mul3A_629] : memref<65536xf32, #tpu.memory_space<vmem>> -> memref<1024xf32, #tpu.memory_space<vmem>>
          %gather3A_631 = tpu.vector_load_idx %gather3A_630[%gather3A] : memref<1024xf32, #tpu.memory_space<vmem>>[vector<16xi32>], vector<16xf32>,
          %mul3A_632 = arith.mulf %get3A_547, %gather3A_631 : vector<16xf32>
          %add3A_633 = arith.addf %add3A_625, %mul3A_632 : vector<16xf32>
          %add3A_634 = arith.constant 2 : i32
          %add3A_635 = arith.addi %mul3A_530, %add3A_634 : i32
          %mul3A_636 = arith.constant 1024 : i32
          %mul3A_637 = arith.muli %add3A_635, %mul3A_636 : i32
          %gather3A_638 = tpu.memref_slice %arg12[%mul3A_637] : memref<65536xf32, #tpu.memory_space<vmem>> -> memref<1024xf32, #tpu.memory_space<vmem>>
          %gather3A_639 = tpu.vector_load_idx %gather3A_638[%gather3A] : memref<1024xf32, #tpu.memory_space<vmem>>[vector<16xi32>], vector<16xf32>,
          %mul3A_640 = arith.mulf %get3A_556, %gather3A_639 : vector<16xf32>
          %add3A_641 = arith.addf %add3A_633, %mul3A_640 : vector<16xf32>
          %add3A_642 = arith.constant 3 : i32
          %add3A_643 = arith.addi %mul3A_530, %add3A_642 : i32
          %mul3A_644 = arith.constant 1024 : i32
          %mul3A_645 = arith.muli %add3A_643, %mul3A_644 : i32
          %gather3A_646 = tpu.memref_slice %arg12[%mul3A_645] : memref<65536xf32, #tpu.memory_space<vmem>> -> memref<1024xf32, #tpu.memory_space<vmem>>
          %gather3A_647 = tpu.vector_load_idx %gather3A_646[%gather3A] : memref<1024xf32, #tpu.memory_space<vmem>>[vector<16xi32>], vector<16xf32>,
          %mul3A_648 = arith.mulf %get3A_565, %gather3A_647 : vector<16xf32>
          %add3A_649 = arith.addf %add3A_641, %mul3A_648 : vector<16xf32>
          %add3A_650 = arith.constant 4 : i32
          %add3A_651 = arith.addi %mul3A_530, %add3A_650 : i32
          %mul3A_652 = arith.constant 1024 : i32
          %mul3A_653 = arith.muli %add3A_651, %mul3A_652 : i32
          %gather3A_654 = tpu.memref_slice %arg12[%mul3A_653] : memref<65536xf32, #tpu.memory_space<vmem>> -> memref<1024xf32, #tpu.memory_space<vmem>>
          %gather3A_655 = tpu.vector_load_idx %gather3A_654[%gather3A] : memref<1024xf32, #tpu.memory_space<vmem>>[vector<16xi32>], vector<16xf32>,
          %mul3A_656 = arith.mulf %get3A_574, %gather3A_655 : vector<16xf32>
          %add3A_657 = arith.addf %add3A_649, %mul3A_656 : vector<16xf32>
          %add3A_658 = arith.constant 5 : i32
          %add3A_659 = arith.addi %mul3A_530, %add3A_658 : i32
          %mul3A_660 = arith.constant 1024 : i32
          %mul3A_661 = arith.muli %add3A_659, %mul3A_660 : i32
          %gather3A_662 = tpu.memref_slice %arg12[%mul3A_661] : memref<65536xf32, #tpu.memory_space<vmem>> -> memref<1024xf32, #tpu.memory_space<vmem>>
          %gather3A_663 = tpu.vector_load_idx %gather3A_662[%gather3A] : memref<1024xf32, #tpu.memory_space<vmem>>[vector<16xi32>], vector<16xf32>,
          %mul3A_664 = arith.mulf %get3A_583, %gather3A_663 : vector<16xf32>
          %add3A_665 = arith.addf %add3A_657, %mul3A_664 : vector<16xf32>
          %add3A_666 = arith.constant 6 : i32
          %add3A_667 = arith.addi %mul3A_530, %add3A_666 : i32
          %mul3A_668 = arith.constant 1024 : i32
          %mul3A_669 = arith.muli %add3A_667, %mul3A_668 : i32
          %gather3A_670 = tpu.memref_slice %arg12[%mul3A_669] : memref<65536xf32, #tpu.memory_space<vmem>> -> memref<1024xf32, #tpu.memory_space<vmem>>
          %gather3A_671 = tpu.vector_load_idx %gather3A_670[%gather3A] : memref<1024xf32, #tpu.memory_space<vmem>>[vector<16xi32>], vector<16xf32>,
          %mul3A_672 = arith.mulf %get3A_592, %gather3A_671 : vector<16xf32>
          %add3A_673 = arith.addf %add3A_665, %mul3A_672 : vector<16xf32>
          %add3A_674 = arith.constant 7 : i32
          %add3A_675 = arith.addi %mul3A_530, %add3A_674 : i32
          %mul3A_676 = arith.constant 1024 : i32
          %mul3A_677 = arith.muli %add3A_675, %mul3A_676 : i32
          %gather3A_678 = tpu.memref_slice %arg12[%mul3A_677] : memref<65536xf32, #tpu.memory_space<vmem>> -> memref<1024xf32, #tpu.memory_space<vmem>>
          %gather3A_679 = tpu.vector_load_idx %gather3A_678[%gather3A] : memref<1024xf32, #tpu.memory_space<vmem>>[vector<16xi32>], vector<16xf32>,
          %mul3A_680 = arith.mulf %get3A_601, %gather3A_679 : vector<16xf32>
          %add3A_681 = arith.addf %add3A_673, %mul3A_680 : vector<16xf32>
          %add3A_682 = arith.constant 0 : i32
          %add3A_683 = arith.addi %mul3A_530, %add3A_682 : i32
          %mul3A_684 = arith.constant 1024 : i32
          %mul3A_685 = arith.muli %add3A_683, %mul3A_684 : i32
          %gather3A_686 = tpu.memref_slice %arg12[%mul3A_685] : memref<65536xf32, #tpu.memory_space<vmem>> -> memref<1024xf32, #tpu.memory_space<vmem>>
          %gather3A_687 = tpu.vector_load_idx %gather3A_686[%gather3A_240] : memref<1024xf32, #tpu.memory_space<vmem>>[vector<16xi32>], vector<16xf32>,
          %mul3A_688 = arith.mulf %get3A_538, %gather3A_687 : vector<16xf32>
          %add3A_689 = arith.addf %scan3A_521, %mul3A_688 : vector<16xf32>
          %add3A_690 = arith.constant 1 : i32
          %add3A_691 = arith.addi %mul3A_530, %add3A_690 : i32
          %mul3A_692 = arith.constant 1024 : i32
          %mul3A_693 = arith.muli %add3A_691, %mul3A_692 : i32
          %gather3A_694 = tpu.memref_slice %arg12[%mul3A_693] : memref<65536xf32, #tpu.memory_space<vmem>> -> memref<1024xf32, #tpu.memory_space<vmem>>
          %gather3A_695 = tpu.vector_load_idx %gather3A_694[%gather3A_240] : memref<1024xf32, #tpu.memory_space<vmem>>[vector<16xi32>], vector<16xf32>,
          %mul3A_696 = arith.mulf %get3A_547, %gather3A_695 : vector<16xf32>
          %add3A_697 = arith.addf %add3A_689, %mul3A_696 : vector<16xf32>
          %add3A_698 = arith.constant 2 : i32
          %add3A_699 = arith.addi %mul3A_530, %add3A_698 : i32
          %mul3A_700 = arith.constant 1024 : i32
          %mul3A_701 = arith.muli %add3A_699, %mul3A_700 : i32
          %gather3A_702 = tpu.memref_slice %arg12[%mul3A_701] : memref<65536xf32, #tpu.memory_space<vmem>> -> memref<1024xf32, #tpu.memory_space<vmem>>
          %gather3A_703 = tpu.vector_load_idx %gather3A_702[%gather3A_240] : memref<1024xf32, #tpu.memory_space<vmem>>[vector<16xi32>], vector<16xf32>,
          %mul3A_704 = arith.mulf %get3A_556, %gather3A_703 : vector<16xf32>
          %add3A_705 = arith.addf %add3A_697, %mul3A_704 : vector<16xf32>
          %add3A_706 = arith.constant 3 : i32
          %add3A_707 = arith.addi %mul3A_530, %add3A_706 : i32
          %mul3A_708 = arith.constant 1024 : i32
          %mul3A_709 = arith.muli %add3A_707, %mul3A_708 : i32
          %gather3A_710 = tpu.memref_slice %arg12[%mul3A_709] : memref<65536xf32, #tpu.memory_space<vmem>> -> memref<1024xf32, #tpu.memory_space<vmem>>
          %gather3A_711 = tpu.vector_load_idx %gather3A_710[%gather3A_240] : memref<1024xf32, #tpu.memory_space<vmem>>[vector<16xi32>], vector<16xf32>,
          %mul3A_712 = arith.mulf %get3A_565, %gather3A_711 : vector<16xf32>
          %add3A_713 = arith.addf %add3A_705, %mul3A_712 : vector<16xf32>
          %add3A_714 = arith.constant 4 : i32
          %add3A_715 = arith.addi %mul3A_530, %add3A_714 : i32
          %mul3A_716 = arith.constant 1024 : i32
          %mul3A_717 = arith.muli %add3A_715, %mul3A_716 : i32
          %gather3A_718 = tpu.memref_slice %arg12[%mul3A_717] : memref<65536xf32, #tpu.memory_space<vmem>> -> memref<1024xf32, #tpu.memory_space<vmem>>
          %gather3A_719 = tpu.vector_load_idx %gather3A_718[%gather3A_240] : memref<1024xf32, #tpu.memory_space<vmem>>[vector<16xi32>], vector<16xf32>,
          %mul3A_720 = arith.mulf %get3A_574, %gather3A_719 : vector<16xf32>
          %add3A_721 = arith.addf %add3A_713, %mul3A_720 : vector<16xf32>
          %add3A_722 = arith.constant 5 : i32
          %add3A_723 = arith.addi %mul3A_530, %add3A_722 : i32
          %mul3A_724 = arith.constant 1024 : i32
          %mul3A_725 = arith.muli %add3A_723, %mul3A_724 : i32
          %gather3A_726 = tpu.memref_slice %arg12[%mul3A_725] : memref<65536xf32, #tpu.memory_space<vmem>> -> memref<1024xf32, #tpu.memory_space<vmem>>
          %gather3A_727 = tpu.vector_load_idx %gather3A_726[%gather3A_240] : memref<1024xf32, #tpu.memory_space<vmem>>[vector<16xi32>], vector<16xf32>,
          %mul3A_728 = arith.mulf %get3A_583, %gather3A_727 : vector<16xf32>
          %add3A_729 = arith.addf %add3A_721, %mul3A_728 : vector<16xf32>
          %add3A_730 = arith.constant 6 : i32
          %add3A_731 = arith.addi %mul3A_530, %add3A_730 : i32
          %mul3A_732 = arith.constant 1024 : i32
          %mul3A_733 = arith.muli %add3A_731, %mul3A_732 : i32
          %gather3A_734 = tpu.memref_slice %arg12[%mul3A_733] : memref<65536xf32, #tpu.memory_space<vmem>> -> memref<1024xf32, #tpu.memory_space<vmem>>
          %gather3A_735 = tpu.vector_load_idx %gather3A_734[%gather3A_240] : memref<1024xf32, #tpu.memory_space<vmem>>[vector<16xi32>], vector<16xf32>,
          %mul3A_736 = arith.mulf %get3A_592, %gather3A_735 : vector<16xf32>
          %add3A_737 = arith.addf %add3A_729, %mul3A_736 : vector<16xf32>
          %add3A_738 = arith.constant 7 : i32
          %add3A_739 = arith.addi %mul3A_530, %add3A_738 : i32
          %mul3A_740 = arith.constant 1024 : i32
          %mul3A_741 = arith.muli %add3A_739, %mul3A_740 : i32
          %gather3A_742 = tpu.memref_slice %arg12[%mul3A_741] : memref<65536xf32, #tpu.memory_space<vmem>> -> memref<1024xf32, #tpu.memory_space<vmem>>
          %gather3A_743 = tpu.vector_load_idx %gather3A_742[%gather3A_240] : memref<1024xf32, #tpu.memory_space<vmem>>[vector<16xi32>], vector<16xf32>,
          %mul3A_744 = arith.mulf %get3A_601, %gather3A_743 : vector<16xf32>
          %add3A_745 = arith.addf %add3A_737, %mul3A_744 : vector<16xf32>
          %add3A_746 = arith.constant 0 : i32
          %add3A_747 = arith.addi %mul3A_530, %add3A_746 : i32
          %mul3A_748 = arith.constant 1024 : i32
          %mul3A_749 = arith.muli %add3A_747, %mul3A_748 : i32
          %gather3A_750 = tpu.memref_slice %arg12[%mul3A_749] : memref<65536xf32, #tpu.memory_space<vmem>> -> memref<1024xf32, #tpu.memory_space<vmem>>
          %gather3A_751 = tpu.vector_load_idx %gather3A_750[%gather3A_245] : memref<1024xf32, #tpu.memory_space<vmem>>[vector<16xi32>], vector<16xf32>,
          %mul3A_752 = arith.mulf %get3A_538, %gather3A_751 : vector<16xf32>
          %add3A_753 = arith.addf %scan3A_522, %mul3A_752 : vector<16xf32>
          %add3A_754 = arith.constant 1 : i32
          %add3A_755 = arith.addi %mul3A_530, %add3A_754 : i32
          %mul3A_756 = arith.constant 1024 : i32
          %mul3A_757 = arith.muli %add3A_755, %mul3A_756 : i32
          %gather3A_758 = tpu.memref_slice %arg12[%mul3A_757] : memref<65536xf32, #tpu.memory_space<vmem>> -> memref<1024xf32, #tpu.memory_space<vmem>>
          %gather3A_759 = tpu.vector_load_idx %gather3A_758[%gather3A_245] : memref<1024xf32, #tpu.memory_space<vmem>>[vector<16xi32>], vector<16xf32>,
          %mul3A_760 = arith.mulf %get3A_547, %gather3A_759 : vector<16xf32>
          %add3A_761 = arith.addf %add3A_753, %mul3A_760 : vector<16xf32>
          %add3A_762 = arith.constant 2 : i32
          %add3A_763 = arith.addi %mul3A_530, %add3A_762 : i32
          %mul3A_764 = arith.constant 1024 : i32
          %mul3A_765 = arith.muli %add3A_763, %mul3A_764 : i32
          %gather3A_766 = tpu.memref_slice %arg12[%mul3A_765] : memref<65536xf32, #tpu.memory_space<vmem>> -> memref<1024xf32, #tpu.memory_space<vmem>>
          %gather3A_767 = tpu.vector_load_idx %gather3A_766[%gather3A_245] : memref<1024xf32, #tpu.memory_space<vmem>>[vector<16xi32>], vector<16xf32>,
          %mul3A_768 = arith.mulf %get3A_556, %gather3A_767 : vector<16xf32>
          %add3A_769 = arith.addf %add3A_761, %mul3A_768 : vector<16xf32>
          %add3A_770 = arith.constant 3 : i32
          %add3A_771 = arith.addi %mul3A_530, %add3A_770 : i32
          %mul3A_772 = arith.constant 1024 : i32
          %mul3A_773 = arith.muli %add3A_771, %mul3A_772 : i32
          %gather3A_774 = tpu.memref_slice %arg12[%mul3A_773] : memref<65536xf32, #tpu.memory_space<vmem>> -> memref<1024xf32, #tpu.memory_space<vmem>>
          %gather3A_775 = tpu.vector_load_idx %gather3A_774[%gather3A_245] : memref<1024xf32, #tpu.memory_space<vmem>>[vector<16xi32>], vector<16xf32>,
          %mul3A_776 = arith.mulf %get3A_565, %gather3A_775 : vector<16xf32>
          %add3A_777 = arith.addf %add3A_769, %mul3A_776 : vector<16xf32>
          %add3A_778 = arith.constant 4 : i32
          %add3A_779 = arith.addi %mul3A_530, %add3A_778 : i32
          %mul3A_780 = arith.constant 1024 : i32
          %mul3A_781 = arith.muli %add3A_779, %mul3A_780 : i32
          %gather3A_782 = tpu.memref_slice %arg12[%mul3A_781] : memref<65536xf32, #tpu.memory_space<vmem>> -> memref<1024xf32, #tpu.memory_space<vmem>>
          %gather3A_783 = tpu.vector_load_idx %gather3A_782[%gather3A_245] : memref<1024xf32, #tpu.memory_space<vmem>>[vector<16xi32>], vector<16xf32>,
          %mul3A_784 = arith.mulf %get3A_574, %gather3A_783 : vector<16xf32>
          %add3A_785 = arith.addf %add3A_777, %mul3A_784 : vector<16xf32>
          %add3A_786 = arith.constant 5 : i32
          %add3A_787 = arith.addi %mul3A_530, %add3A_786 : i32
          %mul3A_788 = arith.constant 1024 : i32
          %mul3A_789 = arith.muli %add3A_787, %mul3A_788 : i32
          %gather3A_790 = tpu.memref_slice %arg12[%mul3A_789] : memref<65536xf32, #tpu.memory_space<vmem>> -> memref<1024xf32, #tpu.memory_space<vmem>>
          %gather3A_791 = tpu.vector_load_idx %gather3A_790[%gather3A_245] : memref<1024xf32, #tpu.memory_space<vmem>>[vector<16xi32>], vector<16xf32>,
          %mul3A_792 = arith.mulf %get3A_583, %gather3A_791 : vector<16xf32>
          %add3A_793 = arith.addf %add3A_785, %mul3A_792 : vector<16xf32>
          %add3A_794 = arith.constant 6 : i32
          %add3A_795 = arith.addi %mul3A_530, %add3A_794 : i32
          %mul3A_796 = arith.constant 1024 : i32
          %mul3A_797 = arith.muli %add3A_795, %mul3A_796 : i32
          %gather3A_798 = tpu.memref_slice %arg12[%mul3A_797] : memref<65536xf32, #tpu.memory_space<vmem>> -> memref<1024xf32, #tpu.memory_space<vmem>>
          %gather3A_799 = tpu.vector_load_idx %gather3A_798[%gather3A_245] : memref<1024xf32, #tpu.memory_space<vmem>>[vector<16xi32>], vector<16xf32>,
          %mul3A_800 = arith.mulf %get3A_592, %gather3A_799 : vector<16xf32>
          %add3A_801 = arith.addf %add3A_793, %mul3A_800 : vector<16xf32>
          %add3A_802 = arith.constant 7 : i32
          %add3A_803 = arith.addi %mul3A_530, %add3A_802 : i32
          %mul3A_804 = arith.constant 1024 : i32
          %mul3A_805 = arith.muli %add3A_803, %mul3A_804 : i32
          %gather3A_806 = tpu.memref_slice %arg12[%mul3A_805] : memref<65536xf32, #tpu.memory_space<vmem>> -> memref<1024xf32, #tpu.memory_space<vmem>>
          %gather3A_807 = tpu.vector_load_idx %gather3A_806[%gather3A_245] : memref<1024xf32, #tpu.memory_space<vmem>>[vector<16xi32>], vector<16xf32>,
          %mul3A_808 = arith.mulf %get3A_601, %gather3A_807 : vector<16xf32>
          %add3A_809 = arith.addf %add3A_801, %mul3A_808 : vector<16xf32>
          %add3A_810 = arith.constant 0 : i32
          %add3A_811 = arith.addi %mul3A_530, %add3A_810 : i32
          %mul3A_812 = arith.constant 1024 : i32
          %mul3A_813 = arith.muli %add3A_811, %mul3A_812 : i32
          %gather3A_814 = tpu.memref_slice %arg12[%mul3A_813] : memref<65536xf32, #tpu.memory_space<vmem>> -> memref<1024xf32, #tpu.memory_space<vmem>>
          %gather3A_815 = tpu.vector_load_idx %gather3A_814[%gather3A_250] : memref<1024xf32, #tpu.memory_space<vmem>>[vector<16xi32>], vector<16xf32>,
          %mul3A_816 = arith.mulf %get3A_538, %gather3A_815 : vector<16xf32>
          %add3A_817 = arith.addf %scan3A_523, %mul3A_816 : vector<16xf32>
          %add3A_818 = arith.constant 1 : i32
          %add3A_819 = arith.addi %mul3A_530, %add3A_818 : i32
          %mul3A_820 = arith.constant 1024 : i32
          %mul3A_821 = arith.muli %add3A_819, %mul3A_820 : i32
          %gather3A_822 = tpu.memref_slice %arg12[%mul3A_821] : memref<65536xf32, #tpu.memory_space<vmem>> -> memref<1024xf32, #tpu.memory_space<vmem>>
          %gather3A_823 = tpu.vector_load_idx %gather3A_822[%gather3A_250] : memref<1024xf32, #tpu.memory_space<vmem>>[vector<16xi32>], vector<16xf32>,
          %mul3A_824 = arith.mulf %get3A_547, %gather3A_823 : vector<16xf32>
          %add3A_825 = arith.addf %add3A_817, %mul3A_824 : vector<16xf32>
          %add3A_826 = arith.constant 2 : i32
          %add3A_827 = arith.addi %mul3A_530, %add3A_826 : i32
          %mul3A_828 = arith.constant 1024 : i32
          %mul3A_829 = arith.muli %add3A_827, %mul3A_828 : i32
          %gather3A_830 = tpu.memref_slice %arg12[%mul3A_829] : memref<65536xf32, #tpu.memory_space<vmem>> -> memref<1024xf32, #tpu.memory_space<vmem>>
          %gather3A_831 = tpu.vector_load_idx %gather3A_830[%gather3A_250] : memref<1024xf32, #tpu.memory_space<vmem>>[vector<16xi32>], vector<16xf32>,
          %mul3A_832 = arith.mulf %get3A_556, %gather3A_831 : vector<16xf32>
          %add3A_833 = arith.addf %add3A_825, %mul3A_832 : vector<16xf32>
          %add3A_834 = arith.constant 3 : i32
          %add3A_835 = arith.addi %mul3A_530, %add3A_834 : i32
          %mul3A_836 = arith.constant 1024 : i32
          %mul3A_837 = arith.muli %add3A_835, %mul3A_836 : i32
          %gather3A_838 = tpu.memref_slice %arg12[%mul3A_837] : memref<65536xf32, #tpu.memory_space<vmem>> -> memref<1024xf32, #tpu.memory_space<vmem>>
          %gather3A_839 = tpu.vector_load_idx %gather3A_838[%gather3A_250] : memref<1024xf32, #tpu.memory_space<vmem>>[vector<16xi32>], vector<16xf32>,
          %mul3A_840 = arith.mulf %get3A_565, %gather3A_839 : vector<16xf32>
          %add3A_841 = arith.addf %add3A_833, %mul3A_840 : vector<16xf32>
          %add3A_842 = arith.constant 4 : i32
          %add3A_843 = arith.addi %mul3A_530, %add3A_842 : i32
          %mul3A_844 = arith.constant 1024 : i32
          %mul3A_845 = arith.muli %add3A_843, %mul3A_844 : i32
          %gather3A_846 = tpu.memref_slice %arg12[%mul3A_845] : memref<65536xf32, #tpu.memory_space<vmem>> -> memref<1024xf32, #tpu.memory_space<vmem>>
          %gather3A_847 = tpu.vector_load_idx %gather3A_846[%gather3A_250] : memref<1024xf32, #tpu.memory_space<vmem>>[vector<16xi32>], vector<16xf32>,
          %mul3A_848 = arith.mulf %get3A_574, %gather3A_847 : vector<16xf32>
          %add3A_849 = arith.addf %add3A_841, %mul3A_848 : vector<16xf32>
          %add3A_850 = arith.constant 5 : i32
          %add3A_851 = arith.addi %mul3A_530, %add3A_850 : i32
          %mul3A_852 = arith.constant 1024 : i32
          %mul3A_853 = arith.muli %add3A_851, %mul3A_852 : i32
          %gather3A_854 = tpu.memref_slice %arg12[%mul3A_853] : memref<65536xf32, #tpu.memory_space<vmem>> -> memref<1024xf32, #tpu.memory_space<vmem>>
          %gather3A_855 = tpu.vector_load_idx %gather3A_854[%gather3A_250] : memref<1024xf32, #tpu.memory_space<vmem>>[vector<16xi32>], vector<16xf32>,
          %mul3A_856 = arith.mulf %get3A_583, %gather3A_855 : vector<16xf32>
          %add3A_857 = arith.addf %add3A_849, %mul3A_856 : vector<16xf32>
          %add3A_858 = arith.constant 6 : i32
          %add3A_859 = arith.addi %mul3A_530, %add3A_858 : i32
          %mul3A_860 = arith.constant 1024 : i32
          %mul3A_861 = arith.muli %add3A_859, %mul3A_860 : i32
          %gather3A_862 = tpu.memref_slice %arg12[%mul3A_861] : memref<65536xf32, #tpu.memory_space<vmem>> -> memref<1024xf32, #tpu.memory_space<vmem>>
          %gather3A_863 = tpu.vector_load_idx %gather3A_862[%gather3A_250] : memref<1024xf32, #tpu.memory_space<vmem>>[vector<16xi32>], vector<16xf32>,
          %mul3A_864 = arith.mulf %get3A_592, %gather3A_863 : vector<16xf32>
          %add3A_865 = arith.addf %add3A_857, %mul3A_864 : vector<16xf32>
          %add3A_866 = arith.constant 7 : i32
          %add3A_867 = arith.addi %mul3A_530, %add3A_866 : i32
          %mul3A_868 = arith.constant 1024 : i32
          %mul3A_869 = arith.muli %add3A_867, %mul3A_868 : i32
          %gather3A_870 = tpu.memref_slice %arg12[%mul3A_869] : memref<65536xf32, #tpu.memory_space<vmem>> -> memref<1024xf32, #tpu.memory_space<vmem>>
          %gather3A_871 = tpu.vector_load_idx %gather3A_870[%gather3A_250] : memref<1024xf32, #tpu.memory_space<vmem>>[vector<16xi32>], vector<16xf32>,
          %mul3A_872 = arith.mulf %get3A_601, %gather3A_871 : vector<16xf32>
          %add3A_873 = arith.addf %add3A_865, %mul3A_872 : vector<16xf32>
          %add3A_874 = arith.constant 0 : i32
          %add3A_875 = arith.addi %mul3A_530, %add3A_874 : i32
          %mul3A_876 = arith.constant 1024 : i32
          %mul3A_877 = arith.muli %add3A_875, %mul3A_876 : i32
          %gather3A_878 = tpu.memref_slice %arg12[%mul3A_877] : memref<65536xf32, #tpu.memory_space<vmem>> -> memref<1024xf32, #tpu.memory_space<vmem>>
          %gather3A_879 = tpu.vector_load_idx %gather3A_878[%gather3A_255] : memref<1024xf32, #tpu.memory_space<vmem>>[vector<16xi32>], vector<16xf32>,
          %mul3A_880 = arith.mulf %get3A_538, %gather3A_879 : vector<16xf32>
          %add3A_881 = arith.addf %scan3A_524, %mul3A_880 : vector<16xf32>
          %add3A_882 = arith.constant 1 : i32
          %add3A_883 = arith.addi %mul3A_530, %add3A_882 : i32
          %mul3A_884 = arith.constant 1024 : i32
          %mul3A_885 = arith.muli %add3A_883, %mul3A_884 : i32
          %gather3A_886 = tpu.memref_slice %arg12[%mul3A_885] : memref<65536xf32, #tpu.memory_space<vmem>> -> memref<1024xf32, #tpu.memory_space<vmem>>
          %gather3A_887 = tpu.vector_load_idx %gather3A_886[%gather3A_255] : memref<1024xf32, #tpu.memory_space<vmem>>[vector<16xi32>], vector<16xf32>,
          %mul3A_888 = arith.mulf %get3A_547, %gather3A_887 : vector<16xf32>
          %add3A_889 = arith.addf %add3A_881, %mul3A_888 : vector<16xf32>
          %add3A_890 = arith.constant 2 : i32
          %add3A_891 = arith.addi %mul3A_530, %add3A_890 : i32
          %mul3A_892 = arith.constant 1024 : i32
          %mul3A_893 = arith.muli %add3A_891, %mul3A_892 : i32
          %gather3A_894 = tpu.memref_slice %arg12[%mul3A_893] : memref<65536xf32, #tpu.memory_space<vmem>> -> memref<1024xf32, #tpu.memory_space<vmem>>
          %gather3A_895 = tpu.vector_load_idx %gather3A_894[%gather3A_255] : memref<1024xf32, #tpu.memory_space<vmem>>[vector<16xi32>], vector<16xf32>,
          %mul3A_896 = arith.mulf %get3A_556, %gather3A_895 : vector<16xf32>
          %add3A_897 = arith.addf %add3A_889, %mul3A_896 : vector<16xf32>
          %add3A_898 = arith.constant 3 : i32
          %add3A_899 = arith.addi %mul3A_530, %add3A_898 : i32
          %mul3A_900 = arith.constant 1024 : i32
          %mul3A_901 = arith.muli %add3A_899, %mul3A_900 : i32
          %gather3A_902 = tpu.memref_slice %arg12[%mul3A_901] : memref<65536xf32, #tpu.memory_space<vmem>> -> memref<1024xf32, #tpu.memory_space<vmem>>
          %gather3A_903 = tpu.vector_load_idx %gather3A_902[%gather3A_255] : memref<1024xf32, #tpu.memory_space<vmem>>[vector<16xi32>], vector<16xf32>,
          %mul3A_904 = arith.mulf %get3A_565, %gather3A_903 : vector<16xf32>
          %add3A_905 = arith.addf %add3A_897, %mul3A_904 : vector<16xf32>
          %add3A_906 = arith.constant 4 : i32
          %add3A_907 = arith.addi %mul3A_530, %add3A_906 : i32
          %mul3A_908 = arith.constant 1024 : i32
          %mul3A_909 = arith.muli %add3A_907, %mul3A_908 : i32
          %gather3A_910 = tpu.memref_slice %arg12[%mul3A_909] : memref<65536xf32, #tpu.memory_space<vmem>> -> memref<1024xf32, #tpu.memory_space<vmem>>
          %gather3A_911 = tpu.vector_load_idx %gather3A_910[%gather3A_255] : memref<1024xf32, #tpu.memory_space<vmem>>[vector<16xi32>], vector<16xf32>,
          %mul3A_912 = arith.mulf %get3A_574, %gather3A_911 : vector<16xf32>
          %add3A_913 = arith.addf %add3A_905, %mul3A_912 : vector<16xf32>
          %add3A_914 = arith.constant 5 : i32
          %add3A_915 = arith.addi %mul3A_530, %add3A_914 : i32
          %mul3A_916 = arith.constant 1024 : i32
          %mul3A_917 = arith.muli %add3A_915, %mul3A_916 : i32
          %gather3A_918 = tpu.memref_slice %arg12[%mul3A_917] : memref<65536xf32, #tpu.memory_space<vmem>> -> memref<1024xf32, #tpu.memory_space<vmem>>
          %gather3A_919 = tpu.vector_load_idx %gather3A_918[%gather3A_255] : memref<1024xf32, #tpu.memory_space<vmem>>[vector<16xi32>], vector<16xf32>,
          %mul3A_920 = arith.mulf %get3A_583, %gather3A_919 : vector<16xf32>
          %add3A_921 = arith.addf %add3A_913, %mul3A_920 : vector<16xf32>
          %add3A_922 = arith.constant 6 : i32
          %add3A_923 = arith.addi %mul3A_530, %add3A_922 : i32
          %mul3A_924 = arith.constant 1024 : i32
          %mul3A_925 = arith.muli %add3A_923, %mul3A_924 : i32
          %gather3A_926 = tpu.memref_slice %arg12[%mul3A_925] : memref<65536xf32, #tpu.memory_space<vmem>> -> memref<1024xf32, #tpu.memory_space<vmem>>
          %gather3A_927 = tpu.vector_load_idx %gather3A_926[%gather3A_255] : memref<1024xf32, #tpu.memory_space<vmem>>[vector<16xi32>], vector<16xf32>,
          %mul3A_928 = arith.mulf %get3A_592, %gather3A_927 : vector<16xf32>
          %add3A_929 = arith.addf %add3A_921, %mul3A_928 : vector<16xf32>
          %add3A_930 = arith.constant 7 : i32
          %add3A_931 = arith.addi %mul3A_530, %add3A_930 : i32
          %mul3A_932 = arith.constant 1024 : i32
          %mul3A_933 = arith.muli %add3A_931, %mul3A_932 : i32
          %gather3A_934 = tpu.memref_slice %arg12[%mul3A_933] : memref<65536xf32, #tpu.memory_space<vmem>> -> memref<1024xf32, #tpu.memory_space<vmem>>
          %gather3A_935 = tpu.vector_load_idx %gather3A_934[%gather3A_255] : memref<1024xf32, #tpu.memory_space<vmem>>[vector<16xi32>], vector<16xf32>,
          %mul3A_936 = arith.mulf %get3A_601, %gather3A_935 : vector<16xf32>
          %add3A_937 = arith.addf %add3A_929, %mul3A_936 : vector<16xf32>
          %add3A_938 = arith.constant 0 : i32
          %add3A_939 = arith.addi %mul3A_530, %add3A_938 : i32
          %mul3A_940 = arith.constant 1024 : i32
          %mul3A_941 = arith.muli %add3A_939, %mul3A_940 : i32
          %gather3A_942 = tpu.memref_slice %arg12[%mul3A_941] : memref<65536xf32, #tpu.memory_space<vmem>> -> memref<1024xf32, #tpu.memory_space<vmem>>
          %gather3A_943 = tpu.vector_load_idx %gather3A_942[%gather3A_260] : memref<1024xf32, #tpu.memory_space<vmem>>[vector<16xi32>], vector<16xf32>,
          %mul3A_944 = arith.mulf %get3A_538, %gather3A_943 : vector<16xf32>
          %add3A_945 = arith.addf %scan3A_525, %mul3A_944 : vector<16xf32>
          %add3A_946 = arith.constant 1 : i32
          %add3A_947 = arith.addi %mul3A_530, %add3A_946 : i32
          %mul3A_948 = arith.constant 1024 : i32
          %mul3A_949 = arith.muli %add3A_947, %mul3A_948 : i32
          %gather3A_950 = tpu.memref_slice %arg12[%mul3A_949] : memref<65536xf32, #tpu.memory_space<vmem>> -> memref<1024xf32, #tpu.memory_space<vmem>>
          %gather3A_951 = tpu.vector_load_idx %gather3A_950[%gather3A_260] : memref<1024xf32, #tpu.memory_space<vmem>>[vector<16xi32>], vector<16xf32>,
          %mul3A_952 = arith.mulf %get3A_547, %gather3A_951 : vector<16xf32>
          %add3A_953 = arith.addf %add3A_945, %mul3A_952 : vector<16xf32>
          %add3A_954 = arith.constant 2 : i32
          %add3A_955 = arith.addi %mul3A_530, %add3A_954 : i32
          %mul3A_956 = arith.constant 1024 : i32
          %mul3A_957 = arith.muli %add3A_955, %mul3A_956 : i32
          %gather3A_958 = tpu.memref_slice %arg12[%mul3A_957] : memref<65536xf32, #tpu.memory_space<vmem>> -> memref<1024xf32, #tpu.memory_space<vmem>>
          %gather3A_959 = tpu.vector_load_idx %gather3A_958[%gather3A_260] : memref<1024xf32, #tpu.memory_space<vmem>>[vector<16xi32>], vector<16xf32>,
          %mul3A_960 = arith.mulf %get3A_556, %gather3A_959 : vector<16xf32>
          %add3A_961 = arith.addf %add3A_953, %mul3A_960 : vector<16xf32>
          %add3A_962 = arith.constant 3 : i32
          %add3A_963 = arith.addi %mul3A_530, %add3A_962 : i32
          %mul3A_964 = arith.constant 1024 : i32
          %mul3A_965 = arith.muli %add3A_963, %mul3A_964 : i32
          %gather3A_966 = tpu.memref_slice %arg12[%mul3A_965] : memref<65536xf32, #tpu.memory_space<vmem>> -> memref<1024xf32, #tpu.memory_space<vmem>>
          %gather3A_967 = tpu.vector_load_idx %gather3A_966[%gather3A_260] : memref<1024xf32, #tpu.memory_space<vmem>>[vector<16xi32>], vector<16xf32>,
          %mul3A_968 = arith.mulf %get3A_565, %gather3A_967 : vector<16xf32>
          %add3A_969 = arith.addf %add3A_961, %mul3A_968 : vector<16xf32>
          %add3A_970 = arith.constant 4 : i32
          %add3A_971 = arith.addi %mul3A_530, %add3A_970 : i32
          %mul3A_972 = arith.constant 1024 : i32
          %mul3A_973 = arith.muli %add3A_971, %mul3A_972 : i32
          %gather3A_974 = tpu.memref_slice %arg12[%mul3A_973] : memref<65536xf32, #tpu.memory_space<vmem>> -> memref<1024xf32, #tpu.memory_space<vmem>>
          %gather3A_975 = tpu.vector_load_idx %gather3A_974[%gather3A_260] : memref<1024xf32, #tpu.memory_space<vmem>>[vector<16xi32>], vector<16xf32>,
          %mul3A_976 = arith.mulf %get3A_574, %gather3A_975 : vector<16xf32>
          %add3A_977 = arith.addf %add3A_969, %mul3A_976 : vector<16xf32>
          %add3A_978 = arith.constant 5 : i32
          %add3A_979 = arith.addi %mul3A_530, %add3A_978 : i32
          %mul3A_980 = arith.constant 1024 : i32
          %mul3A_981 = arith.muli %add3A_979, %mul3A_980 : i32
          %gather3A_982 = tpu.memref_slice %arg12[%mul3A_981] : memref<65536xf32, #tpu.memory_space<vmem>> -> memref<1024xf32, #tpu.memory_space<vmem>>
          %gather3A_983 = tpu.vector_load_idx %gather3A_982[%gather3A_260] : memref<1024xf32, #tpu.memory_space<vmem>>[vector<16xi32>], vector<16xf32>,
          %mul3A_984 = arith.mulf %get3A_583, %gather3A_983 : vector<16xf32>
          %add3A_985 = arith.addf %add3A_977, %mul3A_984 : vector<16xf32>
          %add3A_986 = arith.constant 6 : i32
          %add3A_987 = arith.addi %mul3A_530, %add3A_986 : i32
          %mul3A_988 = arith.constant 1024 : i32
          %mul3A_989 = arith.muli %add3A_987, %mul3A_988 : i32
          %gather3A_990 = tpu.memref_slice %arg12[%mul3A_989] : memref<65536xf32, #tpu.memory_space<vmem>> -> memref<1024xf32, #tpu.memory_space<vmem>>
          %gather3A_991 = tpu.vector_load_idx %gather3A_990[%gather3A_260] : memref<1024xf32, #tpu.memory_space<vmem>>[vector<16xi32>], vector<16xf32>,
          %mul3A_992 = arith.mulf %get3A_592, %gather3A_991 : vector<16xf32>
          %add3A_993 = arith.addf %add3A_985, %mul3A_992 : vector<16xf32>
          %add3A_994 = arith.constant 7 : i32
          %add3A_995 = arith.addi %mul3A_530, %add3A_994 : i32
          %mul3A_996 = arith.constant 1024 : i32
          %mul3A_997 = arith.muli %add3A_995, %mul3A_996 : i32
          %gather3A_998 = tpu.memref_slice %arg12[%mul3A_997] : memref<65536xf32, #tpu.memory_space<vmem>> -> memref<1024xf32, #tpu.memory_space<vmem>>
          %gather3A_999 = tpu.vector_load_idx %gather3A_998[%gather3A_260] : memref<1024xf32, #tpu.memory_space<vmem>>[vector<16xi32>], vector<16xf32>,
          %mul3A_1000 = arith.mulf %get3A_601, %gather3A_999 : vector<16xf32>
          %add3A_1001 = arith.addf %add3A_993, %mul3A_1000 : vector<16xf32>
          %add3A_1002 = arith.constant 0 : i32
          %add3A_1003 = arith.addi %mul3A_530, %add3A_1002 : i32
          %mul3A_1004 = arith.constant 1024 : i32
          %mul3A_1005 = arith.muli %add3A_1003, %mul3A_1004 : i32
          %gather3A_1006 = tpu.memref_slice %arg12[%mul3A_1005] : memref<65536xf32, #tpu.memory_space<vmem>> -> memref<1024xf32, #tpu.memory_space<vmem>>
          %gather3A_1007 = tpu.vector_load_idx %gather3A_1006[%gather3A_265] : memref<1024xf32, #tpu.memory_space<vmem>>[vector<16xi32>], vector<16xf32>,
          %mul3A_1008 = arith.mulf %get3A_538, %gather3A_1007 : vector<16xf32>
          %add3A_1009 = arith.addf %scan3A_526, %mul3A_1008 : vector<16xf32>
          %add3A_1010 = arith.constant 1 : i32
          %add3A_1011 = arith.addi %mul3A_530, %add3A_1010 : i32
          %mul3A_1012 = arith.constant 1024 : i32
          %mul3A_1013 = arith.muli %add3A_1011, %mul3A_1012 : i32
          %gather3A_1014 = tpu.memref_slice %arg12[%mul3A_1013] : memref<65536xf32, #tpu.memory_space<vmem>> -> memref<1024xf32, #tpu.memory_space<vmem>>
          %gather3A_1015 = tpu.vector_load_idx %gather3A_1014[%gather3A_265] : memref<1024xf32, #tpu.memory_space<vmem>>[vector<16xi32>], vector<16xf32>,
          %mul3A_1016 = arith.mulf %get3A_547, %gather3A_1015 : vector<16xf32>
          %add3A_1017 = arith.addf %add3A_1009, %mul3A_1016 : vector<16xf32>
          %add3A_1018 = arith.constant 2 : i32
          %add3A_1019 = arith.addi %mul3A_530, %add3A_1018 : i32
          %mul3A_1020 = arith.constant 1024 : i32
          %mul3A_1021 = arith.muli %add3A_1019, %mul3A_1020 : i32
          %gather3A_1022 = tpu.memref_slice %arg12[%mul3A_1021] : memref<65536xf32, #tpu.memory_space<vmem>> -> memref<1024xf32, #tpu.memory_space<vmem>>
          %gather3A_1023 = tpu.vector_load_idx %gather3A_1022[%gather3A_265] : memref<1024xf32, #tpu.memory_space<vmem>>[vector<16xi32>], vector<16xf32>,
          %mul3A_1024 = arith.mulf %get3A_556, %gather3A_1023 : vector<16xf32>
          %add3A_1025 = arith.addf %add3A_1017, %mul3A_1024 : vector<16xf32>
          %add3A_1026 = arith.constant 3 : i32
          %add3A_1027 = arith.addi %mul3A_530, %add3A_1026 : i32
          %mul3A_1028 = arith.constant 1024 : i32
          %mul3A_1029 = arith.muli %add3A_1027, %mul3A_1028 : i32
          %gather3A_1030 = tpu.memref_slice %arg12[%mul3A_1029] : memref<65536xf32, #tpu.memory_space<vmem>> -> memref<1024xf32, #tpu.memory_space<vmem>>
          %gather3A_1031 = tpu.vector_load_idx %gather3A_1030[%gather3A_265] : memref<1024xf32, #tpu.memory_space<vmem>>[vector<16xi32>], vector<16xf32>,
          %mul3A_1032 = arith.mulf %get3A_565, %gather3A_1031 : vector<16xf32>
          %add3A_1033 = arith.addf %add3A_1025, %mul3A_1032 : vector<16xf32>
          %add3A_1034 = arith.constant 4 : i32
          %add3A_1035 = arith.addi %mul3A_530, %add3A_1034 : i32
          %mul3A_1036 = arith.constant 1024 : i32
          %mul3A_1037 = arith.muli %add3A_1035, %mul3A_1036 : i32
          %gather3A_1038 = tpu.memref_slice %arg12[%mul3A_1037] : memref<65536xf32, #tpu.memory_space<vmem>> -> memref<1024xf32, #tpu.memory_space<vmem>>
          %gather3A_1039 = tpu.vector_load_idx %gather3A_1038[%gather3A_265] : memref<1024xf32, #tpu.memory_space<vmem>>[vector<16xi32>], vector<16xf32>,
          %mul3A_1040 = arith.mulf %get3A_574, %gather3A_1039 : vector<16xf32>
          %add3A_1041 = arith.addf %add3A_1033, %mul3A_1040 : vector<16xf32>
          %add3A_1042 = arith.constant 5 : i32
          %add3A_1043 = arith.addi %mul3A_530, %add3A_1042 : i32
          %mul3A_1044 = arith.constant 1024 : i32
          %mul3A_1045 = arith.muli %add3A_1043, %mul3A_1044 : i32
          %gather3A_1046 = tpu.memref_slice %arg12[%mul3A_1045] : memref<65536xf32, #tpu.memory_space<vmem>> -> memref<1024xf32, #tpu.memory_space<vmem>>
          %gather3A_1047 = tpu.vector_load_idx %gather3A_1046[%gather3A_265] : memref<1024xf32, #tpu.memory_space<vmem>>[vector<16xi32>], vector<16xf32>,
          %mul3A_1048 = arith.mulf %get3A_583, %gather3A_1047 : vector<16xf32>
          %add3A_1049 = arith.addf %add3A_1041, %mul3A_1048 : vector<16xf32>
          %add3A_1050 = arith.constant 6 : i32
          %add3A_1051 = arith.addi %mul3A_530, %add3A_1050 : i32
          %mul3A_1052 = arith.constant 1024 : i32
          %mul3A_1053 = arith.muli %add3A_1051, %mul3A_1052 : i32
          %gather3A_1054 = tpu.memref_slice %arg12[%mul3A_1053] : memref<65536xf32, #tpu.memory_space<vmem>> -> memref<1024xf32, #tpu.memory_space<vmem>>
          %gather3A_1055 = tpu.vector_load_idx %gather3A_1054[%gather3A_265] : memref<1024xf32, #tpu.memory_space<vmem>>[vector<16xi32>], vector<16xf32>,
          %mul3A_1056 = arith.mulf %get3A_592, %gather3A_1055 : vector<16xf32>
          %add3A_1057 = arith.addf %add3A_1049, %mul3A_1056 : vector<16xf32>
          %add3A_1058 = arith.constant 7 : i32
          %add3A_1059 = arith.addi %mul3A_530, %add3A_1058 : i32
          %mul3A_1060 = arith.constant 1024 : i32
          %mul3A_1061 = arith.muli %add3A_1059, %mul3A_1060 : i32
          %gather3A_1062 = tpu.memref_slice %arg12[%mul3A_1061] : memref<65536xf32, #tpu.memory_space<vmem>> -> memref<1024xf32, #tpu.memory_space<vmem>>
          %gather3A_1063 = tpu.vector_load_idx %gather3A_1062[%gather3A_265] : memref<1024xf32, #tpu.memory_space<vmem>>[vector<16xi32>], vector<16xf32>,
          %mul3A_1064 = arith.mulf %get3A_601, %gather3A_1063 : vector<16xf32>
          %add3A_1065 = arith.addf %add3A_1057, %mul3A_1064 : vector<16xf32>
          %add3A_1066 = arith.constant 0 : i32
          %add3A_1067 = arith.addi %mul3A_530, %add3A_1066 : i32
          %mul3A_1068 = arith.constant 1024 : i32
          %mul3A_1069 = arith.muli %add3A_1067, %mul3A_1068 : i32
          %gather3A_1070 = tpu.memref_slice %arg12[%mul3A_1069] : memref<65536xf32, #tpu.memory_space<vmem>> -> memref<1024xf32, #tpu.memory_space<vmem>>
          %gather3A_1071 = tpu.vector_load_idx %gather3A_1070[%gather3A_270] : memref<1024xf32, #tpu.memory_space<vmem>>[vector<16xi32>], vector<16xf32>,
          %mul3A_1072 = arith.mulf %get3A_538, %gather3A_1071 : vector<16xf32>
          %add3A_1073 = arith.addf %scan3A_527, %mul3A_1072 : vector<16xf32>
          %add3A_1074 = arith.constant 1 : i32
          %add3A_1075 = arith.addi %mul3A_530, %add3A_1074 : i32
          %mul3A_1076 = arith.constant 1024 : i32
          %mul3A_1077 = arith.muli %add3A_1075, %mul3A_1076 : i32
          %gather3A_1078 = tpu.memref_slice %arg12[%mul3A_1077] : memref<65536xf32, #tpu.memory_space<vmem>> -> memref<1024xf32, #tpu.memory_space<vmem>>
          %gather3A_1079 = tpu.vector_load_idx %gather3A_1078[%gather3A_270] : memref<1024xf32, #tpu.memory_space<vmem>>[vector<16xi32>], vector<16xf32>,
          %mul3A_1080 = arith.mulf %get3A_547, %gather3A_1079 : vector<16xf32>
          %add3A_1081 = arith.addf %add3A_1073, %mul3A_1080 : vector<16xf32>
          %add3A_1082 = arith.constant 2 : i32
          %add3A_1083 = arith.addi %mul3A_530, %add3A_1082 : i32
          %mul3A_1084 = arith.constant 1024 : i32
          %mul3A_1085 = arith.muli %add3A_1083, %mul3A_1084 : i32
          %gather3A_1086 = tpu.memref_slice %arg12[%mul3A_1085] : memref<65536xf32, #tpu.memory_space<vmem>> -> memref<1024xf32, #tpu.memory_space<vmem>>
          %gather3A_1087 = tpu.vector_load_idx %gather3A_1086[%gather3A_270] : memref<1024xf32, #tpu.memory_space<vmem>>[vector<16xi32>], vector<16xf32>,
          %mul3A_1088 = arith.mulf %get3A_556, %gather3A_1087 : vector<16xf32>
          %add3A_1089 = arith.addf %add3A_1081, %mul3A_1088 : vector<16xf32>
          %add3A_1090 = arith.constant 3 : i32
          %add3A_1091 = arith.addi %mul3A_530, %add3A_1090 : i32
          %mul3A_1092 = arith.constant 1024 : i32
          %mul3A_1093 = arith.muli %add3A_1091, %mul3A_1092 : i32
          %gather3A_1094 = tpu.memref_slice %arg12[%mul3A_1093] : memref<65536xf32, #tpu.memory_space<vmem>> -> memref<1024xf32, #tpu.memory_space<vmem>>
          %gather3A_1095 = tpu.vector_load_idx %gather3A_1094[%gather3A_270] : memref<1024xf32, #tpu.memory_space<vmem>>[vector<16xi32>], vector<16xf32>,
          %mul3A_1096 = arith.mulf %get3A_565, %gather3A_1095 : vector<16xf32>
          %add3A_1097 = arith.addf %add3A_1089, %mul3A_1096 : vector<16xf32>
          %add3A_1098 = arith.constant 4 : i32
          %add3A_1099 = arith.addi %mul3A_530, %add3A_1098 : i32
          %mul3A_1100 = arith.constant 1024 : i32
          %mul3A_1101 = arith.muli %add3A_1099, %mul3A_1100 : i32
          %gather3A_1102 = tpu.memref_slice %arg12[%mul3A_1101] : memref<65536xf32, #tpu.memory_space<vmem>> -> memref<1024xf32, #tpu.memory_space<vmem>>
          %gather3A_1103 = tpu.vector_load_idx %gather3A_1102[%gather3A_270] : memref<1024xf32, #tpu.memory_space<vmem>>[vector<16xi32>], vector<16xf32>,
          %mul3A_1104 = arith.mulf %get3A_574, %gather3A_1103 : vector<16xf32>
          %add3A_1105 = arith.addf %add3A_1097, %mul3A_1104 : vector<16xf32>
          %add3A_1106 = arith.constant 5 : i32
          %add3A_1107 = arith.addi %mul3A_530, %add3A_1106 : i32
          %mul3A_1108 = arith.constant 1024 : i32
          %mul3A_1109 = arith.muli %add3A_1107, %mul3A_1108 : i32
          %gather3A_1110 = tpu.memref_slice %arg12[%mul3A_1109] : memref<65536xf32, #tpu.memory_space<vmem>> -> memref<1024xf32, #tpu.memory_space<vmem>>
          %gather3A_1111 = tpu.vector_load_idx %gather3A_1110[%gather3A_270] : memref<1024xf32, #tpu.memory_space<vmem>>[vector<16xi32>], vector<16xf32>,
          %mul3A_1112 = arith.mulf %get3A_583, %gather3A_1111 : vector<16xf32>
          %add3A_1113 = arith.addf %add3A_1105, %mul3A_1112 : vector<16xf32>
          %add3A_1114 = arith.constant 6 : i32
          %add3A_1115 = arith.addi %mul3A_530, %add3A_1114 : i32
          %mul3A_1116 = arith.constant 1024 : i32
          %mul3A_1117 = arith.muli %add3A_1115, %mul3A_1116 : i32
          %gather3A_1118 = tpu.memref_slice %arg12[%mul3A_1117] : memref<65536xf32, #tpu.memory_space<vmem>> -> memref<1024xf32, #tpu.memory_space<vmem>>
          %gather3A_1119 = tpu.vector_load_idx %gather3A_1118[%gather3A_270] : memref<1024xf32, #tpu.memory_space<vmem>>[vector<16xi32>], vector<16xf32>,
          %mul3A_1120 = arith.mulf %get3A_592, %gather3A_1119 : vector<16xf32>
          %add3A_1121 = arith.addf %add3A_1113, %mul3A_1120 : vector<16xf32>
          %add3A_1122 = arith.constant 7 : i32
          %add3A_1123 = arith.addi %mul3A_530, %add3A_1122 : i32
          %mul3A_1124 = arith.constant 1024 : i32
          %mul3A_1125 = arith.muli %add3A_1123, %mul3A_1124 : i32
          %gather3A_1126 = tpu.memref_slice %arg12[%mul3A_1125] : memref<65536xf32, #tpu.memory_space<vmem>> -> memref<1024xf32, #tpu.memory_space<vmem>>
          %gather3A_1127 = tpu.vector_load_idx %gather3A_1126[%gather3A_270] : memref<1024xf32, #tpu.memory_space<vmem>>[vector<16xi32>], vector<16xf32>,
          %mul3A_1128 = arith.mulf %get3A_601, %gather3A_1127 : vector<16xf32>
          %add3A_1129 = arith.addf %add3A_1121, %mul3A_1128 : vector<16xf32>
          scf.yield %add3A_681, %add3A_745, %add3A_809, %add3A_873, %add3A_937, %add3A_1001, %add3A_1065, %add3A_1129, %add3A_617 : vector<16xf32>, vector<16xf32>, vector<16xf32>, vector<16xf32>, vector<16xf32>, vector<16xf32>, vector<16xf32>, vector<16xf32>, vector<16xf32>
        }
        %scan3A_276 = arith.constant 8 : i32
        %gather3A_277 = tpu.vector_load_idx %arg29[%gather3A] : memref<1024xf32, #tpu.memory_space<vmem>>[vector<16xi32>], vector<16xf32>,
        %gather3A_278 = tpu.vector_load_idx %arg29[%gather3A_240] : memref<1024xf32, #tpu.memory_space<vmem>>[vector<16xi32>], vector<16xf32>,
        %gather3A_279 = tpu.vector_load_idx %arg29[%gather3A_245] : memref<1024xf32, #tpu.memory_space<vmem>>[vector<16xi32>], vector<16xf32>,
        %gather3A_280 = tpu.vector_load_idx %arg29[%gather3A_250] : memref<1024xf32, #tpu.memory_space<vmem>>[vector<16xi32>], vector<16xf32>,
        %gather3A_281 = tpu.vector_load_idx %arg29[%gather3A_255] : memref<1024xf32, #tpu.memory_space<vmem>>[vector<16xi32>], vector<16xf32>,
        %gather3A_282 = tpu.vector_load_idx %arg29[%gather3A_260] : memref<1024xf32, #tpu.memory_space<vmem>>[vector<16xi32>], vector<16xf32>,
        %gather3A_283 = tpu.vector_load_idx %arg29[%gather3A_265] : memref<1024xf32, #tpu.memory_space<vmem>>[vector<16xi32>], vector<16xf32>,
        %gather3A_284 = tpu.vector_load_idx %arg29[%gather3A_270] : memref<1024xf32, #tpu.memory_space<vmem>>[vector<16xi32>], vector<16xf32>,
        %add3A_285 = arith.addf %gather3A_277, %scan3A_275#0 : vector<16xf32>
        %add3A_286 = arith.addf %gather3A_278, %scan3A_275#1 : vector<16xf32>
        %add3A_287 = arith.addf %gather3A_279, %scan3A_275#2 : vector<16xf32>
        %add3A_288 = arith.addf %gather3A_280, %scan3A_275#3 : vector<16xf32>
        %add3A_289 = arith.addf %gather3A_281, %scan3A_275#4 : vector<16xf32>
        %add3A_290 = arith.addf %gather3A_282, %scan3A_275#5 : vector<16xf32>
        %add3A_291 = arith.addf %gather3A_283, %scan3A_275#6 : vector<16xf32>
        %add3A_292 = arith.addf %gather3A_284, %scan3A_275#7 : vector<16xf32>
        %broadcast_in_dim3A_293 = arith.constant -5.000000e+00 : f32
        %broadcast_in_dim3A_294 = vector.broadcast %broadcast_in_dim3A_293 : f32 to vector<16xf32>
        %max3A = arith.maximumf %broadcast_in_dim3A_294, %add3A_285 : vector<16xf32>
        %max3A_295 = arith.maximumf %max3A, %add3A_286 : vector<16xf32>
        %max3A_296 = arith.maximumf %max3A_295, %add3A_287 : vector<16xf32>
        %max3A_297 = arith.maximumf %max3A_296, %add3A_288 : vector<16xf32>
        %max3A_298 = arith.maximumf %max3A_297, %add3A_289 : vector<16xf32>
        %max3A_299 = arith.maximumf %max3A_298, %add3A_290 : vector<16xf32>
        %max3A_300 = arith.maximumf %max3A_299, %add3A_291 : vector<16xf32>
        %max3A_301 = arith.maximumf %max3A_300, %add3A_292 : vector<16xf32>
        %sub3A = arith.subf %add3A_285, %max3A_301 : vector<16xf32>
        %exp3A = math.exp %sub3A : vector<16xf32>
        %sub3A_302 = arith.subf %add3A_286, %max3A_301 : vector<16xf32>
        %exp3A_303 = math.exp %sub3A_302 : vector<16xf32>
        %sub3A_304 = arith.subf %add3A_287, %max3A_301 : vector<16xf32>
        %exp3A_305 = math.exp %sub3A_304 : vector<16xf32>
        %sub3A_306 = arith.subf %add3A_288, %max3A_301 : vector<16xf32>
        %exp3A_307 = math.exp %sub3A_306 : vector<16xf32>
        %sub3A_308 = arith.subf %add3A_289, %max3A_301 : vector<16xf32>
        %exp3A_309 = math.exp %sub3A_308 : vector<16xf32>
        %sub3A_310 = arith.subf %add3A_290, %max3A_301 : vector<16xf32>
        %exp3A_311 = math.exp %sub3A_310 : vector<16xf32>
        %sub3A_312 = arith.subf %add3A_291, %max3A_301 : vector<16xf32>
        %exp3A_313 = math.exp %sub3A_312 : vector<16xf32>
        %sub3A_314 = arith.subf %add3A_292, %max3A_301 : vector<16xf32>
        %exp3A_315 = math.exp %sub3A_314 : vector<16xf32>
        %sub3A_316 = arith.constant -5.000000e+00 : f32
        %sub3A_317 = vector.broadcast %sub3A_316 : f32 to vector<16xf32>
        %sub3A_318 = arith.subf %sub3A_317, %max3A_301 : vector<16xf32>
        %exp3A_319 = math.exp %sub3A_318 : vector<16xf32>
        %add3A_320 = arith.addf %exp3A_319, %exp3A : vector<16xf32>
        %add3A_321 = arith.addf %add3A_320, %exp3A_303 : vector<16xf32>
        %add3A_322 = arith.addf %add3A_321, %exp3A_305 : vector<16xf32>
        %add3A_323 = arith.addf %add3A_322, %exp3A_307 : vector<16xf32>
        %add3A_324 = arith.addf %add3A_323, %exp3A_309 : vector<16xf32>
        %add3A_325 = arith.addf %add3A_324, %exp3A_311 : vector<16xf32>
        %add3A_326 = arith.addf %add3A_325, %exp3A_313 : vector<16xf32>
        %add3A_327 = arith.addf %add3A_326, %exp3A_315 : vector<16xf32>
        %div3A = arith.constant 1.000000e+00 : f32
        %div3A_328 = vector.broadcast %div3A : f32 to vector<16xf32>
        %div3A_329 = arith.divf %div3A_328, %add3A_327 : vector<16xf32>
        %mul3A_330 = arith.mulf %exp3A, %div3A_329 : vector<16xf32>
        %mul3A_331 = arith.mulf %exp3A_303, %div3A_329 : vector<16xf32>
        %mul3A_332 = arith.mulf %exp3A_305, %div3A_329 : vector<16xf32>
        %mul3A_333 = arith.mulf %exp3A_307, %div3A_329 : vector<16xf32>
        %mul3A_334 = arith.mulf %exp3A_309, %div3A_329 : vector<16xf32>
        %mul3A_335 = arith.mulf %exp3A_311, %div3A_329 : vector<16xf32>
        %mul3A_336 = arith.mulf %exp3A_313, %div3A_329 : vector<16xf32>
        %mul3A_337 = arith.mulf %exp3A_315, %div3A_329 : vector<16xf32>
        %mul3A_338 = arith.constant 16 : i32
        %mul3A_339 = arith.muli %scan3A_228, %mul3A_338 : i32
        %mul3A_340 = arith.constant 5.000000e-01 : f32
        %mul3A_341 = vector.broadcast %mul3A_340 : f32 to vector<16xf32>
        %mul3A_342 = arith.mulf %mul3A_341, %scan3A_275#8 : vector<16xf32>
        %sub3A_343 = arith.subf %max3A_301, %mul3A_342 : vector<16xf32>
        %swap3A = arith.index_cast %mul3A_339 : i32 to index
        %swap3A_344 = tpu.vector_load %arg22[%swap3A] {strides = array<i32>} : memref<64xf32, #tpu.memory_space<vmem>>, vector<16xf32>,
        tpu.vector_store %arg22[%swap3A], %sub3A_343 {strides = array<i32>} : memref<64xf32, #tpu.memory_space<vmem>>, vector<16xf32>,
        %swap3A_345 = arith.index_cast %mul3A_339 : i32 to index
        %swap3A_346 = tpu.vector_load %arg24[%swap3A_345] {strides = array<i32>} : memref<64xf32, #tpu.memory_space<vmem>>, vector<16xf32>,
        tpu.vector_store %arg24[%swap3A_345], %add3A_327 {strides = array<i32>} : memref<64xf32, #tpu.memory_space<vmem>>, vector<16xf32>,
        %mul3A_347 = arith.constant 5.000000e-01 : f32
        %mul3A_348 = vector.broadcast %mul3A_347 : f32 to vector<16xf32>
        %mul3A_349 = arith.mulf %mul3A_348, %scan3A_275#8 : vector<16xf32>
        %sub3A_350 = arith.constant -5.000000e+00 : f32
        %sub3A_351 = vector.broadcast %sub3A_350 : f32 to vector<16xf32>
        %sub3A_352 = arith.subf %sub3A_351, %mul3A_349 : vector<16xf32>
        %swap3A_353 = arith.index_cast %mul3A_339 : i32 to index
        %swap3A_354 = tpu.vector_load %arg26[%swap3A_353] {strides = array<i32>} : memref<64xf32, #tpu.memory_space<vmem>>, vector<16xf32>,
        tpu.vector_store %arg26[%swap3A_353], %sub3A_352 {strides = array<i32>} : memref<64xf32, #tpu.memory_space<vmem>>, vector<16xf32>,
        %mul3A_355 = arith.constant 4 : i32
        %mul3A_356 = arith.muli %add3A_118, %mul3A_355 : i32
        %add3A_357 = arith.addi %mul3A_356, %scan3A_228 : i32
        %mul3A_358 = arith.constant 128 : i32
        %mul3A_359 = arith.muli %add3A_357, %mul3A_358 : i32
        tpu.vector_store_idx %arg30[%gather3A], %mul3A_330 {add = true} : memref<1024xf32, #tpu.memory_space<vmem>>[vector<16xi32>], vector<16xf32>,
        %add3A_360 = arith.constant 0 : i32
        %add3A_361 = arith.addi %mul3A_359, %add3A_360 : i32
        %swap3A_362 = arith.index_cast %add3A_361 : i32 to index
        %swap3A_363 = tpu.vector_load %arg13[%swap3A_362] {strides = array<i32>} : memref<32768xf32, #tpu.memory_space<vmem>>, vector<16xf32>,
        tpu.vector_store %arg13[%swap3A_362], %mul3A_330 {strides = array<i32>} : memref<32768xf32, #tpu.memory_space<vmem>>, vector<16xf32>,
        tpu.vector_store_idx %arg30[%gather3A_240], %mul3A_331 {add = true} : memref<1024xf32, #tpu.memory_space<vmem>>[vector<16xi32>], vector<16xf32>,
        %add3A_364 = arith.constant 16 : i32
        %add3A_365 = arith.addi %mul3A_359, %add3A_364 : i32
        %swap3A_366 = arith.index_cast %add3A_365 : i32 to index
        %swap3A_367 = tpu.vector_load %arg13[%swap3A_366] {strides = array<i32>} : memref<32768xf32, #tpu.memory_space<vmem>>, vector<16xf32>,
        tpu.vector_store %arg13[%swap3A_366], %mul3A_331 {strides = array<i32>} : memref<32768xf32, #tpu.memory_space<vmem>>, vector<16xf32>,
        tpu.vector_store_idx %arg30[%gather3A_245], %mul3A_332 {add = true} : memref<1024xf32, #tpu.memory_space<vmem>>[vector<16xi32>], vector<16xf32>,
        %add3A_368 = arith.constant 32 : i32
        %add3A_369 = arith.addi %mul3A_359, %add3A_368 : i32
        %swap3A_370 = arith.index_cast %add3A_369 : i32 to index
        %swap3A_371 = tpu.vector_load %arg13[%swap3A_370] {strides = array<i32>} : memref<32768xf32, #tpu.memory_space<vmem>>, vector<16xf32>,
        tpu.vector_store %arg13[%swap3A_370], %mul3A_332 {strides = array<i32>} : memref<32768xf32, #tpu.memory_space<vmem>>, vector<16xf32>,
        tpu.vector_store_idx %arg30[%gather3A_250], %mul3A_333 {add = true} : memref<1024xf32, #tpu.memory_space<vmem>>[vector<16xi32>], vector<16xf32>,
        %add3A_372 = arith.constant 48 : i32
        %add3A_373 = arith.addi %mul3A_359, %add3A_372 : i32
        %swap3A_374 = arith.index_cast %add3A_373 : i32 to index
        %swap3A_375 = tpu.vector_load %arg13[%swap3A_374] {strides = array<i32>} : memref<32768xf32, #tpu.memory_space<vmem>>, vector<16xf32>,
        tpu.vector_store %arg13[%swap3A_374], %mul3A_333 {strides = array<i32>} : memref<32768xf32, #tpu.memory_space<vmem>>, vector<16xf32>,
        tpu.vector_store_idx %arg30[%gather3A_255], %mul3A_334 {add = true} : memref<1024xf32, #tpu.memory_space<vmem>>[vector<16xi32>], vector<16xf32>,
        %add3A_376 = arith.constant 64 : i32
        %add3A_377 = arith.addi %mul3A_359, %add3A_376 : i32
        %swap3A_378 = arith.index_cast %add3A_377 : i32 to index
        %swap3A_379 = tpu.vector_load %arg13[%swap3A_378] {strides = array<i32>} : memref<32768xf32, #tpu.memory_space<vmem>>, vector<16xf32>,
        tpu.vector_store %arg13[%swap3A_378], %mul3A_334 {strides = array<i32>} : memref<32768xf32, #tpu.memory_space<vmem>>, vector<16xf32>,
        tpu.vector_store_idx %arg30[%gather3A_260], %mul3A_335 {add = true} : memref<1024xf32, #tpu.memory_space<vmem>>[vector<16xi32>], vector<16xf32>,
        %add3A_380 = arith.constant 80 : i32
        %add3A_381 = arith.addi %mul3A_359, %add3A_380 : i32
        %swap3A_382 = arith.index_cast %add3A_381 : i32 to index
        %swap3A_383 = tpu.vector_load %arg13[%swap3A_382] {strides = array<i32>} : memref<32768xf32, #tpu.memory_space<vmem>>, vector<16xf32>,
        tpu.vector_store %arg13[%swap3A_382], %mul3A_335 {strides = array<i32>} : memref<32768xf32, #tpu.memory_space<vmem>>, vector<16xf32>,
        tpu.vector_store_idx %arg30[%gather3A_265], %mul3A_336 {add = true} : memref<1024xf32, #tpu.memory_space<vmem>>[vector<16xi32>], vector<16xf32>,
        %add3A_384 = arith.constant 96 : i32
        %add3A_385 = arith.addi %mul3A_359, %add3A_384 : i32
        %swap3A_386 = arith.index_cast %add3A_385 : i32 to index
        %swap3A_387 = tpu.vector_load %arg13[%swap3A_386] {strides = array<i32>} : memref<32768xf32, #tpu.memory_space<vmem>>, vector<16xf32>,
        tpu.vector_store %arg13[%swap3A_386], %mul3A_336 {strides = array<i32>} : memref<32768xf32, #tpu.memory_space<vmem>>, vector<16xf32>,
        tpu.vector_store_idx %arg30[%gather3A_270], %mul3A_337 {add = true} : memref<1024xf32, #tpu.memory_space<vmem>>[vector<16xi32>], vector<16xf32>,
        %add3A_388 = arith.constant 112 : i32
        %add3A_389 = arith.addi %mul3A_359, %add3A_388 : i32
        %swap3A_390 = arith.index_cast %add3A_389 : i32 to index
        %swap3A_391 = tpu.vector_load %arg13[%swap3A_390] {strides = array<i32>} : memref<32768xf32, #tpu.memory_space<vmem>>, vector<16xf32>,
        tpu.vector_store %arg13[%swap3A_390], %mul3A_337 {strides = array<i32>} : memref<32768xf32, #tpu.memory_space<vmem>>, vector<16xf32>,
        %ge3A_392 = arith.cmpf oge, %add3A_285, %add3A_286 : vector<16xf32>
        %select_n3A = arith.select %ge3A_392, %add3A_285, %add3A_286 : vector<16xi1>, vector<16xf32>
        %select_n3A_393 = arith.select %ge3A_392, %add3A_286, %add3A_285 : vector<16xi1>, vector<16xf32>
        %select_n3A_394 = arith.select %ge3A_392, %gather3A, %gather3A_240 : vector<16xi1>, vector<16xi32>
        %select_n3A_395 = arith.select %ge3A_392, %gather3A_240, %gather3A : vector<16xi1>, vector<16xi32>
        %ge3A_396 = arith.cmpf oge, %add3A_287, %add3A_288 : vector<16xf32>
        %select_n3A_397 = arith.select %ge3A_396, %add3A_287, %add3A_288 : vector<16xi1>, vector<16xf32>
        %select_n3A_398 = arith.select %ge3A_396, %add3A_288, %add3A_287 : vector<16xi1>, vector<16xf32>
        %select_n3A_399 = arith.select %ge3A_396, %gather3A_245, %gather3A_250 : vector<16xi1>, vector<16xi32>
        %select_n3A_400 = arith.select %ge3A_396, %gather3A_250, %gather3A_245 : vector<16xi1>, vector<16xi32>
        %ge3A_401 = arith.cmpf oge, %add3A_289, %add3A_290 : vector<16xf32>
        %select_n3A_402 = arith.select %ge3A_401, %add3A_289, %add3A_290 : vector<16xi1>, vector<16xf32>
        %select_n3A_403 = arith.select %ge3A_401, %add3A_290, %add3A_289 : vector<16xi1>, vector<16xf32>
        %select_n3A_404 = arith.select %ge3A_401, %gather3A_255, %gather3A_260 : vector<16xi1>, vector<16xi32>
        %select_n3A_405 = arith.select %ge3A_401, %gather3A_260, %gather3A_255 : vector<16xi1>, vector<16xi32>
        %ge3A_406 = arith.cmpf oge, %add3A_291, %add3A_292 : vector<16xf32>
        %select_n3A_407 = arith.select %ge3A_406, %add3A_291, %add3A_292 : vector<16xi1>, vector<16xf32>
        %select_n3A_408 = arith.select %ge3A_406, %add3A_292, %add3A_291 : vector<16xi1>, vector<16xf32>
        %select_n3A_409 = arith.select %ge3A_406, %gather3A_265, %gather3A_270 : vector<16xi1>, vector<16xi32>
        %select_n3A_410 = arith.select %ge3A_406, %gather3A_270, %gather3A_265 : vector<16xi1>, vector<16xi32>
        %ge3A_411 = arith.cmpf oge, %select_n3A, %select_n3A_397 : vector<16xf32>
        %select_n3A_412 = arith.select %ge3A_411, %select_n3A, %select_n3A_397 : vector<16xi1>, vector<16xf32>
        %select_n3A_413 = arith.select %ge3A_411, %select_n3A_397, %select_n3A : vector<16xi1>, vector<16xf32>
        %select_n3A_414 = arith.select %ge3A_411, %select_n3A_394, %select_n3A_399 : vector<16xi1>, vector<16xi32>
        %select_n3A_415 = arith.select %ge3A_411, %select_n3A_399, %select_n3A_394 : vector<16xi1>, vector<16xi32>
        %ge3A_416 = arith.cmpf oge, %select_n3A_393, %select_n3A_398 : vector<16xf32>
        %select_n3A_417 = arith.select %ge3A_416, %select_n3A_393, %select_n3A_398 : vector<16xi1>, vector<16xf32>
        %select_n3A_418 = arith.select %ge3A_416, %select_n3A_398, %select_n3A_393 : vector<16xi1>, vector<16xf32>
        %select_n3A_419 = arith.select %ge3A_416, %select_n3A_395, %select_n3A_400 : vector<16xi1>, vector<16xi32>
        %select_n3A_420 = arith.select %ge3A_416, %select_n3A_400, %select_n3A_395 : vector<16xi1>, vector<16xi32>
        %ge3A_421 = arith.cmpf oge, %select_n3A_402, %select_n3A_407 : vector<16xf32>
        %select_n3A_422 = arith.select %ge3A_421, %select_n3A_402, %select_n3A_407 : vector<16xi1>, vector<16xf32>
        %select_n3A_423 = arith.select %ge3A_421, %select_n3A_407, %select_n3A_402 : vector<16xi1>, vector<16xf32>
        %select_n3A_424 = arith.select %ge3A_421, %select_n3A_404, %select_n3A_409 : vector<16xi1>, vector<16xi32>
        %select_n3A_425 = arith.select %ge3A_421, %select_n3A_409, %select_n3A_404 : vector<16xi1>, vector<16xi32>
        %ge3A_426 = arith.cmpf oge, %select_n3A_403, %select_n3A_408 : vector<16xf32>
        %select_n3A_427 = arith.select %ge3A_426, %select_n3A_403, %select_n3A_408 : vector<16xi1>, vector<16xf32>
        %select_n3A_428 = arith.select %ge3A_426, %select_n3A_408, %select_n3A_403 : vector<16xi1>, vector<16xf32>
        %select_n3A_429 = arith.select %ge3A_426, %select_n3A_405, %select_n3A_410 : vector<16xi1>, vector<16xi32>
        %select_n3A_430 = arith.select %ge3A_426, %select_n3A_410, %select_n3A_405 : vector<16xi1>, vector<16xi32>
        %ge3A_431 = arith.cmpf oge, %select_n3A_417, %select_n3A_413 : vector<16xf32>
        %select_n3A_432 = arith.select %ge3A_431, %select_n3A_417, %select_n3A_413 : vector<16xi1>, vector<16xf32>
        %select_n3A_433 = arith.select %ge3A_431, %select_n3A_413, %select_n3A_417 : vector<16xi1>, vector<16xf32>
        %select_n3A_434 = arith.select %ge3A_431, %select_n3A_419, %select_n3A_415 : vector<16xi1>, vector<16xi32>
        %select_n3A_435 = arith.select %ge3A_431, %select_n3A_415, %select_n3A_419 : vector<16xi1>, vector<16xi32>
        %ge3A_436 = arith.cmpf oge, %select_n3A_427, %select_n3A_423 : vector<16xf32>
        %select_n3A_437 = arith.select %ge3A_436, %select_n3A_427, %select_n3A_423 : vector<16xi1>, vector<16xf32>
        %select_n3A_438 = arith.select %ge3A_436, %select_n3A_423, %select_n3A_427 : vector<16xi1>, vector<16xf32>
        %select_n3A_439 = arith.select %ge3A_436, %select_n3A_429, %select_n3A_425 : vector<16xi1>, vector<16xi32>
        %select_n3A_440 = arith.select %ge3A_436, %select_n3A_425, %select_n3A_429 : vector<16xi1>, vector<16xi32>
        %ge3A_441 = arith.cmpf oge, %select_n3A_412, %select_n3A_422 : vector<16xf32>
        %select_n3A_442 = arith.select %ge3A_441, %select_n3A_412, %select_n3A_422 : vector<16xi1>, vector<16xf32>
        %select_n3A_443 = arith.select %ge3A_441, %select_n3A_422, %select_n3A_412 : vector<16xi1>, vector<16xf32>
        %select_n3A_444 = arith.select %ge3A_441, %select_n3A_414, %select_n3A_424 : vector<16xi1>, vector<16xi32>
        %select_n3A_445 = arith.select %ge3A_441, %select_n3A_424, %select_n3A_414 : vector<16xi1>, vector<16xi32>
        %ge3A_446 = arith.cmpf oge, %select_n3A_432, %select_n3A_437 : vector<16xf32>
        %select_n3A_447 = arith.select %ge3A_446, %select_n3A_432, %select_n3A_437 : vector<16xi1>, vector<16xf32>
        %select_n3A_448 = arith.select %ge3A_446, %select_n3A_437, %select_n3A_432 : vector<16xi1>, vector<16xf32>
        %select_n3A_449 = arith.select %ge3A_446, %select_n3A_434, %select_n3A_439 : vector<16xi1>, vector<16xi32>
        %select_n3A_450 = arith.select %ge3A_446, %select_n3A_439, %select_n3A_434 : vector<16xi1>, vector<16xi32>
        %ge3A_451 = arith.cmpf oge, %select_n3A_433, %select_n3A_438 : vector<16xf32>
        %select_n3A_452 = arith.select %ge3A_451, %select_n3A_433, %select_n3A_438 : vector<16xi1>, vector<16xf32>
        %select_n3A_453 = arith.select %ge3A_451, %select_n3A_438, %select_n3A_433 : vector<16xi1>, vector<16xf32>
        %select_n3A_454 = arith.select %ge3A_451, %select_n3A_435, %select_n3A_440 : vector<16xi1>, vector<16xi32>
        %select_n3A_455 = arith.select %ge3A_451, %select_n3A_440, %select_n3A_435 : vector<16xi1>, vector<16xi32>
        %ge3A_456 = arith.cmpf oge, %select_n3A_418, %select_n3A_428 : vector<16xf32>
        %select_n3A_457 = arith.select %ge3A_456, %select_n3A_418, %select_n3A_428 : vector<16xi1>, vector<16xf32>
        %select_n3A_458 = arith.select %ge3A_456, %select_n3A_428, %select_n3A_418 : vector<16xi1>, vector<16xf32>
        %select_n3A_459 = arith.select %ge3A_456, %select_n3A_420, %select_n3A_430 : vector<16xi1>, vector<16xi32>
        %select_n3A_460 = arith.select %ge3A_456, %select_n3A_430, %select_n3A_420 : vector<16xi1>, vector<16xi32>
        %ge3A_461 = arith.cmpf oge, %select_n3A_452, %select_n3A_443 : vector<16xf32>
        %select_n3A_462 = arith.select %ge3A_461, %select_n3A_452, %select_n3A_443 : vector<16xi1>, vector<16xf32>
        %select_n3A_463 = arith.select %ge3A_461, %select_n3A_443, %select_n3A_452 : vector<16xi1>, vector<16xf32>
        %select_n3A_464 = arith.select %ge3A_461, %select_n3A_454, %select_n3A_445 : vector<16xi1>, vector<16xi32>
        %select_n3A_465 = arith.select %ge3A_461, %select_n3A_445, %select_n3A_454 : vector<16xi1>, vector<16xi32>
        %ge3A_466 = arith.cmpf oge, %select_n3A_457, %select_n3A_448 : vector<16xf32>
        %select_n3A_467 = arith.select %ge3A_466, %select_n3A_457, %select_n3A_448 : vector<16xi1>, vector<16xf32>
        %select_n3A_468 = arith.select %ge3A_466, %select_n3A_448, %select_n3A_457 : vector<16xi1>, vector<16xf32>
        %select_n3A_469 = arith.select %ge3A_466, %select_n3A_459, %select_n3A_450 : vector<16xi1>, vector<16xi32>
        %select_n3A_470 = arith.select %ge3A_466, %select_n3A_450, %select_n3A_459 : vector<16xi1>, vector<16xi32>
        %ge3A_471 = arith.cmpf oge, %select_n3A_447, %select_n3A_462 : vector<16xf32>
        %select_n3A_472 = arith.select %ge3A_471, %select_n3A_447, %select_n3A_462 : vector<16xi1>, vector<16xf32>
        %select_n3A_473 = arith.select %ge3A_471, %select_n3A_462, %select_n3A_447 : vector<16xi1>, vector<16xf32>
        %select_n3A_474 = arith.select %ge3A_471, %select_n3A_449, %select_n3A_464 : vector<16xi1>, vector<16xi32>
        %select_n3A_475 = arith.select %ge3A_471, %select_n3A_464, %select_n3A_449 : vector<16xi1>, vector<16xi32>
        %ge3A_476 = arith.cmpf oge, %select_n3A_467, %select_n3A_463 : vector<16xf32>
        %select_n3A_477 = arith.select %ge3A_476, %select_n3A_467, %select_n3A_463 : vector<16xi1>, vector<16xf32>
        %select_n3A_478 = arith.select %ge3A_476, %select_n3A_463, %select_n3A_467 : vector<16xi1>, vector<16xf32>
        %select_n3A_479 = arith.select %ge3A_476, %select_n3A_469, %select_n3A_465 : vector<16xi1>, vector<16xi32>
        %select_n3A_480 = arith.select %ge3A_476, %select_n3A_465, %select_n3A_469 : vector<16xi1>, vector<16xi32>
        %ge3A_481 = arith.cmpf oge, %select_n3A_468, %select_n3A_453 : vector<16xf32>
        %select_n3A_482 = arith.select %ge3A_481, %select_n3A_468, %select_n3A_453 : vector<16xi1>, vector<16xf32>
        %select_n3A_483 = arith.select %ge3A_481, %select_n3A_453, %select_n3A_468 : vector<16xi1>, vector<16xf32>
        %select_n3A_484 = arith.select %ge3A_481, %select_n3A_470, %select_n3A_455 : vector<16xi1>, vector<16xi32>
        %select_n3A_485 = arith.select %ge3A_481, %select_n3A_455, %select_n3A_470 : vector<16xi1>, vector<16xi32>
        %add3A_486 = arith.constant 0 : i32
        %add3A_487 = arith.addi %mul3A_231, %add3A_486 : i32
        %add3A_488 = vector.broadcast %add3A_487 : i32 to vector<16xi32>
        %add3A_489 = arith.addi %mul3A_3, %add3A_488 : vector<16xi32>
        tpu.vector_store_idx %arg20[%add3A_489], %select_n3A_444 : memref<512xi32, #tpu.memory_space<vmem>>[vector<16xi32>], vector<16xi32>,
        %add3A_490 = arith.constant 1 : i32
        %add3A_491 = arith.addi %mul3A_231, %add3A_490 : i32
        %add3A_492 = vector.broadcast %add3A_491 : i32 to vector<16xi32>
        %add3A_493 = arith.addi %mul3A_3, %add3A_492 : vector<16xi32>
        tpu.vector_store_idx %arg20[%add3A_493], %select_n3A_474 : memref<512xi32, #tpu.memory_space<vmem>>[vector<16xi32>], vector<16xi32>,
        %add3A_494 = arith.constant 2 : i32
        %add3A_495 = arith.addi %mul3A_231, %add3A_494 : i32
        %add3A_496 = vector.broadcast %add3A_495 : i32 to vector<16xi32>
        %add3A_497 = arith.addi %mul3A_3, %add3A_496 : vector<16xi32>
        tpu.vector_store_idx %arg20[%add3A_497], %select_n3A_475 : memref<512xi32, #tpu.memory_space<vmem>>[vector<16xi32>], vector<16xi32>,
        %add3A_498 = arith.constant 3 : i32
        %add3A_499 = arith.addi %mul3A_231, %add3A_498 : i32
        %add3A_500 = vector.broadcast %add3A_499 : i32 to vector<16xi32>
        %add3A_501 = arith.addi %mul3A_3, %add3A_500 : vector<16xi32>
        tpu.vector_store_idx %arg20[%add3A_501], %select_n3A_479 : memref<512xi32, #tpu.memory_space<vmem>>[vector<16xi32>], vector<16xi32>,
        %add3A_502 = arith.constant 4 : i32
        %add3A_503 = arith.addi %mul3A_231, %add3A_502 : i32
        %add3A_504 = vector.broadcast %add3A_503 : i32 to vector<16xi32>
        %add3A_505 = arith.addi %mul3A_3, %add3A_504 : vector<16xi32>
        tpu.vector_store_idx %arg20[%add3A_505], %select_n3A_480 : memref<512xi32, #tpu.memory_space<vmem>>[vector<16xi32>], vector<16xi32>,
        %add3A_506 = arith.constant 5 : i32
        %add3A_507 = arith.addi %mul3A_231, %add3A_506 : i32
        %add3A_508 = vector.broadcast %add3A_507 : i32 to vector<16xi32>
        %add3A_509 = arith.addi %mul3A_3, %add3A_508 : vector<16xi32>
        tpu.vector_store_idx %arg20[%add3A_509], %select_n3A_484 : memref<512xi32, #tpu.memory_space<vmem>>[vector<16xi32>], vector<16xi32>,
        %add3A_510 = arith.constant 6 : i32
        %add3A_511 = arith.addi %mul3A_231, %add3A_510 : i32
        %add3A_512 = vector.broadcast %add3A_511 : i32 to vector<16xi32>
        %add3A_513 = arith.addi %mul3A_3, %add3A_512 : vector<16xi32>
        tpu.vector_store_idx %arg20[%add3A_513], %select_n3A_485 : memref<512xi32, #tpu.memory_space<vmem>>[vector<16xi32>], vector<16xi32>,
        %add3A_514 = arith.constant 7 : i32
        %add3A_515 = arith.addi %mul3A_231, %add3A_514 : i32
        %add3A_516 = vector.broadcast %add3A_515 : i32 to vector<16xi32>
        %add3A_517 = arith.addi %mul3A_3, %add3A_516 : vector<16xi32>
        tpu.vector_store_idx %arg20[%add3A_517], %select_n3A_460 : memref<512xi32, #tpu.memory_space<vmem>>[vector<16xi32>], vector<16xi32>,
        %scan3A_518 = arith.constant 0 : i32
        scf.yield %scan3A_518 : i32
      }
      %scan3A_147 = arith.constant 4 : i32
      %mul3A_148 = arith.constant 4096 : i32
      %mul3A_149 = arith.muli %add3A, %mul3A_148 : i32
      %mul3A_150 = arith.constant 64 : i32
      %mul3A_151 = arith.muli %add3A_118, %mul3A_150 : i32
      %add3A_152 = arith.addi %mul3A_149, %mul3A_151 : i32
      %mul3A_153 = arith.constant 8 : i32
      %mul3A_154 = arith.muli %add3A_152, %mul3A_153 : i32
      %dma_start3A_155 = tpu.memref_slice %arg8[%mul3A_154] : memref<1048576xi32, #tpu.memory_space<hbm>> -> memref<512xi32, #tpu.memory_space<hbm>>
      %dma_start3A_156 = tpu.memref_slice %arg8[%mul3A_154] : memref<1048576xi32, #tpu.memory_space<hbm>> -> memref<512xi32, #tpu.memory_space<hbm>>
      tpu.enqueue_dma source(%arg20 : memref<512xi32, #tpu.memory_space<vmem>>) target(%dma_start3A_156 : memref<512xi32, #tpu.memory_space<hbm>>) target_semaphore(%arg33 : memref<!tpu.dma_semaphore, #tpu.memory_space<semaphore_mem>>)
      %dma_start3A_157 = tpu.memref_slice %arg9[%add3A_152] : memref<131072xf32, #tpu.memory_space<hbm>> -> memref<64xf32, #tpu.memory_space<hbm>>
      %dma_start3A_158 = tpu.memref_slice %arg9[%add3A_152] : memref<131072xf32, #tpu.memory_space<hbm>> -> memref<64xf32, #tpu.memory_space<hbm>>
      tpu.enqueue_dma source(%arg22 : memref<64xf32, #tpu.memory_space<vmem>>) target(%dma_start3A_158 : memref<64xf32, #tpu.memory_space<hbm>>) target_semaphore(%arg33 : memref<!tpu.dma_semaphore, #tpu.memory_space<semaphore_mem>>)
      %dma_start3A_159 = tpu.memref_slice %arg10[%add3A_152] : memref<131072xf32, #tpu.memory_space<hbm>> -> memref<64xf32, #tpu.memory_space<hbm>>
      %dma_start3A_160 = tpu.memref_slice %arg10[%add3A_152] : memref<131072xf32, #tpu.memory_space<hbm>> -> memref<64xf32, #tpu.memory_space<hbm>>
      tpu.enqueue_dma source(%arg24 : memref<64xf32, #tpu.memory_space<vmem>>) target(%dma_start3A_160 : memref<64xf32, #tpu.memory_space<hbm>>) target_semaphore(%arg33 : memref<!tpu.dma_semaphore, #tpu.memory_space<semaphore_mem>>)
      %dma_start3A_161 = tpu.memref_slice %arg11[%add3A_152] : memref<131072xf32, #tpu.memory_space<hbm>> -> memref<64xf32, #tpu.memory_space<hbm>>
      %dma_start3A_162 = tpu.memref_slice %arg11[%add3A_152] : memref<131072xf32, #tpu.memory_space<hbm>> -> memref<64xf32, #tpu.memory_space<hbm>>
      tpu.enqueue_dma source(%arg26 : memref<64xf32, #tpu.memory_space<vmem>>) target(%dma_start3A_162 : memref<64xf32, #tpu.memory_space<hbm>>) target_semaphore(%arg33 : memref<!tpu.dma_semaphore, #tpu.memory_space<semaphore_mem>>)
      %add3A_163 = arith.constant 2 : i32
      %add3A_164 = arith.addi %add3A_118, %add3A_163 : i32
      %lt3A = arith.constant 64 : i32
      %lt3A_165 = arith.cmpi slt, %add3A_164, %lt3A : i32
      %convert_element_type3A_166 = arith.extui %lt3A_165 : i1 to i32
      %cond3A_167 = arith.constant 0 : i32
      %cond3A_168 = arith.cmpi ne, %convert_element_type3A_166, %cond3A_167 : i32
      scf.if %cond3A_168 {
        %add3A_228 = arith.constant 2 : i32
        %add3A_229 = arith.addi %add3A_118, %add3A_228 : i32
        %mul3A_230 = arith.constant 4096 : i32
        %mul3A_231 = arith.muli %add3A, %mul3A_230 : i32
        %mul3A_232 = arith.constant 64 : i32
        %mul3A_233 = arith.muli %add3A_229, %mul3A_232 : i32
        %add3A_234 = arith.addi %mul3A_231, %mul3A_233 : i32
        %mul3A_235 = arith.constant 64 : i32
        %mul3A_236 = arith.muli %add3A_234, %mul3A_235 : i32
        %mul3A_237 = arith.constant 8 : i32
        %mul3A_238 = arith.muli %add3A_234, %mul3A_237 : i32
        %dma_start3A_239 = tpu.memref_slice %arg2[%mul3A_236] : memref<8388608xf32, #tpu.memory_space<hbm>> -> memref<4096xf32, #tpu.memory_space<hbm>>
        %dma_start3A_240 = tpu.memref_slice %arg2[%mul3A_236] : memref<8388608xf32, #tpu.memory_space<hbm>> -> memref<4096xf32, #tpu.memory_space<hbm>>
        tpu.enqueue_dma source(%dma_start3A_240 : memref<4096xf32, #tpu.memory_space<hbm>>) target(%arg14 : memref<4096xf32, #tpu.memory_space<vmem>>) target_semaphore(%arg31 : memref<!tpu.dma_semaphore, #tpu.memory_space<semaphore_mem>>)
        %dma_start3A_241 = tpu.memref_slice %arg3[%mul3A_238] : memref<1048576xi32, #tpu.memory_space<hbm>> -> memref<512xi32, #tpu.memory_space<hbm>>
        %dma_start3A_242 = tpu.memref_slice %arg3[%mul3A_238] : memref<1048576xi32, #tpu.memory_space<hbm>> -> memref<512xi32, #tpu.memory_space<hbm>>
        tpu.enqueue_dma source(%dma_start3A_242 : memref<512xi32, #tpu.memory_space<hbm>>) target(%arg18 : memref<512xi32, #tpu.memory_space<vmem>>) target_semaphore(%arg31 : memref<!tpu.dma_semaphore, #tpu.memory_space<semaphore_mem>>)
      } else {
      }
      %mul3A_169 = arith.constant 2 : i32
      %mul3A_170 = arith.muli %mul3A_169, %scan3A_113 : i32
      %add3A_171 = arith.constant 1 : i32
      %add3A_172 = arith.addi %mul3A_170, %add3A_171 : i32
      %mul3A_173 = arith.constant 4096 : i32
      %mul3A_174 = arith.muli %add3A, %mul3A_173 : i32
      %mul3A_175 = arith.constant 64 : i32
      %mul3A_176 = arith.muli %add3A_172, %mul3A_175 : i32
      %add3A_177 = arith.addi %mul3A_174, %mul3A_176 : i32
      %mul3A_178 = arith.constant 64 : i32
      %mul3A_179 = arith.muli %add3A_177, %mul3A_178 : i32
      %mul3A_180 = arith.constant 8 : i32
      %mul3A_181 = arith.muli %add3A_177, %mul3A_180 : i32
      %dma_wait3A_182 = tpu.memref_slice %arg2[%mul3A_179] : memref<8388608xf32, #tpu.memory_space<hbm>> -> memref<4096xf32, #tpu.memory_space<hbm>>
      %dma_wait3A_183 = tpu.memref_slice %arg2[%mul3A_179] : memref<8388608xf32, #tpu.memory_space<hbm>> -> memref<4096xf32, #tpu.memory_space<hbm>>
      tpu.wait_dma2 semaphore(%arg32 : memref<!tpu.dma_semaphore, #tpu.memory_space<semaphore_mem>>) src(%dma_wait3A_183 : memref<4096xf32, #tpu.memory_space<hbm>>) dst(%arg15 : memref<4096xf32, #tpu.memory_space<vmem>>)
      %dma_wait3A_184 = tpu.memref_slice %arg3[%mul3A_181] : memref<1048576xi32, #tpu.memory_space<hbm>> -> memref<512xi32, #tpu.memory_space<hbm>>
      %dma_wait3A_185 = tpu.memref_slice %arg3[%mul3A_181] : memref<1048576xi32, #tpu.memory_space<hbm>> -> memref<512xi32, #tpu.memory_space<hbm>>
      tpu.wait_dma2 semaphore(%arg32 : memref<!tpu.dma_semaphore, #tpu.memory_space<semaphore_mem>>) src(%dma_wait3A_185 : memref<512xi32, #tpu.memory_space<hbm>>) dst(%arg19 : memref<512xi32, #tpu.memory_space<vmem>>)
      %scan3A_186 = arith.constant 0 : i32
      %scan3A_187 = arith.constant 0 : i32
      %scan3A_188 = arith.constant 64 : i32
      %scan3A_189 = arith.addi %scan3A_187, %scan3A_188 : i32
      %scan3A_190 = arith.constant 1 : i32
      %scan3A_191 = scf.for %scan3A_228 = %scan3A_187 to %scan3A_189 step %scan3A_190 iter_args(%scan3A_229 = %scan3A_186) -> (i32)  : i32 {
        %mul3A_230 = arith.constant 64 : i32
        %mul3A_231 = arith.muli %scan3A_228, %mul3A_230 : i32
        %add3A_232 = arith.constant 0 : i32
        %add3A_233 = arith.addi %mul3A_231, %add3A_232 : i32
        %get3A = arith.index_cast %add3A_233 : i32 to index
        %get3A_234 = tpu.vector_load %arg15[%get3A] {strides = array<i32>} : memref<4096xf32, #tpu.memory_space<vmem>>, vector<16xf32>,
        %add3A_235 = arith.constant 0 : i32
        %add3A_236 = arith.addi %add3A_235, %scan3A_228 : i32
        %add3A_237 = vector.broadcast %add3A_236 : i32 to vector<16xi32>
        %add3A_238 = arith.addi %mul3A_6, %add3A_237 : vector<16xi32>
        tpu.vector_store_idx %arg17[%add3A_238], %get3A_234 : memref<4160xf32, #tpu.memory_space<vmem>>[vector<16xi32>], vector<16xf32>,
        %add3A_239 = arith.constant 16 : i32
        %add3A_240 = arith.addi %mul3A_231, %add3A_239 : i32
        %get3A_241 = arith.index_cast %add3A_240 : i32 to index
        %get3A_242 = tpu.vector_load %arg15[%get3A_241] {strides = array<i32>} : memref<4096xf32, #tpu.memory_space<vmem>>, vector<16xf32>,
        %add3A_243 = arith.constant 1040 : i32
        %add3A_244 = arith.addi %add3A_243, %scan3A_228 : i32
        %add3A_245 = vector.broadcast %add3A_244 : i32 to vector<16xi32>
        %add3A_246 = arith.addi %mul3A_6, %add3A_245 : vector<16xi32>
        tpu.vector_store_idx %arg17[%add3A_246], %get3A_242 : memref<4160xf32, #tpu.memory_space<vmem>>[vector<16xi32>], vector<16xf32>,
        %add3A_247 = arith.constant 32 : i32
        %add3A_248 = arith.addi %mul3A_231, %add3A_247 : i32
        %get3A_249 = arith.index_cast %add3A_248 : i32 to index
        %get3A_250 = tpu.vector_load %arg15[%get3A_249] {strides = array<i32>} : memref<4096xf32, #tpu.memory_space<vmem>>, vector<16xf32>,
        %add3A_251 = arith.constant 2080 : i32
        %add3A_252 = arith.addi %add3A_251, %scan3A_228 : i32
        %add3A_253 = vector.broadcast %add3A_252 : i32 to vector<16xi32>
        %add3A_254 = arith.addi %mul3A_6, %add3A_253 : vector<16xi32>
        tpu.vector_store_idx %arg17[%add3A_254], %get3A_250 : memref<4160xf32, #tpu.memory_space<vmem>>[vector<16xi32>], vector<16xf32>,
        %add3A_255 = arith.constant 48 : i32
        %add3A_256 = arith.addi %mul3A_231, %add3A_255 : i32
        %get3A_257 = arith.index_cast %add3A_256 : i32 to index
        %get3A_258 = tpu.vector_load %arg15[%get3A_257] {strides = array<i32>} : memref<4096xf32, #tpu.memory_space<vmem>>, vector<16xf32>,
        %add3A_259 = arith.constant 3120 : i32
        %add3A_260 = arith.addi %add3A_259, %scan3A_228 : i32
        %add3A_261 = vector.broadcast %add3A_260 : i32 to vector<16xi32>
        %add3A_262 = arith.addi %mul3A_6, %add3A_261 : vector<16xi32>
        tpu.vector_store_idx %arg17[%add3A_262], %get3A_258 : memref<4160xf32, #tpu.memory_space<vmem>>[vector<16xi32>], vector<16xf32>,
        %scan3A_263 = arith.constant 0 : i32
        scf.yield %scan3A_263 : i32
      }
      %scan3A_192 = arith.constant 64 : i32
      %ge3A_193 = arith.constant 2 : i32
      %ge3A_194 = arith.cmpi sge, %add3A_172, %ge3A_193 : i32
      %convert_element_type3A_195 = arith.extui %ge3A_194 : i1 to i32
      %cond3A_196 = arith.constant 0 : i32
      %cond3A_197 = arith.cmpi ne, %convert_element_type3A_195, %cond3A_196 : i32
      scf.if %cond3A_197 {
        %sub3A = arith.constant 2 : i32
        %sub3A_228 = arith.subi %add3A_172, %sub3A : i32
        %mul3A_229 = arith.constant 4096 : i32
        %mul3A_230 = arith.muli %add3A, %mul3A_229 : i32
        %mul3A_231 = arith.constant 64 : i32
        %mul3A_232 = arith.muli %sub3A_228, %mul3A_231 : i32
        %add3A_233 = arith.addi %mul3A_230, %mul3A_232 : i32
        %mul3A_234 = arith.constant 8 : i32
        %mul3A_235 = arith.muli %add3A_233, %mul3A_234 : i32
        %dma_wait3A_236 = tpu.memref_slice %arg8[%mul3A_235] : memref<1048576xi32, #tpu.memory_space<hbm>> -> memref<512xi32, #tpu.memory_space<hbm>>
        %dma_wait3A_237 = tpu.memref_slice %arg8[%mul3A_235] : memref<1048576xi32, #tpu.memory_space<hbm>> -> memref<512xi32, #tpu.memory_space<hbm>>
        tpu.wait_dma2 semaphore(%arg34 : memref<!tpu.dma_semaphore, #tpu.memory_space<semaphore_mem>>) src(%arg21 : memref<512xi32, #tpu.memory_space<vmem>>) dst(%dma_wait3A_237 : memref<512xi32, #tpu.memory_space<hbm>>)
        %dma_wait3A_238 = tpu.memref_slice %arg9[%add3A_233] : memref<131072xf32, #tpu.memory_space<hbm>> -> memref<64xf32, #tpu.memory_space<hbm>>
        %dma_wait3A_239 = tpu.memref_slice %arg9[%add3A_233] : memref<131072xf32, #tpu.memory_space<hbm>> -> memref<64xf32, #tpu.memory_space<hbm>>
        tpu.wait_dma2 semaphore(%arg34 : memref<!tpu.dma_semaphore, #tpu.memory_space<semaphore_mem>>) src(%arg23 : memref<64xf32, #tpu.memory_space<vmem>>) dst(%dma_wait3A_239 : memref<64xf32, #tpu.memory_space<hbm>>)
        %dma_wait3A_240 = tpu.memref_slice %arg10[%add3A_233] : memref<131072xf32, #tpu.memory_space<hbm>> -> memref<64xf32, #tpu.memory_space<hbm>>
        %dma_wait3A_241 = tpu.memref_slice %arg10[%add3A_233] : memref<131072xf32, #tpu.memory_space<hbm>> -> memref<64xf32, #tpu.memory_space<hbm>>
        tpu.wait_dma2 semaphore(%arg34 : memref<!tpu.dma_semaphore, #tpu.memory_space<semaphore_mem>>) src(%arg25 : memref<64xf32, #tpu.memory_space<vmem>>) dst(%dma_wait3A_241 : memref<64xf32, #tpu.memory_space<hbm>>)
        %dma_wait3A_242 = tpu.memref_slice %arg11[%add3A_233] : memref<131072xf32, #tpu.memory_space<hbm>> -> memref<64xf32, #tpu.memory_space<hbm>>
        %dma_wait3A_243 = tpu.memref_slice %arg11[%add3A_233] : memref<131072xf32, #tpu.memory_space<hbm>> -> memref<64xf32, #tpu.memory_space<hbm>>
        tpu.wait_dma2 semaphore(%arg34 : memref<!tpu.dma_semaphore, #tpu.memory_space<semaphore_mem>>) src(%arg27 : memref<64xf32, #tpu.memory_space<vmem>>) dst(%dma_wait3A_243 : memref<64xf32, #tpu.memory_space<hbm>>)
      } else {
      }
      %scan3A_198 = arith.constant 0 : i32
      %scan3A_199 = arith.constant 0 : i32
      %scan3A_200 = arith.constant 4 : i32
      %scan3A_201 = arith.addi %scan3A_199, %scan3A_200 : i32
      %scan3A_202 = arith.constant 1 : i32
      %scan3A_203 = scf.for %scan3A_228 = %scan3A_199 to %scan3A_201 step %scan3A_202 iter_args(%scan3A_229 = %scan3A_198) -> (i32)  : i32 {
        %mul3A_230 = arith.constant 128 : i32
        %mul3A_231 = arith.muli %scan3A_228, %mul3A_230 : i32
        %add3A_232 = arith.constant 0 : i32
        %add3A_233 = arith.addi %mul3A_231, %add3A_232 : i32
        %add3A_234 = vector.broadcast %add3A_233 : i32 to vector<16xi32>
        %add3A_235 = arith.addi %mul3A_3, %add3A_234 : vector<16xi32>
        %gather3A = tpu.vector_load_idx %arg19[%add3A_235] : memref<512xi32, #tpu.memory_space<vmem>>[vector<16xi32>], vector<16xi32>,
        %add3A_236 = arith.constant 1 : i32
        %add3A_237 = arith.addi %mul3A_231, %add3A_236 : i32
        %add3A_238 = vector.broadcast %add3A_237 : i32 to vector<16xi32>
        %add3A_239 = arith.addi %mul3A_3, %add3A_238 : vector<16xi32>
        %gather3A_240 = tpu.vector_load_idx %arg19[%add3A_239] : memref<512xi32, #tpu.memory_space<vmem>>[vector<16xi32>], vector<16xi32>,
        %add3A_241 = arith.constant 2 : i32
        %add3A_242 = arith.addi %mul3A_231, %add3A_241 : i32
        %add3A_243 = vector.broadcast %add3A_242 : i32 to vector<16xi32>
        %add3A_244 = arith.addi %mul3A_3, %add3A_243 : vector<16xi32>
        %gather3A_245 = tpu.vector_load_idx %arg19[%add3A_244] : memref<512xi32, #tpu.memory_space<vmem>>[vector<16xi32>], vector<16xi32>,
        %add3A_246 = arith.constant 3 : i32
        %add3A_247 = arith.addi %mul3A_231, %add3A_246 : i32
        %add3A_248 = vector.broadcast %add3A_247 : i32 to vector<16xi32>
        %add3A_249 = arith.addi %mul3A_3, %add3A_248 : vector<16xi32>
        %gather3A_250 = tpu.vector_load_idx %arg19[%add3A_249] : memref<512xi32, #tpu.memory_space<vmem>>[vector<16xi32>], vector<16xi32>,
        %add3A_251 = arith.constant 4 : i32
        %add3A_252 = arith.addi %mul3A_231, %add3A_251 : i32
        %add3A_253 = vector.broadcast %add3A_252 : i32 to vector<16xi32>
        %add3A_254 = arith.addi %mul3A_3, %add3A_253 : vector<16xi32>
        %gather3A_255 = tpu.vector_load_idx %arg19[%add3A_254] : memref<512xi32, #tpu.memory_space<vmem>>[vector<16xi32>], vector<16xi32>,
        %add3A_256 = arith.constant 5 : i32
        %add3A_257 = arith.addi %mul3A_231, %add3A_256 : i32
        %add3A_258 = vector.broadcast %add3A_257 : i32 to vector<16xi32>
        %add3A_259 = arith.addi %mul3A_3, %add3A_258 : vector<16xi32>
        %gather3A_260 = tpu.vector_load_idx %arg19[%add3A_259] : memref<512xi32, #tpu.memory_space<vmem>>[vector<16xi32>], vector<16xi32>,
        %add3A_261 = arith.constant 6 : i32
        %add3A_262 = arith.addi %mul3A_231, %add3A_261 : i32
        %add3A_263 = vector.broadcast %add3A_262 : i32 to vector<16xi32>
        %add3A_264 = arith.addi %mul3A_3, %add3A_263 : vector<16xi32>
        %gather3A_265 = tpu.vector_load_idx %arg19[%add3A_264] : memref<512xi32, #tpu.memory_space<vmem>>[vector<16xi32>], vector<16xi32>,
        %add3A_266 = arith.constant 7 : i32
        %add3A_267 = arith.addi %mul3A_231, %add3A_266 : i32
        %add3A_268 = vector.broadcast %add3A_267 : i32 to vector<16xi32>
        %add3A_269 = arith.addi %mul3A_3, %add3A_268 : vector<16xi32>
        %gather3A_270 = tpu.vector_load_idx %arg19[%add3A_269] : memref<512xi32, #tpu.memory_space<vmem>>[vector<16xi32>], vector<16xi32>,
        %scan3A_271 = arith.constant 0 : i32
        %scan3A_272 = arith.constant 8 : i32
        %scan3A_273 = arith.addi %scan3A_271, %scan3A_272 : i32
        %scan3A_274 = arith.constant 1 : i32
        %scan3A_275:9 = scf.for %scan3A_519 = %scan3A_271 to %scan3A_273 step %scan3A_274 iter_args(%scan3A_520 = %broadcast_in_dim3A_7, %scan3A_521 = %broadcast_in_dim3A_7, %scan3A_522 = %broadcast_in_dim3A_7, %scan3A_523 = %broadcast_in_dim3A_7, %scan3A_524 = %broadcast_in_dim3A_7, %scan3A_525 = %broadcast_in_dim3A_7, %scan3A_526 = %broadcast_in_dim3A_7, %scan3A_527 = %broadcast_in_dim3A_7, %scan3A_528 = %broadcast_in_dim3A_7) -> (vector<16xf32>, vector<16xf32>, vector<16xf32>, vector<16xf32>, vector<16xf32>, vector<16xf32>, vector<16xf32>, vector<16xf32>, vector<16xf32>)  : i32 {
          %mul3A_529 = arith.constant 8 : i32
          %mul3A_530 = arith.muli %scan3A_519, %mul3A_529 : i32
          %add3A_531 = arith.constant 0 : i32
          %add3A_532 = arith.addi %mul3A_530, %add3A_531 : i32
          %mul3A_533 = arith.constant 65 : i32
          %mul3A_534 = arith.muli %add3A_532, %mul3A_533 : i32
          %mul3A_535 = arith.constant 16 : i32
          %mul3A_536 = arith.muli %scan3A_228, %mul3A_535 : i32
          %add3A_537 = arith.addi %mul3A_534, %mul3A_536 : i32
          %get3A = arith.index_cast %add3A_537 : i32 to index
          %get3A_538 = tpu.vector_load %arg17[%get3A] {strides = array<i32>} : memref<4160xf32, #tpu.memory_space<vmem>>, vector<16xf32>,
          %add3A_539 = arith.constant 1 : i32
          %add3A_540 = arith.addi %mul3A_530, %add3A_539 : i32
          %mul3A_541 = arith.constant 65 : i32
          %mul3A_542 = arith.muli %add3A_540, %mul3A_541 : i32
          %mul3A_543 = arith.constant 16 : i32
          %mul3A_544 = arith.muli %scan3A_228, %mul3A_543 : i32
          %add3A_545 = arith.addi %mul3A_542, %mul3A_544 : i32
          %get3A_546 = arith.index_cast %add3A_545 : i32 to index
          %get3A_547 = tpu.vector_load %arg17[%get3A_546] {strides = array<i32>} : memref<4160xf32, #tpu.memory_space<vmem>>, vector<16xf32>,
          %add3A_548 = arith.constant 2 : i32
          %add3A_549 = arith.addi %mul3A_530, %add3A_548 : i32
          %mul3A_550 = arith.constant 65 : i32
          %mul3A_551 = arith.muli %add3A_549, %mul3A_550 : i32
          %mul3A_552 = arith.constant 16 : i32
          %mul3A_553 = arith.muli %scan3A_228, %mul3A_552 : i32
          %add3A_554 = arith.addi %mul3A_551, %mul3A_553 : i32
          %get3A_555 = arith.index_cast %add3A_554 : i32 to index
          %get3A_556 = tpu.vector_load %arg17[%get3A_555] {strides = array<i32>} : memref<4160xf32, #tpu.memory_space<vmem>>, vector<16xf32>,
          %add3A_557 = arith.constant 3 : i32
          %add3A_558 = arith.addi %mul3A_530, %add3A_557 : i32
          %mul3A_559 = arith.constant 65 : i32
          %mul3A_560 = arith.muli %add3A_558, %mul3A_559 : i32
          %mul3A_561 = arith.constant 16 : i32
          %mul3A_562 = arith.muli %scan3A_228, %mul3A_561 : i32
          %add3A_563 = arith.addi %mul3A_560, %mul3A_562 : i32
          %get3A_564 = arith.index_cast %add3A_563 : i32 to index
          %get3A_565 = tpu.vector_load %arg17[%get3A_564] {strides = array<i32>} : memref<4160xf32, #tpu.memory_space<vmem>>, vector<16xf32>,
          %add3A_566 = arith.constant 4 : i32
          %add3A_567 = arith.addi %mul3A_530, %add3A_566 : i32
          %mul3A_568 = arith.constant 65 : i32
          %mul3A_569 = arith.muli %add3A_567, %mul3A_568 : i32
          %mul3A_570 = arith.constant 16 : i32
          %mul3A_571 = arith.muli %scan3A_228, %mul3A_570 : i32
          %add3A_572 = arith.addi %mul3A_569, %mul3A_571 : i32
          %get3A_573 = arith.index_cast %add3A_572 : i32 to index
          %get3A_574 = tpu.vector_load %arg17[%get3A_573] {strides = array<i32>} : memref<4160xf32, #tpu.memory_space<vmem>>, vector<16xf32>,
          %add3A_575 = arith.constant 5 : i32
          %add3A_576 = arith.addi %mul3A_530, %add3A_575 : i32
          %mul3A_577 = arith.constant 65 : i32
          %mul3A_578 = arith.muli %add3A_576, %mul3A_577 : i32
          %mul3A_579 = arith.constant 16 : i32
          %mul3A_580 = arith.muli %scan3A_228, %mul3A_579 : i32
          %add3A_581 = arith.addi %mul3A_578, %mul3A_580 : i32
          %get3A_582 = arith.index_cast %add3A_581 : i32 to index
          %get3A_583 = tpu.vector_load %arg17[%get3A_582] {strides = array<i32>} : memref<4160xf32, #tpu.memory_space<vmem>>, vector<16xf32>,
          %add3A_584 = arith.constant 6 : i32
          %add3A_585 = arith.addi %mul3A_530, %add3A_584 : i32
          %mul3A_586 = arith.constant 65 : i32
          %mul3A_587 = arith.muli %add3A_585, %mul3A_586 : i32
          %mul3A_588 = arith.constant 16 : i32
          %mul3A_589 = arith.muli %scan3A_228, %mul3A_588 : i32
          %add3A_590 = arith.addi %mul3A_587, %mul3A_589 : i32
          %get3A_591 = arith.index_cast %add3A_590 : i32 to index
          %get3A_592 = tpu.vector_load %arg17[%get3A_591] {strides = array<i32>} : memref<4160xf32, #tpu.memory_space<vmem>>, vector<16xf32>,
          %add3A_593 = arith.constant 7 : i32
          %add3A_594 = arith.addi %mul3A_530, %add3A_593 : i32
          %mul3A_595 = arith.constant 65 : i32
          %mul3A_596 = arith.muli %add3A_594, %mul3A_595 : i32
          %mul3A_597 = arith.constant 16 : i32
          %mul3A_598 = arith.muli %scan3A_228, %mul3A_597 : i32
          %add3A_599 = arith.addi %mul3A_596, %mul3A_598 : i32
          %get3A_600 = arith.index_cast %add3A_599 : i32 to index
          %get3A_601 = tpu.vector_load %arg17[%get3A_600] {strides = array<i32>} : memref<4160xf32, #tpu.memory_space<vmem>>, vector<16xf32>,
          %mul3A_602 = arith.mulf %get3A_538, %get3A_538 : vector<16xf32>
          %add3A_603 = arith.addf %scan3A_528, %mul3A_602 : vector<16xf32>
          %mul3A_604 = arith.mulf %get3A_547, %get3A_547 : vector<16xf32>
          %add3A_605 = arith.addf %add3A_603, %mul3A_604 : vector<16xf32>
          %mul3A_606 = arith.mulf %get3A_556, %get3A_556 : vector<16xf32>
          %add3A_607 = arith.addf %add3A_605, %mul3A_606 : vector<16xf32>
          %mul3A_608 = arith.mulf %get3A_565, %get3A_565 : vector<16xf32>
          %add3A_609 = arith.addf %add3A_607, %mul3A_608 : vector<16xf32>
          %mul3A_610 = arith.mulf %get3A_574, %get3A_574 : vector<16xf32>
          %add3A_611 = arith.addf %add3A_609, %mul3A_610 : vector<16xf32>
          %mul3A_612 = arith.mulf %get3A_583, %get3A_583 : vector<16xf32>
          %add3A_613 = arith.addf %add3A_611, %mul3A_612 : vector<16xf32>
          %mul3A_614 = arith.mulf %get3A_592, %get3A_592 : vector<16xf32>
          %add3A_615 = arith.addf %add3A_613, %mul3A_614 : vector<16xf32>
          %mul3A_616 = arith.mulf %get3A_601, %get3A_601 : vector<16xf32>
          %add3A_617 = arith.addf %add3A_615, %mul3A_616 : vector<16xf32>
          %add3A_618 = arith.constant 0 : i32
          %add3A_619 = arith.addi %mul3A_530, %add3A_618 : i32
          %mul3A_620 = arith.constant 1024 : i32
          %mul3A_621 = arith.muli %add3A_619, %mul3A_620 : i32
          %gather3A_622 = tpu.memref_slice %arg12[%mul3A_621] : memref<65536xf32, #tpu.memory_space<vmem>> -> memref<1024xf32, #tpu.memory_space<vmem>>
          %gather3A_623 = tpu.vector_load_idx %gather3A_622[%gather3A] : memref<1024xf32, #tpu.memory_space<vmem>>[vector<16xi32>], vector<16xf32>,
          %mul3A_624 = arith.mulf %get3A_538, %gather3A_623 : vector<16xf32>
          %add3A_625 = arith.addf %scan3A_520, %mul3A_624 : vector<16xf32>
          %add3A_626 = arith.constant 1 : i32
          %add3A_627 = arith.addi %mul3A_530, %add3A_626 : i32
          %mul3A_628 = arith.constant 1024 : i32
          %mul3A_629 = arith.muli %add3A_627, %mul3A_628 : i32
          %gather3A_630 = tpu.memref_slice %arg12[%mul3A_629] : memref<65536xf32, #tpu.memory_space<vmem>> -> memref<1024xf32, #tpu.memory_space<vmem>>
          %gather3A_631 = tpu.vector_load_idx %gather3A_630[%gather3A] : memref<1024xf32, #tpu.memory_space<vmem>>[vector<16xi32>], vector<16xf32>,
          %mul3A_632 = arith.mulf %get3A_547, %gather3A_631 : vector<16xf32>
          %add3A_633 = arith.addf %add3A_625, %mul3A_632 : vector<16xf32>
          %add3A_634 = arith.constant 2 : i32
          %add3A_635 = arith.addi %mul3A_530, %add3A_634 : i32
          %mul3A_636 = arith.constant 1024 : i32
          %mul3A_637 = arith.muli %add3A_635, %mul3A_636 : i32
          %gather3A_638 = tpu.memref_slice %arg12[%mul3A_637] : memref<65536xf32, #tpu.memory_space<vmem>> -> memref<1024xf32, #tpu.memory_space<vmem>>
          %gather3A_639 = tpu.vector_load_idx %gather3A_638[%gather3A] : memref<1024xf32, #tpu.memory_space<vmem>>[vector<16xi32>], vector<16xf32>,
          %mul3A_640 = arith.mulf %get3A_556, %gather3A_639 : vector<16xf32>
          %add3A_641 = arith.addf %add3A_633, %mul3A_640 : vector<16xf32>
          %add3A_642 = arith.constant 3 : i32
          %add3A_643 = arith.addi %mul3A_530, %add3A_642 : i32
          %mul3A_644 = arith.constant 1024 : i32
          %mul3A_645 = arith.muli %add3A_643, %mul3A_644 : i32
          %gather3A_646 = tpu.memref_slice %arg12[%mul3A_645] : memref<65536xf32, #tpu.memory_space<vmem>> -> memref<1024xf32, #tpu.memory_space<vmem>>
          %gather3A_647 = tpu.vector_load_idx %gather3A_646[%gather3A] : memref<1024xf32, #tpu.memory_space<vmem>>[vector<16xi32>], vector<16xf32>,
          %mul3A_648 = arith.mulf %get3A_565, %gather3A_647 : vector<16xf32>
          %add3A_649 = arith.addf %add3A_641, %mul3A_648 : vector<16xf32>
          %add3A_650 = arith.constant 4 : i32
          %add3A_651 = arith.addi %mul3A_530, %add3A_650 : i32
          %mul3A_652 = arith.constant 1024 : i32
          %mul3A_653 = arith.muli %add3A_651, %mul3A_652 : i32
          %gather3A_654 = tpu.memref_slice %arg12[%mul3A_653] : memref<65536xf32, #tpu.memory_space<vmem>> -> memref<1024xf32, #tpu.memory_space<vmem>>
          %gather3A_655 = tpu.vector_load_idx %gather3A_654[%gather3A] : memref<1024xf32, #tpu.memory_space<vmem>>[vector<16xi32>], vector<16xf32>,
          %mul3A_656 = arith.mulf %get3A_574, %gather3A_655 : vector<16xf32>
          %add3A_657 = arith.addf %add3A_649, %mul3A_656 : vector<16xf32>
          %add3A_658 = arith.constant 5 : i32
          %add3A_659 = arith.addi %mul3A_530, %add3A_658 : i32
          %mul3A_660 = arith.constant 1024 : i32
          %mul3A_661 = arith.muli %add3A_659, %mul3A_660 : i32
          %gather3A_662 = tpu.memref_slice %arg12[%mul3A_661] : memref<65536xf32, #tpu.memory_space<vmem>> -> memref<1024xf32, #tpu.memory_space<vmem>>
          %gather3A_663 = tpu.vector_load_idx %gather3A_662[%gather3A] : memref<1024xf32, #tpu.memory_space<vmem>>[vector<16xi32>], vector<16xf32>,
          %mul3A_664 = arith.mulf %get3A_583, %gather3A_663 : vector<16xf32>
          %add3A_665 = arith.addf %add3A_657, %mul3A_664 : vector<16xf32>
          %add3A_666 = arith.constant 6 : i32
          %add3A_667 = arith.addi %mul3A_530, %add3A_666 : i32
          %mul3A_668 = arith.constant 1024 : i32
          %mul3A_669 = arith.muli %add3A_667, %mul3A_668 : i32
          %gather3A_670 = tpu.memref_slice %arg12[%mul3A_669] : memref<65536xf32, #tpu.memory_space<vmem>> -> memref<1024xf32, #tpu.memory_space<vmem>>
          %gather3A_671 = tpu.vector_load_idx %gather3A_670[%gather3A] : memref<1024xf32, #tpu.memory_space<vmem>>[vector<16xi32>], vector<16xf32>,
          %mul3A_672 = arith.mulf %get3A_592, %gather3A_671 : vector<16xf32>
          %add3A_673 = arith.addf %add3A_665, %mul3A_672 : vector<16xf32>
          %add3A_674 = arith.constant 7 : i32
          %add3A_675 = arith.addi %mul3A_530, %add3A_674 : i32
          %mul3A_676 = arith.constant 1024 : i32
          %mul3A_677 = arith.muli %add3A_675, %mul3A_676 : i32
          %gather3A_678 = tpu.memref_slice %arg12[%mul3A_677] : memref<65536xf32, #tpu.memory_space<vmem>> -> memref<1024xf32, #tpu.memory_space<vmem>>
          %gather3A_679 = tpu.vector_load_idx %gather3A_678[%gather3A] : memref<1024xf32, #tpu.memory_space<vmem>>[vector<16xi32>], vector<16xf32>,
          %mul3A_680 = arith.mulf %get3A_601, %gather3A_679 : vector<16xf32>
          %add3A_681 = arith.addf %add3A_673, %mul3A_680 : vector<16xf32>
          %add3A_682 = arith.constant 0 : i32
          %add3A_683 = arith.addi %mul3A_530, %add3A_682 : i32
          %mul3A_684 = arith.constant 1024 : i32
          %mul3A_685 = arith.muli %add3A_683, %mul3A_684 : i32
          %gather3A_686 = tpu.memref_slice %arg12[%mul3A_685] : memref<65536xf32, #tpu.memory_space<vmem>> -> memref<1024xf32, #tpu.memory_space<vmem>>
          %gather3A_687 = tpu.vector_load_idx %gather3A_686[%gather3A_240] : memref<1024xf32, #tpu.memory_space<vmem>>[vector<16xi32>], vector<16xf32>,
          %mul3A_688 = arith.mulf %get3A_538, %gather3A_687 : vector<16xf32>
          %add3A_689 = arith.addf %scan3A_521, %mul3A_688 : vector<16xf32>
          %add3A_690 = arith.constant 1 : i32
          %add3A_691 = arith.addi %mul3A_530, %add3A_690 : i32
          %mul3A_692 = arith.constant 1024 : i32
          %mul3A_693 = arith.muli %add3A_691, %mul3A_692 : i32
          %gather3A_694 = tpu.memref_slice %arg12[%mul3A_693] : memref<65536xf32, #tpu.memory_space<vmem>> -> memref<1024xf32, #tpu.memory_space<vmem>>
          %gather3A_695 = tpu.vector_load_idx %gather3A_694[%gather3A_240] : memref<1024xf32, #tpu.memory_space<vmem>>[vector<16xi32>], vector<16xf32>,
          %mul3A_696 = arith.mulf %get3A_547, %gather3A_695 : vector<16xf32>
          %add3A_697 = arith.addf %add3A_689, %mul3A_696 : vector<16xf32>
          %add3A_698 = arith.constant 2 : i32
          %add3A_699 = arith.addi %mul3A_530, %add3A_698 : i32
          %mul3A_700 = arith.constant 1024 : i32
          %mul3A_701 = arith.muli %add3A_699, %mul3A_700 : i32
          %gather3A_702 = tpu.memref_slice %arg12[%mul3A_701] : memref<65536xf32, #tpu.memory_space<vmem>> -> memref<1024xf32, #tpu.memory_space<vmem>>
          %gather3A_703 = tpu.vector_load_idx %gather3A_702[%gather3A_240] : memref<1024xf32, #tpu.memory_space<vmem>>[vector<16xi32>], vector<16xf32>,
          %mul3A_704 = arith.mulf %get3A_556, %gather3A_703 : vector<16xf32>
          %add3A_705 = arith.addf %add3A_697, %mul3A_704 : vector<16xf32>
          %add3A_706 = arith.constant 3 : i32
          %add3A_707 = arith.addi %mul3A_530, %add3A_706 : i32
          %mul3A_708 = arith.constant 1024 : i32
          %mul3A_709 = arith.muli %add3A_707, %mul3A_708 : i32
          %gather3A_710 = tpu.memref_slice %arg12[%mul3A_709] : memref<65536xf32, #tpu.memory_space<vmem>> -> memref<1024xf32, #tpu.memory_space<vmem>>
          %gather3A_711 = tpu.vector_load_idx %gather3A_710[%gather3A_240] : memref<1024xf32, #tpu.memory_space<vmem>>[vector<16xi32>], vector<16xf32>,
          %mul3A_712 = arith.mulf %get3A_565, %gather3A_711 : vector<16xf32>
          %add3A_713 = arith.addf %add3A_705, %mul3A_712 : vector<16xf32>
          %add3A_714 = arith.constant 4 : i32
          %add3A_715 = arith.addi %mul3A_530, %add3A_714 : i32
          %mul3A_716 = arith.constant 1024 : i32
          %mul3A_717 = arith.muli %add3A_715, %mul3A_716 : i32
          %gather3A_718 = tpu.memref_slice %arg12[%mul3A_717] : memref<65536xf32, #tpu.memory_space<vmem>> -> memref<1024xf32, #tpu.memory_space<vmem>>
          %gather3A_719 = tpu.vector_load_idx %gather3A_718[%gather3A_240] : memref<1024xf32, #tpu.memory_space<vmem>>[vector<16xi32>], vector<16xf32>,
          %mul3A_720 = arith.mulf %get3A_574, %gather3A_719 : vector<16xf32>
          %add3A_721 = arith.addf %add3A_713, %mul3A_720 : vector<16xf32>
          %add3A_722 = arith.constant 5 : i32
          %add3A_723 = arith.addi %mul3A_530, %add3A_722 : i32
          %mul3A_724 = arith.constant 1024 : i32
          %mul3A_725 = arith.muli %add3A_723, %mul3A_724 : i32
          %gather3A_726 = tpu.memref_slice %arg12[%mul3A_725] : memref<65536xf32, #tpu.memory_space<vmem>> -> memref<1024xf32, #tpu.memory_space<vmem>>
          %gather3A_727 = tpu.vector_load_idx %gather3A_726[%gather3A_240] : memref<1024xf32, #tpu.memory_space<vmem>>[vector<16xi32>], vector<16xf32>,
          %mul3A_728 = arith.mulf %get3A_583, %gather3A_727 : vector<16xf32>
          %add3A_729 = arith.addf %add3A_721, %mul3A_728 : vector<16xf32>
          %add3A_730 = arith.constant 6 : i32
          %add3A_731 = arith.addi %mul3A_530, %add3A_730 : i32
          %mul3A_732 = arith.constant 1024 : i32
          %mul3A_733 = arith.muli %add3A_731, %mul3A_732 : i32
          %gather3A_734 = tpu.memref_slice %arg12[%mul3A_733] : memref<65536xf32, #tpu.memory_space<vmem>> -> memref<1024xf32, #tpu.memory_space<vmem>>
          %gather3A_735 = tpu.vector_load_idx %gather3A_734[%gather3A_240] : memref<1024xf32, #tpu.memory_space<vmem>>[vector<16xi32>], vector<16xf32>,
          %mul3A_736 = arith.mulf %get3A_592, %gather3A_735 : vector<16xf32>
          %add3A_737 = arith.addf %add3A_729, %mul3A_736 : vector<16xf32>
          %add3A_738 = arith.constant 7 : i32
          %add3A_739 = arith.addi %mul3A_530, %add3A_738 : i32
          %mul3A_740 = arith.constant 1024 : i32
          %mul3A_741 = arith.muli %add3A_739, %mul3A_740 : i32
          %gather3A_742 = tpu.memref_slice %arg12[%mul3A_741] : memref<65536xf32, #tpu.memory_space<vmem>> -> memref<1024xf32, #tpu.memory_space<vmem>>
          %gather3A_743 = tpu.vector_load_idx %gather3A_742[%gather3A_240] : memref<1024xf32, #tpu.memory_space<vmem>>[vector<16xi32>], vector<16xf32>,
          %mul3A_744 = arith.mulf %get3A_601, %gather3A_743 : vector<16xf32>
          %add3A_745 = arith.addf %add3A_737, %mul3A_744 : vector<16xf32>
          %add3A_746 = arith.constant 0 : i32
          %add3A_747 = arith.addi %mul3A_530, %add3A_746 : i32
          %mul3A_748 = arith.constant 1024 : i32
          %mul3A_749 = arith.muli %add3A_747, %mul3A_748 : i32
          %gather3A_750 = tpu.memref_slice %arg12[%mul3A_749] : memref<65536xf32, #tpu.memory_space<vmem>> -> memref<1024xf32, #tpu.memory_space<vmem>>
          %gather3A_751 = tpu.vector_load_idx %gather3A_750[%gather3A_245] : memref<1024xf32, #tpu.memory_space<vmem>>[vector<16xi32>], vector<16xf32>,
          %mul3A_752 = arith.mulf %get3A_538, %gather3A_751 : vector<16xf32>
          %add3A_753 = arith.addf %scan3A_522, %mul3A_752 : vector<16xf32>
          %add3A_754 = arith.constant 1 : i32
          %add3A_755 = arith.addi %mul3A_530, %add3A_754 : i32
          %mul3A_756 = arith.constant 1024 : i32
          %mul3A_757 = arith.muli %add3A_755, %mul3A_756 : i32
          %gather3A_758 = tpu.memref_slice %arg12[%mul3A_757] : memref<65536xf32, #tpu.memory_space<vmem>> -> memref<1024xf32, #tpu.memory_space<vmem>>
          %gather3A_759 = tpu.vector_load_idx %gather3A_758[%gather3A_245] : memref<1024xf32, #tpu.memory_space<vmem>>[vector<16xi32>], vector<16xf32>,
          %mul3A_760 = arith.mulf %get3A_547, %gather3A_759 : vector<16xf32>
          %add3A_761 = arith.addf %add3A_753, %mul3A_760 : vector<16xf32>
          %add3A_762 = arith.constant 2 : i32
          %add3A_763 = arith.addi %mul3A_530, %add3A_762 : i32
          %mul3A_764 = arith.constant 1024 : i32
          %mul3A_765 = arith.muli %add3A_763, %mul3A_764 : i32
          %gather3A_766 = tpu.memref_slice %arg12[%mul3A_765] : memref<65536xf32, #tpu.memory_space<vmem>> -> memref<1024xf32, #tpu.memory_space<vmem>>
          %gather3A_767 = tpu.vector_load_idx %gather3A_766[%gather3A_245] : memref<1024xf32, #tpu.memory_space<vmem>>[vector<16xi32>], vector<16xf32>,
          %mul3A_768 = arith.mulf %get3A_556, %gather3A_767 : vector<16xf32>
          %add3A_769 = arith.addf %add3A_761, %mul3A_768 : vector<16xf32>
          %add3A_770 = arith.constant 3 : i32
          %add3A_771 = arith.addi %mul3A_530, %add3A_770 : i32
          %mul3A_772 = arith.constant 1024 : i32
          %mul3A_773 = arith.muli %add3A_771, %mul3A_772 : i32
          %gather3A_774 = tpu.memref_slice %arg12[%mul3A_773] : memref<65536xf32, #tpu.memory_space<vmem>> -> memref<1024xf32, #tpu.memory_space<vmem>>
          %gather3A_775 = tpu.vector_load_idx %gather3A_774[%gather3A_245] : memref<1024xf32, #tpu.memory_space<vmem>>[vector<16xi32>], vector<16xf32>,
          %mul3A_776 = arith.mulf %get3A_565, %gather3A_775 : vector<16xf32>
          %add3A_777 = arith.addf %add3A_769, %mul3A_776 : vector<16xf32>
          %add3A_778 = arith.constant 4 : i32
          %add3A_779 = arith.addi %mul3A_530, %add3A_778 : i32
          %mul3A_780 = arith.constant 1024 : i32
          %mul3A_781 = arith.muli %add3A_779, %mul3A_780 : i32
          %gather3A_782 = tpu.memref_slice %arg12[%mul3A_781] : memref<65536xf32, #tpu.memory_space<vmem>> -> memref<1024xf32, #tpu.memory_space<vmem>>
          %gather3A_783 = tpu.vector_load_idx %gather3A_782[%gather3A_245] : memref<1024xf32, #tpu.memory_space<vmem>>[vector<16xi32>], vector<16xf32>,
          %mul3A_784 = arith.mulf %get3A_574, %gather3A_783 : vector<16xf32>
          %add3A_785 = arith.addf %add3A_777, %mul3A_784 : vector<16xf32>
          %add3A_786 = arith.constant 5 : i32
          %add3A_787 = arith.addi %mul3A_530, %add3A_786 : i32
          %mul3A_788 = arith.constant 1024 : i32
          %mul3A_789 = arith.muli %add3A_787, %mul3A_788 : i32
          %gather3A_790 = tpu.memref_slice %arg12[%mul3A_789] : memref<65536xf32, #tpu.memory_space<vmem>> -> memref<1024xf32, #tpu.memory_space<vmem>>
          %gather3A_791 = tpu.vector_load_idx %gather3A_790[%gather3A_245] : memref<1024xf32, #tpu.memory_space<vmem>>[vector<16xi32>], vector<16xf32>,
          %mul3A_792 = arith.mulf %get3A_583, %gather3A_791 : vector<16xf32>
          %add3A_793 = arith.addf %add3A_785, %mul3A_792 : vector<16xf32>
          %add3A_794 = arith.constant 6 : i32
          %add3A_795 = arith.addi %mul3A_530, %add3A_794 : i32
          %mul3A_796 = arith.constant 1024 : i32
          %mul3A_797 = arith.muli %add3A_795, %mul3A_796 : i32
          %gather3A_798 = tpu.memref_slice %arg12[%mul3A_797] : memref<65536xf32, #tpu.memory_space<vmem>> -> memref<1024xf32, #tpu.memory_space<vmem>>
          %gather3A_799 = tpu.vector_load_idx %gather3A_798[%gather3A_245] : memref<1024xf32, #tpu.memory_space<vmem>>[vector<16xi32>], vector<16xf32>,
          %mul3A_800 = arith.mulf %get3A_592, %gather3A_799 : vector<16xf32>
          %add3A_801 = arith.addf %add3A_793, %mul3A_800 : vector<16xf32>
          %add3A_802 = arith.constant 7 : i32
          %add3A_803 = arith.addi %mul3A_530, %add3A_802 : i32
          %mul3A_804 = arith.constant 1024 : i32
          %mul3A_805 = arith.muli %add3A_803, %mul3A_804 : i32
          %gather3A_806 = tpu.memref_slice %arg12[%mul3A_805] : memref<65536xf32, #tpu.memory_space<vmem>> -> memref<1024xf32, #tpu.memory_space<vmem>>
          %gather3A_807 = tpu.vector_load_idx %gather3A_806[%gather3A_245] : memref<1024xf32, #tpu.memory_space<vmem>>[vector<16xi32>], vector<16xf32>,
          %mul3A_808 = arith.mulf %get3A_601, %gather3A_807 : vector<16xf32>
          %add3A_809 = arith.addf %add3A_801, %mul3A_808 : vector<16xf32>
          %add3A_810 = arith.constant 0 : i32
          %add3A_811 = arith.addi %mul3A_530, %add3A_810 : i32
          %mul3A_812 = arith.constant 1024 : i32
          %mul3A_813 = arith.muli %add3A_811, %mul3A_812 : i32
          %gather3A_814 = tpu.memref_slice %arg12[%mul3A_813] : memref<65536xf32, #tpu.memory_space<vmem>> -> memref<1024xf32, #tpu.memory_space<vmem>>
          %gather3A_815 = tpu.vector_load_idx %gather3A_814[%gather3A_250] : memref<1024xf32, #tpu.memory_space<vmem>>[vector<16xi32>], vector<16xf32>,
          %mul3A_816 = arith.mulf %get3A_538, %gather3A_815 : vector<16xf32>
          %add3A_817 = arith.addf %scan3A_523, %mul3A_816 : vector<16xf32>
          %add3A_818 = arith.constant 1 : i32
          %add3A_819 = arith.addi %mul3A_530, %add3A_818 : i32
          %mul3A_820 = arith.constant 1024 : i32
          %mul3A_821 = arith.muli %add3A_819, %mul3A_820 : i32
          %gather3A_822 = tpu.memref_slice %arg12[%mul3A_821] : memref<65536xf32, #tpu.memory_space<vmem>> -> memref<1024xf32, #tpu.memory_space<vmem>>
          %gather3A_823 = tpu.vector_load_idx %gather3A_822[%gather3A_250] : memref<1024xf32, #tpu.memory_space<vmem>>[vector<16xi32>], vector<16xf32>,
          %mul3A_824 = arith.mulf %get3A_547, %gather3A_823 : vector<16xf32>
          %add3A_825 = arith.addf %add3A_817, %mul3A_824 : vector<16xf32>
          %add3A_826 = arith.constant 2 : i32
          %add3A_827 = arith.addi %mul3A_530, %add3A_826 : i32
          %mul3A_828 = arith.constant 1024 : i32
          %mul3A_829 = arith.muli %add3A_827, %mul3A_828 : i32
          %gather3A_830 = tpu.memref_slice %arg12[%mul3A_829] : memref<65536xf32, #tpu.memory_space<vmem>> -> memref<1024xf32, #tpu.memory_space<vmem>>
          %gather3A_831 = tpu.vector_load_idx %gather3A_830[%gather3A_250] : memref<1024xf32, #tpu.memory_space<vmem>>[vector<16xi32>], vector<16xf32>,
          %mul3A_832 = arith.mulf %get3A_556, %gather3A_831 : vector<16xf32>
          %add3A_833 = arith.addf %add3A_825, %mul3A_832 : vector<16xf32>
          %add3A_834 = arith.constant 3 : i32
          %add3A_835 = arith.addi %mul3A_530, %add3A_834 : i32
          %mul3A_836 = arith.constant 1024 : i32
          %mul3A_837 = arith.muli %add3A_835, %mul3A_836 : i32
          %gather3A_838 = tpu.memref_slice %arg12[%mul3A_837] : memref<65536xf32, #tpu.memory_space<vmem>> -> memref<1024xf32, #tpu.memory_space<vmem>>
          %gather3A_839 = tpu.vector_load_idx %gather3A_838[%gather3A_250] : memref<1024xf32, #tpu.memory_space<vmem>>[vector<16xi32>], vector<16xf32>,
          %mul3A_840 = arith.mulf %get3A_565, %gather3A_839 : vector<16xf32>
          %add3A_841 = arith.addf %add3A_833, %mul3A_840 : vector<16xf32>
          %add3A_842 = arith.constant 4 : i32
          %add3A_843 = arith.addi %mul3A_530, %add3A_842 : i32
          %mul3A_844 = arith.constant 1024 : i32
          %mul3A_845 = arith.muli %add3A_843, %mul3A_844 : i32
          %gather3A_846 = tpu.memref_slice %arg12[%mul3A_845] : memref<65536xf32, #tpu.memory_space<vmem>> -> memref<1024xf32, #tpu.memory_space<vmem>>
          %gather3A_847 = tpu.vector_load_idx %gather3A_846[%gather3A_250] : memref<1024xf32, #tpu.memory_space<vmem>>[vector<16xi32>], vector<16xf32>,
          %mul3A_848 = arith.mulf %get3A_574, %gather3A_847 : vector<16xf32>
          %add3A_849 = arith.addf %add3A_841, %mul3A_848 : vector<16xf32>
          %add3A_850 = arith.constant 5 : i32
          %add3A_851 = arith.addi %mul3A_530, %add3A_850 : i32
          %mul3A_852 = arith.constant 1024 : i32
          %mul3A_853 = arith.muli %add3A_851, %mul3A_852 : i32
          %gather3A_854 = tpu.memref_slice %arg12[%mul3A_853] : memref<65536xf32, #tpu.memory_space<vmem>> -> memref<1024xf32, #tpu.memory_space<vmem>>
          %gather3A_855 = tpu.vector_load_idx %gather3A_854[%gather3A_250] : memref<1024xf32, #tpu.memory_space<vmem>>[vector<16xi32>], vector<16xf32>,
          %mul3A_856 = arith.mulf %get3A_583, %gather3A_855 : vector<16xf32>
          %add3A_857 = arith.addf %add3A_849, %mul3A_856 : vector<16xf32>
          %add3A_858 = arith.constant 6 : i32
          %add3A_859 = arith.addi %mul3A_530, %add3A_858 : i32
          %mul3A_860 = arith.constant 1024 : i32
          %mul3A_861 = arith.muli %add3A_859, %mul3A_860 : i32
          %gather3A_862 = tpu.memref_slice %arg12[%mul3A_861] : memref<65536xf32, #tpu.memory_space<vmem>> -> memref<1024xf32, #tpu.memory_space<vmem>>
          %gather3A_863 = tpu.vector_load_idx %gather3A_862[%gather3A_250] : memref<1024xf32, #tpu.memory_space<vmem>>[vector<16xi32>], vector<16xf32>,
          %mul3A_864 = arith.mulf %get3A_592, %gather3A_863 : vector<16xf32>
          %add3A_865 = arith.addf %add3A_857, %mul3A_864 : vector<16xf32>
          %add3A_866 = arith.constant 7 : i32
          %add3A_867 = arith.addi %mul3A_530, %add3A_866 : i32
          %mul3A_868 = arith.constant 1024 : i32
          %mul3A_869 = arith.muli %add3A_867, %mul3A_868 : i32
          %gather3A_870 = tpu.memref_slice %arg12[%mul3A_869] : memref<65536xf32, #tpu.memory_space<vmem>> -> memref<1024xf32, #tpu.memory_space<vmem>>
          %gather3A_871 = tpu.vector_load_idx %gather3A_870[%gather3A_250] : memref<1024xf32, #tpu.memory_space<vmem>>[vector<16xi32>], vector<16xf32>,
          %mul3A_872 = arith.mulf %get3A_601, %gather3A_871 : vector<16xf32>
          %add3A_873 = arith.addf %add3A_865, %mul3A_872 : vector<16xf32>
          %add3A_874 = arith.constant 0 : i32
          %add3A_875 = arith.addi %mul3A_530, %add3A_874 : i32
          %mul3A_876 = arith.constant 1024 : i32
          %mul3A_877 = arith.muli %add3A_875, %mul3A_876 : i32
          %gather3A_878 = tpu.memref_slice %arg12[%mul3A_877] : memref<65536xf32, #tpu.memory_space<vmem>> -> memref<1024xf32, #tpu.memory_space<vmem>>
          %gather3A_879 = tpu.vector_load_idx %gather3A_878[%gather3A_255] : memref<1024xf32, #tpu.memory_space<vmem>>[vector<16xi32>], vector<16xf32>,
          %mul3A_880 = arith.mulf %get3A_538, %gather3A_879 : vector<16xf32>
          %add3A_881 = arith.addf %scan3A_524, %mul3A_880 : vector<16xf32>
          %add3A_882 = arith.constant 1 : i32
          %add3A_883 = arith.addi %mul3A_530, %add3A_882 : i32
          %mul3A_884 = arith.constant 1024 : i32
          %mul3A_885 = arith.muli %add3A_883, %mul3A_884 : i32
          %gather3A_886 = tpu.memref_slice %arg12[%mul3A_885] : memref<65536xf32, #tpu.memory_space<vmem>> -> memref<1024xf32, #tpu.memory_space<vmem>>
          %gather3A_887 = tpu.vector_load_idx %gather3A_886[%gather3A_255] : memref<1024xf32, #tpu.memory_space<vmem>>[vector<16xi32>], vector<16xf32>,
          %mul3A_888 = arith.mulf %get3A_547, %gather3A_887 : vector<16xf32>
          %add3A_889 = arith.addf %add3A_881, %mul3A_888 : vector<16xf32>
          %add3A_890 = arith.constant 2 : i32
          %add3A_891 = arith.addi %mul3A_530, %add3A_890 : i32
          %mul3A_892 = arith.constant 1024 : i32
          %mul3A_893 = arith.muli %add3A_891, %mul3A_892 : i32
          %gather3A_894 = tpu.memref_slice %arg12[%mul3A_893] : memref<65536xf32, #tpu.memory_space<vmem>> -> memref<1024xf32, #tpu.memory_space<vmem>>
          %gather3A_895 = tpu.vector_load_idx %gather3A_894[%gather3A_255] : memref<1024xf32, #tpu.memory_space<vmem>>[vector<16xi32>], vector<16xf32>,
          %mul3A_896 = arith.mulf %get3A_556, %gather3A_895 : vector<16xf32>
          %add3A_897 = arith.addf %add3A_889, %mul3A_896 : vector<16xf32>
          %add3A_898 = arith.constant 3 : i32
          %add3A_899 = arith.addi %mul3A_530, %add3A_898 : i32
          %mul3A_900 = arith.constant 1024 : i32
          %mul3A_901 = arith.muli %add3A_899, %mul3A_900 : i32
          %gather3A_902 = tpu.memref_slice %arg12[%mul3A_901] : memref<65536xf32, #tpu.memory_space<vmem>> -> memref<1024xf32, #tpu.memory_space<vmem>>
          %gather3A_903 = tpu.vector_load_idx %gather3A_902[%gather3A_255] : memref<1024xf32, #tpu.memory_space<vmem>>[vector<16xi32>], vector<16xf32>,
          %mul3A_904 = arith.mulf %get3A_565, %gather3A_903 : vector<16xf32>
          %add3A_905 = arith.addf %add3A_897, %mul3A_904 : vector<16xf32>
          %add3A_906 = arith.constant 4 : i32
          %add3A_907 = arith.addi %mul3A_530, %add3A_906 : i32
          %mul3A_908 = arith.constant 1024 : i32
          %mul3A_909 = arith.muli %add3A_907, %mul3A_908 : i32
          %gather3A_910 = tpu.memref_slice %arg12[%mul3A_909] : memref<65536xf32, #tpu.memory_space<vmem>> -> memref<1024xf32, #tpu.memory_space<vmem>>
          %gather3A_911 = tpu.vector_load_idx %gather3A_910[%gather3A_255] : memref<1024xf32, #tpu.memory_space<vmem>>[vector<16xi32>], vector<16xf32>,
          %mul3A_912 = arith.mulf %get3A_574, %gather3A_911 : vector<16xf32>
          %add3A_913 = arith.addf %add3A_905, %mul3A_912 : vector<16xf32>
          %add3A_914 = arith.constant 5 : i32
          %add3A_915 = arith.addi %mul3A_530, %add3A_914 : i32
          %mul3A_916 = arith.constant 1024 : i32
          %mul3A_917 = arith.muli %add3A_915, %mul3A_916 : i32
          %gather3A_918 = tpu.memref_slice %arg12[%mul3A_917] : memref<65536xf32, #tpu.memory_space<vmem>> -> memref<1024xf32, #tpu.memory_space<vmem>>
          %gather3A_919 = tpu.vector_load_idx %gather3A_918[%gather3A_255] : memref<1024xf32, #tpu.memory_space<vmem>>[vector<16xi32>], vector<16xf32>,
          %mul3A_920 = arith.mulf %get3A_583, %gather3A_919 : vector<16xf32>
          %add3A_921 = arith.addf %add3A_913, %mul3A_920 : vector<16xf32>
          %add3A_922 = arith.constant 6 : i32
          %add3A_923 = arith.addi %mul3A_530, %add3A_922 : i32
          %mul3A_924 = arith.constant 1024 : i32
          %mul3A_925 = arith.muli %add3A_923, %mul3A_924 : i32
          %gather3A_926 = tpu.memref_slice %arg12[%mul3A_925] : memref<65536xf32, #tpu.memory_space<vmem>> -> memref<1024xf32, #tpu.memory_space<vmem>>
          %gather3A_927 = tpu.vector_load_idx %gather3A_926[%gather3A_255] : memref<1024xf32, #tpu.memory_space<vmem>>[vector<16xi32>], vector<16xf32>,
          %mul3A_928 = arith.mulf %get3A_592, %gather3A_927 : vector<16xf32>
          %add3A_929 = arith.addf %add3A_921, %mul3A_928 : vector<16xf32>
          %add3A_930 = arith.constant 7 : i32
          %add3A_931 = arith.addi %mul3A_530, %add3A_930 : i32
          %mul3A_932 = arith.constant 1024 : i32
          %mul3A_933 = arith.muli %add3A_931, %mul3A_932 : i32
          %gather3A_934 = tpu.memref_slice %arg12[%mul3A_933] : memref<65536xf32, #tpu.memory_space<vmem>> -> memref<1024xf32, #tpu.memory_space<vmem>>
          %gather3A_935 = tpu.vector_load_idx %gather3A_934[%gather3A_255] : memref<1024xf32, #tpu.memory_space<vmem>>[vector<16xi32>], vector<16xf32>,
          %mul3A_936 = arith.mulf %get3A_601, %gather3A_935 : vector<16xf32>
          %add3A_937 = arith.addf %add3A_929, %mul3A_936 : vector<16xf32>
          %add3A_938 = arith.constant 0 : i32
          %add3A_939 = arith.addi %mul3A_530, %add3A_938 : i32
          %mul3A_940 = arith.constant 1024 : i32
          %mul3A_941 = arith.muli %add3A_939, %mul3A_940 : i32
          %gather3A_942 = tpu.memref_slice %arg12[%mul3A_941] : memref<65536xf32, #tpu.memory_space<vmem>> -> memref<1024xf32, #tpu.memory_space<vmem>>
          %gather3A_943 = tpu.vector_load_idx %gather3A_942[%gather3A_260] : memref<1024xf32, #tpu.memory_space<vmem>>[vector<16xi32>], vector<16xf32>,
          %mul3A_944 = arith.mulf %get3A_538, %gather3A_943 : vector<16xf32>
          %add3A_945 = arith.addf %scan3A_525, %mul3A_944 : vector<16xf32>
          %add3A_946 = arith.constant 1 : i32
          %add3A_947 = arith.addi %mul3A_530, %add3A_946 : i32
          %mul3A_948 = arith.constant 1024 : i32
          %mul3A_949 = arith.muli %add3A_947, %mul3A_948 : i32
          %gather3A_950 = tpu.memref_slice %arg12[%mul3A_949] : memref<65536xf32, #tpu.memory_space<vmem>> -> memref<1024xf32, #tpu.memory_space<vmem>>
          %gather3A_951 = tpu.vector_load_idx %gather3A_950[%gather3A_260] : memref<1024xf32, #tpu.memory_space<vmem>>[vector<16xi32>], vector<16xf32>,
          %mul3A_952 = arith.mulf %get3A_547, %gather3A_951 : vector<16xf32>
          %add3A_953 = arith.addf %add3A_945, %mul3A_952 : vector<16xf32>
          %add3A_954 = arith.constant 2 : i32
          %add3A_955 = arith.addi %mul3A_530, %add3A_954 : i32
          %mul3A_956 = arith.constant 1024 : i32
          %mul3A_957 = arith.muli %add3A_955, %mul3A_956 : i32
          %gather3A_958 = tpu.memref_slice %arg12[%mul3A_957] : memref<65536xf32, #tpu.memory_space<vmem>> -> memref<1024xf32, #tpu.memory_space<vmem>>
          %gather3A_959 = tpu.vector_load_idx %gather3A_958[%gather3A_260] : memref<1024xf32, #tpu.memory_space<vmem>>[vector<16xi32>], vector<16xf32>,
          %mul3A_960 = arith.mulf %get3A_556, %gather3A_959 : vector<16xf32>
          %add3A_961 = arith.addf %add3A_953, %mul3A_960 : vector<16xf32>
          %add3A_962 = arith.constant 3 : i32
          %add3A_963 = arith.addi %mul3A_530, %add3A_962 : i32
          %mul3A_964 = arith.constant 1024 : i32
          %mul3A_965 = arith.muli %add3A_963, %mul3A_964 : i32
          %gather3A_966 = tpu.memref_slice %arg12[%mul3A_965] : memref<65536xf32, #tpu.memory_space<vmem>> -> memref<1024xf32, #tpu.memory_space<vmem>>
          %gather3A_967 = tpu.vector_load_idx %gather3A_966[%gather3A_260] : memref<1024xf32, #tpu.memory_space<vmem>>[vector<16xi32>], vector<16xf32>,
          %mul3A_968 = arith.mulf %get3A_565, %gather3A_967 : vector<16xf32>
          %add3A_969 = arith.addf %add3A_961, %mul3A_968 : vector<16xf32>
          %add3A_970 = arith.constant 4 : i32
          %add3A_971 = arith.addi %mul3A_530, %add3A_970 : i32
          %mul3A_972 = arith.constant 1024 : i32
          %mul3A_973 = arith.muli %add3A_971, %mul3A_972 : i32
          %gather3A_974 = tpu.memref_slice %arg12[%mul3A_973] : memref<65536xf32, #tpu.memory_space<vmem>> -> memref<1024xf32, #tpu.memory_space<vmem>>
          %gather3A_975 = tpu.vector_load_idx %gather3A_974[%gather3A_260] : memref<1024xf32, #tpu.memory_space<vmem>>[vector<16xi32>], vector<16xf32>,
          %mul3A_976 = arith.mulf %get3A_574, %gather3A_975 : vector<16xf32>
          %add3A_977 = arith.addf %add3A_969, %mul3A_976 : vector<16xf32>
          %add3A_978 = arith.constant 5 : i32
          %add3A_979 = arith.addi %mul3A_530, %add3A_978 : i32
          %mul3A_980 = arith.constant 1024 : i32
          %mul3A_981 = arith.muli %add3A_979, %mul3A_980 : i32
          %gather3A_982 = tpu.memref_slice %arg12[%mul3A_981] : memref<65536xf32, #tpu.memory_space<vmem>> -> memref<1024xf32, #tpu.memory_space<vmem>>
          %gather3A_983 = tpu.vector_load_idx %gather3A_982[%gather3A_260] : memref<1024xf32, #tpu.memory_space<vmem>>[vector<16xi32>], vector<16xf32>,
          %mul3A_984 = arith.mulf %get3A_583, %gather3A_983 : vector<16xf32>
          %add3A_985 = arith.addf %add3A_977, %mul3A_984 : vector<16xf32>
          %add3A_986 = arith.constant 6 : i32
          %add3A_987 = arith.addi %mul3A_530, %add3A_986 : i32
          %mul3A_988 = arith.constant 1024 : i32
          %mul3A_989 = arith.muli %add3A_987, %mul3A_988 : i32
          %gather3A_990 = tpu.memref_slice %arg12[%mul3A_989] : memref<65536xf32, #tpu.memory_space<vmem>> -> memref<1024xf32, #tpu.memory_space<vmem>>
          %gather3A_991 = tpu.vector_load_idx %gather3A_990[%gather3A_260] : memref<1024xf32, #tpu.memory_space<vmem>>[vector<16xi32>], vector<16xf32>,
          %mul3A_992 = arith.mulf %get3A_592, %gather3A_991 : vector<16xf32>
          %add3A_993 = arith.addf %add3A_985, %mul3A_992 : vector<16xf32>
          %add3A_994 = arith.constant 7 : i32
          %add3A_995 = arith.addi %mul3A_530, %add3A_994 : i32
          %mul3A_996 = arith.constant 1024 : i32
          %mul3A_997 = arith.muli %add3A_995, %mul3A_996 : i32
          %gather3A_998 = tpu.memref_slice %arg12[%mul3A_997] : memref<65536xf32, #tpu.memory_space<vmem>> -> memref<1024xf32, #tpu.memory_space<vmem>>
          %gather3A_999 = tpu.vector_load_idx %gather3A_998[%gather3A_260] : memref<1024xf32, #tpu.memory_space<vmem>>[vector<16xi32>], vector<16xf32>,
          %mul3A_1000 = arith.mulf %get3A_601, %gather3A_999 : vector<16xf32>
          %add3A_1001 = arith.addf %add3A_993, %mul3A_1000 : vector<16xf32>
          %add3A_1002 = arith.constant 0 : i32
          %add3A_1003 = arith.addi %mul3A_530, %add3A_1002 : i32
          %mul3A_1004 = arith.constant 1024 : i32
          %mul3A_1005 = arith.muli %add3A_1003, %mul3A_1004 : i32
          %gather3A_1006 = tpu.memref_slice %arg12[%mul3A_1005] : memref<65536xf32, #tpu.memory_space<vmem>> -> memref<1024xf32, #tpu.memory_space<vmem>>
          %gather3A_1007 = tpu.vector_load_idx %gather3A_1006[%gather3A_265] : memref<1024xf32, #tpu.memory_space<vmem>>[vector<16xi32>], vector<16xf32>,
          %mul3A_1008 = arith.mulf %get3A_538, %gather3A_1007 : vector<16xf32>
          %add3A_1009 = arith.addf %scan3A_526, %mul3A_1008 : vector<16xf32>
          %add3A_1010 = arith.constant 1 : i32
          %add3A_1011 = arith.addi %mul3A_530, %add3A_1010 : i32
          %mul3A_1012 = arith.constant 1024 : i32
          %mul3A_1013 = arith.muli %add3A_1011, %mul3A_1012 : i32
          %gather3A_1014 = tpu.memref_slice %arg12[%mul3A_1013] : memref<65536xf32, #tpu.memory_space<vmem>> -> memref<1024xf32, #tpu.memory_space<vmem>>
          %gather3A_1015 = tpu.vector_load_idx %gather3A_1014[%gather3A_265] : memref<1024xf32, #tpu.memory_space<vmem>>[vector<16xi32>], vector<16xf32>,
          %mul3A_1016 = arith.mulf %get3A_547, %gather3A_1015 : vector<16xf32>
          %add3A_1017 = arith.addf %add3A_1009, %mul3A_1016 : vector<16xf32>
          %add3A_1018 = arith.constant 2 : i32
          %add3A_1019 = arith.addi %mul3A_530, %add3A_1018 : i32
          %mul3A_1020 = arith.constant 1024 : i32
          %mul3A_1021 = arith.muli %add3A_1019, %mul3A_1020 : i32
          %gather3A_1022 = tpu.memref_slice %arg12[%mul3A_1021] : memref<65536xf32, #tpu.memory_space<vmem>> -> memref<1024xf32, #tpu.memory_space<vmem>>
          %gather3A_1023 = tpu.vector_load_idx %gather3A_1022[%gather3A_265] : memref<1024xf32, #tpu.memory_space<vmem>>[vector<16xi32>], vector<16xf32>,
          %mul3A_1024 = arith.mulf %get3A_556, %gather3A_1023 : vector<16xf32>
          %add3A_1025 = arith.addf %add3A_1017, %mul3A_1024 : vector<16xf32>
          %add3A_1026 = arith.constant 3 : i32
          %add3A_1027 = arith.addi %mul3A_530, %add3A_1026 : i32
          %mul3A_1028 = arith.constant 1024 : i32
          %mul3A_1029 = arith.muli %add3A_1027, %mul3A_1028 : i32
          %gather3A_1030 = tpu.memref_slice %arg12[%mul3A_1029] : memref<65536xf32, #tpu.memory_space<vmem>> -> memref<1024xf32, #tpu.memory_space<vmem>>
          %gather3A_1031 = tpu.vector_load_idx %gather3A_1030[%gather3A_265] : memref<1024xf32, #tpu.memory_space<vmem>>[vector<16xi32>], vector<16xf32>,
          %mul3A_1032 = arith.mulf %get3A_565, %gather3A_1031 : vector<16xf32>
          %add3A_1033 = arith.addf %add3A_1025, %mul3A_1032 : vector<16xf32>
          %add3A_1034 = arith.constant 4 : i32
          %add3A_1035 = arith.addi %mul3A_530, %add3A_1034 : i32
          %mul3A_1036 = arith.constant 1024 : i32
          %mul3A_1037 = arith.muli %add3A_1035, %mul3A_1036 : i32
          %gather3A_1038 = tpu.memref_slice %arg12[%mul3A_1037] : memref<65536xf32, #tpu.memory_space<vmem>> -> memref<1024xf32, #tpu.memory_space<vmem>>
          %gather3A_1039 = tpu.vector_load_idx %gather3A_1038[%gather3A_265] : memref<1024xf32, #tpu.memory_space<vmem>>[vector<16xi32>], vector<16xf32>,
          %mul3A_1040 = arith.mulf %get3A_574, %gather3A_1039 : vector<16xf32>
          %add3A_1041 = arith.addf %add3A_1033, %mul3A_1040 : vector<16xf32>
          %add3A_1042 = arith.constant 5 : i32
          %add3A_1043 = arith.addi %mul3A_530, %add3A_1042 : i32
          %mul3A_1044 = arith.constant 1024 : i32
          %mul3A_1045 = arith.muli %add3A_1043, %mul3A_1044 : i32
          %gather3A_1046 = tpu.memref_slice %arg12[%mul3A_1045] : memref<65536xf32, #tpu.memory_space<vmem>> -> memref<1024xf32, #tpu.memory_space<vmem>>
          %gather3A_1047 = tpu.vector_load_idx %gather3A_1046[%gather3A_265] : memref<1024xf32, #tpu.memory_space<vmem>>[vector<16xi32>], vector<16xf32>,
          %mul3A_1048 = arith.mulf %get3A_583, %gather3A_1047 : vector<16xf32>
          %add3A_1049 = arith.addf %add3A_1041, %mul3A_1048 : vector<16xf32>
          %add3A_1050 = arith.constant 6 : i32
          %add3A_1051 = arith.addi %mul3A_530, %add3A_1050 : i32
          %mul3A_1052 = arith.constant 1024 : i32
          %mul3A_1053 = arith.muli %add3A_1051, %mul3A_1052 : i32
          %gather3A_1054 = tpu.memref_slice %arg12[%mul3A_1053] : memref<65536xf32, #tpu.memory_space<vmem>> -> memref<1024xf32, #tpu.memory_space<vmem>>
          %gather3A_1055 = tpu.vector_load_idx %gather3A_1054[%gather3A_265] : memref<1024xf32, #tpu.memory_space<vmem>>[vector<16xi32>], vector<16xf32>,
          %mul3A_1056 = arith.mulf %get3A_592, %gather3A_1055 : vector<16xf32>
          %add3A_1057 = arith.addf %add3A_1049, %mul3A_1056 : vector<16xf32>
          %add3A_1058 = arith.constant 7 : i32
          %add3A_1059 = arith.addi %mul3A_530, %add3A_1058 : i32
          %mul3A_1060 = arith.constant 1024 : i32
          %mul3A_1061 = arith.muli %add3A_1059, %mul3A_1060 : i32
          %gather3A_1062 = tpu.memref_slice %arg12[%mul3A_1061] : memref<65536xf32, #tpu.memory_space<vmem>> -> memref<1024xf32, #tpu.memory_space<vmem>>
          %gather3A_1063 = tpu.vector_load_idx %gather3A_1062[%gather3A_265] : memref<1024xf32, #tpu.memory_space<vmem>>[vector<16xi32>], vector<16xf32>,
          %mul3A_1064 = arith.mulf %get3A_601, %gather3A_1063 : vector<16xf32>
          %add3A_1065 = arith.addf %add3A_1057, %mul3A_1064 : vector<16xf32>
          %add3A_1066 = arith.constant 0 : i32
          %add3A_1067 = arith.addi %mul3A_530, %add3A_1066 : i32
          %mul3A_1068 = arith.constant 1024 : i32
          %mul3A_1069 = arith.muli %add3A_1067, %mul3A_1068 : i32
          %gather3A_1070 = tpu.memref_slice %arg12[%mul3A_1069] : memref<65536xf32, #tpu.memory_space<vmem>> -> memref<1024xf32, #tpu.memory_space<vmem>>
          %gather3A_1071 = tpu.vector_load_idx %gather3A_1070[%gather3A_270] : memref<1024xf32, #tpu.memory_space<vmem>>[vector<16xi32>], vector<16xf32>,
          %mul3A_1072 = arith.mulf %get3A_538, %gather3A_1071 : vector<16xf32>
          %add3A_1073 = arith.addf %scan3A_527, %mul3A_1072 : vector<16xf32>
          %add3A_1074 = arith.constant 1 : i32
          %add3A_1075 = arith.addi %mul3A_530, %add3A_1074 : i32
          %mul3A_1076 = arith.constant 1024 : i32
          %mul3A_1077 = arith.muli %add3A_1075, %mul3A_1076 : i32
          %gather3A_1078 = tpu.memref_slice %arg12[%mul3A_1077] : memref<65536xf32, #tpu.memory_space<vmem>> -> memref<1024xf32, #tpu.memory_space<vmem>>
          %gather3A_1079 = tpu.vector_load_idx %gather3A_1078[%gather3A_270] : memref<1024xf32, #tpu.memory_space<vmem>>[vector<16xi32>], vector<16xf32>,
          %mul3A_1080 = arith.mulf %get3A_547, %gather3A_1079 : vector<16xf32>
          %add3A_1081 = arith.addf %add3A_1073, %mul3A_1080 : vector<16xf32>
          %add3A_1082 = arith.constant 2 : i32
          %add3A_1083 = arith.addi %mul3A_530, %add3A_1082 : i32
          %mul3A_1084 = arith.constant 1024 : i32
          %mul3A_1085 = arith.muli %add3A_1083, %mul3A_1084 : i32
          %gather3A_1086 = tpu.memref_slice %arg12[%mul3A_1085] : memref<65536xf32, #tpu.memory_space<vmem>> -> memref<1024xf32, #tpu.memory_space<vmem>>
          %gather3A_1087 = tpu.vector_load_idx %gather3A_1086[%gather3A_270] : memref<1024xf32, #tpu.memory_space<vmem>>[vector<16xi32>], vector<16xf32>,
          %mul3A_1088 = arith.mulf %get3A_556, %gather3A_1087 : vector<16xf32>
          %add3A_1089 = arith.addf %add3A_1081, %mul3A_1088 : vector<16xf32>
          %add3A_1090 = arith.constant 3 : i32
          %add3A_1091 = arith.addi %mul3A_530, %add3A_1090 : i32
          %mul3A_1092 = arith.constant 1024 : i32
          %mul3A_1093 = arith.muli %add3A_1091, %mul3A_1092 : i32
          %gather3A_1094 = tpu.memref_slice %arg12[%mul3A_1093] : memref<65536xf32, #tpu.memory_space<vmem>> -> memref<1024xf32, #tpu.memory_space<vmem>>
          %gather3A_1095 = tpu.vector_load_idx %gather3A_1094[%gather3A_270] : memref<1024xf32, #tpu.memory_space<vmem>>[vector<16xi32>], vector<16xf32>,
          %mul3A_1096 = arith.mulf %get3A_565, %gather3A_1095 : vector<16xf32>
          %add3A_1097 = arith.addf %add3A_1089, %mul3A_1096 : vector<16xf32>
          %add3A_1098 = arith.constant 4 : i32
          %add3A_1099 = arith.addi %mul3A_530, %add3A_1098 : i32
          %mul3A_1100 = arith.constant 1024 : i32
          %mul3A_1101 = arith.muli %add3A_1099, %mul3A_1100 : i32
          %gather3A_1102 = tpu.memref_slice %arg12[%mul3A_1101] : memref<65536xf32, #tpu.memory_space<vmem>> -> memref<1024xf32, #tpu.memory_space<vmem>>
          %gather3A_1103 = tpu.vector_load_idx %gather3A_1102[%gather3A_270] : memref<1024xf32, #tpu.memory_space<vmem>>[vector<16xi32>], vector<16xf32>,
          %mul3A_1104 = arith.mulf %get3A_574, %gather3A_1103 : vector<16xf32>
          %add3A_1105 = arith.addf %add3A_1097, %mul3A_1104 : vector<16xf32>
          %add3A_1106 = arith.constant 5 : i32
          %add3A_1107 = arith.addi %mul3A_530, %add3A_1106 : i32
          %mul3A_1108 = arith.constant 1024 : i32
          %mul3A_1109 = arith.muli %add3A_1107, %mul3A_1108 : i32
          %gather3A_1110 = tpu.memref_slice %arg12[%mul3A_1109] : memref<65536xf32, #tpu.memory_space<vmem>> -> memref<1024xf32, #tpu.memory_space<vmem>>
          %gather3A_1111 = tpu.vector_load_idx %gather3A_1110[%gather3A_270] : memref<1024xf32, #tpu.memory_space<vmem>>[vector<16xi32>], vector<16xf32>,
          %mul3A_1112 = arith.mulf %get3A_583, %gather3A_1111 : vector<16xf32>
          %add3A_1113 = arith.addf %add3A_1105, %mul3A_1112 : vector<16xf32>
          %add3A_1114 = arith.constant 6 : i32
          %add3A_1115 = arith.addi %mul3A_530, %add3A_1114 : i32
          %mul3A_1116 = arith.constant 1024 : i32
          %mul3A_1117 = arith.muli %add3A_1115, %mul3A_1116 : i32
          %gather3A_1118 = tpu.memref_slice %arg12[%mul3A_1117] : memref<65536xf32, #tpu.memory_space<vmem>> -> memref<1024xf32, #tpu.memory_space<vmem>>
          %gather3A_1119 = tpu.vector_load_idx %gather3A_1118[%gather3A_270] : memref<1024xf32, #tpu.memory_space<vmem>>[vector<16xi32>], vector<16xf32>,
          %mul3A_1120 = arith.mulf %get3A_592, %gather3A_1119 : vector<16xf32>
          %add3A_1121 = arith.addf %add3A_1113, %mul3A_1120 : vector<16xf32>
          %add3A_1122 = arith.constant 7 : i32
          %add3A_1123 = arith.addi %mul3A_530, %add3A_1122 : i32
          %mul3A_1124 = arith.constant 1024 : i32
          %mul3A_1125 = arith.muli %add3A_1123, %mul3A_1124 : i32
          %gather3A_1126 = tpu.memref_slice %arg12[%mul3A_1125] : memref<65536xf32, #tpu.memory_space<vmem>> -> memref<1024xf32, #tpu.memory_space<vmem>>
          %gather3A_1127 = tpu.vector_load_idx %gather3A_1126[%gather3A_270] : memref<1024xf32, #tpu.memory_space<vmem>>[vector<16xi32>], vector<16xf32>,
          %mul3A_1128 = arith.mulf %get3A_601, %gather3A_1127 : vector<16xf32>
          %add3A_1129 = arith.addf %add3A_1121, %mul3A_1128 : vector<16xf32>
          scf.yield %add3A_681, %add3A_745, %add3A_809, %add3A_873, %add3A_937, %add3A_1001, %add3A_1065, %add3A_1129, %add3A_617 : vector<16xf32>, vector<16xf32>, vector<16xf32>, vector<16xf32>, vector<16xf32>, vector<16xf32>, vector<16xf32>, vector<16xf32>, vector<16xf32>
        }
        %scan3A_276 = arith.constant 8 : i32
        %gather3A_277 = tpu.vector_load_idx %arg29[%gather3A] : memref<1024xf32, #tpu.memory_space<vmem>>[vector<16xi32>], vector<16xf32>,
        %gather3A_278 = tpu.vector_load_idx %arg29[%gather3A_240] : memref<1024xf32, #tpu.memory_space<vmem>>[vector<16xi32>], vector<16xf32>,
        %gather3A_279 = tpu.vector_load_idx %arg29[%gather3A_245] : memref<1024xf32, #tpu.memory_space<vmem>>[vector<16xi32>], vector<16xf32>,
        %gather3A_280 = tpu.vector_load_idx %arg29[%gather3A_250] : memref<1024xf32, #tpu.memory_space<vmem>>[vector<16xi32>], vector<16xf32>,
        %gather3A_281 = tpu.vector_load_idx %arg29[%gather3A_255] : memref<1024xf32, #tpu.memory_space<vmem>>[vector<16xi32>], vector<16xf32>,
        %gather3A_282 = tpu.vector_load_idx %arg29[%gather3A_260] : memref<1024xf32, #tpu.memory_space<vmem>>[vector<16xi32>], vector<16xf32>,
        %gather3A_283 = tpu.vector_load_idx %arg29[%gather3A_265] : memref<1024xf32, #tpu.memory_space<vmem>>[vector<16xi32>], vector<16xf32>,
        %gather3A_284 = tpu.vector_load_idx %arg29[%gather3A_270] : memref<1024xf32, #tpu.memory_space<vmem>>[vector<16xi32>], vector<16xf32>,
        %add3A_285 = arith.addf %gather3A_277, %scan3A_275#0 : vector<16xf32>
        %add3A_286 = arith.addf %gather3A_278, %scan3A_275#1 : vector<16xf32>
        %add3A_287 = arith.addf %gather3A_279, %scan3A_275#2 : vector<16xf32>
        %add3A_288 = arith.addf %gather3A_280, %scan3A_275#3 : vector<16xf32>
        %add3A_289 = arith.addf %gather3A_281, %scan3A_275#4 : vector<16xf32>
        %add3A_290 = arith.addf %gather3A_282, %scan3A_275#5 : vector<16xf32>
        %add3A_291 = arith.addf %gather3A_283, %scan3A_275#6 : vector<16xf32>
        %add3A_292 = arith.addf %gather3A_284, %scan3A_275#7 : vector<16xf32>
        %broadcast_in_dim3A_293 = arith.constant -5.000000e+00 : f32
        %broadcast_in_dim3A_294 = vector.broadcast %broadcast_in_dim3A_293 : f32 to vector<16xf32>
        %max3A = arith.maximumf %broadcast_in_dim3A_294, %add3A_285 : vector<16xf32>
        %max3A_295 = arith.maximumf %max3A, %add3A_286 : vector<16xf32>
        %max3A_296 = arith.maximumf %max3A_295, %add3A_287 : vector<16xf32>
        %max3A_297 = arith.maximumf %max3A_296, %add3A_288 : vector<16xf32>
        %max3A_298 = arith.maximumf %max3A_297, %add3A_289 : vector<16xf32>
        %max3A_299 = arith.maximumf %max3A_298, %add3A_290 : vector<16xf32>
        %max3A_300 = arith.maximumf %max3A_299, %add3A_291 : vector<16xf32>
        %max3A_301 = arith.maximumf %max3A_300, %add3A_292 : vector<16xf32>
        %sub3A = arith.subf %add3A_285, %max3A_301 : vector<16xf32>
        %exp3A = math.exp %sub3A : vector<16xf32>
        %sub3A_302 = arith.subf %add3A_286, %max3A_301 : vector<16xf32>
        %exp3A_303 = math.exp %sub3A_302 : vector<16xf32>
        %sub3A_304 = arith.subf %add3A_287, %max3A_301 : vector<16xf32>
        %exp3A_305 = math.exp %sub3A_304 : vector<16xf32>
        %sub3A_306 = arith.subf %add3A_288, %max3A_301 : vector<16xf32>
        %exp3A_307 = math.exp %sub3A_306 : vector<16xf32>
        %sub3A_308 = arith.subf %add3A_289, %max3A_301 : vector<16xf32>
        %exp3A_309 = math.exp %sub3A_308 : vector<16xf32>
        %sub3A_310 = arith.subf %add3A_290, %max3A_301 : vector<16xf32>
        %exp3A_311 = math.exp %sub3A_310 : vector<16xf32>
        %sub3A_312 = arith.subf %add3A_291, %max3A_301 : vector<16xf32>
        %exp3A_313 = math.exp %sub3A_312 : vector<16xf32>
        %sub3A_314 = arith.subf %add3A_292, %max3A_301 : vector<16xf32>
        %exp3A_315 = math.exp %sub3A_314 : vector<16xf32>
        %sub3A_316 = arith.constant -5.000000e+00 : f32
        %sub3A_317 = vector.broadcast %sub3A_316 : f32 to vector<16xf32>
        %sub3A_318 = arith.subf %sub3A_317, %max3A_301 : vector<16xf32>
        %exp3A_319 = math.exp %sub3A_318 : vector<16xf32>
        %add3A_320 = arith.addf %exp3A_319, %exp3A : vector<16xf32>
        %add3A_321 = arith.addf %add3A_320, %exp3A_303 : vector<16xf32>
        %add3A_322 = arith.addf %add3A_321, %exp3A_305 : vector<16xf32>
        %add3A_323 = arith.addf %add3A_322, %exp3A_307 : vector<16xf32>
        %add3A_324 = arith.addf %add3A_323, %exp3A_309 : vector<16xf32>
        %add3A_325 = arith.addf %add3A_324, %exp3A_311 : vector<16xf32>
        %add3A_326 = arith.addf %add3A_325, %exp3A_313 : vector<16xf32>
        %add3A_327 = arith.addf %add3A_326, %exp3A_315 : vector<16xf32>
        %div3A = arith.constant 1.000000e+00 : f32
        %div3A_328 = vector.broadcast %div3A : f32 to vector<16xf32>
        %div3A_329 = arith.divf %div3A_328, %add3A_327 : vector<16xf32>
        %mul3A_330 = arith.mulf %exp3A, %div3A_329 : vector<16xf32>
        %mul3A_331 = arith.mulf %exp3A_303, %div3A_329 : vector<16xf32>
        %mul3A_332 = arith.mulf %exp3A_305, %div3A_329 : vector<16xf32>
        %mul3A_333 = arith.mulf %exp3A_307, %div3A_329 : vector<16xf32>
        %mul3A_334 = arith.mulf %exp3A_309, %div3A_329 : vector<16xf32>
        %mul3A_335 = arith.mulf %exp3A_311, %div3A_329 : vector<16xf32>
        %mul3A_336 = arith.mulf %exp3A_313, %div3A_329 : vector<16xf32>
        %mul3A_337 = arith.mulf %exp3A_315, %div3A_329 : vector<16xf32>
        %mul3A_338 = arith.constant 16 : i32
        %mul3A_339 = arith.muli %scan3A_228, %mul3A_338 : i32
        %mul3A_340 = arith.constant 5.000000e-01 : f32
        %mul3A_341 = vector.broadcast %mul3A_340 : f32 to vector<16xf32>
        %mul3A_342 = arith.mulf %mul3A_341, %scan3A_275#8 : vector<16xf32>
        %sub3A_343 = arith.subf %max3A_301, %mul3A_342 : vector<16xf32>
        %swap3A = arith.index_cast %mul3A_339 : i32 to index
        %swap3A_344 = tpu.vector_load %arg23[%swap3A] {strides = array<i32>} : memref<64xf32, #tpu.memory_space<vmem>>, vector<16xf32>,
        tpu.vector_store %arg23[%swap3A], %sub3A_343 {strides = array<i32>} : memref<64xf32, #tpu.memory_space<vmem>>, vector<16xf32>,
        %swap3A_345 = arith.index_cast %mul3A_339 : i32 to index
        %swap3A_346 = tpu.vector_load %arg25[%swap3A_345] {strides = array<i32>} : memref<64xf32, #tpu.memory_space<vmem>>, vector<16xf32>,
        tpu.vector_store %arg25[%swap3A_345], %add3A_327 {strides = array<i32>} : memref<64xf32, #tpu.memory_space<vmem>>, vector<16xf32>,
        %mul3A_347 = arith.constant 5.000000e-01 : f32
        %mul3A_348 = vector.broadcast %mul3A_347 : f32 to vector<16xf32>
        %mul3A_349 = arith.mulf %mul3A_348, %scan3A_275#8 : vector<16xf32>
        %sub3A_350 = arith.constant -5.000000e+00 : f32
        %sub3A_351 = vector.broadcast %sub3A_350 : f32 to vector<16xf32>
        %sub3A_352 = arith.subf %sub3A_351, %mul3A_349 : vector<16xf32>
        %swap3A_353 = arith.index_cast %mul3A_339 : i32 to index
        %swap3A_354 = tpu.vector_load %arg27[%swap3A_353] {strides = array<i32>} : memref<64xf32, #tpu.memory_space<vmem>>, vector<16xf32>,
        tpu.vector_store %arg27[%swap3A_353], %sub3A_352 {strides = array<i32>} : memref<64xf32, #tpu.memory_space<vmem>>, vector<16xf32>,
        %mul3A_355 = arith.constant 4 : i32
        %mul3A_356 = arith.muli %add3A_172, %mul3A_355 : i32
        %add3A_357 = arith.addi %mul3A_356, %scan3A_228 : i32
        %mul3A_358 = arith.constant 128 : i32
        %mul3A_359 = arith.muli %add3A_357, %mul3A_358 : i32
        tpu.vector_store_idx %arg30[%gather3A], %mul3A_330 {add = true} : memref<1024xf32, #tpu.memory_space<vmem>>[vector<16xi32>], vector<16xf32>,
        %add3A_360 = arith.constant 0 : i32
        %add3A_361 = arith.addi %mul3A_359, %add3A_360 : i32
        %swap3A_362 = arith.index_cast %add3A_361 : i32 to index
        %swap3A_363 = tpu.vector_load %arg13[%swap3A_362] {strides = array<i32>} : memref<32768xf32, #tpu.memory_space<vmem>>, vector<16xf32>,
        tpu.vector_store %arg13[%swap3A_362], %mul3A_330 {strides = array<i32>} : memref<32768xf32, #tpu.memory_space<vmem>>, vector<16xf32>,
        tpu.vector_store_idx %arg30[%gather3A_240], %mul3A_331 {add = true} : memref<1024xf32, #tpu.memory_space<vmem>>[vector<16xi32>], vector<16xf32>,
        %add3A_364 = arith.constant 16 : i32
        %add3A_365 = arith.addi %mul3A_359, %add3A_364 : i32
        %swap3A_366 = arith.index_cast %add3A_365 : i32 to index
        %swap3A_367 = tpu.vector_load %arg13[%swap3A_366] {strides = array<i32>} : memref<32768xf32, #tpu.memory_space<vmem>>, vector<16xf32>,
        tpu.vector_store %arg13[%swap3A_366], %mul3A_331 {strides = array<i32>} : memref<32768xf32, #tpu.memory_space<vmem>>, vector<16xf32>,
        tpu.vector_store_idx %arg30[%gather3A_245], %mul3A_332 {add = true} : memref<1024xf32, #tpu.memory_space<vmem>>[vector<16xi32>], vector<16xf32>,
        %add3A_368 = arith.constant 32 : i32
        %add3A_369 = arith.addi %mul3A_359, %add3A_368 : i32
        %swap3A_370 = arith.index_cast %add3A_369 : i32 to index
        %swap3A_371 = tpu.vector_load %arg13[%swap3A_370] {strides = array<i32>} : memref<32768xf32, #tpu.memory_space<vmem>>, vector<16xf32>,
        tpu.vector_store %arg13[%swap3A_370], %mul3A_332 {strides = array<i32>} : memref<32768xf32, #tpu.memory_space<vmem>>, vector<16xf32>,
        tpu.vector_store_idx %arg30[%gather3A_250], %mul3A_333 {add = true} : memref<1024xf32, #tpu.memory_space<vmem>>[vector<16xi32>], vector<16xf32>,
        %add3A_372 = arith.constant 48 : i32
        %add3A_373 = arith.addi %mul3A_359, %add3A_372 : i32
        %swap3A_374 = arith.index_cast %add3A_373 : i32 to index
        %swap3A_375 = tpu.vector_load %arg13[%swap3A_374] {strides = array<i32>} : memref<32768xf32, #tpu.memory_space<vmem>>, vector<16xf32>,
        tpu.vector_store %arg13[%swap3A_374], %mul3A_333 {strides = array<i32>} : memref<32768xf32, #tpu.memory_space<vmem>>, vector<16xf32>,
        tpu.vector_store_idx %arg30[%gather3A_255], %mul3A_334 {add = true} : memref<1024xf32, #tpu.memory_space<vmem>>[vector<16xi32>], vector<16xf32>,
        %add3A_376 = arith.constant 64 : i32
        %add3A_377 = arith.addi %mul3A_359, %add3A_376 : i32
        %swap3A_378 = arith.index_cast %add3A_377 : i32 to index
        %swap3A_379 = tpu.vector_load %arg13[%swap3A_378] {strides = array<i32>} : memref<32768xf32, #tpu.memory_space<vmem>>, vector<16xf32>,
        tpu.vector_store %arg13[%swap3A_378], %mul3A_334 {strides = array<i32>} : memref<32768xf32, #tpu.memory_space<vmem>>, vector<16xf32>,
        tpu.vector_store_idx %arg30[%gather3A_260], %mul3A_335 {add = true} : memref<1024xf32, #tpu.memory_space<vmem>>[vector<16xi32>], vector<16xf32>,
        %add3A_380 = arith.constant 80 : i32
        %add3A_381 = arith.addi %mul3A_359, %add3A_380 : i32
        %swap3A_382 = arith.index_cast %add3A_381 : i32 to index
        %swap3A_383 = tpu.vector_load %arg13[%swap3A_382] {strides = array<i32>} : memref<32768xf32, #tpu.memory_space<vmem>>, vector<16xf32>,
        tpu.vector_store %arg13[%swap3A_382], %mul3A_335 {strides = array<i32>} : memref<32768xf32, #tpu.memory_space<vmem>>, vector<16xf32>,
        tpu.vector_store_idx %arg30[%gather3A_265], %mul3A_336 {add = true} : memref<1024xf32, #tpu.memory_space<vmem>>[vector<16xi32>], vector<16xf32>,
        %add3A_384 = arith.constant 96 : i32
        %add3A_385 = arith.addi %mul3A_359, %add3A_384 : i32
        %swap3A_386 = arith.index_cast %add3A_385 : i32 to index
        %swap3A_387 = tpu.vector_load %arg13[%swap3A_386] {strides = array<i32>} : memref<32768xf32, #tpu.memory_space<vmem>>, vector<16xf32>,
        tpu.vector_store %arg13[%swap3A_386], %mul3A_336 {strides = array<i32>} : memref<32768xf32, #tpu.memory_space<vmem>>, vector<16xf32>,
        tpu.vector_store_idx %arg30[%gather3A_270], %mul3A_337 {add = true} : memref<1024xf32, #tpu.memory_space<vmem>>[vector<16xi32>], vector<16xf32>,
        %add3A_388 = arith.constant 112 : i32
        %add3A_389 = arith.addi %mul3A_359, %add3A_388 : i32
        %swap3A_390 = arith.index_cast %add3A_389 : i32 to index
        %swap3A_391 = tpu.vector_load %arg13[%swap3A_390] {strides = array<i32>} : memref<32768xf32, #tpu.memory_space<vmem>>, vector<16xf32>,
        tpu.vector_store %arg13[%swap3A_390], %mul3A_337 {strides = array<i32>} : memref<32768xf32, #tpu.memory_space<vmem>>, vector<16xf32>,
        %ge3A_392 = arith.cmpf oge, %add3A_285, %add3A_286 : vector<16xf32>
        %select_n3A = arith.select %ge3A_392, %add3A_285, %add3A_286 : vector<16xi1>, vector<16xf32>
        %select_n3A_393 = arith.select %ge3A_392, %add3A_286, %add3A_285 : vector<16xi1>, vector<16xf32>
        %select_n3A_394 = arith.select %ge3A_392, %gather3A, %gather3A_240 : vector<16xi1>, vector<16xi32>
        %select_n3A_395 = arith.select %ge3A_392, %gather3A_240, %gather3A : vector<16xi1>, vector<16xi32>
        %ge3A_396 = arith.cmpf oge, %add3A_287, %add3A_288 : vector<16xf32>
        %select_n3A_397 = arith.select %ge3A_396, %add3A_287, %add3A_288 : vector<16xi1>, vector<16xf32>
        %select_n3A_398 = arith.select %ge3A_396, %add3A_288, %add3A_287 : vector<16xi1>, vector<16xf32>
        %select_n3A_399 = arith.select %ge3A_396, %gather3A_245, %gather3A_250 : vector<16xi1>, vector<16xi32>
        %select_n3A_400 = arith.select %ge3A_396, %gather3A_250, %gather3A_245 : vector<16xi1>, vector<16xi32>
        %ge3A_401 = arith.cmpf oge, %add3A_289, %add3A_290 : vector<16xf32>
        %select_n3A_402 = arith.select %ge3A_401, %add3A_289, %add3A_290 : vector<16xi1>, vector<16xf32>
        %select_n3A_403 = arith.select %ge3A_401, %add3A_290, %add3A_289 : vector<16xi1>, vector<16xf32>
        %select_n3A_404 = arith.select %ge3A_401, %gather3A_255, %gather3A_260 : vector<16xi1>, vector<16xi32>
        %select_n3A_405 = arith.select %ge3A_401, %gather3A_260, %gather3A_255 : vector<16xi1>, vector<16xi32>
        %ge3A_406 = arith.cmpf oge, %add3A_291, %add3A_292 : vector<16xf32>
        %select_n3A_407 = arith.select %ge3A_406, %add3A_291, %add3A_292 : vector<16xi1>, vector<16xf32>
        %select_n3A_408 = arith.select %ge3A_406, %add3A_292, %add3A_291 : vector<16xi1>, vector<16xf32>
        %select_n3A_409 = arith.select %ge3A_406, %gather3A_265, %gather3A_270 : vector<16xi1>, vector<16xi32>
        %select_n3A_410 = arith.select %ge3A_406, %gather3A_270, %gather3A_265 : vector<16xi1>, vector<16xi32>
        %ge3A_411 = arith.cmpf oge, %select_n3A, %select_n3A_397 : vector<16xf32>
        %select_n3A_412 = arith.select %ge3A_411, %select_n3A, %select_n3A_397 : vector<16xi1>, vector<16xf32>
        %select_n3A_413 = arith.select %ge3A_411, %select_n3A_397, %select_n3A : vector<16xi1>, vector<16xf32>
        %select_n3A_414 = arith.select %ge3A_411, %select_n3A_394, %select_n3A_399 : vector<16xi1>, vector<16xi32>
        %select_n3A_415 = arith.select %ge3A_411, %select_n3A_399, %select_n3A_394 : vector<16xi1>, vector<16xi32>
        %ge3A_416 = arith.cmpf oge, %select_n3A_393, %select_n3A_398 : vector<16xf32>
        %select_n3A_417 = arith.select %ge3A_416, %select_n3A_393, %select_n3A_398 : vector<16xi1>, vector<16xf32>
        %select_n3A_418 = arith.select %ge3A_416, %select_n3A_398, %select_n3A_393 : vector<16xi1>, vector<16xf32>
        %select_n3A_419 = arith.select %ge3A_416, %select_n3A_395, %select_n3A_400 : vector<16xi1>, vector<16xi32>
        %select_n3A_420 = arith.select %ge3A_416, %select_n3A_400, %select_n3A_395 : vector<16xi1>, vector<16xi32>
        %ge3A_421 = arith.cmpf oge, %select_n3A_402, %select_n3A_407 : vector<16xf32>
        %select_n3A_422 = arith.select %ge3A_421, %select_n3A_402, %select_n3A_407 : vector<16xi1>, vector<16xf32>
        %select_n3A_423 = arith.select %ge3A_421, %select_n3A_407, %select_n3A_402 : vector<16xi1>, vector<16xf32>
        %select_n3A_424 = arith.select %ge3A_421, %select_n3A_404, %select_n3A_409 : vector<16xi1>, vector<16xi32>
        %select_n3A_425 = arith.select %ge3A_421, %select_n3A_409, %select_n3A_404 : vector<16xi1>, vector<16xi32>
        %ge3A_426 = arith.cmpf oge, %select_n3A_403, %select_n3A_408 : vector<16xf32>
        %select_n3A_427 = arith.select %ge3A_426, %select_n3A_403, %select_n3A_408 : vector<16xi1>, vector<16xf32>
        %select_n3A_428 = arith.select %ge3A_426, %select_n3A_408, %select_n3A_403 : vector<16xi1>, vector<16xf32>
        %select_n3A_429 = arith.select %ge3A_426, %select_n3A_405, %select_n3A_410 : vector<16xi1>, vector<16xi32>
        %select_n3A_430 = arith.select %ge3A_426, %select_n3A_410, %select_n3A_405 : vector<16xi1>, vector<16xi32>
        %ge3A_431 = arith.cmpf oge, %select_n3A_417, %select_n3A_413 : vector<16xf32>
        %select_n3A_432 = arith.select %ge3A_431, %select_n3A_417, %select_n3A_413 : vector<16xi1>, vector<16xf32>
        %select_n3A_433 = arith.select %ge3A_431, %select_n3A_413, %select_n3A_417 : vector<16xi1>, vector<16xf32>
        %select_n3A_434 = arith.select %ge3A_431, %select_n3A_419, %select_n3A_415 : vector<16xi1>, vector<16xi32>
        %select_n3A_435 = arith.select %ge3A_431, %select_n3A_415, %select_n3A_419 : vector<16xi1>, vector<16xi32>
        %ge3A_436 = arith.cmpf oge, %select_n3A_427, %select_n3A_423 : vector<16xf32>
        %select_n3A_437 = arith.select %ge3A_436, %select_n3A_427, %select_n3A_423 : vector<16xi1>, vector<16xf32>
        %select_n3A_438 = arith.select %ge3A_436, %select_n3A_423, %select_n3A_427 : vector<16xi1>, vector<16xf32>
        %select_n3A_439 = arith.select %ge3A_436, %select_n3A_429, %select_n3A_425 : vector<16xi1>, vector<16xi32>
        %select_n3A_440 = arith.select %ge3A_436, %select_n3A_425, %select_n3A_429 : vector<16xi1>, vector<16xi32>
        %ge3A_441 = arith.cmpf oge, %select_n3A_412, %select_n3A_422 : vector<16xf32>
        %select_n3A_442 = arith.select %ge3A_441, %select_n3A_412, %select_n3A_422 : vector<16xi1>, vector<16xf32>
        %select_n3A_443 = arith.select %ge3A_441, %select_n3A_422, %select_n3A_412 : vector<16xi1>, vector<16xf32>
        %select_n3A_444 = arith.select %ge3A_441, %select_n3A_414, %select_n3A_424 : vector<16xi1>, vector<16xi32>
        %select_n3A_445 = arith.select %ge3A_441, %select_n3A_424, %select_n3A_414 : vector<16xi1>, vector<16xi32>
        %ge3A_446 = arith.cmpf oge, %select_n3A_432, %select_n3A_437 : vector<16xf32>
        %select_n3A_447 = arith.select %ge3A_446, %select_n3A_432, %select_n3A_437 : vector<16xi1>, vector<16xf32>
        %select_n3A_448 = arith.select %ge3A_446, %select_n3A_437, %select_n3A_432 : vector<16xi1>, vector<16xf32>
        %select_n3A_449 = arith.select %ge3A_446, %select_n3A_434, %select_n3A_439 : vector<16xi1>, vector<16xi32>
        %select_n3A_450 = arith.select %ge3A_446, %select_n3A_439, %select_n3A_434 : vector<16xi1>, vector<16xi32>
        %ge3A_451 = arith.cmpf oge, %select_n3A_433, %select_n3A_438 : vector<16xf32>
        %select_n3A_452 = arith.select %ge3A_451, %select_n3A_433, %select_n3A_438 : vector<16xi1>, vector<16xf32>
        %select_n3A_453 = arith.select %ge3A_451, %select_n3A_438, %select_n3A_433 : vector<16xi1>, vector<16xf32>
        %select_n3A_454 = arith.select %ge3A_451, %select_n3A_435, %select_n3A_440 : vector<16xi1>, vector<16xi32>
        %select_n3A_455 = arith.select %ge3A_451, %select_n3A_440, %select_n3A_435 : vector<16xi1>, vector<16xi32>
        %ge3A_456 = arith.cmpf oge, %select_n3A_418, %select_n3A_428 : vector<16xf32>
        %select_n3A_457 = arith.select %ge3A_456, %select_n3A_418, %select_n3A_428 : vector<16xi1>, vector<16xf32>
        %select_n3A_458 = arith.select %ge3A_456, %select_n3A_428, %select_n3A_418 : vector<16xi1>, vector<16xf32>
        %select_n3A_459 = arith.select %ge3A_456, %select_n3A_420, %select_n3A_430 : vector<16xi1>, vector<16xi32>
        %select_n3A_460 = arith.select %ge3A_456, %select_n3A_430, %select_n3A_420 : vector<16xi1>, vector<16xi32>
        %ge3A_461 = arith.cmpf oge, %select_n3A_452, %select_n3A_443 : vector<16xf32>
        %select_n3A_462 = arith.select %ge3A_461, %select_n3A_452, %select_n3A_443 : vector<16xi1>, vector<16xf32>
        %select_n3A_463 = arith.select %ge3A_461, %select_n3A_443, %select_n3A_452 : vector<16xi1>, vector<16xf32>
        %select_n3A_464 = arith.select %ge3A_461, %select_n3A_454, %select_n3A_445 : vector<16xi1>, vector<16xi32>
        %select_n3A_465 = arith.select %ge3A_461, %select_n3A_445, %select_n3A_454 : vector<16xi1>, vector<16xi32>
        %ge3A_466 = arith.cmpf oge, %select_n3A_457, %select_n3A_448 : vector<16xf32>
        %select_n3A_467 = arith.select %ge3A_466, %select_n3A_457, %select_n3A_448 : vector<16xi1>, vector<16xf32>
        %select_n3A_468 = arith.select %ge3A_466, %select_n3A_448, %select_n3A_457 : vector<16xi1>, vector<16xf32>
        %select_n3A_469 = arith.select %ge3A_466, %select_n3A_459, %select_n3A_450 : vector<16xi1>, vector<16xi32>
        %select_n3A_470 = arith.select %ge3A_466, %select_n3A_450, %select_n3A_459 : vector<16xi1>, vector<16xi32>
        %ge3A_471 = arith.cmpf oge, %select_n3A_447, %select_n3A_462 : vector<16xf32>
        %select_n3A_472 = arith.select %ge3A_471, %select_n3A_447, %select_n3A_462 : vector<16xi1>, vector<16xf32>
        %select_n3A_473 = arith.select %ge3A_471, %select_n3A_462, %select_n3A_447 : vector<16xi1>, vector<16xf32>
        %select_n3A_474 = arith.select %ge3A_471, %select_n3A_449, %select_n3A_464 : vector<16xi1>, vector<16xi32>
        %select_n3A_475 = arith.select %ge3A_471, %select_n3A_464, %select_n3A_449 : vector<16xi1>, vector<16xi32>
        %ge3A_476 = arith.cmpf oge, %select_n3A_467, %select_n3A_463 : vector<16xf32>
        %select_n3A_477 = arith.select %ge3A_476, %select_n3A_467, %select_n3A_463 : vector<16xi1>, vector<16xf32>
        %select_n3A_478 = arith.select %ge3A_476, %select_n3A_463, %select_n3A_467 : vector<16xi1>, vector<16xf32>
        %select_n3A_479 = arith.select %ge3A_476, %select_n3A_469, %select_n3A_465 : vector<16xi1>, vector<16xi32>
        %select_n3A_480 = arith.select %ge3A_476, %select_n3A_465, %select_n3A_469 : vector<16xi1>, vector<16xi32>
        %ge3A_481 = arith.cmpf oge, %select_n3A_468, %select_n3A_453 : vector<16xf32>
        %select_n3A_482 = arith.select %ge3A_481, %select_n3A_468, %select_n3A_453 : vector<16xi1>, vector<16xf32>
        %select_n3A_483 = arith.select %ge3A_481, %select_n3A_453, %select_n3A_468 : vector<16xi1>, vector<16xf32>
        %select_n3A_484 = arith.select %ge3A_481, %select_n3A_470, %select_n3A_455 : vector<16xi1>, vector<16xi32>
        %select_n3A_485 = arith.select %ge3A_481, %select_n3A_455, %select_n3A_470 : vector<16xi1>, vector<16xi32>
        %add3A_486 = arith.constant 0 : i32
        %add3A_487 = arith.addi %mul3A_231, %add3A_486 : i32
        %add3A_488 = vector.broadcast %add3A_487 : i32 to vector<16xi32>
        %add3A_489 = arith.addi %mul3A_3, %add3A_488 : vector<16xi32>
        tpu.vector_store_idx %arg21[%add3A_489], %select_n3A_444 : memref<512xi32, #tpu.memory_space<vmem>>[vector<16xi32>], vector<16xi32>,
        %add3A_490 = arith.constant 1 : i32
        %add3A_491 = arith.addi %mul3A_231, %add3A_490 : i32
        %add3A_492 = vector.broadcast %add3A_491 : i32 to vector<16xi32>
        %add3A_493 = arith.addi %mul3A_3, %add3A_492 : vector<16xi32>
        tpu.vector_store_idx %arg21[%add3A_493], %select_n3A_474 : memref<512xi32, #tpu.memory_space<vmem>>[vector<16xi32>], vector<16xi32>,
        %add3A_494 = arith.constant 2 : i32
        %add3A_495 = arith.addi %mul3A_231, %add3A_494 : i32
        %add3A_496 = vector.broadcast %add3A_495 : i32 to vector<16xi32>
        %add3A_497 = arith.addi %mul3A_3, %add3A_496 : vector<16xi32>
        tpu.vector_store_idx %arg21[%add3A_497], %select_n3A_475 : memref<512xi32, #tpu.memory_space<vmem>>[vector<16xi32>], vector<16xi32>,
        %add3A_498 = arith.constant 3 : i32
        %add3A_499 = arith.addi %mul3A_231, %add3A_498 : i32
        %add3A_500 = vector.broadcast %add3A_499 : i32 to vector<16xi32>
        %add3A_501 = arith.addi %mul3A_3, %add3A_500 : vector<16xi32>
        tpu.vector_store_idx %arg21[%add3A_501], %select_n3A_479 : memref<512xi32, #tpu.memory_space<vmem>>[vector<16xi32>], vector<16xi32>,
        %add3A_502 = arith.constant 4 : i32
        %add3A_503 = arith.addi %mul3A_231, %add3A_502 : i32
        %add3A_504 = vector.broadcast %add3A_503 : i32 to vector<16xi32>
        %add3A_505 = arith.addi %mul3A_3, %add3A_504 : vector<16xi32>
        tpu.vector_store_idx %arg21[%add3A_505], %select_n3A_480 : memref<512xi32, #tpu.memory_space<vmem>>[vector<16xi32>], vector<16xi32>,
        %add3A_506 = arith.constant 5 : i32
        %add3A_507 = arith.addi %mul3A_231, %add3A_506 : i32
        %add3A_508 = vector.broadcast %add3A_507 : i32 to vector<16xi32>
        %add3A_509 = arith.addi %mul3A_3, %add3A_508 : vector<16xi32>
        tpu.vector_store_idx %arg21[%add3A_509], %select_n3A_484 : memref<512xi32, #tpu.memory_space<vmem>>[vector<16xi32>], vector<16xi32>,
        %add3A_510 = arith.constant 6 : i32
        %add3A_511 = arith.addi %mul3A_231, %add3A_510 : i32
        %add3A_512 = vector.broadcast %add3A_511 : i32 to vector<16xi32>
        %add3A_513 = arith.addi %mul3A_3, %add3A_512 : vector<16xi32>
        tpu.vector_store_idx %arg21[%add3A_513], %select_n3A_485 : memref<512xi32, #tpu.memory_space<vmem>>[vector<16xi32>], vector<16xi32>,
        %add3A_514 = arith.constant 7 : i32
        %add3A_515 = arith.addi %mul3A_231, %add3A_514 : i32
        %add3A_516 = vector.broadcast %add3A_515 : i32 to vector<16xi32>
        %add3A_517 = arith.addi %mul3A_3, %add3A_516 : vector<16xi32>
        tpu.vector_store_idx %arg21[%add3A_517], %select_n3A_460 : memref<512xi32, #tpu.memory_space<vmem>>[vector<16xi32>], vector<16xi32>,
        %scan3A_518 = arith.constant 0 : i32
        scf.yield %scan3A_518 : i32
      }
      %scan3A_204 = arith.constant 4 : i32
      %mul3A_205 = arith.constant 4096 : i32
      %mul3A_206 = arith.muli %add3A, %mul3A_205 : i32
      %mul3A_207 = arith.constant 64 : i32
      %mul3A_208 = arith.muli %add3A_172, %mul3A_207 : i32
      %add3A_209 = arith.addi %mul3A_206, %mul3A_208 : i32
      %mul3A_210 = arith.constant 8 : i32
      %mul3A_211 = arith.muli %add3A_209, %mul3A_210 : i32
      %dma_start3A_212 = tpu.memref_slice %arg8[%mul3A_211] : memref<1048576xi32, #tpu.memory_space<hbm>> -> memref<512xi32, #tpu.memory_space<hbm>>
      %dma_start3A_213 = tpu.memref_slice %arg8[%mul3A_211] : memref<1048576xi32, #tpu.memory_space<hbm>> -> memref<512xi32, #tpu.memory_space<hbm>>
      tpu.enqueue_dma source(%arg21 : memref<512xi32, #tpu.memory_space<vmem>>) target(%dma_start3A_213 : memref<512xi32, #tpu.memory_space<hbm>>) target_semaphore(%arg34 : memref<!tpu.dma_semaphore, #tpu.memory_space<semaphore_mem>>)
      %dma_start3A_214 = tpu.memref_slice %arg9[%add3A_209] : memref<131072xf32, #tpu.memory_space<hbm>> -> memref<64xf32, #tpu.memory_space<hbm>>
      %dma_start3A_215 = tpu.memref_slice %arg9[%add3A_209] : memref<131072xf32, #tpu.memory_space<hbm>> -> memref<64xf32, #tpu.memory_space<hbm>>
      tpu.enqueue_dma source(%arg23 : memref<64xf32, #tpu.memory_space<vmem>>) target(%dma_start3A_215 : memref<64xf32, #tpu.memory_space<hbm>>) target_semaphore(%arg34 : memref<!tpu.dma_semaphore, #tpu.memory_space<semaphore_mem>>)
      %dma_start3A_216 = tpu.memref_slice %arg10[%add3A_209] : memref<131072xf32, #tpu.memory_space<hbm>> -> memref<64xf32, #tpu.memory_space<hbm>>
      %dma_start3A_217 = tpu.memref_slice %arg10[%add3A_209] : memref<131072xf32, #tpu.memory_space<hbm>> -> memref<64xf32, #tpu.memory_space<hbm>>
      tpu.enqueue_dma source(%arg25 : memref<64xf32, #tpu.memory_space<vmem>>) target(%dma_start3A_217 : memref<64xf32, #tpu.memory_space<hbm>>) target_semaphore(%arg34 : memref<!tpu.dma_semaphore, #tpu.memory_space<semaphore_mem>>)
      %dma_start3A_218 = tpu.memref_slice %arg11[%add3A_209] : memref<131072xf32, #tpu.memory_space<hbm>> -> memref<64xf32, #tpu.memory_space<hbm>>
      %dma_start3A_219 = tpu.memref_slice %arg11[%add3A_209] : memref<131072xf32, #tpu.memory_space<hbm>> -> memref<64xf32, #tpu.memory_space<hbm>>
      tpu.enqueue_dma source(%arg27 : memref<64xf32, #tpu.memory_space<vmem>>) target(%dma_start3A_219 : memref<64xf32, #tpu.memory_space<hbm>>) target_semaphore(%arg34 : memref<!tpu.dma_semaphore, #tpu.memory_space<semaphore_mem>>)
      %add3A_220 = arith.constant 2 : i32
      %add3A_221 = arith.addi %add3A_172, %add3A_220 : i32
      %lt3A_222 = arith.constant 64 : i32
      %lt3A_223 = arith.cmpi slt, %add3A_221, %lt3A_222 : i32
      %convert_element_type3A_224 = arith.extui %lt3A_223 : i1 to i32
      %cond3A_225 = arith.constant 0 : i32
      %cond3A_226 = arith.cmpi ne, %convert_element_type3A_224, %cond3A_225 : i32
      scf.if %cond3A_226 {
        %add3A_228 = arith.constant 2 : i32
        %add3A_229 = arith.addi %add3A_172, %add3A_228 : i32
        %mul3A_230 = arith.constant 4096 : i32
        %mul3A_231 = arith.muli %add3A, %mul3A_230 : i32
        %mul3A_232 = arith.constant 64 : i32
        %mul3A_233 = arith.muli %add3A_229, %mul3A_232 : i32
        %add3A_234 = arith.addi %mul3A_231, %mul3A_233 : i32
        %mul3A_235 = arith.constant 64 : i32
        %mul3A_236 = arith.muli %add3A_234, %mul3A_235 : i32
        %mul3A_237 = arith.constant 8 : i32
        %mul3A_238 = arith.muli %add3A_234, %mul3A_237 : i32
        %dma_start3A_239 = tpu.memref_slice %arg2[%mul3A_236] : memref<8388608xf32, #tpu.memory_space<hbm>> -> memref<4096xf32, #tpu.memory_space<hbm>>
        %dma_start3A_240 = tpu.memref_slice %arg2[%mul3A_236] : memref<8388608xf32, #tpu.memory_space<hbm>> -> memref<4096xf32, #tpu.memory_space<hbm>>
        tpu.enqueue_dma source(%dma_start3A_240 : memref<4096xf32, #tpu.memory_space<hbm>>) target(%arg15 : memref<4096xf32, #tpu.memory_space<vmem>>) target_semaphore(%arg32 : memref<!tpu.dma_semaphore, #tpu.memory_space<semaphore_mem>>)
        %dma_start3A_241 = tpu.memref_slice %arg3[%mul3A_238] : memref<1048576xi32, #tpu.memory_space<hbm>> -> memref<512xi32, #tpu.memory_space<hbm>>
        %dma_start3A_242 = tpu.memref_slice %arg3[%mul3A_238] : memref<1048576xi32, #tpu.memory_space<hbm>> -> memref<512xi32, #tpu.memory_space<hbm>>
        tpu.enqueue_dma source(%dma_start3A_242 : memref<512xi32, #tpu.memory_space<hbm>>) target(%arg19 : memref<512xi32, #tpu.memory_space<vmem>>) target_semaphore(%arg32 : memref<!tpu.dma_semaphore, #tpu.memory_space<semaphore_mem>>)
      } else {
      }
      %scan3A_227 = arith.constant 0 : i32
      scf.yield %scan3A_227 : i32
    }
    %scan3A_43 = arith.constant 32 : i32
    %mul3A_44 = arith.constant 4096 : i32
    %mul3A_45 = arith.muli %add3A, %mul3A_44 : i32
    %add3A_46 = arith.constant 0 : i32
    %add3A_47 = arith.addi %mul3A_45, %add3A_46 : i32
    %mul3A_48 = arith.constant 64 : i32
    %mul3A_49 = arith.muli %add3A_47, %mul3A_48 : i32
    %mul3A_50 = arith.constant 8 : i32
    %mul3A_51 = arith.muli %add3A_47, %mul3A_50 : i32
    %dma_start3A_52 = tpu.memref_slice %arg2[%mul3A_49] : memref<8388608xf32, #tpu.memory_space<hbm>> -> memref<4096xf32, #tpu.memory_space<hbm>>
    %dma_start3A_53 = tpu.memref_slice %arg2[%mul3A_49] : memref<8388608xf32, #tpu.memory_space<hbm>> -> memref<4096xf32, #tpu.memory_space<hbm>>
    tpu.enqueue_dma source(%dma_start3A_53 : memref<4096xf32, #tpu.memory_space<hbm>>) target(%arg14 : memref<4096xf32, #tpu.memory_space<vmem>>) target_semaphore(%arg31 : memref<!tpu.dma_semaphore, #tpu.memory_space<semaphore_mem>>)
    %dma_start3A_54 = tpu.memref_slice %arg3[%mul3A_51] : memref<1048576xi32, #tpu.memory_space<hbm>> -> memref<512xi32, #tpu.memory_space<hbm>>
    %dma_start3A_55 = tpu.memref_slice %arg3[%mul3A_51] : memref<1048576xi32, #tpu.memory_space<hbm>> -> memref<512xi32, #tpu.memory_space<hbm>>
    tpu.enqueue_dma source(%dma_start3A_55 : memref<512xi32, #tpu.memory_space<hbm>>) target(%arg18 : memref<512xi32, #tpu.memory_space<vmem>>) target_semaphore(%arg31 : memref<!tpu.dma_semaphore, #tpu.memory_space<semaphore_mem>>)
    %mul3A_56 = arith.constant 4096 : i32
    %mul3A_57 = arith.muli %add3A, %mul3A_56 : i32
    %add3A_58 = arith.constant 64 : i32
    %add3A_59 = arith.addi %mul3A_57, %add3A_58 : i32
    %mul3A_60 = arith.constant 64 : i32
    %mul3A_61 = arith.muli %add3A_59, %mul3A_60 : i32
    %mul3A_62 = arith.constant 8 : i32
    %mul3A_63 = arith.muli %add3A_59, %mul3A_62 : i32
    %dma_start3A_64 = tpu.memref_slice %arg2[%mul3A_61] : memref<8388608xf32, #tpu.memory_space<hbm>> -> memref<4096xf32, #tpu.memory_space<hbm>>
    %dma_start3A_65 = tpu.memref_slice %arg2[%mul3A_61] : memref<8388608xf32, #tpu.memory_space<hbm>> -> memref<4096xf32, #tpu.memory_space<hbm>>
    tpu.enqueue_dma source(%dma_start3A_65 : memref<4096xf32, #tpu.memory_space<hbm>>) target(%arg15 : memref<4096xf32, #tpu.memory_space<vmem>>) target_semaphore(%arg32 : memref<!tpu.dma_semaphore, #tpu.memory_space<semaphore_mem>>)
    %dma_start3A_66 = tpu.memref_slice %arg3[%mul3A_63] : memref<1048576xi32, #tpu.memory_space<hbm>> -> memref<512xi32, #tpu.memory_space<hbm>>
    %dma_start3A_67 = tpu.memref_slice %arg3[%mul3A_63] : memref<1048576xi32, #tpu.memory_space<hbm>> -> memref<512xi32, #tpu.memory_space<hbm>>
    tpu.enqueue_dma source(%dma_start3A_67 : memref<512xi32, #tpu.memory_space<hbm>>) target(%arg19 : memref<512xi32, #tpu.memory_space<vmem>>) target_semaphore(%arg32 : memref<!tpu.dma_semaphore, #tpu.memory_space<semaphore_mem>>)
    %mul3A_68 = arith.constant 4096 : i32
    %mul3A_69 = arith.muli %add3A, %mul3A_68 : i32
    %add3A_70 = arith.constant 3968 : i32
    %add3A_71 = arith.addi %mul3A_69, %add3A_70 : i32
    %mul3A_72 = arith.constant 8 : i32
    %mul3A_73 = arith.muli %add3A_71, %mul3A_72 : i32
    %dma_wait3A = tpu.memref_slice %arg8[%mul3A_73] : memref<1048576xi32, #tpu.memory_space<hbm>> -> memref<512xi32, #tpu.memory_space<hbm>>
    %dma_wait3A_74 = tpu.memref_slice %arg8[%mul3A_73] : memref<1048576xi32, #tpu.memory_space<hbm>> -> memref<512xi32, #tpu.memory_space<hbm>>
    tpu.wait_dma2 semaphore(%arg33 : memref<!tpu.dma_semaphore, #tpu.memory_space<semaphore_mem>>) src(%arg20 : memref<512xi32, #tpu.memory_space<vmem>>) dst(%dma_wait3A_74 : memref<512xi32, #tpu.memory_space<hbm>>)
    %dma_wait3A_75 = tpu.memref_slice %arg9[%add3A_71] : memref<131072xf32, #tpu.memory_space<hbm>> -> memref<64xf32, #tpu.memory_space<hbm>>
    %dma_wait3A_76 = tpu.memref_slice %arg9[%add3A_71] : memref<131072xf32, #tpu.memory_space<hbm>> -> memref<64xf32, #tpu.memory_space<hbm>>
    tpu.wait_dma2 semaphore(%arg33 : memref<!tpu.dma_semaphore, #tpu.memory_space<semaphore_mem>>) src(%arg22 : memref<64xf32, #tpu.memory_space<vmem>>) dst(%dma_wait3A_76 : memref<64xf32, #tpu.memory_space<hbm>>)
    %dma_wait3A_77 = tpu.memref_slice %arg10[%add3A_71] : memref<131072xf32, #tpu.memory_space<hbm>> -> memref<64xf32, #tpu.memory_space<hbm>>
    %dma_wait3A_78 = tpu.memref_slice %arg10[%add3A_71] : memref<131072xf32, #tpu.memory_space<hbm>> -> memref<64xf32, #tpu.memory_space<hbm>>
    tpu.wait_dma2 semaphore(%arg33 : memref<!tpu.dma_semaphore, #tpu.memory_space<semaphore_mem>>) src(%arg24 : memref<64xf32, #tpu.memory_space<vmem>>) dst(%dma_wait3A_78 : memref<64xf32, #tpu.memory_space<hbm>>)
    %dma_wait3A_79 = tpu.memref_slice %arg11[%add3A_71] : memref<131072xf32, #tpu.memory_space<hbm>> -> memref<64xf32, #tpu.memory_space<hbm>>
    %dma_wait3A_80 = tpu.memref_slice %arg11[%add3A_71] : memref<131072xf32, #tpu.memory_space<hbm>> -> memref<64xf32, #tpu.memory_space<hbm>>
    tpu.wait_dma2 semaphore(%arg33 : memref<!tpu.dma_semaphore, #tpu.memory_space<semaphore_mem>>) src(%arg26 : memref<64xf32, #tpu.memory_space<vmem>>) dst(%dma_wait3A_80 : memref<64xf32, #tpu.memory_space<hbm>>)
    %mul3A_81 = arith.constant 4096 : i32
    %mul3A_82 = arith.muli %add3A, %mul3A_81 : i32
    %add3A_83 = arith.constant 4032 : i32
    %add3A_84 = arith.addi %mul3A_82, %add3A_83 : i32
    %mul3A_85 = arith.constant 8 : i32
    %mul3A_86 = arith.muli %add3A_84, %mul3A_85 : i32
    %dma_wait3A_87 = tpu.memref_slice %arg8[%mul3A_86] : memref<1048576xi32, #tpu.memory_space<hbm>> -> memref<512xi32, #tpu.memory_space<hbm>>
    %dma_wait3A_88 = tpu.memref_slice %arg8[%mul3A_86] : memref<1048576xi32, #tpu.memory_space<hbm>> -> memref<512xi32, #tpu.memory_space<hbm>>
    tpu.wait_dma2 semaphore(%arg34 : memref<!tpu.dma_semaphore, #tpu.memory_space<semaphore_mem>>) src(%arg21 : memref<512xi32, #tpu.memory_space<vmem>>) dst(%dma_wait3A_88 : memref<512xi32, #tpu.memory_space<hbm>>)
    %dma_wait3A_89 = tpu.memref_slice %arg9[%add3A_84] : memref<131072xf32, #tpu.memory_space<hbm>> -> memref<64xf32, #tpu.memory_space<hbm>>
    %dma_wait3A_90 = tpu.memref_slice %arg9[%add3A_84] : memref<131072xf32, #tpu.memory_space<hbm>> -> memref<64xf32, #tpu.memory_space<hbm>>
    tpu.wait_dma2 semaphore(%arg34 : memref<!tpu.dma_semaphore, #tpu.memory_space<semaphore_mem>>) src(%arg23 : memref<64xf32, #tpu.memory_space<vmem>>) dst(%dma_wait3A_90 : memref<64xf32, #tpu.memory_space<hbm>>)
    %dma_wait3A_91 = tpu.memref_slice %arg10[%add3A_84] : memref<131072xf32, #tpu.memory_space<hbm>> -> memref<64xf32, #tpu.memory_space<hbm>>
    %dma_wait3A_92 = tpu.memref_slice %arg10[%add3A_84] : memref<131072xf32, #tpu.memory_space<hbm>> -> memref<64xf32, #tpu.memory_space<hbm>>
    tpu.wait_dma2 semaphore(%arg34 : memref<!tpu.dma_semaphore, #tpu.memory_space<semaphore_mem>>) src(%arg25 : memref<64xf32, #tpu.memory_space<vmem>>) dst(%dma_wait3A_92 : memref<64xf32, #tpu.memory_space<hbm>>)
    %dma_wait3A_93 = tpu.memref_slice %arg11[%add3A_84] : memref<131072xf32, #tpu.memory_space<hbm>> -> memref<64xf32, #tpu.memory_space<hbm>>
    %dma_wait3A_94 = tpu.memref_slice %arg11[%add3A_84] : memref<131072xf32, #tpu.memory_space<hbm>> -> memref<64xf32, #tpu.memory_space<hbm>>
    tpu.wait_dma2 semaphore(%arg34 : memref<!tpu.dma_semaphore, #tpu.memory_space<semaphore_mem>>) src(%arg27 : memref<64xf32, #tpu.memory_space<vmem>>) dst(%dma_wait3A_94 : memref<64xf32, #tpu.memory_space<hbm>>)
    %scan3A_95 = arith.constant 0 : i32
    %scan3A_96 = arith.constant 0 : i32
    %scan3A_97 = arith.constant 4096 : i32
    %scan3A_98 = arith.addi %scan3A_96, %scan3A_97 : i32
    %scan3A_99 = arith.constant 1 : i32
    %scan3A_100 = scf.for %scan3A_113 = %scan3A_96 to %scan3A_98 step %scan3A_99 iter_args(%scan3A_114 = %scan3A_95) -> (i32)  : i32 {
      %mul3A_115 = arith.constant 16 : i32
      %mul3A_116 = arith.muli %scan3A_113, %mul3A_115 : i32
      %swap3A = arith.index_cast %mul3A_116 : i32 to index
      %swap3A_117 = tpu.vector_load %arg12[%swap3A] {strides = array<i32>} : memref<65536xf32, #tpu.memory_space<vmem>>, vector<16xf32>,
      tpu.vector_store %arg12[%swap3A], %broadcast_in_dim3A_7 {strides = array<i32>} : memref<65536xf32, #tpu.memory_space<vmem>>, vector<16xf32>,
      %scan3A_118 = arith.constant 0 : i32
      scf.yield %scan3A_118 : i32
    }
    %scan3A_101 = arith.constant 4096 : i32
    %scan3A_102 = arith.constant 0 : i32
    %scan3A_103 = arith.constant 0 : i32
    %scan3A_104 = arith.constant 32 : i32
    %scan3A_105 = arith.addi %scan3A_103, %scan3A_104 : i32
    %scan3A_106 = arith.constant 1 : i32
    %scan3A_107 = scf.for %scan3A_113 = %scan3A_103 to %scan3A_105 step %scan3A_106 iter_args(%scan3A_114 = %scan3A_102) -> (i32)  : i32 {
      %mul3A_115 = arith.constant 2 : i32
      %mul3A_116 = arith.muli %mul3A_115, %scan3A_113 : i32
      %add3A_117 = arith.constant 0 : i32
      %add3A_118 = arith.addi %mul3A_116, %add3A_117 : i32
      %mul3A_119 = arith.constant 4096 : i32
      %mul3A_120 = arith.muli %add3A, %mul3A_119 : i32
      %mul3A_121 = arith.constant 64 : i32
      %mul3A_122 = arith.muli %add3A_118, %mul3A_121 : i32
      %add3A_123 = arith.addi %mul3A_120, %mul3A_122 : i32
      %mul3A_124 = arith.constant 64 : i32
      %mul3A_125 = arith.muli %add3A_123, %mul3A_124 : i32
      %mul3A_126 = arith.constant 8 : i32
      %mul3A_127 = arith.muli %add3A_123, %mul3A_126 : i32
      %dma_wait3A_128 = tpu.memref_slice %arg2[%mul3A_125] : memref<8388608xf32, #tpu.memory_space<hbm>> -> memref<4096xf32, #tpu.memory_space<hbm>>
      %dma_wait3A_129 = tpu.memref_slice %arg2[%mul3A_125] : memref<8388608xf32, #tpu.memory_space<hbm>> -> memref<4096xf32, #tpu.memory_space<hbm>>
      tpu.wait_dma2 semaphore(%arg31 : memref<!tpu.dma_semaphore, #tpu.memory_space<semaphore_mem>>) src(%dma_wait3A_129 : memref<4096xf32, #tpu.memory_space<hbm>>) dst(%arg14 : memref<4096xf32, #tpu.memory_space<vmem>>)
      %dma_wait3A_130 = tpu.memref_slice %arg3[%mul3A_127] : memref<1048576xi32, #tpu.memory_space<hbm>> -> memref<512xi32, #tpu.memory_space<hbm>>
      %dma_wait3A_131 = tpu.memref_slice %arg3[%mul3A_127] : memref<1048576xi32, #tpu.memory_space<hbm>> -> memref<512xi32, #tpu.memory_space<hbm>>
      tpu.wait_dma2 semaphore(%arg31 : memref<!tpu.dma_semaphore, #tpu.memory_space<semaphore_mem>>) src(%dma_wait3A_131 : memref<512xi32, #tpu.memory_space<hbm>>) dst(%arg18 : memref<512xi32, #tpu.memory_space<vmem>>)
      %scan3A_132 = arith.constant 0 : i32
      %scan3A_133 = arith.constant 0 : i32
      %scan3A_134 = arith.constant 64 : i32
      %scan3A_135 = arith.addi %scan3A_133, %scan3A_134 : i32
      %scan3A_136 = arith.constant 1 : i32
      %scan3A_137 = scf.for %scan3A_189 = %scan3A_133 to %scan3A_135 step %scan3A_136 iter_args(%scan3A_190 = %scan3A_132) -> (i32)  : i32 {
        %mul3A_191 = arith.constant 64 : i32
        %mul3A_192 = arith.muli %scan3A_189, %mul3A_191 : i32
        %add3A_193 = arith.constant 0 : i32
        %add3A_194 = arith.addi %mul3A_192, %add3A_193 : i32
        %get3A = arith.index_cast %add3A_194 : i32 to index
        %get3A_195 = tpu.vector_load %arg14[%get3A] {strides = array<i32>} : memref<4096xf32, #tpu.memory_space<vmem>>, vector<16xf32>,
        %add3A_196 = arith.constant 0 : i32
        %add3A_197 = arith.addi %add3A_196, %scan3A_189 : i32
        %add3A_198 = vector.broadcast %add3A_197 : i32 to vector<16xi32>
        %add3A_199 = arith.addi %mul3A_6, %add3A_198 : vector<16xi32>
        tpu.vector_store_idx %arg16[%add3A_199], %get3A_195 : memref<4160xf32, #tpu.memory_space<vmem>>[vector<16xi32>], vector<16xf32>,
        %add3A_200 = arith.constant 16 : i32
        %add3A_201 = arith.addi %mul3A_192, %add3A_200 : i32
        %get3A_202 = arith.index_cast %add3A_201 : i32 to index
        %get3A_203 = tpu.vector_load %arg14[%get3A_202] {strides = array<i32>} : memref<4096xf32, #tpu.memory_space<vmem>>, vector<16xf32>,
        %add3A_204 = arith.constant 1040 : i32
        %add3A_205 = arith.addi %add3A_204, %scan3A_189 : i32
        %add3A_206 = vector.broadcast %add3A_205 : i32 to vector<16xi32>
        %add3A_207 = arith.addi %mul3A_6, %add3A_206 : vector<16xi32>
        tpu.vector_store_idx %arg16[%add3A_207], %get3A_203 : memref<4160xf32, #tpu.memory_space<vmem>>[vector<16xi32>], vector<16xf32>,
        %add3A_208 = arith.constant 32 : i32
        %add3A_209 = arith.addi %mul3A_192, %add3A_208 : i32
        %get3A_210 = arith.index_cast %add3A_209 : i32 to index
        %get3A_211 = tpu.vector_load %arg14[%get3A_210] {strides = array<i32>} : memref<4096xf32, #tpu.memory_space<vmem>>, vector<16xf32>,
        %add3A_212 = arith.constant 2080 : i32
        %add3A_213 = arith.addi %add3A_212, %scan3A_189 : i32
        %add3A_214 = vector.broadcast %add3A_213 : i32 to vector<16xi32>
        %add3A_215 = arith.addi %mul3A_6, %add3A_214 : vector<16xi32>
        tpu.vector_store_idx %arg16[%add3A_215], %get3A_211 : memref<4160xf32, #tpu.memory_space<vmem>>[vector<16xi32>], vector<16xf32>,
        %add3A_216 = arith.constant 48 : i32
        %add3A_217 = arith.addi %mul3A_192, %add3A_216 : i32
        %get3A_218 = arith.index_cast %add3A_217 : i32 to index
        %get3A_219 = tpu.vector_load %arg14[%get3A_218] {strides = array<i32>} : memref<4096xf32, #tpu.memory_space<vmem>>, vector<16xf32>,
        %add3A_220 = arith.constant 3120 : i32
        %add3A_221 = arith.addi %add3A_220, %scan3A_189 : i32
        %add3A_222 = vector.broadcast %add3A_221 : i32 to vector<16xi32>
        %add3A_223 = arith.addi %mul3A_6, %add3A_222 : vector<16xi32>
        tpu.vector_store_idx %arg16[%add3A_223], %get3A_219 : memref<4160xf32, #tpu.memory_space<vmem>>[vector<16xi32>], vector<16xf32>,
        %scan3A_224 = arith.constant 0 : i32
        scf.yield %scan3A_224 : i32
      }
      %scan3A_138 = arith.constant 64 : i32
      %scan3A_139 = arith.constant 0 : i32
      %scan3A_140 = arith.constant 0 : i32
      %scan3A_141 = arith.constant 4 : i32
      %scan3A_142 = arith.addi %scan3A_140, %scan3A_141 : i32
      %scan3A_143 = arith.constant 1 : i32
      %scan3A_144 = scf.for %scan3A_189 = %scan3A_140 to %scan3A_142 step %scan3A_143 iter_args(%scan3A_190 = %scan3A_139) -> (i32)  : i32 {
        %mul3A_191 = arith.constant 128 : i32
        %mul3A_192 = arith.muli %scan3A_189, %mul3A_191 : i32
        %add3A_193 = arith.constant 0 : i32
        %add3A_194 = arith.addi %mul3A_192, %add3A_193 : i32
        %add3A_195 = vector.broadcast %add3A_194 : i32 to vector<16xi32>
        %add3A_196 = arith.addi %mul3A_3, %add3A_195 : vector<16xi32>
        %gather3A = tpu.vector_load_idx %arg18[%add3A_196] : memref<512xi32, #tpu.memory_space<vmem>>[vector<16xi32>], vector<16xi32>,
        %add3A_197 = arith.constant 1 : i32
        %add3A_198 = arith.addi %mul3A_192, %add3A_197 : i32
        %add3A_199 = vector.broadcast %add3A_198 : i32 to vector<16xi32>
        %add3A_200 = arith.addi %mul3A_3, %add3A_199 : vector<16xi32>
        %gather3A_201 = tpu.vector_load_idx %arg18[%add3A_200] : memref<512xi32, #tpu.memory_space<vmem>>[vector<16xi32>], vector<16xi32>,
        %add3A_202 = arith.constant 2 : i32
        %add3A_203 = arith.addi %mul3A_192, %add3A_202 : i32
        %add3A_204 = vector.broadcast %add3A_203 : i32 to vector<16xi32>
        %add3A_205 = arith.addi %mul3A_3, %add3A_204 : vector<16xi32>
        %gather3A_206 = tpu.vector_load_idx %arg18[%add3A_205] : memref<512xi32, #tpu.memory_space<vmem>>[vector<16xi32>], vector<16xi32>,
        %add3A_207 = arith.constant 3 : i32
        %add3A_208 = arith.addi %mul3A_192, %add3A_207 : i32
        %add3A_209 = vector.broadcast %add3A_208 : i32 to vector<16xi32>
        %add3A_210 = arith.addi %mul3A_3, %add3A_209 : vector<16xi32>
        %gather3A_211 = tpu.vector_load_idx %arg18[%add3A_210] : memref<512xi32, #tpu.memory_space<vmem>>[vector<16xi32>], vector<16xi32>,
        %add3A_212 = arith.constant 4 : i32
        %add3A_213 = arith.addi %mul3A_192, %add3A_212 : i32
        %add3A_214 = vector.broadcast %add3A_213 : i32 to vector<16xi32>
        %add3A_215 = arith.addi %mul3A_3, %add3A_214 : vector<16xi32>
        %gather3A_216 = tpu.vector_load_idx %arg18[%add3A_215] : memref<512xi32, #tpu.memory_space<vmem>>[vector<16xi32>], vector<16xi32>,
        %add3A_217 = arith.constant 5 : i32
        %add3A_218 = arith.addi %mul3A_192, %add3A_217 : i32
        %add3A_219 = vector.broadcast %add3A_218 : i32 to vector<16xi32>
        %add3A_220 = arith.addi %mul3A_3, %add3A_219 : vector<16xi32>
        %gather3A_221 = tpu.vector_load_idx %arg18[%add3A_220] : memref<512xi32, #tpu.memory_space<vmem>>[vector<16xi32>], vector<16xi32>,
        %add3A_222 = arith.constant 6 : i32
        %add3A_223 = arith.addi %mul3A_192, %add3A_222 : i32
        %add3A_224 = vector.broadcast %add3A_223 : i32 to vector<16xi32>
        %add3A_225 = arith.addi %mul3A_3, %add3A_224 : vector<16xi32>
        %gather3A_226 = tpu.vector_load_idx %arg18[%add3A_225] : memref<512xi32, #tpu.memory_space<vmem>>[vector<16xi32>], vector<16xi32>,
        %add3A_227 = arith.constant 7 : i32
        %add3A_228 = arith.addi %mul3A_192, %add3A_227 : i32
        %add3A_229 = vector.broadcast %add3A_228 : i32 to vector<16xi32>
        %add3A_230 = arith.addi %mul3A_3, %add3A_229 : vector<16xi32>
        %gather3A_231 = tpu.vector_load_idx %arg18[%add3A_230] : memref<512xi32, #tpu.memory_space<vmem>>[vector<16xi32>], vector<16xi32>,
        %mul3A_232 = arith.constant 4 : i32
        %mul3A_233 = arith.muli %add3A_118, %mul3A_232 : i32
        %add3A_234 = arith.addi %mul3A_233, %scan3A_189 : i32
        %mul3A_235 = arith.constant 128 : i32
        %mul3A_236 = arith.muli %add3A_234, %mul3A_235 : i32
        %add3A_237 = arith.constant 0 : i32
        %add3A_238 = arith.addi %mul3A_236, %add3A_237 : i32
        %get3A = arith.index_cast %add3A_238 : i32 to index
        %get3A_239 = tpu.vector_load %arg13[%get3A] {strides = array<i32>} : memref<32768xf32, #tpu.memory_space<vmem>>, vector<16xf32>,
        %add3A_240 = arith.constant 16 : i32
        %add3A_241 = arith.addi %mul3A_236, %add3A_240 : i32
        %get3A_242 = arith.index_cast %add3A_241 : i32 to index
        %get3A_243 = tpu.vector_load %arg13[%get3A_242] {strides = array<i32>} : memref<32768xf32, #tpu.memory_space<vmem>>, vector<16xf32>,
        %add3A_244 = arith.constant 32 : i32
        %add3A_245 = arith.addi %mul3A_236, %add3A_244 : i32
        %get3A_246 = arith.index_cast %add3A_245 : i32 to index
        %get3A_247 = tpu.vector_load %arg13[%get3A_246] {strides = array<i32>} : memref<32768xf32, #tpu.memory_space<vmem>>, vector<16xf32>,
        %add3A_248 = arith.constant 48 : i32
        %add3A_249 = arith.addi %mul3A_236, %add3A_248 : i32
        %get3A_250 = arith.index_cast %add3A_249 : i32 to index
        %get3A_251 = tpu.vector_load %arg13[%get3A_250] {strides = array<i32>} : memref<32768xf32, #tpu.memory_space<vmem>>, vector<16xf32>,
        %add3A_252 = arith.constant 64 : i32
        %add3A_253 = arith.addi %mul3A_236, %add3A_252 : i32
        %get3A_254 = arith.index_cast %add3A_253 : i32 to index
        %get3A_255 = tpu.vector_load %arg13[%get3A_254] {strides = array<i32>} : memref<32768xf32, #tpu.memory_space<vmem>>, vector<16xf32>,
        %add3A_256 = arith.constant 80 : i32
        %add3A_257 = arith.addi %mul3A_236, %add3A_256 : i32
        %get3A_258 = arith.index_cast %add3A_257 : i32 to index
        %get3A_259 = tpu.vector_load %arg13[%get3A_258] {strides = array<i32>} : memref<32768xf32, #tpu.memory_space<vmem>>, vector<16xf32>,
        %add3A_260 = arith.constant 96 : i32
        %add3A_261 = arith.addi %mul3A_236, %add3A_260 : i32
        %get3A_262 = arith.index_cast %add3A_261 : i32 to index
        %get3A_263 = tpu.vector_load %arg13[%get3A_262] {strides = array<i32>} : memref<32768xf32, #tpu.memory_space<vmem>>, vector<16xf32>,
        %add3A_264 = arith.constant 112 : i32
        %add3A_265 = arith.addi %mul3A_236, %add3A_264 : i32
        %get3A_266 = arith.index_cast %add3A_265 : i32 to index
        %get3A_267 = tpu.vector_load %arg13[%get3A_266] {strides = array<i32>} : memref<32768xf32, #tpu.memory_space<vmem>>, vector<16xf32>,
        %scan3A_268 = arith.constant 0 : i32
        %scan3A_269 = arith.constant 0 : i32
        %scan3A_270 = arith.constant 8 : i32
        %scan3A_271 = arith.addi %scan3A_269, %scan3A_270 : i32
        %scan3A_272 = arith.constant 1 : i32
        %scan3A_273 = scf.for %scan3A_276 = %scan3A_269 to %scan3A_271 step %scan3A_272 iter_args(%scan3A_277 = %scan3A_268) -> (i32)  : i32 {
          %mul3A_278 = arith.constant 8 : i32
          %mul3A_279 = arith.muli %scan3A_276, %mul3A_278 : i32
          %add3A_280 = arith.constant 0 : i32
          %add3A_281 = arith.addi %mul3A_279, %add3A_280 : i32
          %mul3A_282 = arith.constant 65 : i32
          %mul3A_283 = arith.muli %add3A_281, %mul3A_282 : i32
          %mul3A_284 = arith.constant 16 : i32
          %mul3A_285 = arith.muli %scan3A_189, %mul3A_284 : i32
          %add3A_286 = arith.addi %mul3A_283, %mul3A_285 : i32
          %get3A_287 = arith.index_cast %add3A_286 : i32 to index
          %get3A_288 = tpu.vector_load %arg16[%get3A_287] {strides = array<i32>} : memref<4160xf32, #tpu.memory_space<vmem>>, vector<16xf32>,
          %add3A_289 = arith.constant 1 : i32
          %add3A_290 = arith.addi %mul3A_279, %add3A_289 : i32
          %mul3A_291 = arith.constant 65 : i32
          %mul3A_292 = arith.muli %add3A_290, %mul3A_291 : i32
          %mul3A_293 = arith.constant 16 : i32
          %mul3A_294 = arith.muli %scan3A_189, %mul3A_293 : i32
          %add3A_295 = arith.addi %mul3A_292, %mul3A_294 : i32
          %get3A_296 = arith.index_cast %add3A_295 : i32 to index
          %get3A_297 = tpu.vector_load %arg16[%get3A_296] {strides = array<i32>} : memref<4160xf32, #tpu.memory_space<vmem>>, vector<16xf32>,
          %add3A_298 = arith.constant 2 : i32
          %add3A_299 = arith.addi %mul3A_279, %add3A_298 : i32
          %mul3A_300 = arith.constant 65 : i32
          %mul3A_301 = arith.muli %add3A_299, %mul3A_300 : i32
          %mul3A_302 = arith.constant 16 : i32
          %mul3A_303 = arith.muli %scan3A_189, %mul3A_302 : i32
          %add3A_304 = arith.addi %mul3A_301, %mul3A_303 : i32
          %get3A_305 = arith.index_cast %add3A_304 : i32 to index
          %get3A_306 = tpu.vector_load %arg16[%get3A_305] {strides = array<i32>} : memref<4160xf32, #tpu.memory_space<vmem>>, vector<16xf32>,
          %add3A_307 = arith.constant 3 : i32
          %add3A_308 = arith.addi %mul3A_279, %add3A_307 : i32
          %mul3A_309 = arith.constant 65 : i32
          %mul3A_310 = arith.muli %add3A_308, %mul3A_309 : i32
          %mul3A_311 = arith.constant 16 : i32
          %mul3A_312 = arith.muli %scan3A_189, %mul3A_311 : i32
          %add3A_313 = arith.addi %mul3A_310, %mul3A_312 : i32
          %get3A_314 = arith.index_cast %add3A_313 : i32 to index
          %get3A_315 = tpu.vector_load %arg16[%get3A_314] {strides = array<i32>} : memref<4160xf32, #tpu.memory_space<vmem>>, vector<16xf32>,
          %add3A_316 = arith.constant 4 : i32
          %add3A_317 = arith.addi %mul3A_279, %add3A_316 : i32
          %mul3A_318 = arith.constant 65 : i32
          %mul3A_319 = arith.muli %add3A_317, %mul3A_318 : i32
          %mul3A_320 = arith.constant 16 : i32
          %mul3A_321 = arith.muli %scan3A_189, %mul3A_320 : i32
          %add3A_322 = arith.addi %mul3A_319, %mul3A_321 : i32
          %get3A_323 = arith.index_cast %add3A_322 : i32 to index
          %get3A_324 = tpu.vector_load %arg16[%get3A_323] {strides = array<i32>} : memref<4160xf32, #tpu.memory_space<vmem>>, vector<16xf32>,
          %add3A_325 = arith.constant 5 : i32
          %add3A_326 = arith.addi %mul3A_279, %add3A_325 : i32
          %mul3A_327 = arith.constant 65 : i32
          %mul3A_328 = arith.muli %add3A_326, %mul3A_327 : i32
          %mul3A_329 = arith.constant 16 : i32
          %mul3A_330 = arith.muli %scan3A_189, %mul3A_329 : i32
          %add3A_331 = arith.addi %mul3A_328, %mul3A_330 : i32
          %get3A_332 = arith.index_cast %add3A_331 : i32 to index
          %get3A_333 = tpu.vector_load %arg16[%get3A_332] {strides = array<i32>} : memref<4160xf32, #tpu.memory_space<vmem>>, vector<16xf32>,
          %add3A_334 = arith.constant 6 : i32
          %add3A_335 = arith.addi %mul3A_279, %add3A_334 : i32
          %mul3A_336 = arith.constant 65 : i32
          %mul3A_337 = arith.muli %add3A_335, %mul3A_336 : i32
          %mul3A_338 = arith.constant 16 : i32
          %mul3A_339 = arith.muli %scan3A_189, %mul3A_338 : i32
          %add3A_340 = arith.addi %mul3A_337, %mul3A_339 : i32
          %get3A_341 = arith.index_cast %add3A_340 : i32 to index
          %get3A_342 = tpu.vector_load %arg16[%get3A_341] {strides = array<i32>} : memref<4160xf32, #tpu.memory_space<vmem>>, vector<16xf32>,
          %add3A_343 = arith.constant 7 : i32
          %add3A_344 = arith.addi %mul3A_279, %add3A_343 : i32
          %mul3A_345 = arith.constant 65 : i32
          %mul3A_346 = arith.muli %add3A_344, %mul3A_345 : i32
          %mul3A_347 = arith.constant 16 : i32
          %mul3A_348 = arith.muli %scan3A_189, %mul3A_347 : i32
          %add3A_349 = arith.addi %mul3A_346, %mul3A_348 : i32
          %get3A_350 = arith.index_cast %add3A_349 : i32 to index
          %get3A_351 = tpu.vector_load %arg16[%get3A_350] {strides = array<i32>} : memref<4160xf32, #tpu.memory_space<vmem>>, vector<16xf32>,
          %add3A_352 = arith.constant 0 : i32
          %add3A_353 = arith.addi %mul3A_279, %add3A_352 : i32
          %mul3A_354 = arith.constant 1024 : i32
          %mul3A_355 = arith.muli %add3A_353, %mul3A_354 : i32
          %mul3A_356 = arith.mulf %get3A_239, %get3A_288 : vector<16xf32>
          %scatter3A = tpu.memref_slice %arg12[%mul3A_355] : memref<65536xf32, #tpu.memory_space<vmem>> -> memref<1024xf32, #tpu.memory_space<vmem>>
          tpu.vector_store_idx %scatter3A[%gather3A], %mul3A_356 {add = true} : memref<1024xf32, #tpu.memory_space<vmem>>[vector<16xi32>], vector<16xf32>,
          %add3A_357 = arith.constant 1 : i32
          %add3A_358 = arith.addi %mul3A_279, %add3A_357 : i32
          %mul3A_359 = arith.constant 1024 : i32
          %mul3A_360 = arith.muli %add3A_358, %mul3A_359 : i32
          %mul3A_361 = arith.mulf %get3A_239, %get3A_297 : vector<16xf32>
          %scatter3A_362 = tpu.memref_slice %arg12[%mul3A_360] : memref<65536xf32, #tpu.memory_space<vmem>> -> memref<1024xf32, #tpu.memory_space<vmem>>
          tpu.vector_store_idx %scatter3A_362[%gather3A], %mul3A_361 {add = true} : memref<1024xf32, #tpu.memory_space<vmem>>[vector<16xi32>], vector<16xf32>,
          %add3A_363 = arith.constant 2 : i32
          %add3A_364 = arith.addi %mul3A_279, %add3A_363 : i32
          %mul3A_365 = arith.constant 1024 : i32
          %mul3A_366 = arith.muli %add3A_364, %mul3A_365 : i32
          %mul3A_367 = arith.mulf %get3A_239, %get3A_306 : vector<16xf32>
          %scatter3A_368 = tpu.memref_slice %arg12[%mul3A_366] : memref<65536xf32, #tpu.memory_space<vmem>> -> memref<1024xf32, #tpu.memory_space<vmem>>
          tpu.vector_store_idx %scatter3A_368[%gather3A], %mul3A_367 {add = true} : memref<1024xf32, #tpu.memory_space<vmem>>[vector<16xi32>], vector<16xf32>,
          %add3A_369 = arith.constant 3 : i32
          %add3A_370 = arith.addi %mul3A_279, %add3A_369 : i32
          %mul3A_371 = arith.constant 1024 : i32
          %mul3A_372 = arith.muli %add3A_370, %mul3A_371 : i32
          %mul3A_373 = arith.mulf %get3A_239, %get3A_315 : vector<16xf32>
          %scatter3A_374 = tpu.memref_slice %arg12[%mul3A_372] : memref<65536xf32, #tpu.memory_space<vmem>> -> memref<1024xf32, #tpu.memory_space<vmem>>
          tpu.vector_store_idx %scatter3A_374[%gather3A], %mul3A_373 {add = true} : memref<1024xf32, #tpu.memory_space<vmem>>[vector<16xi32>], vector<16xf32>,
          %add3A_375 = arith.constant 4 : i32
          %add3A_376 = arith.addi %mul3A_279, %add3A_375 : i32
          %mul3A_377 = arith.constant 1024 : i32
          %mul3A_378 = arith.muli %add3A_376, %mul3A_377 : i32
          %mul3A_379 = arith.mulf %get3A_239, %get3A_324 : vector<16xf32>
          %scatter3A_380 = tpu.memref_slice %arg12[%mul3A_378] : memref<65536xf32, #tpu.memory_space<vmem>> -> memref<1024xf32, #tpu.memory_space<vmem>>
          tpu.vector_store_idx %scatter3A_380[%gather3A], %mul3A_379 {add = true} : memref<1024xf32, #tpu.memory_space<vmem>>[vector<16xi32>], vector<16xf32>,
          %add3A_381 = arith.constant 5 : i32
          %add3A_382 = arith.addi %mul3A_279, %add3A_381 : i32
          %mul3A_383 = arith.constant 1024 : i32
          %mul3A_384 = arith.muli %add3A_382, %mul3A_383 : i32
          %mul3A_385 = arith.mulf %get3A_239, %get3A_333 : vector<16xf32>
          %scatter3A_386 = tpu.memref_slice %arg12[%mul3A_384] : memref<65536xf32, #tpu.memory_space<vmem>> -> memref<1024xf32, #tpu.memory_space<vmem>>
          tpu.vector_store_idx %scatter3A_386[%gather3A], %mul3A_385 {add = true} : memref<1024xf32, #tpu.memory_space<vmem>>[vector<16xi32>], vector<16xf32>,
          %add3A_387 = arith.constant 6 : i32
          %add3A_388 = arith.addi %mul3A_279, %add3A_387 : i32
          %mul3A_389 = arith.constant 1024 : i32
          %mul3A_390 = arith.muli %add3A_388, %mul3A_389 : i32
          %mul3A_391 = arith.mulf %get3A_239, %get3A_342 : vector<16xf32>
          %scatter3A_392 = tpu.memref_slice %arg12[%mul3A_390] : memref<65536xf32, #tpu.memory_space<vmem>> -> memref<1024xf32, #tpu.memory_space<vmem>>
          tpu.vector_store_idx %scatter3A_392[%gather3A], %mul3A_391 {add = true} : memref<1024xf32, #tpu.memory_space<vmem>>[vector<16xi32>], vector<16xf32>,
          %add3A_393 = arith.constant 7 : i32
          %add3A_394 = arith.addi %mul3A_279, %add3A_393 : i32
          %mul3A_395 = arith.constant 1024 : i32
          %mul3A_396 = arith.muli %add3A_394, %mul3A_395 : i32
          %mul3A_397 = arith.mulf %get3A_239, %get3A_351 : vector<16xf32>
          %scatter3A_398 = tpu.memref_slice %arg12[%mul3A_396] : memref<65536xf32, #tpu.memory_space<vmem>> -> memref<1024xf32, #tpu.memory_space<vmem>>
          tpu.vector_store_idx %scatter3A_398[%gather3A], %mul3A_397 {add = true} : memref<1024xf32, #tpu.memory_space<vmem>>[vector<16xi32>], vector<16xf32>,
          %add3A_399 = arith.constant 0 : i32
          %add3A_400 = arith.addi %mul3A_279, %add3A_399 : i32
          %mul3A_401 = arith.constant 1024 : i32
          %mul3A_402 = arith.muli %add3A_400, %mul3A_401 : i32
          %mul3A_403 = arith.mulf %get3A_243, %get3A_288 : vector<16xf32>
          %scatter3A_404 = tpu.memref_slice %arg12[%mul3A_402] : memref<65536xf32, #tpu.memory_space<vmem>> -> memref<1024xf32, #tpu.memory_space<vmem>>
          tpu.vector_store_idx %scatter3A_404[%gather3A_201], %mul3A_403 {add = true} : memref<1024xf32, #tpu.memory_space<vmem>>[vector<16xi32>], vector<16xf32>,
          %add3A_405 = arith.constant 1 : i32
          %add3A_406 = arith.addi %mul3A_279, %add3A_405 : i32
          %mul3A_407 = arith.constant 1024 : i32
          %mul3A_408 = arith.muli %add3A_406, %mul3A_407 : i32
          %mul3A_409 = arith.mulf %get3A_243, %get3A_297 : vector<16xf32>
          %scatter3A_410 = tpu.memref_slice %arg12[%mul3A_408] : memref<65536xf32, #tpu.memory_space<vmem>> -> memref<1024xf32, #tpu.memory_space<vmem>>
          tpu.vector_store_idx %scatter3A_410[%gather3A_201], %mul3A_409 {add = true} : memref<1024xf32, #tpu.memory_space<vmem>>[vector<16xi32>], vector<16xf32>,
          %add3A_411 = arith.constant 2 : i32
          %add3A_412 = arith.addi %mul3A_279, %add3A_411 : i32
          %mul3A_413 = arith.constant 1024 : i32
          %mul3A_414 = arith.muli %add3A_412, %mul3A_413 : i32
          %mul3A_415 = arith.mulf %get3A_243, %get3A_306 : vector<16xf32>
          %scatter3A_416 = tpu.memref_slice %arg12[%mul3A_414] : memref<65536xf32, #tpu.memory_space<vmem>> -> memref<1024xf32, #tpu.memory_space<vmem>>
          tpu.vector_store_idx %scatter3A_416[%gather3A_201], %mul3A_415 {add = true} : memref<1024xf32, #tpu.memory_space<vmem>>[vector<16xi32>], vector<16xf32>,
          %add3A_417 = arith.constant 3 : i32
          %add3A_418 = arith.addi %mul3A_279, %add3A_417 : i32
          %mul3A_419 = arith.constant 1024 : i32
          %mul3A_420 = arith.muli %add3A_418, %mul3A_419 : i32
          %mul3A_421 = arith.mulf %get3A_243, %get3A_315 : vector<16xf32>
          %scatter3A_422 = tpu.memref_slice %arg12[%mul3A_420] : memref<65536xf32, #tpu.memory_space<vmem>> -> memref<1024xf32, #tpu.memory_space<vmem>>
          tpu.vector_store_idx %scatter3A_422[%gather3A_201], %mul3A_421 {add = true} : memref<1024xf32, #tpu.memory_space<vmem>>[vector<16xi32>], vector<16xf32>,
          %add3A_423 = arith.constant 4 : i32
          %add3A_424 = arith.addi %mul3A_279, %add3A_423 : i32
          %mul3A_425 = arith.constant 1024 : i32
          %mul3A_426 = arith.muli %add3A_424, %mul3A_425 : i32
          %mul3A_427 = arith.mulf %get3A_243, %get3A_324 : vector<16xf32>
          %scatter3A_428 = tpu.memref_slice %arg12[%mul3A_426] : memref<65536xf32, #tpu.memory_space<vmem>> -> memref<1024xf32, #tpu.memory_space<vmem>>
          tpu.vector_store_idx %scatter3A_428[%gather3A_201], %mul3A_427 {add = true} : memref<1024xf32, #tpu.memory_space<vmem>>[vector<16xi32>], vector<16xf32>,
          %add3A_429 = arith.constant 5 : i32
          %add3A_430 = arith.addi %mul3A_279, %add3A_429 : i32
          %mul3A_431 = arith.constant 1024 : i32
          %mul3A_432 = arith.muli %add3A_430, %mul3A_431 : i32
          %mul3A_433 = arith.mulf %get3A_243, %get3A_333 : vector<16xf32>
          %scatter3A_434 = tpu.memref_slice %arg12[%mul3A_432] : memref<65536xf32, #tpu.memory_space<vmem>> -> memref<1024xf32, #tpu.memory_space<vmem>>
          tpu.vector_store_idx %scatter3A_434[%gather3A_201], %mul3A_433 {add = true} : memref<1024xf32, #tpu.memory_space<vmem>>[vector<16xi32>], vector<16xf32>,
          %add3A_435 = arith.constant 6 : i32
          %add3A_436 = arith.addi %mul3A_279, %add3A_435 : i32
          %mul3A_437 = arith.constant 1024 : i32
          %mul3A_438 = arith.muli %add3A_436, %mul3A_437 : i32
          %mul3A_439 = arith.mulf %get3A_243, %get3A_342 : vector<16xf32>
          %scatter3A_440 = tpu.memref_slice %arg12[%mul3A_438] : memref<65536xf32, #tpu.memory_space<vmem>> -> memref<1024xf32, #tpu.memory_space<vmem>>
          tpu.vector_store_idx %scatter3A_440[%gather3A_201], %mul3A_439 {add = true} : memref<1024xf32, #tpu.memory_space<vmem>>[vector<16xi32>], vector<16xf32>,
          %add3A_441 = arith.constant 7 : i32
          %add3A_442 = arith.addi %mul3A_279, %add3A_441 : i32
          %mul3A_443 = arith.constant 1024 : i32
          %mul3A_444 = arith.muli %add3A_442, %mul3A_443 : i32
          %mul3A_445 = arith.mulf %get3A_243, %get3A_351 : vector<16xf32>
          %scatter3A_446 = tpu.memref_slice %arg12[%mul3A_444] : memref<65536xf32, #tpu.memory_space<vmem>> -> memref<1024xf32, #tpu.memory_space<vmem>>
          tpu.vector_store_idx %scatter3A_446[%gather3A_201], %mul3A_445 {add = true} : memref<1024xf32, #tpu.memory_space<vmem>>[vector<16xi32>], vector<16xf32>,
          %add3A_447 = arith.constant 0 : i32
          %add3A_448 = arith.addi %mul3A_279, %add3A_447 : i32
          %mul3A_449 = arith.constant 1024 : i32
          %mul3A_450 = arith.muli %add3A_448, %mul3A_449 : i32
          %mul3A_451 = arith.mulf %get3A_247, %get3A_288 : vector<16xf32>
          %scatter3A_452 = tpu.memref_slice %arg12[%mul3A_450] : memref<65536xf32, #tpu.memory_space<vmem>> -> memref<1024xf32, #tpu.memory_space<vmem>>
          tpu.vector_store_idx %scatter3A_452[%gather3A_206], %mul3A_451 {add = true} : memref<1024xf32, #tpu.memory_space<vmem>>[vector<16xi32>], vector<16xf32>,
          %add3A_453 = arith.constant 1 : i32
          %add3A_454 = arith.addi %mul3A_279, %add3A_453 : i32
          %mul3A_455 = arith.constant 1024 : i32
          %mul3A_456 = arith.muli %add3A_454, %mul3A_455 : i32
          %mul3A_457 = arith.mulf %get3A_247, %get3A_297 : vector<16xf32>
          %scatter3A_458 = tpu.memref_slice %arg12[%mul3A_456] : memref<65536xf32, #tpu.memory_space<vmem>> -> memref<1024xf32, #tpu.memory_space<vmem>>
          tpu.vector_store_idx %scatter3A_458[%gather3A_206], %mul3A_457 {add = true} : memref<1024xf32, #tpu.memory_space<vmem>>[vector<16xi32>], vector<16xf32>,
          %add3A_459 = arith.constant 2 : i32
          %add3A_460 = arith.addi %mul3A_279, %add3A_459 : i32
          %mul3A_461 = arith.constant 1024 : i32
          %mul3A_462 = arith.muli %add3A_460, %mul3A_461 : i32
          %mul3A_463 = arith.mulf %get3A_247, %get3A_306 : vector<16xf32>
          %scatter3A_464 = tpu.memref_slice %arg12[%mul3A_462] : memref<65536xf32, #tpu.memory_space<vmem>> -> memref<1024xf32, #tpu.memory_space<vmem>>
          tpu.vector_store_idx %scatter3A_464[%gather3A_206], %mul3A_463 {add = true} : memref<1024xf32, #tpu.memory_space<vmem>>[vector<16xi32>], vector<16xf32>,
          %add3A_465 = arith.constant 3 : i32
          %add3A_466 = arith.addi %mul3A_279, %add3A_465 : i32
          %mul3A_467 = arith.constant 1024 : i32
          %mul3A_468 = arith.muli %add3A_466, %mul3A_467 : i32
          %mul3A_469 = arith.mulf %get3A_247, %get3A_315 : vector<16xf32>
          %scatter3A_470 = tpu.memref_slice %arg12[%mul3A_468] : memref<65536xf32, #tpu.memory_space<vmem>> -> memref<1024xf32, #tpu.memory_space<vmem>>
          tpu.vector_store_idx %scatter3A_470[%gather3A_206], %mul3A_469 {add = true} : memref<1024xf32, #tpu.memory_space<vmem>>[vector<16xi32>], vector<16xf32>,
          %add3A_471 = arith.constant 4 : i32
          %add3A_472 = arith.addi %mul3A_279, %add3A_471 : i32
          %mul3A_473 = arith.constant 1024 : i32
          %mul3A_474 = arith.muli %add3A_472, %mul3A_473 : i32
          %mul3A_475 = arith.mulf %get3A_247, %get3A_324 : vector<16xf32>
          %scatter3A_476 = tpu.memref_slice %arg12[%mul3A_474] : memref<65536xf32, #tpu.memory_space<vmem>> -> memref<1024xf32, #tpu.memory_space<vmem>>
          tpu.vector_store_idx %scatter3A_476[%gather3A_206], %mul3A_475 {add = true} : memref<1024xf32, #tpu.memory_space<vmem>>[vector<16xi32>], vector<16xf32>,
          %add3A_477 = arith.constant 5 : i32
          %add3A_478 = arith.addi %mul3A_279, %add3A_477 : i32
          %mul3A_479 = arith.constant 1024 : i32
          %mul3A_480 = arith.muli %add3A_478, %mul3A_479 : i32
          %mul3A_481 = arith.mulf %get3A_247, %get3A_333 : vector<16xf32>
          %scatter3A_482 = tpu.memref_slice %arg12[%mul3A_480] : memref<65536xf32, #tpu.memory_space<vmem>> -> memref<1024xf32, #tpu.memory_space<vmem>>
          tpu.vector_store_idx %scatter3A_482[%gather3A_206], %mul3A_481 {add = true} : memref<1024xf32, #tpu.memory_space<vmem>>[vector<16xi32>], vector<16xf32>,
          %add3A_483 = arith.constant 6 : i32
          %add3A_484 = arith.addi %mul3A_279, %add3A_483 : i32
          %mul3A_485 = arith.constant 1024 : i32
          %mul3A_486 = arith.muli %add3A_484, %mul3A_485 : i32
          %mul3A_487 = arith.mulf %get3A_247, %get3A_342 : vector<16xf32>
          %scatter3A_488 = tpu.memref_slice %arg12[%mul3A_486] : memref<65536xf32, #tpu.memory_space<vmem>> -> memref<1024xf32, #tpu.memory_space<vmem>>
          tpu.vector_store_idx %scatter3A_488[%gather3A_206], %mul3A_487 {add = true} : memref<1024xf32, #tpu.memory_space<vmem>>[vector<16xi32>], vector<16xf32>,
          %add3A_489 = arith.constant 7 : i32
          %add3A_490 = arith.addi %mul3A_279, %add3A_489 : i32
          %mul3A_491 = arith.constant 1024 : i32
          %mul3A_492 = arith.muli %add3A_490, %mul3A_491 : i32
          %mul3A_493 = arith.mulf %get3A_247, %get3A_351 : vector<16xf32>
          %scatter3A_494 = tpu.memref_slice %arg12[%mul3A_492] : memref<65536xf32, #tpu.memory_space<vmem>> -> memref<1024xf32, #tpu.memory_space<vmem>>
          tpu.vector_store_idx %scatter3A_494[%gather3A_206], %mul3A_493 {add = true} : memref<1024xf32, #tpu.memory_space<vmem>>[vector<16xi32>], vector<16xf32>,
          %add3A_495 = arith.constant 0 : i32
          %add3A_496 = arith.addi %mul3A_279, %add3A_495 : i32
          %mul3A_497 = arith.constant 1024 : i32
          %mul3A_498 = arith.muli %add3A_496, %mul3A_497 : i32
          %mul3A_499 = arith.mulf %get3A_251, %get3A_288 : vector<16xf32>
          %scatter3A_500 = tpu.memref_slice %arg12[%mul3A_498] : memref<65536xf32, #tpu.memory_space<vmem>> -> memref<1024xf32, #tpu.memory_space<vmem>>
          tpu.vector_store_idx %scatter3A_500[%gather3A_211], %mul3A_499 {add = true} : memref<1024xf32, #tpu.memory_space<vmem>>[vector<16xi32>], vector<16xf32>,
          %add3A_501 = arith.constant 1 : i32
          %add3A_502 = arith.addi %mul3A_279, %add3A_501 : i32
          %mul3A_503 = arith.constant 1024 : i32
          %mul3A_504 = arith.muli %add3A_502, %mul3A_503 : i32
          %mul3A_505 = arith.mulf %get3A_251, %get3A_297 : vector<16xf32>
          %scatter3A_506 = tpu.memref_slice %arg12[%mul3A_504] : memref<65536xf32, #tpu.memory_space<vmem>> -> memref<1024xf32, #tpu.memory_space<vmem>>
          tpu.vector_store_idx %scatter3A_506[%gather3A_211], %mul3A_505 {add = true} : memref<1024xf32, #tpu.memory_space<vmem>>[vector<16xi32>], vector<16xf32>,
          %add3A_507 = arith.constant 2 : i32
          %add3A_508 = arith.addi %mul3A_279, %add3A_507 : i32
          %mul3A_509 = arith.constant 1024 : i32
          %mul3A_510 = arith.muli %add3A_508, %mul3A_509 : i32
          %mul3A_511 = arith.mulf %get3A_251, %get3A_306 : vector<16xf32>
          %scatter3A_512 = tpu.memref_slice %arg12[%mul3A_510] : memref<65536xf32, #tpu.memory_space<vmem>> -> memref<1024xf32, #tpu.memory_space<vmem>>
          tpu.vector_store_idx %scatter3A_512[%gather3A_211], %mul3A_511 {add = true} : memref<1024xf32, #tpu.memory_space<vmem>>[vector<16xi32>], vector<16xf32>,
          %add3A_513 = arith.constant 3 : i32
          %add3A_514 = arith.addi %mul3A_279, %add3A_513 : i32
          %mul3A_515 = arith.constant 1024 : i32
          %mul3A_516 = arith.muli %add3A_514, %mul3A_515 : i32
          %mul3A_517 = arith.mulf %get3A_251, %get3A_315 : vector<16xf32>
          %scatter3A_518 = tpu.memref_slice %arg12[%mul3A_516] : memref<65536xf32, #tpu.memory_space<vmem>> -> memref<1024xf32, #tpu.memory_space<vmem>>
          tpu.vector_store_idx %scatter3A_518[%gather3A_211], %mul3A_517 {add = true} : memref<1024xf32, #tpu.memory_space<vmem>>[vector<16xi32>], vector<16xf32>,
          %add3A_519 = arith.constant 4 : i32
          %add3A_520 = arith.addi %mul3A_279, %add3A_519 : i32
          %mul3A_521 = arith.constant 1024 : i32
          %mul3A_522 = arith.muli %add3A_520, %mul3A_521 : i32
          %mul3A_523 = arith.mulf %get3A_251, %get3A_324 : vector<16xf32>
          %scatter3A_524 = tpu.memref_slice %arg12[%mul3A_522] : memref<65536xf32, #tpu.memory_space<vmem>> -> memref<1024xf32, #tpu.memory_space<vmem>>
          tpu.vector_store_idx %scatter3A_524[%gather3A_211], %mul3A_523 {add = true} : memref<1024xf32, #tpu.memory_space<vmem>>[vector<16xi32>], vector<16xf32>,
          %add3A_525 = arith.constant 5 : i32
          %add3A_526 = arith.addi %mul3A_279, %add3A_525 : i32
          %mul3A_527 = arith.constant 1024 : i32
          %mul3A_528 = arith.muli %add3A_526, %mul3A_527 : i32
          %mul3A_529 = arith.mulf %get3A_251, %get3A_333 : vector<16xf32>
          %scatter3A_530 = tpu.memref_slice %arg12[%mul3A_528] : memref<65536xf32, #tpu.memory_space<vmem>> -> memref<1024xf32, #tpu.memory_space<vmem>>
          tpu.vector_store_idx %scatter3A_530[%gather3A_211], %mul3A_529 {add = true} : memref<1024xf32, #tpu.memory_space<vmem>>[vector<16xi32>], vector<16xf32>,
          %add3A_531 = arith.constant 6 : i32
          %add3A_532 = arith.addi %mul3A_279, %add3A_531 : i32
          %mul3A_533 = arith.constant 1024 : i32
          %mul3A_534 = arith.muli %add3A_532, %mul3A_533 : i32
          %mul3A_535 = arith.mulf %get3A_251, %get3A_342 : vector<16xf32>
          %scatter3A_536 = tpu.memref_slice %arg12[%mul3A_534] : memref<65536xf32, #tpu.memory_space<vmem>> -> memref<1024xf32, #tpu.memory_space<vmem>>
          tpu.vector_store_idx %scatter3A_536[%gather3A_211], %mul3A_535 {add = true} : memref<1024xf32, #tpu.memory_space<vmem>>[vector<16xi32>], vector<16xf32>,
          %add3A_537 = arith.constant 7 : i32
          %add3A_538 = arith.addi %mul3A_279, %add3A_537 : i32
          %mul3A_539 = arith.constant 1024 : i32
          %mul3A_540 = arith.muli %add3A_538, %mul3A_539 : i32
          %mul3A_541 = arith.mulf %get3A_251, %get3A_351 : vector<16xf32>
          %scatter3A_542 = tpu.memref_slice %arg12[%mul3A_540] : memref<65536xf32, #tpu.memory_space<vmem>> -> memref<1024xf32, #tpu.memory_space<vmem>>
          tpu.vector_store_idx %scatter3A_542[%gather3A_211], %mul3A_541 {add = true} : memref<1024xf32, #tpu.memory_space<vmem>>[vector<16xi32>], vector<16xf32>,
          %add3A_543 = arith.constant 0 : i32
          %add3A_544 = arith.addi %mul3A_279, %add3A_543 : i32
          %mul3A_545 = arith.constant 1024 : i32
          %mul3A_546 = arith.muli %add3A_544, %mul3A_545 : i32
          %mul3A_547 = arith.mulf %get3A_255, %get3A_288 : vector<16xf32>
          %scatter3A_548 = tpu.memref_slice %arg12[%mul3A_546] : memref<65536xf32, #tpu.memory_space<vmem>> -> memref<1024xf32, #tpu.memory_space<vmem>>
          tpu.vector_store_idx %scatter3A_548[%gather3A_216], %mul3A_547 {add = true} : memref<1024xf32, #tpu.memory_space<vmem>>[vector<16xi32>], vector<16xf32>,
          %add3A_549 = arith.constant 1 : i32
          %add3A_550 = arith.addi %mul3A_279, %add3A_549 : i32
          %mul3A_551 = arith.constant 1024 : i32
          %mul3A_552 = arith.muli %add3A_550, %mul3A_551 : i32
          %mul3A_553 = arith.mulf %get3A_255, %get3A_297 : vector<16xf32>
          %scatter3A_554 = tpu.memref_slice %arg12[%mul3A_552] : memref<65536xf32, #tpu.memory_space<vmem>> -> memref<1024xf32, #tpu.memory_space<vmem>>
          tpu.vector_store_idx %scatter3A_554[%gather3A_216], %mul3A_553 {add = true} : memref<1024xf32, #tpu.memory_space<vmem>>[vector<16xi32>], vector<16xf32>,
          %add3A_555 = arith.constant 2 : i32
          %add3A_556 = arith.addi %mul3A_279, %add3A_555 : i32
          %mul3A_557 = arith.constant 1024 : i32
          %mul3A_558 = arith.muli %add3A_556, %mul3A_557 : i32
          %mul3A_559 = arith.mulf %get3A_255, %get3A_306 : vector<16xf32>
          %scatter3A_560 = tpu.memref_slice %arg12[%mul3A_558] : memref<65536xf32, #tpu.memory_space<vmem>> -> memref<1024xf32, #tpu.memory_space<vmem>>
          tpu.vector_store_idx %scatter3A_560[%gather3A_216], %mul3A_559 {add = true} : memref<1024xf32, #tpu.memory_space<vmem>>[vector<16xi32>], vector<16xf32>,
          %add3A_561 = arith.constant 3 : i32
          %add3A_562 = arith.addi %mul3A_279, %add3A_561 : i32
          %mul3A_563 = arith.constant 1024 : i32
          %mul3A_564 = arith.muli %add3A_562, %mul3A_563 : i32
          %mul3A_565 = arith.mulf %get3A_255, %get3A_315 : vector<16xf32>
          %scatter3A_566 = tpu.memref_slice %arg12[%mul3A_564] : memref<65536xf32, #tpu.memory_space<vmem>> -> memref<1024xf32, #tpu.memory_space<vmem>>
          tpu.vector_store_idx %scatter3A_566[%gather3A_216], %mul3A_565 {add = true} : memref<1024xf32, #tpu.memory_space<vmem>>[vector<16xi32>], vector<16xf32>,
          %add3A_567 = arith.constant 4 : i32
          %add3A_568 = arith.addi %mul3A_279, %add3A_567 : i32
          %mul3A_569 = arith.constant 1024 : i32
          %mul3A_570 = arith.muli %add3A_568, %mul3A_569 : i32
          %mul3A_571 = arith.mulf %get3A_255, %get3A_324 : vector<16xf32>
          %scatter3A_572 = tpu.memref_slice %arg12[%mul3A_570] : memref<65536xf32, #tpu.memory_space<vmem>> -> memref<1024xf32, #tpu.memory_space<vmem>>
          tpu.vector_store_idx %scatter3A_572[%gather3A_216], %mul3A_571 {add = true} : memref<1024xf32, #tpu.memory_space<vmem>>[vector<16xi32>], vector<16xf32>,
          %add3A_573 = arith.constant 5 : i32
          %add3A_574 = arith.addi %mul3A_279, %add3A_573 : i32
          %mul3A_575 = arith.constant 1024 : i32
          %mul3A_576 = arith.muli %add3A_574, %mul3A_575 : i32
          %mul3A_577 = arith.mulf %get3A_255, %get3A_333 : vector<16xf32>
          %scatter3A_578 = tpu.memref_slice %arg12[%mul3A_576] : memref<65536xf32, #tpu.memory_space<vmem>> -> memref<1024xf32, #tpu.memory_space<vmem>>
          tpu.vector_store_idx %scatter3A_578[%gather3A_216], %mul3A_577 {add = true} : memref<1024xf32, #tpu.memory_space<vmem>>[vector<16xi32>], vector<16xf32>,
          %add3A_579 = arith.constant 6 : i32
          %add3A_580 = arith.addi %mul3A_279, %add3A_579 : i32
          %mul3A_581 = arith.constant 1024 : i32
          %mul3A_582 = arith.muli %add3A_580, %mul3A_581 : i32
          %mul3A_583 = arith.mulf %get3A_255, %get3A_342 : vector<16xf32>
          %scatter3A_584 = tpu.memref_slice %arg12[%mul3A_582] : memref<65536xf32, #tpu.memory_space<vmem>> -> memref<1024xf32, #tpu.memory_space<vmem>>
          tpu.vector_store_idx %scatter3A_584[%gather3A_216], %mul3A_583 {add = true} : memref<1024xf32, #tpu.memory_space<vmem>>[vector<16xi32>], vector<16xf32>,
          %add3A_585 = arith.constant 7 : i32
          %add3A_586 = arith.addi %mul3A_279, %add3A_585 : i32
          %mul3A_587 = arith.constant 1024 : i32
          %mul3A_588 = arith.muli %add3A_586, %mul3A_587 : i32
          %mul3A_589 = arith.mulf %get3A_255, %get3A_351 : vector<16xf32>
          %scatter3A_590 = tpu.memref_slice %arg12[%mul3A_588] : memref<65536xf32, #tpu.memory_space<vmem>> -> memref<1024xf32, #tpu.memory_space<vmem>>
          tpu.vector_store_idx %scatter3A_590[%gather3A_216], %mul3A_589 {add = true} : memref<1024xf32, #tpu.memory_space<vmem>>[vector<16xi32>], vector<16xf32>,
          %add3A_591 = arith.constant 0 : i32
          %add3A_592 = arith.addi %mul3A_279, %add3A_591 : i32
          %mul3A_593 = arith.constant 1024 : i32
          %mul3A_594 = arith.muli %add3A_592, %mul3A_593 : i32
          %mul3A_595 = arith.mulf %get3A_259, %get3A_288 : vector<16xf32>
          %scatter3A_596 = tpu.memref_slice %arg12[%mul3A_594] : memref<65536xf32, #tpu.memory_space<vmem>> -> memref<1024xf32, #tpu.memory_space<vmem>>
          tpu.vector_store_idx %scatter3A_596[%gather3A_221], %mul3A_595 {add = true} : memref<1024xf32, #tpu.memory_space<vmem>>[vector<16xi32>], vector<16xf32>,
          %add3A_597 = arith.constant 1 : i32
          %add3A_598 = arith.addi %mul3A_279, %add3A_597 : i32
          %mul3A_599 = arith.constant 1024 : i32
          %mul3A_600 = arith.muli %add3A_598, %mul3A_599 : i32
          %mul3A_601 = arith.mulf %get3A_259, %get3A_297 : vector<16xf32>
          %scatter3A_602 = tpu.memref_slice %arg12[%mul3A_600] : memref<65536xf32, #tpu.memory_space<vmem>> -> memref<1024xf32, #tpu.memory_space<vmem>>
          tpu.vector_store_idx %scatter3A_602[%gather3A_221], %mul3A_601 {add = true} : memref<1024xf32, #tpu.memory_space<vmem>>[vector<16xi32>], vector<16xf32>,
          %add3A_603 = arith.constant 2 : i32
          %add3A_604 = arith.addi %mul3A_279, %add3A_603 : i32
          %mul3A_605 = arith.constant 1024 : i32
          %mul3A_606 = arith.muli %add3A_604, %mul3A_605 : i32
          %mul3A_607 = arith.mulf %get3A_259, %get3A_306 : vector<16xf32>
          %scatter3A_608 = tpu.memref_slice %arg12[%mul3A_606] : memref<65536xf32, #tpu.memory_space<vmem>> -> memref<1024xf32, #tpu.memory_space<vmem>>
          tpu.vector_store_idx %scatter3A_608[%gather3A_221], %mul3A_607 {add = true} : memref<1024xf32, #tpu.memory_space<vmem>>[vector<16xi32>], vector<16xf32>,
          %add3A_609 = arith.constant 3 : i32
          %add3A_610 = arith.addi %mul3A_279, %add3A_609 : i32
          %mul3A_611 = arith.constant 1024 : i32
          %mul3A_612 = arith.muli %add3A_610, %mul3A_611 : i32
          %mul3A_613 = arith.mulf %get3A_259, %get3A_315 : vector<16xf32>
          %scatter3A_614 = tpu.memref_slice %arg12[%mul3A_612] : memref<65536xf32, #tpu.memory_space<vmem>> -> memref<1024xf32, #tpu.memory_space<vmem>>
          tpu.vector_store_idx %scatter3A_614[%gather3A_221], %mul3A_613 {add = true} : memref<1024xf32, #tpu.memory_space<vmem>>[vector<16xi32>], vector<16xf32>,
          %add3A_615 = arith.constant 4 : i32
          %add3A_616 = arith.addi %mul3A_279, %add3A_615 : i32
          %mul3A_617 = arith.constant 1024 : i32
          %mul3A_618 = arith.muli %add3A_616, %mul3A_617 : i32
          %mul3A_619 = arith.mulf %get3A_259, %get3A_324 : vector<16xf32>
          %scatter3A_620 = tpu.memref_slice %arg12[%mul3A_618] : memref<65536xf32, #tpu.memory_space<vmem>> -> memref<1024xf32, #tpu.memory_space<vmem>>
          tpu.vector_store_idx %scatter3A_620[%gather3A_221], %mul3A_619 {add = true} : memref<1024xf32, #tpu.memory_space<vmem>>[vector<16xi32>], vector<16xf32>,
          %add3A_621 = arith.constant 5 : i32
          %add3A_622 = arith.addi %mul3A_279, %add3A_621 : i32
          %mul3A_623 = arith.constant 1024 : i32
          %mul3A_624 = arith.muli %add3A_622, %mul3A_623 : i32
          %mul3A_625 = arith.mulf %get3A_259, %get3A_333 : vector<16xf32>
          %scatter3A_626 = tpu.memref_slice %arg12[%mul3A_624] : memref<65536xf32, #tpu.memory_space<vmem>> -> memref<1024xf32, #tpu.memory_space<vmem>>
          tpu.vector_store_idx %scatter3A_626[%gather3A_221], %mul3A_625 {add = true} : memref<1024xf32, #tpu.memory_space<vmem>>[vector<16xi32>], vector<16xf32>,
          %add3A_627 = arith.constant 6 : i32
          %add3A_628 = arith.addi %mul3A_279, %add3A_627 : i32
          %mul3A_629 = arith.constant 1024 : i32
          %mul3A_630 = arith.muli %add3A_628, %mul3A_629 : i32
          %mul3A_631 = arith.mulf %get3A_259, %get3A_342 : vector<16xf32>
          %scatter3A_632 = tpu.memref_slice %arg12[%mul3A_630] : memref<65536xf32, #tpu.memory_space<vmem>> -> memref<1024xf32, #tpu.memory_space<vmem>>
          tpu.vector_store_idx %scatter3A_632[%gather3A_221], %mul3A_631 {add = true} : memref<1024xf32, #tpu.memory_space<vmem>>[vector<16xi32>], vector<16xf32>,
          %add3A_633 = arith.constant 7 : i32
          %add3A_634 = arith.addi %mul3A_279, %add3A_633 : i32
          %mul3A_635 = arith.constant 1024 : i32
          %mul3A_636 = arith.muli %add3A_634, %mul3A_635 : i32
          %mul3A_637 = arith.mulf %get3A_259, %get3A_351 : vector<16xf32>
          %scatter3A_638 = tpu.memref_slice %arg12[%mul3A_636] : memref<65536xf32, #tpu.memory_space<vmem>> -> memref<1024xf32, #tpu.memory_space<vmem>>
          tpu.vector_store_idx %scatter3A_638[%gather3A_221], %mul3A_637 {add = true} : memref<1024xf32, #tpu.memory_space<vmem>>[vector<16xi32>], vector<16xf32>,
          %add3A_639 = arith.constant 0 : i32
          %add3A_640 = arith.addi %mul3A_279, %add3A_639 : i32
          %mul3A_641 = arith.constant 1024 : i32
          %mul3A_642 = arith.muli %add3A_640, %mul3A_641 : i32
          %mul3A_643 = arith.mulf %get3A_263, %get3A_288 : vector<16xf32>
          %scatter3A_644 = tpu.memref_slice %arg12[%mul3A_642] : memref<65536xf32, #tpu.memory_space<vmem>> -> memref<1024xf32, #tpu.memory_space<vmem>>
          tpu.vector_store_idx %scatter3A_644[%gather3A_226], %mul3A_643 {add = true} : memref<1024xf32, #tpu.memory_space<vmem>>[vector<16xi32>], vector<16xf32>,
          %add3A_645 = arith.constant 1 : i32
          %add3A_646 = arith.addi %mul3A_279, %add3A_645 : i32
          %mul3A_647 = arith.constant 1024 : i32
          %mul3A_648 = arith.muli %add3A_646, %mul3A_647 : i32
          %mul3A_649 = arith.mulf %get3A_263, %get3A_297 : vector<16xf32>
          %scatter3A_650 = tpu.memref_slice %arg12[%mul3A_648] : memref<65536xf32, #tpu.memory_space<vmem>> -> memref<1024xf32, #tpu.memory_space<vmem>>
          tpu.vector_store_idx %scatter3A_650[%gather3A_226], %mul3A_649 {add = true} : memref<1024xf32, #tpu.memory_space<vmem>>[vector<16xi32>], vector<16xf32>,
          %add3A_651 = arith.constant 2 : i32
          %add3A_652 = arith.addi %mul3A_279, %add3A_651 : i32
          %mul3A_653 = arith.constant 1024 : i32
          %mul3A_654 = arith.muli %add3A_652, %mul3A_653 : i32
          %mul3A_655 = arith.mulf %get3A_263, %get3A_306 : vector<16xf32>
          %scatter3A_656 = tpu.memref_slice %arg12[%mul3A_654] : memref<65536xf32, #tpu.memory_space<vmem>> -> memref<1024xf32, #tpu.memory_space<vmem>>
          tpu.vector_store_idx %scatter3A_656[%gather3A_226], %mul3A_655 {add = true} : memref<1024xf32, #tpu.memory_space<vmem>>[vector<16xi32>], vector<16xf32>,
          %add3A_657 = arith.constant 3 : i32
          %add3A_658 = arith.addi %mul3A_279, %add3A_657 : i32
          %mul3A_659 = arith.constant 1024 : i32
          %mul3A_660 = arith.muli %add3A_658, %mul3A_659 : i32
          %mul3A_661 = arith.mulf %get3A_263, %get3A_315 : vector<16xf32>
          %scatter3A_662 = tpu.memref_slice %arg12[%mul3A_660] : memref<65536xf32, #tpu.memory_space<vmem>> -> memref<1024xf32, #tpu.memory_space<vmem>>
          tpu.vector_store_idx %scatter3A_662[%gather3A_226], %mul3A_661 {add = true} : memref<1024xf32, #tpu.memory_space<vmem>>[vector<16xi32>], vector<16xf32>,
          %add3A_663 = arith.constant 4 : i32
          %add3A_664 = arith.addi %mul3A_279, %add3A_663 : i32
          %mul3A_665 = arith.constant 1024 : i32
          %mul3A_666 = arith.muli %add3A_664, %mul3A_665 : i32
          %mul3A_667 = arith.mulf %get3A_263, %get3A_324 : vector<16xf32>
          %scatter3A_668 = tpu.memref_slice %arg12[%mul3A_666] : memref<65536xf32, #tpu.memory_space<vmem>> -> memref<1024xf32, #tpu.memory_space<vmem>>
          tpu.vector_store_idx %scatter3A_668[%gather3A_226], %mul3A_667 {add = true} : memref<1024xf32, #tpu.memory_space<vmem>>[vector<16xi32>], vector<16xf32>,
          %add3A_669 = arith.constant 5 : i32
          %add3A_670 = arith.addi %mul3A_279, %add3A_669 : i32
          %mul3A_671 = arith.constant 1024 : i32
          %mul3A_672 = arith.muli %add3A_670, %mul3A_671 : i32
          %mul3A_673 = arith.mulf %get3A_263, %get3A_333 : vector<16xf32>
          %scatter3A_674 = tpu.memref_slice %arg12[%mul3A_672] : memref<65536xf32, #tpu.memory_space<vmem>> -> memref<1024xf32, #tpu.memory_space<vmem>>
          tpu.vector_store_idx %scatter3A_674[%gather3A_226], %mul3A_673 {add = true} : memref<1024xf32, #tpu.memory_space<vmem>>[vector<16xi32>], vector<16xf32>,
          %add3A_675 = arith.constant 6 : i32
          %add3A_676 = arith.addi %mul3A_279, %add3A_675 : i32
          %mul3A_677 = arith.constant 1024 : i32
          %mul3A_678 = arith.muli %add3A_676, %mul3A_677 : i32
          %mul3A_679 = arith.mulf %get3A_263, %get3A_342 : vector<16xf32>
          %scatter3A_680 = tpu.memref_slice %arg12[%mul3A_678] : memref<65536xf32, #tpu.memory_space<vmem>> -> memref<1024xf32, #tpu.memory_space<vmem>>
          tpu.vector_store_idx %scatter3A_680[%gather3A_226], %mul3A_679 {add = true} : memref<1024xf32, #tpu.memory_space<vmem>>[vector<16xi32>], vector<16xf32>,
          %add3A_681 = arith.constant 7 : i32
          %add3A_682 = arith.addi %mul3A_279, %add3A_681 : i32
          %mul3A_683 = arith.constant 1024 : i32
          %mul3A_684 = arith.muli %add3A_682, %mul3A_683 : i32
          %mul3A_685 = arith.mulf %get3A_263, %get3A_351 : vector<16xf32>
          %scatter3A_686 = tpu.memref_slice %arg12[%mul3A_684] : memref<65536xf32, #tpu.memory_space<vmem>> -> memref<1024xf32, #tpu.memory_space<vmem>>
          tpu.vector_store_idx %scatter3A_686[%gather3A_226], %mul3A_685 {add = true} : memref<1024xf32, #tpu.memory_space<vmem>>[vector<16xi32>], vector<16xf32>,
          %add3A_687 = arith.constant 0 : i32
          %add3A_688 = arith.addi %mul3A_279, %add3A_687 : i32
          %mul3A_689 = arith.constant 1024 : i32
          %mul3A_690 = arith.muli %add3A_688, %mul3A_689 : i32
          %mul3A_691 = arith.mulf %get3A_267, %get3A_288 : vector<16xf32>
          %scatter3A_692 = tpu.memref_slice %arg12[%mul3A_690] : memref<65536xf32, #tpu.memory_space<vmem>> -> memref<1024xf32, #tpu.memory_space<vmem>>
          tpu.vector_store_idx %scatter3A_692[%gather3A_231], %mul3A_691 {add = true} : memref<1024xf32, #tpu.memory_space<vmem>>[vector<16xi32>], vector<16xf32>,
          %add3A_693 = arith.constant 1 : i32
          %add3A_694 = arith.addi %mul3A_279, %add3A_693 : i32
          %mul3A_695 = arith.constant 1024 : i32
          %mul3A_696 = arith.muli %add3A_694, %mul3A_695 : i32
          %mul3A_697 = arith.mulf %get3A_267, %get3A_297 : vector<16xf32>
          %scatter3A_698 = tpu.memref_slice %arg12[%mul3A_696] : memref<65536xf32, #tpu.memory_space<vmem>> -> memref<1024xf32, #tpu.memory_space<vmem>>
          tpu.vector_store_idx %scatter3A_698[%gather3A_231], %mul3A_697 {add = true} : memref<1024xf32, #tpu.memory_space<vmem>>[vector<16xi32>], vector<16xf32>,
          %add3A_699 = arith.constant 2 : i32
          %add3A_700 = arith.addi %mul3A_279, %add3A_699 : i32
          %mul3A_701 = arith.constant 1024 : i32
          %mul3A_702 = arith.muli %add3A_700, %mul3A_701 : i32
          %mul3A_703 = arith.mulf %get3A_267, %get3A_306 : vector<16xf32>
          %scatter3A_704 = tpu.memref_slice %arg12[%mul3A_702] : memref<65536xf32, #tpu.memory_space<vmem>> -> memref<1024xf32, #tpu.memory_space<vmem>>
          tpu.vector_store_idx %scatter3A_704[%gather3A_231], %mul3A_703 {add = true} : memref<1024xf32, #tpu.memory_space<vmem>>[vector<16xi32>], vector<16xf32>,
          %add3A_705 = arith.constant 3 : i32
          %add3A_706 = arith.addi %mul3A_279, %add3A_705 : i32
          %mul3A_707 = arith.constant 1024 : i32
          %mul3A_708 = arith.muli %add3A_706, %mul3A_707 : i32
          %mul3A_709 = arith.mulf %get3A_267, %get3A_315 : vector<16xf32>
          %scatter3A_710 = tpu.memref_slice %arg12[%mul3A_708] : memref<65536xf32, #tpu.memory_space<vmem>> -> memref<1024xf32, #tpu.memory_space<vmem>>
          tpu.vector_store_idx %scatter3A_710[%gather3A_231], %mul3A_709 {add = true} : memref<1024xf32, #tpu.memory_space<vmem>>[vector<16xi32>], vector<16xf32>,
          %add3A_711 = arith.constant 4 : i32
          %add3A_712 = arith.addi %mul3A_279, %add3A_711 : i32
          %mul3A_713 = arith.constant 1024 : i32
          %mul3A_714 = arith.muli %add3A_712, %mul3A_713 : i32
          %mul3A_715 = arith.mulf %get3A_267, %get3A_324 : vector<16xf32>
          %scatter3A_716 = tpu.memref_slice %arg12[%mul3A_714] : memref<65536xf32, #tpu.memory_space<vmem>> -> memref<1024xf32, #tpu.memory_space<vmem>>
          tpu.vector_store_idx %scatter3A_716[%gather3A_231], %mul3A_715 {add = true} : memref<1024xf32, #tpu.memory_space<vmem>>[vector<16xi32>], vector<16xf32>,
          %add3A_717 = arith.constant 5 : i32
          %add3A_718 = arith.addi %mul3A_279, %add3A_717 : i32
          %mul3A_719 = arith.constant 1024 : i32
          %mul3A_720 = arith.muli %add3A_718, %mul3A_719 : i32
          %mul3A_721 = arith.mulf %get3A_267, %get3A_333 : vector<16xf32>
          %scatter3A_722 = tpu.memref_slice %arg12[%mul3A_720] : memref<65536xf32, #tpu.memory_space<vmem>> -> memref<1024xf32, #tpu.memory_space<vmem>>
          tpu.vector_store_idx %scatter3A_722[%gather3A_231], %mul3A_721 {add = true} : memref<1024xf32, #tpu.memory_space<vmem>>[vector<16xi32>], vector<16xf32>,
          %add3A_723 = arith.constant 6 : i32
          %add3A_724 = arith.addi %mul3A_279, %add3A_723 : i32
          %mul3A_725 = arith.constant 1024 : i32
          %mul3A_726 = arith.muli %add3A_724, %mul3A_725 : i32
          %mul3A_727 = arith.mulf %get3A_267, %get3A_342 : vector<16xf32>
          %scatter3A_728 = tpu.memref_slice %arg12[%mul3A_726] : memref<65536xf32, #tpu.memory_space<vmem>> -> memref<1024xf32, #tpu.memory_space<vmem>>
          tpu.vector_store_idx %scatter3A_728[%gather3A_231], %mul3A_727 {add = true} : memref<1024xf32, #tpu.memory_space<vmem>>[vector<16xi32>], vector<16xf32>,
          %add3A_729 = arith.constant 7 : i32
          %add3A_730 = arith.addi %mul3A_279, %add3A_729 : i32
          %mul3A_731 = arith.constant 1024 : i32
          %mul3A_732 = arith.muli %add3A_730, %mul3A_731 : i32
          %mul3A_733 = arith.mulf %get3A_267, %get3A_351 : vector<16xf32>
          %scatter3A_734 = tpu.memref_slice %arg12[%mul3A_732] : memref<65536xf32, #tpu.memory_space<vmem>> -> memref<1024xf32, #tpu.memory_space<vmem>>
          tpu.vector_store_idx %scatter3A_734[%gather3A_231], %mul3A_733 {add = true} : memref<1024xf32, #tpu.memory_space<vmem>>[vector<16xi32>], vector<16xf32>,
          %scan3A_735 = arith.constant 0 : i32
          scf.yield %scan3A_735 : i32
        }
        %scan3A_274 = arith.constant 8 : i32
        %scan3A_275 = arith.constant 0 : i32
        scf.yield %scan3A_275 : i32
      }
      %scan3A_145 = arith.constant 4 : i32
      %add3A_146 = arith.constant 2 : i32
      %add3A_147 = arith.addi %add3A_118, %add3A_146 : i32
      %lt3A = arith.constant 64 : i32
      %lt3A_148 = arith.cmpi slt, %add3A_147, %lt3A : i32
      %convert_element_type3A = arith.extui %lt3A_148 : i1 to i32
      %cond3A = arith.constant 0 : i32
      %cond3A_149 = arith.cmpi ne, %convert_element_type3A, %cond3A : i32
      scf.if %cond3A_149 {
        %add3A_189 = arith.constant 2 : i32
        %add3A_190 = arith.addi %add3A_118, %add3A_189 : i32
        %mul3A_191 = arith.constant 4096 : i32
        %mul3A_192 = arith.muli %add3A, %mul3A_191 : i32
        %mul3A_193 = arith.constant 64 : i32
        %mul3A_194 = arith.muli %add3A_190, %mul3A_193 : i32
        %add3A_195 = arith.addi %mul3A_192, %mul3A_194 : i32
        %mul3A_196 = arith.constant 64 : i32
        %mul3A_197 = arith.muli %add3A_195, %mul3A_196 : i32
        %mul3A_198 = arith.constant 8 : i32
        %mul3A_199 = arith.muli %add3A_195, %mul3A_198 : i32
        %dma_start3A_200 = tpu.memref_slice %arg2[%mul3A_197] : memref<8388608xf32, #tpu.memory_space<hbm>> -> memref<4096xf32, #tpu.memory_space<hbm>>
        %dma_start3A_201 = tpu.memref_slice %arg2[%mul3A_197] : memref<8388608xf32, #tpu.memory_space<hbm>> -> memref<4096xf32, #tpu.memory_space<hbm>>
        tpu.enqueue_dma source(%dma_start3A_201 : memref<4096xf32, #tpu.memory_space<hbm>>) target(%arg14 : memref<4096xf32, #tpu.memory_space<vmem>>) target_semaphore(%arg31 : memref<!tpu.dma_semaphore, #tpu.memory_space<semaphore_mem>>)
        %dma_start3A_202 = tpu.memref_slice %arg3[%mul3A_199] : memref<1048576xi32, #tpu.memory_space<hbm>> -> memref<512xi32, #tpu.memory_space<hbm>>
        %dma_start3A_203 = tpu.memref_slice %arg3[%mul3A_199] : memref<1048576xi32, #tpu.memory_space<hbm>> -> memref<512xi32, #tpu.memory_space<hbm>>
        tpu.enqueue_dma source(%dma_start3A_203 : memref<512xi32, #tpu.memory_space<hbm>>) target(%arg18 : memref<512xi32, #tpu.memory_space<vmem>>) target_semaphore(%arg31 : memref<!tpu.dma_semaphore, #tpu.memory_space<semaphore_mem>>)
      } else {
      }
      %mul3A_150 = arith.constant 2 : i32
      %mul3A_151 = arith.muli %mul3A_150, %scan3A_113 : i32
      %add3A_152 = arith.constant 1 : i32
      %add3A_153 = arith.addi %mul3A_151, %add3A_152 : i32
      %mul3A_154 = arith.constant 4096 : i32
      %mul3A_155 = arith.muli %add3A, %mul3A_154 : i32
      %mul3A_156 = arith.constant 64 : i32
      %mul3A_157 = arith.muli %add3A_153, %mul3A_156 : i32
      %add3A_158 = arith.addi %mul3A_155, %mul3A_157 : i32
      %mul3A_159 = arith.constant 64 : i32
      %mul3A_160 = arith.muli %add3A_158, %mul3A_159 : i32
      %mul3A_161 = arith.constant 8 : i32
      %mul3A_162 = arith.muli %add3A_158, %mul3A_161 : i32
      %dma_wait3A_163 = tpu.memref_slice %arg2[%mul3A_160] : memref<8388608xf32, #tpu.memory_space<hbm>> -> memref<4096xf32, #tpu.memory_space<hbm>>
      %dma_wait3A_164 = tpu.memref_slice %arg2[%mul3A_160] : memref<8388608xf32, #tpu.memory_space<hbm>> -> memref<4096xf32, #tpu.memory_space<hbm>>
      tpu.wait_dma2 semaphore(%arg32 : memref<!tpu.dma_semaphore, #tpu.memory_space<semaphore_mem>>) src(%dma_wait3A_164 : memref<4096xf32, #tpu.memory_space<hbm>>) dst(%arg15 : memref<4096xf32, #tpu.memory_space<vmem>>)
      %dma_wait3A_165 = tpu.memref_slice %arg3[%mul3A_162] : memref<1048576xi32, #tpu.memory_space<hbm>> -> memref<512xi32, #tpu.memory_space<hbm>>
      %dma_wait3A_166 = tpu.memref_slice %arg3[%mul3A_162] : memref<1048576xi32, #tpu.memory_space<hbm>> -> memref<512xi32, #tpu.memory_space<hbm>>
      tpu.wait_dma2 semaphore(%arg32 : memref<!tpu.dma_semaphore, #tpu.memory_space<semaphore_mem>>) src(%dma_wait3A_166 : memref<512xi32, #tpu.memory_space<hbm>>) dst(%arg19 : memref<512xi32, #tpu.memory_space<vmem>>)
      %scan3A_167 = arith.constant 0 : i32
      %scan3A_168 = arith.constant 0 : i32
      %scan3A_169 = arith.constant 64 : i32
      %scan3A_170 = arith.addi %scan3A_168, %scan3A_169 : i32
      %scan3A_171 = arith.constant 1 : i32
      %scan3A_172 = scf.for %scan3A_189 = %scan3A_168 to %scan3A_170 step %scan3A_171 iter_args(%scan3A_190 = %scan3A_167) -> (i32)  : i32 {
        %mul3A_191 = arith.constant 64 : i32
        %mul3A_192 = arith.muli %scan3A_189, %mul3A_191 : i32
        %add3A_193 = arith.constant 0 : i32
        %add3A_194 = arith.addi %mul3A_192, %add3A_193 : i32
        %get3A = arith.index_cast %add3A_194 : i32 to index
        %get3A_195 = tpu.vector_load %arg15[%get3A] {strides = array<i32>} : memref<4096xf32, #tpu.memory_space<vmem>>, vector<16xf32>,
        %add3A_196 = arith.constant 0 : i32
        %add3A_197 = arith.addi %add3A_196, %scan3A_189 : i32
        %add3A_198 = vector.broadcast %add3A_197 : i32 to vector<16xi32>
        %add3A_199 = arith.addi %mul3A_6, %add3A_198 : vector<16xi32>
        tpu.vector_store_idx %arg17[%add3A_199], %get3A_195 : memref<4160xf32, #tpu.memory_space<vmem>>[vector<16xi32>], vector<16xf32>,
        %add3A_200 = arith.constant 16 : i32
        %add3A_201 = arith.addi %mul3A_192, %add3A_200 : i32
        %get3A_202 = arith.index_cast %add3A_201 : i32 to index
        %get3A_203 = tpu.vector_load %arg15[%get3A_202] {strides = array<i32>} : memref<4096xf32, #tpu.memory_space<vmem>>, vector<16xf32>,
        %add3A_204 = arith.constant 1040 : i32
        %add3A_205 = arith.addi %add3A_204, %scan3A_189 : i32
        %add3A_206 = vector.broadcast %add3A_205 : i32 to vector<16xi32>
        %add3A_207 = arith.addi %mul3A_6, %add3A_206 : vector<16xi32>
        tpu.vector_store_idx %arg17[%add3A_207], %get3A_203 : memref<4160xf32, #tpu.memory_space<vmem>>[vector<16xi32>], vector<16xf32>,
        %add3A_208 = arith.constant 32 : i32
        %add3A_209 = arith.addi %mul3A_192, %add3A_208 : i32
        %get3A_210 = arith.index_cast %add3A_209 : i32 to index
        %get3A_211 = tpu.vector_load %arg15[%get3A_210] {strides = array<i32>} : memref<4096xf32, #tpu.memory_space<vmem>>, vector<16xf32>,
        %add3A_212 = arith.constant 2080 : i32
        %add3A_213 = arith.addi %add3A_212, %scan3A_189 : i32
        %add3A_214 = vector.broadcast %add3A_213 : i32 to vector<16xi32>
        %add3A_215 = arith.addi %mul3A_6, %add3A_214 : vector<16xi32>
        tpu.vector_store_idx %arg17[%add3A_215], %get3A_211 : memref<4160xf32, #tpu.memory_space<vmem>>[vector<16xi32>], vector<16xf32>,
        %add3A_216 = arith.constant 48 : i32
        %add3A_217 = arith.addi %mul3A_192, %add3A_216 : i32
        %get3A_218 = arith.index_cast %add3A_217 : i32 to index
        %get3A_219 = tpu.vector_load %arg15[%get3A_218] {strides = array<i32>} : memref<4096xf32, #tpu.memory_space<vmem>>, vector<16xf32>,
        %add3A_220 = arith.constant 3120 : i32
        %add3A_221 = arith.addi %add3A_220, %scan3A_189 : i32
        %add3A_222 = vector.broadcast %add3A_221 : i32 to vector<16xi32>
        %add3A_223 = arith.addi %mul3A_6, %add3A_222 : vector<16xi32>
        tpu.vector_store_idx %arg17[%add3A_223], %get3A_219 : memref<4160xf32, #tpu.memory_space<vmem>>[vector<16xi32>], vector<16xf32>,
        %scan3A_224 = arith.constant 0 : i32
        scf.yield %scan3A_224 : i32
      }
      %scan3A_173 = arith.constant 64 : i32
      %scan3A_174 = arith.constant 0 : i32
      %scan3A_175 = arith.constant 0 : i32
      %scan3A_176 = arith.constant 4 : i32
      %scan3A_177 = arith.addi %scan3A_175, %scan3A_176 : i32
      %scan3A_178 = arith.constant 1 : i32
      %scan3A_179 = scf.for %scan3A_189 = %scan3A_175 to %scan3A_177 step %scan3A_178 iter_args(%scan3A_190 = %scan3A_174) -> (i32)  : i32 {
        %mul3A_191 = arith.constant 128 : i32
        %mul3A_192 = arith.muli %scan3A_189, %mul3A_191 : i32
        %add3A_193 = arith.constant 0 : i32
        %add3A_194 = arith.addi %mul3A_192, %add3A_193 : i32
        %add3A_195 = vector.broadcast %add3A_194 : i32 to vector<16xi32>
        %add3A_196 = arith.addi %mul3A_3, %add3A_195 : vector<16xi32>
        %gather3A = tpu.vector_load_idx %arg19[%add3A_196] : memref<512xi32, #tpu.memory_space<vmem>>[vector<16xi32>], vector<16xi32>,
        %add3A_197 = arith.constant 1 : i32
        %add3A_198 = arith.addi %mul3A_192, %add3A_197 : i32
        %add3A_199 = vector.broadcast %add3A_198 : i32 to vector<16xi32>
        %add3A_200 = arith.addi %mul3A_3, %add3A_199 : vector<16xi32>
        %gather3A_201 = tpu.vector_load_idx %arg19[%add3A_200] : memref<512xi32, #tpu.memory_space<vmem>>[vector<16xi32>], vector<16xi32>,
        %add3A_202 = arith.constant 2 : i32
        %add3A_203 = arith.addi %mul3A_192, %add3A_202 : i32
        %add3A_204 = vector.broadcast %add3A_203 : i32 to vector<16xi32>
        %add3A_205 = arith.addi %mul3A_3, %add3A_204 : vector<16xi32>
        %gather3A_206 = tpu.vector_load_idx %arg19[%add3A_205] : memref<512xi32, #tpu.memory_space<vmem>>[vector<16xi32>], vector<16xi32>,
        %add3A_207 = arith.constant 3 : i32
        %add3A_208 = arith.addi %mul3A_192, %add3A_207 : i32
        %add3A_209 = vector.broadcast %add3A_208 : i32 to vector<16xi32>
        %add3A_210 = arith.addi %mul3A_3, %add3A_209 : vector<16xi32>
        %gather3A_211 = tpu.vector_load_idx %arg19[%add3A_210] : memref<512xi32, #tpu.memory_space<vmem>>[vector<16xi32>], vector<16xi32>,
        %add3A_212 = arith.constant 4 : i32
        %add3A_213 = arith.addi %mul3A_192, %add3A_212 : i32
        %add3A_214 = vector.broadcast %add3A_213 : i32 to vector<16xi32>
        %add3A_215 = arith.addi %mul3A_3, %add3A_214 : vector<16xi32>
        %gather3A_216 = tpu.vector_load_idx %arg19[%add3A_215] : memref<512xi32, #tpu.memory_space<vmem>>[vector<16xi32>], vector<16xi32>,
        %add3A_217 = arith.constant 5 : i32
        %add3A_218 = arith.addi %mul3A_192, %add3A_217 : i32
        %add3A_219 = vector.broadcast %add3A_218 : i32 to vector<16xi32>
        %add3A_220 = arith.addi %mul3A_3, %add3A_219 : vector<16xi32>
        %gather3A_221 = tpu.vector_load_idx %arg19[%add3A_220] : memref<512xi32, #tpu.memory_space<vmem>>[vector<16xi32>], vector<16xi32>,
        %add3A_222 = arith.constant 6 : i32
        %add3A_223 = arith.addi %mul3A_192, %add3A_222 : i32
        %add3A_224 = vector.broadcast %add3A_223 : i32 to vector<16xi32>
        %add3A_225 = arith.addi %mul3A_3, %add3A_224 : vector<16xi32>
        %gather3A_226 = tpu.vector_load_idx %arg19[%add3A_225] : memref<512xi32, #tpu.memory_space<vmem>>[vector<16xi32>], vector<16xi32>,
        %add3A_227 = arith.constant 7 : i32
        %add3A_228 = arith.addi %mul3A_192, %add3A_227 : i32
        %add3A_229 = vector.broadcast %add3A_228 : i32 to vector<16xi32>
        %add3A_230 = arith.addi %mul3A_3, %add3A_229 : vector<16xi32>
        %gather3A_231 = tpu.vector_load_idx %arg19[%add3A_230] : memref<512xi32, #tpu.memory_space<vmem>>[vector<16xi32>], vector<16xi32>,
        %mul3A_232 = arith.constant 4 : i32
        %mul3A_233 = arith.muli %add3A_153, %mul3A_232 : i32
        %add3A_234 = arith.addi %mul3A_233, %scan3A_189 : i32
        %mul3A_235 = arith.constant 128 : i32
        %mul3A_236 = arith.muli %add3A_234, %mul3A_235 : i32
        %add3A_237 = arith.constant 0 : i32
        %add3A_238 = arith.addi %mul3A_236, %add3A_237 : i32
        %get3A = arith.index_cast %add3A_238 : i32 to index
        %get3A_239 = tpu.vector_load %arg13[%get3A] {strides = array<i32>} : memref<32768xf32, #tpu.memory_space<vmem>>, vector<16xf32>,
        %add3A_240 = arith.constant 16 : i32
        %add3A_241 = arith.addi %mul3A_236, %add3A_240 : i32
        %get3A_242 = arith.index_cast %add3A_241 : i32 to index
        %get3A_243 = tpu.vector_load %arg13[%get3A_242] {strides = array<i32>} : memref<32768xf32, #tpu.memory_space<vmem>>, vector<16xf32>,
        %add3A_244 = arith.constant 32 : i32
        %add3A_245 = arith.addi %mul3A_236, %add3A_244 : i32
        %get3A_246 = arith.index_cast %add3A_245 : i32 to index
        %get3A_247 = tpu.vector_load %arg13[%get3A_246] {strides = array<i32>} : memref<32768xf32, #tpu.memory_space<vmem>>, vector<16xf32>,
        %add3A_248 = arith.constant 48 : i32
        %add3A_249 = arith.addi %mul3A_236, %add3A_248 : i32
        %get3A_250 = arith.index_cast %add3A_249 : i32 to index
        %get3A_251 = tpu.vector_load %arg13[%get3A_250] {strides = array<i32>} : memref<32768xf32, #tpu.memory_space<vmem>>, vector<16xf32>,
        %add3A_252 = arith.constant 64 : i32
        %add3A_253 = arith.addi %mul3A_236, %add3A_252 : i32
        %get3A_254 = arith.index_cast %add3A_253 : i32 to index
        %get3A_255 = tpu.vector_load %arg13[%get3A_254] {strides = array<i32>} : memref<32768xf32, #tpu.memory_space<vmem>>, vector<16xf32>,
        %add3A_256 = arith.constant 80 : i32
        %add3A_257 = arith.addi %mul3A_236, %add3A_256 : i32
        %get3A_258 = arith.index_cast %add3A_257 : i32 to index
        %get3A_259 = tpu.vector_load %arg13[%get3A_258] {strides = array<i32>} : memref<32768xf32, #tpu.memory_space<vmem>>, vector<16xf32>,
        %add3A_260 = arith.constant 96 : i32
        %add3A_261 = arith.addi %mul3A_236, %add3A_260 : i32
        %get3A_262 = arith.index_cast %add3A_261 : i32 to index
        %get3A_263 = tpu.vector_load %arg13[%get3A_262] {strides = array<i32>} : memref<32768xf32, #tpu.memory_space<vmem>>, vector<16xf32>,
        %add3A_264 = arith.constant 112 : i32
        %add3A_265 = arith.addi %mul3A_236, %add3A_264 : i32
        %get3A_266 = arith.index_cast %add3A_265 : i32 to index
        %get3A_267 = tpu.vector_load %arg13[%get3A_266] {strides = array<i32>} : memref<32768xf32, #tpu.memory_space<vmem>>, vector<16xf32>,
        %scan3A_268 = arith.constant 0 : i32
        %scan3A_269 = arith.constant 0 : i32
        %scan3A_270 = arith.constant 8 : i32
        %scan3A_271 = arith.addi %scan3A_269, %scan3A_270 : i32
        %scan3A_272 = arith.constant 1 : i32
        %scan3A_273 = scf.for %scan3A_276 = %scan3A_269 to %scan3A_271 step %scan3A_272 iter_args(%scan3A_277 = %scan3A_268) -> (i32)  : i32 {
          %mul3A_278 = arith.constant 8 : i32
          %mul3A_279 = arith.muli %scan3A_276, %mul3A_278 : i32
          %add3A_280 = arith.constant 0 : i32
          %add3A_281 = arith.addi %mul3A_279, %add3A_280 : i32
          %mul3A_282 = arith.constant 65 : i32
          %mul3A_283 = arith.muli %add3A_281, %mul3A_282 : i32
          %mul3A_284 = arith.constant 16 : i32
          %mul3A_285 = arith.muli %scan3A_189, %mul3A_284 : i32
          %add3A_286 = arith.addi %mul3A_283, %mul3A_285 : i32
          %get3A_287 = arith.index_cast %add3A_286 : i32 to index
          %get3A_288 = tpu.vector_load %arg17[%get3A_287] {strides = array<i32>} : memref<4160xf32, #tpu.memory_space<vmem>>, vector<16xf32>,
          %add3A_289 = arith.constant 1 : i32
          %add3A_290 = arith.addi %mul3A_279, %add3A_289 : i32
          %mul3A_291 = arith.constant 65 : i32
          %mul3A_292 = arith.muli %add3A_290, %mul3A_291 : i32
          %mul3A_293 = arith.constant 16 : i32
          %mul3A_294 = arith.muli %scan3A_189, %mul3A_293 : i32
          %add3A_295 = arith.addi %mul3A_292, %mul3A_294 : i32
          %get3A_296 = arith.index_cast %add3A_295 : i32 to index
          %get3A_297 = tpu.vector_load %arg17[%get3A_296] {strides = array<i32>} : memref<4160xf32, #tpu.memory_space<vmem>>, vector<16xf32>,
          %add3A_298 = arith.constant 2 : i32
          %add3A_299 = arith.addi %mul3A_279, %add3A_298 : i32
          %mul3A_300 = arith.constant 65 : i32
          %mul3A_301 = arith.muli %add3A_299, %mul3A_300 : i32
          %mul3A_302 = arith.constant 16 : i32
          %mul3A_303 = arith.muli %scan3A_189, %mul3A_302 : i32
          %add3A_304 = arith.addi %mul3A_301, %mul3A_303 : i32
          %get3A_305 = arith.index_cast %add3A_304 : i32 to index
          %get3A_306 = tpu.vector_load %arg17[%get3A_305] {strides = array<i32>} : memref<4160xf32, #tpu.memory_space<vmem>>, vector<16xf32>,
          %add3A_307 = arith.constant 3 : i32
          %add3A_308 = arith.addi %mul3A_279, %add3A_307 : i32
          %mul3A_309 = arith.constant 65 : i32
          %mul3A_310 = arith.muli %add3A_308, %mul3A_309 : i32
          %mul3A_311 = arith.constant 16 : i32
          %mul3A_312 = arith.muli %scan3A_189, %mul3A_311 : i32
          %add3A_313 = arith.addi %mul3A_310, %mul3A_312 : i32
          %get3A_314 = arith.index_cast %add3A_313 : i32 to index
          %get3A_315 = tpu.vector_load %arg17[%get3A_314] {strides = array<i32>} : memref<4160xf32, #tpu.memory_space<vmem>>, vector<16xf32>,
          %add3A_316 = arith.constant 4 : i32
          %add3A_317 = arith.addi %mul3A_279, %add3A_316 : i32
          %mul3A_318 = arith.constant 65 : i32
          %mul3A_319 = arith.muli %add3A_317, %mul3A_318 : i32
          %mul3A_320 = arith.constant 16 : i32
          %mul3A_321 = arith.muli %scan3A_189, %mul3A_320 : i32
          %add3A_322 = arith.addi %mul3A_319, %mul3A_321 : i32
          %get3A_323 = arith.index_cast %add3A_322 : i32 to index
          %get3A_324 = tpu.vector_load %arg17[%get3A_323] {strides = array<i32>} : memref<4160xf32, #tpu.memory_space<vmem>>, vector<16xf32>,
          %add3A_325 = arith.constant 5 : i32
          %add3A_326 = arith.addi %mul3A_279, %add3A_325 : i32
          %mul3A_327 = arith.constant 65 : i32
          %mul3A_328 = arith.muli %add3A_326, %mul3A_327 : i32
          %mul3A_329 = arith.constant 16 : i32
          %mul3A_330 = arith.muli %scan3A_189, %mul3A_329 : i32
          %add3A_331 = arith.addi %mul3A_328, %mul3A_330 : i32
          %get3A_332 = arith.index_cast %add3A_331 : i32 to index
          %get3A_333 = tpu.vector_load %arg17[%get3A_332] {strides = array<i32>} : memref<4160xf32, #tpu.memory_space<vmem>>, vector<16xf32>,
          %add3A_334 = arith.constant 6 : i32
          %add3A_335 = arith.addi %mul3A_279, %add3A_334 : i32
          %mul3A_336 = arith.constant 65 : i32
          %mul3A_337 = arith.muli %add3A_335, %mul3A_336 : i32
          %mul3A_338 = arith.constant 16 : i32
          %mul3A_339 = arith.muli %scan3A_189, %mul3A_338 : i32
          %add3A_340 = arith.addi %mul3A_337, %mul3A_339 : i32
          %get3A_341 = arith.index_cast %add3A_340 : i32 to index
          %get3A_342 = tpu.vector_load %arg17[%get3A_341] {strides = array<i32>} : memref<4160xf32, #tpu.memory_space<vmem>>, vector<16xf32>,
          %add3A_343 = arith.constant 7 : i32
          %add3A_344 = arith.addi %mul3A_279, %add3A_343 : i32
          %mul3A_345 = arith.constant 65 : i32
          %mul3A_346 = arith.muli %add3A_344, %mul3A_345 : i32
          %mul3A_347 = arith.constant 16 : i32
          %mul3A_348 = arith.muli %scan3A_189, %mul3A_347 : i32
          %add3A_349 = arith.addi %mul3A_346, %mul3A_348 : i32
          %get3A_350 = arith.index_cast %add3A_349 : i32 to index
          %get3A_351 = tpu.vector_load %arg17[%get3A_350] {strides = array<i32>} : memref<4160xf32, #tpu.memory_space<vmem>>, vector<16xf32>,
          %add3A_352 = arith.constant 0 : i32
          %add3A_353 = arith.addi %mul3A_279, %add3A_352 : i32
          %mul3A_354 = arith.constant 1024 : i32
          %mul3A_355 = arith.muli %add3A_353, %mul3A_354 : i32
          %mul3A_356 = arith.mulf %get3A_239, %get3A_288 : vector<16xf32>
          %scatter3A = tpu.memref_slice %arg12[%mul3A_355] : memref<65536xf32, #tpu.memory_space<vmem>> -> memref<1024xf32, #tpu.memory_space<vmem>>
          tpu.vector_store_idx %scatter3A[%gather3A], %mul3A_356 {add = true} : memref<1024xf32, #tpu.memory_space<vmem>>[vector<16xi32>], vector<16xf32>,
          %add3A_357 = arith.constant 1 : i32
          %add3A_358 = arith.addi %mul3A_279, %add3A_357 : i32
          %mul3A_359 = arith.constant 1024 : i32
          %mul3A_360 = arith.muli %add3A_358, %mul3A_359 : i32
          %mul3A_361 = arith.mulf %get3A_239, %get3A_297 : vector<16xf32>
          %scatter3A_362 = tpu.memref_slice %arg12[%mul3A_360] : memref<65536xf32, #tpu.memory_space<vmem>> -> memref<1024xf32, #tpu.memory_space<vmem>>
          tpu.vector_store_idx %scatter3A_362[%gather3A], %mul3A_361 {add = true} : memref<1024xf32, #tpu.memory_space<vmem>>[vector<16xi32>], vector<16xf32>,
          %add3A_363 = arith.constant 2 : i32
          %add3A_364 = arith.addi %mul3A_279, %add3A_363 : i32
          %mul3A_365 = arith.constant 1024 : i32
          %mul3A_366 = arith.muli %add3A_364, %mul3A_365 : i32
          %mul3A_367 = arith.mulf %get3A_239, %get3A_306 : vector<16xf32>
          %scatter3A_368 = tpu.memref_slice %arg12[%mul3A_366] : memref<65536xf32, #tpu.memory_space<vmem>> -> memref<1024xf32, #tpu.memory_space<vmem>>
          tpu.vector_store_idx %scatter3A_368[%gather3A], %mul3A_367 {add = true} : memref<1024xf32, #tpu.memory_space<vmem>>[vector<16xi32>], vector<16xf32>,
          %add3A_369 = arith.constant 3 : i32
          %add3A_370 = arith.addi %mul3A_279, %add3A_369 : i32
          %mul3A_371 = arith.constant 1024 : i32
          %mul3A_372 = arith.muli %add3A_370, %mul3A_371 : i32
          %mul3A_373 = arith.mulf %get3A_239, %get3A_315 : vector<16xf32>
          %scatter3A_374 = tpu.memref_slice %arg12[%mul3A_372] : memref<65536xf32, #tpu.memory_space<vmem>> -> memref<1024xf32, #tpu.memory_space<vmem>>
          tpu.vector_store_idx %scatter3A_374[%gather3A], %mul3A_373 {add = true} : memref<1024xf32, #tpu.memory_space<vmem>>[vector<16xi32>], vector<16xf32>,
          %add3A_375 = arith.constant 4 : i32
          %add3A_376 = arith.addi %mul3A_279, %add3A_375 : i32
          %mul3A_377 = arith.constant 1024 : i32
          %mul3A_378 = arith.muli %add3A_376, %mul3A_377 : i32
          %mul3A_379 = arith.mulf %get3A_239, %get3A_324 : vector<16xf32>
          %scatter3A_380 = tpu.memref_slice %arg12[%mul3A_378] : memref<65536xf32, #tpu.memory_space<vmem>> -> memref<1024xf32, #tpu.memory_space<vmem>>
          tpu.vector_store_idx %scatter3A_380[%gather3A], %mul3A_379 {add = true} : memref<1024xf32, #tpu.memory_space<vmem>>[vector<16xi32>], vector<16xf32>,
          %add3A_381 = arith.constant 5 : i32
          %add3A_382 = arith.addi %mul3A_279, %add3A_381 : i32
          %mul3A_383 = arith.constant 1024 : i32
          %mul3A_384 = arith.muli %add3A_382, %mul3A_383 : i32
          %mul3A_385 = arith.mulf %get3A_239, %get3A_333 : vector<16xf32>
          %scatter3A_386 = tpu.memref_slice %arg12[%mul3A_384] : memref<65536xf32, #tpu.memory_space<vmem>> -> memref<1024xf32, #tpu.memory_space<vmem>>
          tpu.vector_store_idx %scatter3A_386[%gather3A], %mul3A_385 {add = true} : memref<1024xf32, #tpu.memory_space<vmem>>[vector<16xi32>], vector<16xf32>,
          %add3A_387 = arith.constant 6 : i32
          %add3A_388 = arith.addi %mul3A_279, %add3A_387 : i32
          %mul3A_389 = arith.constant 1024 : i32
          %mul3A_390 = arith.muli %add3A_388, %mul3A_389 : i32
          %mul3A_391 = arith.mulf %get3A_239, %get3A_342 : vector<16xf32>
          %scatter3A_392 = tpu.memref_slice %arg12[%mul3A_390] : memref<65536xf32, #tpu.memory_space<vmem>> -> memref<1024xf32, #tpu.memory_space<vmem>>
          tpu.vector_store_idx %scatter3A_392[%gather3A], %mul3A_391 {add = true} : memref<1024xf32, #tpu.memory_space<vmem>>[vector<16xi32>], vector<16xf32>,
          %add3A_393 = arith.constant 7 : i32
          %add3A_394 = arith.addi %mul3A_279, %add3A_393 : i32
          %mul3A_395 = arith.constant 1024 : i32
          %mul3A_396 = arith.muli %add3A_394, %mul3A_395 : i32
          %mul3A_397 = arith.mulf %get3A_239, %get3A_351 : vector<16xf32>
          %scatter3A_398 = tpu.memref_slice %arg12[%mul3A_396] : memref<65536xf32, #tpu.memory_space<vmem>> -> memref<1024xf32, #tpu.memory_space<vmem>>
          tpu.vector_store_idx %scatter3A_398[%gather3A], %mul3A_397 {add = true} : memref<1024xf32, #tpu.memory_space<vmem>>[vector<16xi32>], vector<16xf32>,
          %add3A_399 = arith.constant 0 : i32
          %add3A_400 = arith.addi %mul3A_279, %add3A_399 : i32
          %mul3A_401 = arith.constant 1024 : i32
          %mul3A_402 = arith.muli %add3A_400, %mul3A_401 : i32
          %mul3A_403 = arith.mulf %get3A_243, %get3A_288 : vector<16xf32>
          %scatter3A_404 = tpu.memref_slice %arg12[%mul3A_402] : memref<65536xf32, #tpu.memory_space<vmem>> -> memref<1024xf32, #tpu.memory_space<vmem>>
          tpu.vector_store_idx %scatter3A_404[%gather3A_201], %mul3A_403 {add = true} : memref<1024xf32, #tpu.memory_space<vmem>>[vector<16xi32>], vector<16xf32>,
          %add3A_405 = arith.constant 1 : i32
          %add3A_406 = arith.addi %mul3A_279, %add3A_405 : i32
          %mul3A_407 = arith.constant 1024 : i32
          %mul3A_408 = arith.muli %add3A_406, %mul3A_407 : i32
          %mul3A_409 = arith.mulf %get3A_243, %get3A_297 : vector<16xf32>
          %scatter3A_410 = tpu.memref_slice %arg12[%mul3A_408] : memref<65536xf32, #tpu.memory_space<vmem>> -> memref<1024xf32, #tpu.memory_space<vmem>>
          tpu.vector_store_idx %scatter3A_410[%gather3A_201], %mul3A_409 {add = true} : memref<1024xf32, #tpu.memory_space<vmem>>[vector<16xi32>], vector<16xf32>,
          %add3A_411 = arith.constant 2 : i32
          %add3A_412 = arith.addi %mul3A_279, %add3A_411 : i32
          %mul3A_413 = arith.constant 1024 : i32
          %mul3A_414 = arith.muli %add3A_412, %mul3A_413 : i32
          %mul3A_415 = arith.mulf %get3A_243, %get3A_306 : vector<16xf32>
          %scatter3A_416 = tpu.memref_slice %arg12[%mul3A_414] : memref<65536xf32, #tpu.memory_space<vmem>> -> memref<1024xf32, #tpu.memory_space<vmem>>
          tpu.vector_store_idx %scatter3A_416[%gather3A_201], %mul3A_415 {add = true} : memref<1024xf32, #tpu.memory_space<vmem>>[vector<16xi32>], vector<16xf32>,
          %add3A_417 = arith.constant 3 : i32
          %add3A_418 = arith.addi %mul3A_279, %add3A_417 : i32
          %mul3A_419 = arith.constant 1024 : i32
          %mul3A_420 = arith.muli %add3A_418, %mul3A_419 : i32
          %mul3A_421 = arith.mulf %get3A_243, %get3A_315 : vector<16xf32>
          %scatter3A_422 = tpu.memref_slice %arg12[%mul3A_420] : memref<65536xf32, #tpu.memory_space<vmem>> -> memref<1024xf32, #tpu.memory_space<vmem>>
          tpu.vector_store_idx %scatter3A_422[%gather3A_201], %mul3A_421 {add = true} : memref<1024xf32, #tpu.memory_space<vmem>>[vector<16xi32>], vector<16xf32>,
          %add3A_423 = arith.constant 4 : i32
          %add3A_424 = arith.addi %mul3A_279, %add3A_423 : i32
          %mul3A_425 = arith.constant 1024 : i32
          %mul3A_426 = arith.muli %add3A_424, %mul3A_425 : i32
          %mul3A_427 = arith.mulf %get3A_243, %get3A_324 : vector<16xf32>
          %scatter3A_428 = tpu.memref_slice %arg12[%mul3A_426] : memref<65536xf32, #tpu.memory_space<vmem>> -> memref<1024xf32, #tpu.memory_space<vmem>>
          tpu.vector_store_idx %scatter3A_428[%gather3A_201], %mul3A_427 {add = true} : memref<1024xf32, #tpu.memory_space<vmem>>[vector<16xi32>], vector<16xf32>,
          %add3A_429 = arith.constant 5 : i32
          %add3A_430 = arith.addi %mul3A_279, %add3A_429 : i32
          %mul3A_431 = arith.constant 1024 : i32
          %mul3A_432 = arith.muli %add3A_430, %mul3A_431 : i32
          %mul3A_433 = arith.mulf %get3A_243, %get3A_333 : vector<16xf32>
          %scatter3A_434 = tpu.memref_slice %arg12[%mul3A_432] : memref<65536xf32, #tpu.memory_space<vmem>> -> memref<1024xf32, #tpu.memory_space<vmem>>
          tpu.vector_store_idx %scatter3A_434[%gather3A_201], %mul3A_433 {add = true} : memref<1024xf32, #tpu.memory_space<vmem>>[vector<16xi32>], vector<16xf32>,
          %add3A_435 = arith.constant 6 : i32
          %add3A_436 = arith.addi %mul3A_279, %add3A_435 : i32
          %mul3A_437 = arith.constant 1024 : i32
          %mul3A_438 = arith.muli %add3A_436, %mul3A_437 : i32
          %mul3A_439 = arith.mulf %get3A_243, %get3A_342 : vector<16xf32>
          %scatter3A_440 = tpu.memref_slice %arg12[%mul3A_438] : memref<65536xf32, #tpu.memory_space<vmem>> -> memref<1024xf32, #tpu.memory_space<vmem>>
          tpu.vector_store_idx %scatter3A_440[%gather3A_201], %mul3A_439 {add = true} : memref<1024xf32, #tpu.memory_space<vmem>>[vector<16xi32>], vector<16xf32>,
          %add3A_441 = arith.constant 7 : i32
          %add3A_442 = arith.addi %mul3A_279, %add3A_441 : i32
          %mul3A_443 = arith.constant 1024 : i32
          %mul3A_444 = arith.muli %add3A_442, %mul3A_443 : i32
          %mul3A_445 = arith.mulf %get3A_243, %get3A_351 : vector<16xf32>
          %scatter3A_446 = tpu.memref_slice %arg12[%mul3A_444] : memref<65536xf32, #tpu.memory_space<vmem>> -> memref<1024xf32, #tpu.memory_space<vmem>>
          tpu.vector_store_idx %scatter3A_446[%gather3A_201], %mul3A_445 {add = true} : memref<1024xf32, #tpu.memory_space<vmem>>[vector<16xi32>], vector<16xf32>,
          %add3A_447 = arith.constant 0 : i32
          %add3A_448 = arith.addi %mul3A_279, %add3A_447 : i32
          %mul3A_449 = arith.constant 1024 : i32
          %mul3A_450 = arith.muli %add3A_448, %mul3A_449 : i32
          %mul3A_451 = arith.mulf %get3A_247, %get3A_288 : vector<16xf32>
          %scatter3A_452 = tpu.memref_slice %arg12[%mul3A_450] : memref<65536xf32, #tpu.memory_space<vmem>> -> memref<1024xf32, #tpu.memory_space<vmem>>
          tpu.vector_store_idx %scatter3A_452[%gather3A_206], %mul3A_451 {add = true} : memref<1024xf32, #tpu.memory_space<vmem>>[vector<16xi32>], vector<16xf32>,
          %add3A_453 = arith.constant 1 : i32
          %add3A_454 = arith.addi %mul3A_279, %add3A_453 : i32
          %mul3A_455 = arith.constant 1024 : i32
          %mul3A_456 = arith.muli %add3A_454, %mul3A_455 : i32
          %mul3A_457 = arith.mulf %get3A_247, %get3A_297 : vector<16xf32>
          %scatter3A_458 = tpu.memref_slice %arg12[%mul3A_456] : memref<65536xf32, #tpu.memory_space<vmem>> -> memref<1024xf32, #tpu.memory_space<vmem>>
          tpu.vector_store_idx %scatter3A_458[%gather3A_206], %mul3A_457 {add = true} : memref<1024xf32, #tpu.memory_space<vmem>>[vector<16xi32>], vector<16xf32>,
          %add3A_459 = arith.constant 2 : i32
          %add3A_460 = arith.addi %mul3A_279, %add3A_459 : i32
          %mul3A_461 = arith.constant 1024 : i32
          %mul3A_462 = arith.muli %add3A_460, %mul3A_461 : i32
          %mul3A_463 = arith.mulf %get3A_247, %get3A_306 : vector<16xf32>
          %scatter3A_464 = tpu.memref_slice %arg12[%mul3A_462] : memref<65536xf32, #tpu.memory_space<vmem>> -> memref<1024xf32, #tpu.memory_space<vmem>>
          tpu.vector_store_idx %scatter3A_464[%gather3A_206], %mul3A_463 {add = true} : memref<1024xf32, #tpu.memory_space<vmem>>[vector<16xi32>], vector<16xf32>,
          %add3A_465 = arith.constant 3 : i32
          %add3A_466 = arith.addi %mul3A_279, %add3A_465 : i32
          %mul3A_467 = arith.constant 1024 : i32
          %mul3A_468 = arith.muli %add3A_466, %mul3A_467 : i32
          %mul3A_469 = arith.mulf %get3A_247, %get3A_315 : vector<16xf32>
          %scatter3A_470 = tpu.memref_slice %arg12[%mul3A_468] : memref<65536xf32, #tpu.memory_space<vmem>> -> memref<1024xf32, #tpu.memory_space<vmem>>
          tpu.vector_store_idx %scatter3A_470[%gather3A_206], %mul3A_469 {add = true} : memref<1024xf32, #tpu.memory_space<vmem>>[vector<16xi32>], vector<16xf32>,
          %add3A_471 = arith.constant 4 : i32
          %add3A_472 = arith.addi %mul3A_279, %add3A_471 : i32
          %mul3A_473 = arith.constant 1024 : i32
          %mul3A_474 = arith.muli %add3A_472, %mul3A_473 : i32
          %mul3A_475 = arith.mulf %get3A_247, %get3A_324 : vector<16xf32>
          %scatter3A_476 = tpu.memref_slice %arg12[%mul3A_474] : memref<65536xf32, #tpu.memory_space<vmem>> -> memref<1024xf32, #tpu.memory_space<vmem>>
          tpu.vector_store_idx %scatter3A_476[%gather3A_206], %mul3A_475 {add = true} : memref<1024xf32, #tpu.memory_space<vmem>>[vector<16xi32>], vector<16xf32>,
          %add3A_477 = arith.constant 5 : i32
          %add3A_478 = arith.addi %mul3A_279, %add3A_477 : i32
          %mul3A_479 = arith.constant 1024 : i32
          %mul3A_480 = arith.muli %add3A_478, %mul3A_479 : i32
          %mul3A_481 = arith.mulf %get3A_247, %get3A_333 : vector<16xf32>
          %scatter3A_482 = tpu.memref_slice %arg12[%mul3A_480] : memref<65536xf32, #tpu.memory_space<vmem>> -> memref<1024xf32, #tpu.memory_space<vmem>>
          tpu.vector_store_idx %scatter3A_482[%gather3A_206], %mul3A_481 {add = true} : memref<1024xf32, #tpu.memory_space<vmem>>[vector<16xi32>], vector<16xf32>,
          %add3A_483 = arith.constant 6 : i32
          %add3A_484 = arith.addi %mul3A_279, %add3A_483 : i32
          %mul3A_485 = arith.constant 1024 : i32
          %mul3A_486 = arith.muli %add3A_484, %mul3A_485 : i32
          %mul3A_487 = arith.mulf %get3A_247, %get3A_342 : vector<16xf32>
          %scatter3A_488 = tpu.memref_slice %arg12[%mul3A_486] : memref<65536xf32, #tpu.memory_space<vmem>> -> memref<1024xf32, #tpu.memory_space<vmem>>
          tpu.vector_store_idx %scatter3A_488[%gather3A_206], %mul3A_487 {add = true} : memref<1024xf32, #tpu.memory_space<vmem>>[vector<16xi32>], vector<16xf32>,
          %add3A_489 = arith.constant 7 : i32
          %add3A_490 = arith.addi %mul3A_279, %add3A_489 : i32
          %mul3A_491 = arith.constant 1024 : i32
          %mul3A_492 = arith.muli %add3A_490, %mul3A_491 : i32
          %mul3A_493 = arith.mulf %get3A_247, %get3A_351 : vector<16xf32>
          %scatter3A_494 = tpu.memref_slice %arg12[%mul3A_492] : memref<65536xf32, #tpu.memory_space<vmem>> -> memref<1024xf32, #tpu.memory_space<vmem>>
          tpu.vector_store_idx %scatter3A_494[%gather3A_206], %mul3A_493 {add = true} : memref<1024xf32, #tpu.memory_space<vmem>>[vector<16xi32>], vector<16xf32>,
          %add3A_495 = arith.constant 0 : i32
          %add3A_496 = arith.addi %mul3A_279, %add3A_495 : i32
          %mul3A_497 = arith.constant 1024 : i32
          %mul3A_498 = arith.muli %add3A_496, %mul3A_497 : i32
          %mul3A_499 = arith.mulf %get3A_251, %get3A_288 : vector<16xf32>
          %scatter3A_500 = tpu.memref_slice %arg12[%mul3A_498] : memref<65536xf32, #tpu.memory_space<vmem>> -> memref<1024xf32, #tpu.memory_space<vmem>>
          tpu.vector_store_idx %scatter3A_500[%gather3A_211], %mul3A_499 {add = true} : memref<1024xf32, #tpu.memory_space<vmem>>[vector<16xi32>], vector<16xf32>,
          %add3A_501 = arith.constant 1 : i32
          %add3A_502 = arith.addi %mul3A_279, %add3A_501 : i32
          %mul3A_503 = arith.constant 1024 : i32
          %mul3A_504 = arith.muli %add3A_502, %mul3A_503 : i32
          %mul3A_505 = arith.mulf %get3A_251, %get3A_297 : vector<16xf32>
          %scatter3A_506 = tpu.memref_slice %arg12[%mul3A_504] : memref<65536xf32, #tpu.memory_space<vmem>> -> memref<1024xf32, #tpu.memory_space<vmem>>
          tpu.vector_store_idx %scatter3A_506[%gather3A_211], %mul3A_505 {add = true} : memref<1024xf32, #tpu.memory_space<vmem>>[vector<16xi32>], vector<16xf32>,
          %add3A_507 = arith.constant 2 : i32
          %add3A_508 = arith.addi %mul3A_279, %add3A_507 : i32
          %mul3A_509 = arith.constant 1024 : i32
          %mul3A_510 = arith.muli %add3A_508, %mul3A_509 : i32
          %mul3A_511 = arith.mulf %get3A_251, %get3A_306 : vector<16xf32>
          %scatter3A_512 = tpu.memref_slice %arg12[%mul3A_510] : memref<65536xf32, #tpu.memory_space<vmem>> -> memref<1024xf32, #tpu.memory_space<vmem>>
          tpu.vector_store_idx %scatter3A_512[%gather3A_211], %mul3A_511 {add = true} : memref<1024xf32, #tpu.memory_space<vmem>>[vector<16xi32>], vector<16xf32>,
          %add3A_513 = arith.constant 3 : i32
          %add3A_514 = arith.addi %mul3A_279, %add3A_513 : i32
          %mul3A_515 = arith.constant 1024 : i32
          %mul3A_516 = arith.muli %add3A_514, %mul3A_515 : i32
          %mul3A_517 = arith.mulf %get3A_251, %get3A_315 : vector<16xf32>
          %scatter3A_518 = tpu.memref_slice %arg12[%mul3A_516] : memref<65536xf32, #tpu.memory_space<vmem>> -> memref<1024xf32, #tpu.memory_space<vmem>>
          tpu.vector_store_idx %scatter3A_518[%gather3A_211], %mul3A_517 {add = true} : memref<1024xf32, #tpu.memory_space<vmem>>[vector<16xi32>], vector<16xf32>,
          %add3A_519 = arith.constant 4 : i32
          %add3A_520 = arith.addi %mul3A_279, %add3A_519 : i32
          %mul3A_521 = arith.constant 1024 : i32
          %mul3A_522 = arith.muli %add3A_520, %mul3A_521 : i32
          %mul3A_523 = arith.mulf %get3A_251, %get3A_324 : vector<16xf32>
          %scatter3A_524 = tpu.memref_slice %arg12[%mul3A_522] : memref<65536xf32, #tpu.memory_space<vmem>> -> memref<1024xf32, #tpu.memory_space<vmem>>
          tpu.vector_store_idx %scatter3A_524[%gather3A_211], %mul3A_523 {add = true} : memref<1024xf32, #tpu.memory_space<vmem>>[vector<16xi32>], vector<16xf32>,
          %add3A_525 = arith.constant 5 : i32
          %add3A_526 = arith.addi %mul3A_279, %add3A_525 : i32
          %mul3A_527 = arith.constant 1024 : i32
          %mul3A_528 = arith.muli %add3A_526, %mul3A_527 : i32
          %mul3A_529 = arith.mulf %get3A_251, %get3A_333 : vector<16xf32>
          %scatter3A_530 = tpu.memref_slice %arg12[%mul3A_528] : memref<65536xf32, #tpu.memory_space<vmem>> -> memref<1024xf32, #tpu.memory_space<vmem>>
          tpu.vector_store_idx %scatter3A_530[%gather3A_211], %mul3A_529 {add = true} : memref<1024xf32, #tpu.memory_space<vmem>>[vector<16xi32>], vector<16xf32>,
          %add3A_531 = arith.constant 6 : i32
          %add3A_532 = arith.addi %mul3A_279, %add3A_531 : i32
          %mul3A_533 = arith.constant 1024 : i32
          %mul3A_534 = arith.muli %add3A_532, %mul3A_533 : i32
          %mul3A_535 = arith.mulf %get3A_251, %get3A_342 : vector<16xf32>
          %scatter3A_536 = tpu.memref_slice %arg12[%mul3A_534] : memref<65536xf32, #tpu.memory_space<vmem>> -> memref<1024xf32, #tpu.memory_space<vmem>>
          tpu.vector_store_idx %scatter3A_536[%gather3A_211], %mul3A_535 {add = true} : memref<1024xf32, #tpu.memory_space<vmem>>[vector<16xi32>], vector<16xf32>,
          %add3A_537 = arith.constant 7 : i32
          %add3A_538 = arith.addi %mul3A_279, %add3A_537 : i32
          %mul3A_539 = arith.constant 1024 : i32
          %mul3A_540 = arith.muli %add3A_538, %mul3A_539 : i32
          %mul3A_541 = arith.mulf %get3A_251, %get3A_351 : vector<16xf32>
          %scatter3A_542 = tpu.memref_slice %arg12[%mul3A_540] : memref<65536xf32, #tpu.memory_space<vmem>> -> memref<1024xf32, #tpu.memory_space<vmem>>
          tpu.vector_store_idx %scatter3A_542[%gather3A_211], %mul3A_541 {add = true} : memref<1024xf32, #tpu.memory_space<vmem>>[vector<16xi32>], vector<16xf32>,
          %add3A_543 = arith.constant 0 : i32
          %add3A_544 = arith.addi %mul3A_279, %add3A_543 : i32
          %mul3A_545 = arith.constant 1024 : i32
          %mul3A_546 = arith.muli %add3A_544, %mul3A_545 : i32
          %mul3A_547 = arith.mulf %get3A_255, %get3A_288 : vector<16xf32>
          %scatter3A_548 = tpu.memref_slice %arg12[%mul3A_546] : memref<65536xf32, #tpu.memory_space<vmem>> -> memref<1024xf32, #tpu.memory_space<vmem>>
          tpu.vector_store_idx %scatter3A_548[%gather3A_216], %mul3A_547 {add = true} : memref<1024xf32, #tpu.memory_space<vmem>>[vector<16xi32>], vector<16xf32>,
          %add3A_549 = arith.constant 1 : i32
          %add3A_550 = arith.addi %mul3A_279, %add3A_549 : i32
          %mul3A_551 = arith.constant 1024 : i32
          %mul3A_552 = arith.muli %add3A_550, %mul3A_551 : i32
          %mul3A_553 = arith.mulf %get3A_255, %get3A_297 : vector<16xf32>
          %scatter3A_554 = tpu.memref_slice %arg12[%mul3A_552] : memref<65536xf32, #tpu.memory_space<vmem>> -> memref<1024xf32, #tpu.memory_space<vmem>>
          tpu.vector_store_idx %scatter3A_554[%gather3A_216], %mul3A_553 {add = true} : memref<1024xf32, #tpu.memory_space<vmem>>[vector<16xi32>], vector<16xf32>,
          %add3A_555 = arith.constant 2 : i32
          %add3A_556 = arith.addi %mul3A_279, %add3A_555 : i32
          %mul3A_557 = arith.constant 1024 : i32
          %mul3A_558 = arith.muli %add3A_556, %mul3A_557 : i32
          %mul3A_559 = arith.mulf %get3A_255, %get3A_306 : vector<16xf32>
          %scatter3A_560 = tpu.memref_slice %arg12[%mul3A_558] : memref<65536xf32, #tpu.memory_space<vmem>> -> memref<1024xf32, #tpu.memory_space<vmem>>
          tpu.vector_store_idx %scatter3A_560[%gather3A_216], %mul3A_559 {add = true} : memref<1024xf32, #tpu.memory_space<vmem>>[vector<16xi32>], vector<16xf32>,
          %add3A_561 = arith.constant 3 : i32
          %add3A_562 = arith.addi %mul3A_279, %add3A_561 : i32
          %mul3A_563 = arith.constant 1024 : i32
          %mul3A_564 = arith.muli %add3A_562, %mul3A_563 : i32
          %mul3A_565 = arith.mulf %get3A_255, %get3A_315 : vector<16xf32>
          %scatter3A_566 = tpu.memref_slice %arg12[%mul3A_564] : memref<65536xf32, #tpu.memory_space<vmem>> -> memref<1024xf32, #tpu.memory_space<vmem>>
          tpu.vector_store_idx %scatter3A_566[%gather3A_216], %mul3A_565 {add = true} : memref<1024xf32, #tpu.memory_space<vmem>>[vector<16xi32>], vector<16xf32>,
          %add3A_567 = arith.constant 4 : i32
          %add3A_568 = arith.addi %mul3A_279, %add3A_567 : i32
          %mul3A_569 = arith.constant 1024 : i32
          %mul3A_570 = arith.muli %add3A_568, %mul3A_569 : i32
          %mul3A_571 = arith.mulf %get3A_255, %get3A_324 : vector<16xf32>
          %scatter3A_572 = tpu.memref_slice %arg12[%mul3A_570] : memref<65536xf32, #tpu.memory_space<vmem>> -> memref<1024xf32, #tpu.memory_space<vmem>>
          tpu.vector_store_idx %scatter3A_572[%gather3A_216], %mul3A_571 {add = true} : memref<1024xf32, #tpu.memory_space<vmem>>[vector<16xi32>], vector<16xf32>,
          %add3A_573 = arith.constant 5 : i32
          %add3A_574 = arith.addi %mul3A_279, %add3A_573 : i32
          %mul3A_575 = arith.constant 1024 : i32
          %mul3A_576 = arith.muli %add3A_574, %mul3A_575 : i32
          %mul3A_577 = arith.mulf %get3A_255, %get3A_333 : vector<16xf32>
          %scatter3A_578 = tpu.memref_slice %arg12[%mul3A_576] : memref<65536xf32, #tpu.memory_space<vmem>> -> memref<1024xf32, #tpu.memory_space<vmem>>
          tpu.vector_store_idx %scatter3A_578[%gather3A_216], %mul3A_577 {add = true} : memref<1024xf32, #tpu.memory_space<vmem>>[vector<16xi32>], vector<16xf32>,
          %add3A_579 = arith.constant 6 : i32
          %add3A_580 = arith.addi %mul3A_279, %add3A_579 : i32
          %mul3A_581 = arith.constant 1024 : i32
          %mul3A_582 = arith.muli %add3A_580, %mul3A_581 : i32
          %mul3A_583 = arith.mulf %get3A_255, %get3A_342 : vector<16xf32>
          %scatter3A_584 = tpu.memref_slice %arg12[%mul3A_582] : memref<65536xf32, #tpu.memory_space<vmem>> -> memref<1024xf32, #tpu.memory_space<vmem>>
          tpu.vector_store_idx %scatter3A_584[%gather3A_216], %mul3A_583 {add = true} : memref<1024xf32, #tpu.memory_space<vmem>>[vector<16xi32>], vector<16xf32>,
          %add3A_585 = arith.constant 7 : i32
          %add3A_586 = arith.addi %mul3A_279, %add3A_585 : i32
          %mul3A_587 = arith.constant 1024 : i32
          %mul3A_588 = arith.muli %add3A_586, %mul3A_587 : i32
          %mul3A_589 = arith.mulf %get3A_255, %get3A_351 : vector<16xf32>
          %scatter3A_590 = tpu.memref_slice %arg12[%mul3A_588] : memref<65536xf32, #tpu.memory_space<vmem>> -> memref<1024xf32, #tpu.memory_space<vmem>>
          tpu.vector_store_idx %scatter3A_590[%gather3A_216], %mul3A_589 {add = true} : memref<1024xf32, #tpu.memory_space<vmem>>[vector<16xi32>], vector<16xf32>,
          %add3A_591 = arith.constant 0 : i32
          %add3A_592 = arith.addi %mul3A_279, %add3A_591 : i32
          %mul3A_593 = arith.constant 1024 : i32
          %mul3A_594 = arith.muli %add3A_592, %mul3A_593 : i32
          %mul3A_595 = arith.mulf %get3A_259, %get3A_288 : vector<16xf32>
          %scatter3A_596 = tpu.memref_slice %arg12[%mul3A_594] : memref<65536xf32, #tpu.memory_space<vmem>> -> memref<1024xf32, #tpu.memory_space<vmem>>
          tpu.vector_store_idx %scatter3A_596[%gather3A_221], %mul3A_595 {add = true} : memref<1024xf32, #tpu.memory_space<vmem>>[vector<16xi32>], vector<16xf32>,
          %add3A_597 = arith.constant 1 : i32
          %add3A_598 = arith.addi %mul3A_279, %add3A_597 : i32
          %mul3A_599 = arith.constant 1024 : i32
          %mul3A_600 = arith.muli %add3A_598, %mul3A_599 : i32
          %mul3A_601 = arith.mulf %get3A_259, %get3A_297 : vector<16xf32>
          %scatter3A_602 = tpu.memref_slice %arg12[%mul3A_600] : memref<65536xf32, #tpu.memory_space<vmem>> -> memref<1024xf32, #tpu.memory_space<vmem>>
          tpu.vector_store_idx %scatter3A_602[%gather3A_221], %mul3A_601 {add = true} : memref<1024xf32, #tpu.memory_space<vmem>>[vector<16xi32>], vector<16xf32>,
          %add3A_603 = arith.constant 2 : i32
          %add3A_604 = arith.addi %mul3A_279, %add3A_603 : i32
          %mul3A_605 = arith.constant 1024 : i32
          %mul3A_606 = arith.muli %add3A_604, %mul3A_605 : i32
          %mul3A_607 = arith.mulf %get3A_259, %get3A_306 : vector<16xf32>
          %scatter3A_608 = tpu.memref_slice %arg12[%mul3A_606] : memref<65536xf32, #tpu.memory_space<vmem>> -> memref<1024xf32, #tpu.memory_space<vmem>>
          tpu.vector_store_idx %scatter3A_608[%gather3A_221], %mul3A_607 {add = true} : memref<1024xf32, #tpu.memory_space<vmem>>[vector<16xi32>], vector<16xf32>,
          %add3A_609 = arith.constant 3 : i32
          %add3A_610 = arith.addi %mul3A_279, %add3A_609 : i32
          %mul3A_611 = arith.constant 1024 : i32
          %mul3A_612 = arith.muli %add3A_610, %mul3A_611 : i32
          %mul3A_613 = arith.mulf %get3A_259, %get3A_315 : vector<16xf32>
          %scatter3A_614 = tpu.memref_slice %arg12[%mul3A_612] : memref<65536xf32, #tpu.memory_space<vmem>> -> memref<1024xf32, #tpu.memory_space<vmem>>
          tpu.vector_store_idx %scatter3A_614[%gather3A_221], %mul3A_613 {add = true} : memref<1024xf32, #tpu.memory_space<vmem>>[vector<16xi32>], vector<16xf32>,
          %add3A_615 = arith.constant 4 : i32
          %add3A_616 = arith.addi %mul3A_279, %add3A_615 : i32
          %mul3A_617 = arith.constant 1024 : i32
          %mul3A_618 = arith.muli %add3A_616, %mul3A_617 : i32
          %mul3A_619 = arith.mulf %get3A_259, %get3A_324 : vector<16xf32>
          %scatter3A_620 = tpu.memref_slice %arg12[%mul3A_618] : memref<65536xf32, #tpu.memory_space<vmem>> -> memref<1024xf32, #tpu.memory_space<vmem>>
          tpu.vector_store_idx %scatter3A_620[%gather3A_221], %mul3A_619 {add = true} : memref<1024xf32, #tpu.memory_space<vmem>>[vector<16xi32>], vector<16xf32>,
          %add3A_621 = arith.constant 5 : i32
          %add3A_622 = arith.addi %mul3A_279, %add3A_621 : i32
          %mul3A_623 = arith.constant 1024 : i32
          %mul3A_624 = arith.muli %add3A_622, %mul3A_623 : i32
          %mul3A_625 = arith.mulf %get3A_259, %get3A_333 : vector<16xf32>
          %scatter3A_626 = tpu.memref_slice %arg12[%mul3A_624] : memref<65536xf32, #tpu.memory_space<vmem>> -> memref<1024xf32, #tpu.memory_space<vmem>>
          tpu.vector_store_idx %scatter3A_626[%gather3A_221], %mul3A_625 {add = true} : memref<1024xf32, #tpu.memory_space<vmem>>[vector<16xi32>], vector<16xf32>,
          %add3A_627 = arith.constant 6 : i32
          %add3A_628 = arith.addi %mul3A_279, %add3A_627 : i32
          %mul3A_629 = arith.constant 1024 : i32
          %mul3A_630 = arith.muli %add3A_628, %mul3A_629 : i32
          %mul3A_631 = arith.mulf %get3A_259, %get3A_342 : vector<16xf32>
          %scatter3A_632 = tpu.memref_slice %arg12[%mul3A_630] : memref<65536xf32, #tpu.memory_space<vmem>> -> memref<1024xf32, #tpu.memory_space<vmem>>
          tpu.vector_store_idx %scatter3A_632[%gather3A_221], %mul3A_631 {add = true} : memref<1024xf32, #tpu.memory_space<vmem>>[vector<16xi32>], vector<16xf32>,
          %add3A_633 = arith.constant 7 : i32
          %add3A_634 = arith.addi %mul3A_279, %add3A_633 : i32
          %mul3A_635 = arith.constant 1024 : i32
          %mul3A_636 = arith.muli %add3A_634, %mul3A_635 : i32
          %mul3A_637 = arith.mulf %get3A_259, %get3A_351 : vector<16xf32>
          %scatter3A_638 = tpu.memref_slice %arg12[%mul3A_636] : memref<65536xf32, #tpu.memory_space<vmem>> -> memref<1024xf32, #tpu.memory_space<vmem>>
          tpu.vector_store_idx %scatter3A_638[%gather3A_221], %mul3A_637 {add = true} : memref<1024xf32, #tpu.memory_space<vmem>>[vector<16xi32>], vector<16xf32>,
          %add3A_639 = arith.constant 0 : i32
          %add3A_640 = arith.addi %mul3A_279, %add3A_639 : i32
          %mul3A_641 = arith.constant 1024 : i32
          %mul3A_642 = arith.muli %add3A_640, %mul3A_641 : i32
          %mul3A_643 = arith.mulf %get3A_263, %get3A_288 : vector<16xf32>
          %scatter3A_644 = tpu.memref_slice %arg12[%mul3A_642] : memref<65536xf32, #tpu.memory_space<vmem>> -> memref<1024xf32, #tpu.memory_space<vmem>>
          tpu.vector_store_idx %scatter3A_644[%gather3A_226], %mul3A_643 {add = true} : memref<1024xf32, #tpu.memory_space<vmem>>[vector<16xi32>], vector<16xf32>,
          %add3A_645 = arith.constant 1 : i32
          %add3A_646 = arith.addi %mul3A_279, %add3A_645 : i32
          %mul3A_647 = arith.constant 1024 : i32
          %mul3A_648 = arith.muli %add3A_646, %mul3A_647 : i32
          %mul3A_649 = arith.mulf %get3A_263, %get3A_297 : vector<16xf32>
          %scatter3A_650 = tpu.memref_slice %arg12[%mul3A_648] : memref<65536xf32, #tpu.memory_space<vmem>> -> memref<1024xf32, #tpu.memory_space<vmem>>
          tpu.vector_store_idx %scatter3A_650[%gather3A_226], %mul3A_649 {add = true} : memref<1024xf32, #tpu.memory_space<vmem>>[vector<16xi32>], vector<16xf32>,
          %add3A_651 = arith.constant 2 : i32
          %add3A_652 = arith.addi %mul3A_279, %add3A_651 : i32
          %mul3A_653 = arith.constant 1024 : i32
          %mul3A_654 = arith.muli %add3A_652, %mul3A_653 : i32
          %mul3A_655 = arith.mulf %get3A_263, %get3A_306 : vector<16xf32>
          %scatter3A_656 = tpu.memref_slice %arg12[%mul3A_654] : memref<65536xf32, #tpu.memory_space<vmem>> -> memref<1024xf32, #tpu.memory_space<vmem>>
          tpu.vector_store_idx %scatter3A_656[%gather3A_226], %mul3A_655 {add = true} : memref<1024xf32, #tpu.memory_space<vmem>>[vector<16xi32>], vector<16xf32>,
          %add3A_657 = arith.constant 3 : i32
          %add3A_658 = arith.addi %mul3A_279, %add3A_657 : i32
          %mul3A_659 = arith.constant 1024 : i32
          %mul3A_660 = arith.muli %add3A_658, %mul3A_659 : i32
          %mul3A_661 = arith.mulf %get3A_263, %get3A_315 : vector<16xf32>
          %scatter3A_662 = tpu.memref_slice %arg12[%mul3A_660] : memref<65536xf32, #tpu.memory_space<vmem>> -> memref<1024xf32, #tpu.memory_space<vmem>>
          tpu.vector_store_idx %scatter3A_662[%gather3A_226], %mul3A_661 {add = true} : memref<1024xf32, #tpu.memory_space<vmem>>[vector<16xi32>], vector<16xf32>,
          %add3A_663 = arith.constant 4 : i32
          %add3A_664 = arith.addi %mul3A_279, %add3A_663 : i32
          %mul3A_665 = arith.constant 1024 : i32
          %mul3A_666 = arith.muli %add3A_664, %mul3A_665 : i32
          %mul3A_667 = arith.mulf %get3A_263, %get3A_324 : vector<16xf32>
          %scatter3A_668 = tpu.memref_slice %arg12[%mul3A_666] : memref<65536xf32, #tpu.memory_space<vmem>> -> memref<1024xf32, #tpu.memory_space<vmem>>
          tpu.vector_store_idx %scatter3A_668[%gather3A_226], %mul3A_667 {add = true} : memref<1024xf32, #tpu.memory_space<vmem>>[vector<16xi32>], vector<16xf32>,
          %add3A_669 = arith.constant 5 : i32
          %add3A_670 = arith.addi %mul3A_279, %add3A_669 : i32
          %mul3A_671 = arith.constant 1024 : i32
          %mul3A_672 = arith.muli %add3A_670, %mul3A_671 : i32
          %mul3A_673 = arith.mulf %get3A_263, %get3A_333 : vector<16xf32>
          %scatter3A_674 = tpu.memref_slice %arg12[%mul3A_672] : memref<65536xf32, #tpu.memory_space<vmem>> -> memref<1024xf32, #tpu.memory_space<vmem>>
          tpu.vector_store_idx %scatter3A_674[%gather3A_226], %mul3A_673 {add = true} : memref<1024xf32, #tpu.memory_space<vmem>>[vector<16xi32>], vector<16xf32>,
          %add3A_675 = arith.constant 6 : i32
          %add3A_676 = arith.addi %mul3A_279, %add3A_675 : i32
          %mul3A_677 = arith.constant 1024 : i32
          %mul3A_678 = arith.muli %add3A_676, %mul3A_677 : i32
          %mul3A_679 = arith.mulf %get3A_263, %get3A_342 : vector<16xf32>
          %scatter3A_680 = tpu.memref_slice %arg12[%mul3A_678] : memref<65536xf32, #tpu.memory_space<vmem>> -> memref<1024xf32, #tpu.memory_space<vmem>>
          tpu.vector_store_idx %scatter3A_680[%gather3A_226], %mul3A_679 {add = true} : memref<1024xf32, #tpu.memory_space<vmem>>[vector<16xi32>], vector<16xf32>,
          %add3A_681 = arith.constant 7 : i32
          %add3A_682 = arith.addi %mul3A_279, %add3A_681 : i32
          %mul3A_683 = arith.constant 1024 : i32
          %mul3A_684 = arith.muli %add3A_682, %mul3A_683 : i32
          %mul3A_685 = arith.mulf %get3A_263, %get3A_351 : vector<16xf32>
          %scatter3A_686 = tpu.memref_slice %arg12[%mul3A_684] : memref<65536xf32, #tpu.memory_space<vmem>> -> memref<1024xf32, #tpu.memory_space<vmem>>
          tpu.vector_store_idx %scatter3A_686[%gather3A_226], %mul3A_685 {add = true} : memref<1024xf32, #tpu.memory_space<vmem>>[vector<16xi32>], vector<16xf32>,
          %add3A_687 = arith.constant 0 : i32
          %add3A_688 = arith.addi %mul3A_279, %add3A_687 : i32
          %mul3A_689 = arith.constant 1024 : i32
          %mul3A_690 = arith.muli %add3A_688, %mul3A_689 : i32
          %mul3A_691 = arith.mulf %get3A_267, %get3A_288 : vector<16xf32>
          %scatter3A_692 = tpu.memref_slice %arg12[%mul3A_690] : memref<65536xf32, #tpu.memory_space<vmem>> -> memref<1024xf32, #tpu.memory_space<vmem>>
          tpu.vector_store_idx %scatter3A_692[%gather3A_231], %mul3A_691 {add = true} : memref<1024xf32, #tpu.memory_space<vmem>>[vector<16xi32>], vector<16xf32>,
          %add3A_693 = arith.constant 1 : i32
          %add3A_694 = arith.addi %mul3A_279, %add3A_693 : i32
          %mul3A_695 = arith.constant 1024 : i32
          %mul3A_696 = arith.muli %add3A_694, %mul3A_695 : i32
          %mul3A_697 = arith.mulf %get3A_267, %get3A_297 : vector<16xf32>
          %scatter3A_698 = tpu.memref_slice %arg12[%mul3A_696] : memref<65536xf32, #tpu.memory_space<vmem>> -> memref<1024xf32, #tpu.memory_space<vmem>>
          tpu.vector_store_idx %scatter3A_698[%gather3A_231], %mul3A_697 {add = true} : memref<1024xf32, #tpu.memory_space<vmem>>[vector<16xi32>], vector<16xf32>,
          %add3A_699 = arith.constant 2 : i32
          %add3A_700 = arith.addi %mul3A_279, %add3A_699 : i32
          %mul3A_701 = arith.constant 1024 : i32
          %mul3A_702 = arith.muli %add3A_700, %mul3A_701 : i32
          %mul3A_703 = arith.mulf %get3A_267, %get3A_306 : vector<16xf32>
          %scatter3A_704 = tpu.memref_slice %arg12[%mul3A_702] : memref<65536xf32, #tpu.memory_space<vmem>> -> memref<1024xf32, #tpu.memory_space<vmem>>
          tpu.vector_store_idx %scatter3A_704[%gather3A_231], %mul3A_703 {add = true} : memref<1024xf32, #tpu.memory_space<vmem>>[vector<16xi32>], vector<16xf32>,
          %add3A_705 = arith.constant 3 : i32
          %add3A_706 = arith.addi %mul3A_279, %add3A_705 : i32
          %mul3A_707 = arith.constant 1024 : i32
          %mul3A_708 = arith.muli %add3A_706, %mul3A_707 : i32
          %mul3A_709 = arith.mulf %get3A_267, %get3A_315 : vector<16xf32>
          %scatter3A_710 = tpu.memref_slice %arg12[%mul3A_708] : memref<65536xf32, #tpu.memory_space<vmem>> -> memref<1024xf32, #tpu.memory_space<vmem>>
          tpu.vector_store_idx %scatter3A_710[%gather3A_231], %mul3A_709 {add = true} : memref<1024xf32, #tpu.memory_space<vmem>>[vector<16xi32>], vector<16xf32>,
          %add3A_711 = arith.constant 4 : i32
          %add3A_712 = arith.addi %mul3A_279, %add3A_711 : i32
          %mul3A_713 = arith.constant 1024 : i32
          %mul3A_714 = arith.muli %add3A_712, %mul3A_713 : i32
          %mul3A_715 = arith.mulf %get3A_267, %get3A_324 : vector<16xf32>
          %scatter3A_716 = tpu.memref_slice %arg12[%mul3A_714] : memref<65536xf32, #tpu.memory_space<vmem>> -> memref<1024xf32, #tpu.memory_space<vmem>>
          tpu.vector_store_idx %scatter3A_716[%gather3A_231], %mul3A_715 {add = true} : memref<1024xf32, #tpu.memory_space<vmem>>[vector<16xi32>], vector<16xf32>,
          %add3A_717 = arith.constant 5 : i32
          %add3A_718 = arith.addi %mul3A_279, %add3A_717 : i32
          %mul3A_719 = arith.constant 1024 : i32
          %mul3A_720 = arith.muli %add3A_718, %mul3A_719 : i32
          %mul3A_721 = arith.mulf %get3A_267, %get3A_333 : vector<16xf32>
          %scatter3A_722 = tpu.memref_slice %arg12[%mul3A_720] : memref<65536xf32, #tpu.memory_space<vmem>> -> memref<1024xf32, #tpu.memory_space<vmem>>
          tpu.vector_store_idx %scatter3A_722[%gather3A_231], %mul3A_721 {add = true} : memref<1024xf32, #tpu.memory_space<vmem>>[vector<16xi32>], vector<16xf32>,
          %add3A_723 = arith.constant 6 : i32
          %add3A_724 = arith.addi %mul3A_279, %add3A_723 : i32
          %mul3A_725 = arith.constant 1024 : i32
          %mul3A_726 = arith.muli %add3A_724, %mul3A_725 : i32
          %mul3A_727 = arith.mulf %get3A_267, %get3A_342 : vector<16xf32>
          %scatter3A_728 = tpu.memref_slice %arg12[%mul3A_726] : memref<65536xf32, #tpu.memory_space<vmem>> -> memref<1024xf32, #tpu.memory_space<vmem>>
          tpu.vector_store_idx %scatter3A_728[%gather3A_231], %mul3A_727 {add = true} : memref<1024xf32, #tpu.memory_space<vmem>>[vector<16xi32>], vector<16xf32>,
          %add3A_729 = arith.constant 7 : i32
          %add3A_730 = arith.addi %mul3A_279, %add3A_729 : i32
          %mul3A_731 = arith.constant 1024 : i32
          %mul3A_732 = arith.muli %add3A_730, %mul3A_731 : i32
          %mul3A_733 = arith.mulf %get3A_267, %get3A_351 : vector<16xf32>
          %scatter3A_734 = tpu.memref_slice %arg12[%mul3A_732] : memref<65536xf32, #tpu.memory_space<vmem>> -> memref<1024xf32, #tpu.memory_space<vmem>>
          tpu.vector_store_idx %scatter3A_734[%gather3A_231], %mul3A_733 {add = true} : memref<1024xf32, #tpu.memory_space<vmem>>[vector<16xi32>], vector<16xf32>,
          %scan3A_735 = arith.constant 0 : i32
          scf.yield %scan3A_735 : i32
        }
        %scan3A_274 = arith.constant 8 : i32
        %scan3A_275 = arith.constant 0 : i32
        scf.yield %scan3A_275 : i32
      }
      %scan3A_180 = arith.constant 4 : i32
      %add3A_181 = arith.constant 2 : i32
      %add3A_182 = arith.addi %add3A_153, %add3A_181 : i32
      %lt3A_183 = arith.constant 64 : i32
      %lt3A_184 = arith.cmpi slt, %add3A_182, %lt3A_183 : i32
      %convert_element_type3A_185 = arith.extui %lt3A_184 : i1 to i32
      %cond3A_186 = arith.constant 0 : i32
      %cond3A_187 = arith.cmpi ne, %convert_element_type3A_185, %cond3A_186 : i32
      scf.if %cond3A_187 {
        %add3A_189 = arith.constant 2 : i32
        %add3A_190 = arith.addi %add3A_153, %add3A_189 : i32
        %mul3A_191 = arith.constant 4096 : i32
        %mul3A_192 = arith.muli %add3A, %mul3A_191 : i32
        %mul3A_193 = arith.constant 64 : i32
        %mul3A_194 = arith.muli %add3A_190, %mul3A_193 : i32
        %add3A_195 = arith.addi %mul3A_192, %mul3A_194 : i32
        %mul3A_196 = arith.constant 64 : i32
        %mul3A_197 = arith.muli %add3A_195, %mul3A_196 : i32
        %mul3A_198 = arith.constant 8 : i32
        %mul3A_199 = arith.muli %add3A_195, %mul3A_198 : i32
        %dma_start3A_200 = tpu.memref_slice %arg2[%mul3A_197] : memref<8388608xf32, #tpu.memory_space<hbm>> -> memref<4096xf32, #tpu.memory_space<hbm>>
        %dma_start3A_201 = tpu.memref_slice %arg2[%mul3A_197] : memref<8388608xf32, #tpu.memory_space<hbm>> -> memref<4096xf32, #tpu.memory_space<hbm>>
        tpu.enqueue_dma source(%dma_start3A_201 : memref<4096xf32, #tpu.memory_space<hbm>>) target(%arg15 : memref<4096xf32, #tpu.memory_space<vmem>>) target_semaphore(%arg32 : memref<!tpu.dma_semaphore, #tpu.memory_space<semaphore_mem>>)
        %dma_start3A_202 = tpu.memref_slice %arg3[%mul3A_199] : memref<1048576xi32, #tpu.memory_space<hbm>> -> memref<512xi32, #tpu.memory_space<hbm>>
        %dma_start3A_203 = tpu.memref_slice %arg3[%mul3A_199] : memref<1048576xi32, #tpu.memory_space<hbm>> -> memref<512xi32, #tpu.memory_space<hbm>>
        tpu.enqueue_dma source(%dma_start3A_203 : memref<512xi32, #tpu.memory_space<hbm>>) target(%arg19 : memref<512xi32, #tpu.memory_space<vmem>>) target_semaphore(%arg32 : memref<!tpu.dma_semaphore, #tpu.memory_space<semaphore_mem>>)
      } else {
      }
      %scan3A_188 = arith.constant 0 : i32
      scf.yield %scan3A_188 : i32
    }
    %scan3A_108 = arith.constant 32 : i32
    %mul3A_109 = arith.constant 65536 : i32
    %mul3A_110 = arith.muli %add3A, %mul3A_109 : i32
    "tpu.region"() ({
      %run_scoped3A = tpu.sem_alloc : memref<!tpu.dma_semaphore, #tpu.memory_space<semaphore_mem>>
      %dma_start3A_113 = tpu.memref_slice %arg6[%mul3A_110] : memref<2097152xf32, #tpu.memory_space<hbm>> -> memref<65536xf32, #tpu.memory_space<hbm>>
      %dma_start3A_114 = tpu.memref_slice %arg6[%mul3A_110] : memref<2097152xf32, #tpu.memory_space<hbm>> -> memref<65536xf32, #tpu.memory_space<hbm>>
      tpu.enqueue_dma source(%arg12 : memref<65536xf32, #tpu.memory_space<vmem>>) target(%dma_start3A_114 : memref<65536xf32, #tpu.memory_space<hbm>>) target_semaphore(%run_scoped3A : memref<!tpu.dma_semaphore, #tpu.memory_space<semaphore_mem>>)
      %dma_wait3A_115 = tpu.memref_slice %arg6[%mul3A_110] : memref<2097152xf32, #tpu.memory_space<hbm>> -> memref<65536xf32, #tpu.memory_space<hbm>>
      %dma_wait3A_116 = tpu.memref_slice %arg6[%mul3A_110] : memref<2097152xf32, #tpu.memory_space<hbm>> -> memref<65536xf32, #tpu.memory_space<hbm>>
      tpu.wait_dma2 semaphore(%run_scoped3A : memref<!tpu.dma_semaphore, #tpu.memory_space<semaphore_mem>>) src(%arg12 : memref<65536xf32, #tpu.memory_space<vmem>>) dst(%dma_wait3A_116 : memref<65536xf32, #tpu.memory_space<hbm>>)
      tpu.yield
    }) : () -> ()
    %mul3A_111 = arith.constant 1024 : i32
    %mul3A_112 = arith.muli %add3A, %mul3A_111 : i32
    "tpu.region"() ({
      %run_scoped3A = tpu.sem_alloc : memref<!tpu.dma_semaphore, #tpu.memory_space<semaphore_mem>>
      %dma_start3A_113 = tpu.memref_slice %arg7[%mul3A_112] : memref<32768xf32, #tpu.memory_space<hbm>> -> memref<1024xf32, #tpu.memory_space<hbm>>
      %dma_start3A_114 = tpu.memref_slice %arg7[%mul3A_112] : memref<32768xf32, #tpu.memory_space<hbm>> -> memref<1024xf32, #tpu.memory_space<hbm>>
      tpu.enqueue_dma source(%arg30 : memref<1024xf32, #tpu.memory_space<vmem>>) target(%dma_start3A_114 : memref<1024xf32, #tpu.memory_space<hbm>>) target_semaphore(%run_scoped3A : memref<!tpu.dma_semaphore, #tpu.memory_space<semaphore_mem>>)
      %dma_wait3A_115 = tpu.memref_slice %arg7[%mul3A_112] : memref<32768xf32, #tpu.memory_space<hbm>> -> memref<1024xf32, #tpu.memory_space<hbm>>
      %dma_wait3A_116 = tpu.memref_slice %arg7[%mul3A_112] : memref<32768xf32, #tpu.memory_space<hbm>> -> memref<1024xf32, #tpu.memory_space<hbm>>
      tpu.wait_dma2 semaphore(%run_scoped3A : memref<!tpu.dma_semaphore, #tpu.memory_space<semaphore_mem>>) src(%arg30 : memref<1024xf32, #tpu.memory_space<vmem>>) dst(%dma_wait3A_116 : memref<1024xf32, #tpu.memory_space<hbm>>)
      tpu.yield
    }) : () -> ()
    return
  }
}

module attributes {stable_mosaic.version = 14 : i64} {
  func.func @_tc_stats(%arg0: memref<32x1024xf32, #tpu.memory_space<vmem>>, %arg1: memref<1024x128xf32, #tpu.memory_space<vmem>>, %arg2: memref<1024x128xf32, #tpu.memory_space<vmem>>, %arg3: memref<1024x128xf32, #tpu.memory_space<vmem>>, %arg4: memref<1x1024xf32, #tpu.memory_space<vmem>>, %arg5: memref<8x128xf32, #tpu.memory_space<vmem>>, %arg6: memref<8x128xf32, #tpu.memory_space<vmem>>) attributes {dimension_semantics = [], scalar_prefetch = 0 : i64, scratch_operands = 0 : i64, tpu.core_type = #tpu.core_type<tc>} {
    %get3A = arith.constant 0 : index
    %get3A_0 = arith.constant 0 : index
    %get3A_1 = vector.load %arg0[%get3A, %get3A_0] : memref<32x1024xf32, #tpu.memory_space<vmem>>, vector<32x1024xf32>
    %reduce_sum3A = arith.constant dense<0.000000e+00> : vector<1024xf32>
    %reduce_sum3A_2 = vector.multi_reduction <add>, %get3A_1, %reduce_sum3A [0] : vector<32x1024xf32> to vector<1024xf32>
    %broadcast_in_dim3A = vector.shape_cast %reduce_sum3A_2 : vector<1024xf32> to vector<1x1024xf32>
    %swap3A = arith.constant 0 : index
    %swap3A_3 = arith.constant 0 : index
    %swap3A_4 = vector.load %arg4[%swap3A, %swap3A_3] : memref<1x1024xf32, #tpu.memory_space<vmem>>, vector<1x1024xf32>
    tpu.vector_store %arg4[%swap3A, %swap3A_3], %broadcast_in_dim3A {strides = array<i32>} : memref<1x1024xf32, #tpu.memory_space<vmem>>, vector<1x1024xf32>,
    %get3A_5 = arith.constant 0 : index
    %get3A_6 = arith.constant 0 : index
    %get3A_7 = vector.load %arg1[%get3A_5, %get3A_6] : memref<1024x128xf32, #tpu.memory_space<vmem>>, vector<1024x128xf32>
    %get3A_8 = arith.constant 0 : index
    %get3A_9 = arith.constant 0 : index
    %get3A_10 = vector.load %arg2[%get3A_8, %get3A_9] : memref<1024x128xf32, #tpu.memory_space<vmem>>, vector<1024x128xf32>
    %log3A = math.log %get3A_10 : vector<1024x128xf32>
    %add3A = arith.addf %get3A_7, %log3A : vector<1024x128xf32>
    %reduce_sum3A_11 = vector.shape_cast %add3A : vector<1024x128xf32> to vector<1x1024x128xf32>
    %reduce_sum3A_12 = arith.constant dense<0.000000e+00> : vector<1xf32>
    %reduce_sum3A_13 = vector.multi_reduction <add>, %reduce_sum3A_11, %reduce_sum3A_12 [1, 2] : vector<1x1024x128xf32> to vector<1xf32>
    %reduce_sum3A_14 = vector.shape_cast %reduce_sum3A_13 : vector<1xf32> to vector<1x1x1xf32>
    %reduce_sum3A_15 = vector.extract %reduce_sum3A_14[0, 0, 0] : f32 from vector<1x1x1xf32>
    %mul3A = arith.constant 7.62939453E-6 : f32
    %mul3A_16 = arith.mulf %reduce_sum3A_15, %mul3A : f32
    %get3A_17 = arith.constant 0 : index
    %get3A_18 = arith.constant 0 : index
    %get3A_19 = vector.load %arg3[%get3A_17, %get3A_18] : memref<1024x128xf32, #tpu.memory_space<vmem>>, vector<1024x128xf32>
    %sub3A = arith.subf %get3A_19, %get3A_7 : vector<1024x128xf32>
    %exp3A = math.exp %sub3A : vector<1024x128xf32>
    %div3A = arith.divf %exp3A, %get3A_10 : vector<1024x128xf32>
    %reduce_sum3A_20 = vector.shape_cast %div3A : vector<1024x128xf32> to vector<1x1024x128xf32>
    %reduce_sum3A_21 = arith.constant dense<0.000000e+00> : vector<1xf32>
    %reduce_sum3A_22 = vector.multi_reduction <add>, %reduce_sum3A_20, %reduce_sum3A_21 [1, 2] : vector<1x1024x128xf32> to vector<1xf32>
    %reduce_sum3A_23 = vector.shape_cast %reduce_sum3A_22 : vector<1xf32> to vector<1x1x1xf32>
    %reduce_sum3A_24 = vector.extract %reduce_sum3A_23[0, 0, 0] : f32 from vector<1x1x1xf32>
    %broadcast_in_dim3A_25 = vector.broadcast %mul3A_16 : f32 to vector<8x128xf32>
    %swap3A_26 = arith.constant 0 : index
    %swap3A_27 = arith.constant 0 : index
    %swap3A_28 = vector.load %arg5[%swap3A_26, %swap3A_27] : memref<8x128xf32, #tpu.memory_space<vmem>>, vector<8x128xf32>
    tpu.vector_store %arg5[%swap3A_26, %swap3A_27], %broadcast_in_dim3A_25 {strides = array<i32>} : memref<8x128xf32, #tpu.memory_space<vmem>>, vector<8x128xf32>,
    %broadcast_in_dim3A_29 = vector.broadcast %reduce_sum3A_24 : f32 to vector<8x128xf32>
    %swap3A_30 = arith.constant 0 : index
    %swap3A_31 = arith.constant 0 : index
    %swap3A_32 = vector.load %arg6[%swap3A_30, %swap3A_31] : memref<8x128xf32, #tpu.memory_space<vmem>>, vector<8x128xf32>
    tpu.vector_store %arg6[%swap3A_30, %swap3A_31], %broadcast_in_dim3A_29 {strides = array<i32>} : memref<8x128xf32, #tpu.memory_space<vmem>>, vector<8x128xf32>,
    return
  }
}

module attributes {stable_mosaic.version = 14 : i64} {
  func.func @_tc_mreduce(%arg0: i32, %arg1: memref<1x64x1024xf32, #tpu.memory_space<vmem>>, %arg2: memref<1x1024xf32, #tpu.memory_space<vmem>>, %arg3: memref<1024x64xf32, #tpu.memory_space<vmem>>, %arg4: memref<64x1024xf32, #tpu.memory_space<vmem>>) attributes {dimension_semantics = [#tpu.dimension_semantics<arbitrary>], iteration_bounds = array<i64: 32>, scalar_prefetch = 0 : i64, scratch_operands = 1 : i64, tpu.core_type = #tpu.core_type<tc>, window_params = [{transform_indices = @transform_0, window_bounds = array<i64: 1, 64, 1024>}, {pipeline_mode = #tpu.pipeline_mode<synchronous>, transform_indices = @transform_1, window_bounds = array<i64: 1, 1024>}, {pipeline_mode = #tpu.pipeline_mode<synchronous>, transform_indices = @transform_2, window_bounds = array<i64: 1024, 64>}]} {
    %eq3A = arith.constant 0 : i32
    %eq3A_0 = arith.cmpi eq, %arg0, %eq3A : i32
    %convert_element_type3A = arith.extui %eq3A_0 : i1 to i32
    %cond3A = arith.constant 0 : i32
    %cond3A_1 = arith.cmpi ne, %convert_element_type3A, %cond3A : i32
    scf.if %cond3A_1 {
      %broadcast_in_dim3A = arith.constant 0.000000e+00 : f32
      %broadcast_in_dim3A_16 = vector.broadcast %broadcast_in_dim3A : f32 to vector<64x1024xf32>
      %swap3A_17 = arith.constant 0 : index
      %swap3A_18 = arith.constant 0 : index
      %swap3A_19 = vector.load %arg4[%swap3A_17, %swap3A_18] : memref<64x1024xf32, #tpu.memory_space<vmem>>, vector<64x1024xf32>
      tpu.vector_store %arg4[%swap3A_17, %swap3A_18], %broadcast_in_dim3A_16 {strides = array<i32>} : memref<64x1024xf32, #tpu.memory_space<vmem>>, vector<64x1024xf32>,
    } else {
    }
    %get3A = arith.constant 0 : index
    %get3A_2 = arith.constant 0 : index
    %get3A_3 = vector.load %arg4[%get3A, %get3A_2] : memref<64x1024xf32, #tpu.memory_space<vmem>>, vector<64x1024xf32>
    %get3A_4 = arith.constant 0 : index
    %get3A_5 = arith.constant 0 : index
    %get3A_6 = arith.constant 0 : index
    %get3A_7 = vector.load %arg1[%get3A_4, %get3A_5, %get3A_6] : memref<1x64x1024xf32, #tpu.memory_space<vmem>>, vector<1x64x1024xf32>
    %get3A_8 = vector.shape_cast %get3A_7 : vector<1x64x1024xf32> to vector<64x1024xf32>
    %add3A = arith.addf %get3A_3, %get3A_8 : vector<64x1024xf32>
    %swap3A = arith.constant 0 : index
    %swap3A_9 = arith.constant 0 : index
    %swap3A_10 = vector.load %arg4[%swap3A, %swap3A_9] : memref<64x1024xf32, #tpu.memory_space<vmem>>, vector<64x1024xf32>
    tpu.vector_store %arg4[%swap3A, %swap3A_9], %add3A {strides = array<i32>} : memref<64x1024xf32, #tpu.memory_space<vmem>>, vector<64x1024xf32>,
    %eq3A_11 = arith.constant 31 : i32
    %eq3A_12 = arith.cmpi eq, %arg0, %eq3A_11 : i32
    %convert_element_type3A_13 = arith.extui %eq3A_12 : i1 to i32
    %cond3A_14 = arith.constant 0 : i32
    %cond3A_15 = arith.cmpi ne, %convert_element_type3A_13, %cond3A_14 : i32
    scf.if %cond3A_15 {
      %get3A_16 = arith.constant 0 : index
      %get3A_17 = arith.constant 0 : index
      %get3A_18 = vector.load %arg2[%get3A_16, %get3A_17] : memref<1x1024xf32, #tpu.memory_space<vmem>>, vector<1x1024xf32>
      %get3A_19 = vector.shape_cast %get3A_18 : vector<1x1024xf32> to vector<1024xf32>
      %broadcast_in_dim3A = vector.shape_cast %get3A_19 : vector<1024xf32> to vector<1x1024xf32>
      %broadcast_in_dim3A_20 = vector.broadcast %broadcast_in_dim3A : vector<1x1024xf32> to vector<64x1024xf32>
      %get3A_21 = arith.constant 0 : index
      %get3A_22 = arith.constant 0 : index
      %get3A_23 = vector.load %arg4[%get3A_21, %get3A_22] : memref<64x1024xf32, #tpu.memory_space<vmem>>, vector<64x1024xf32>
      %jit3A = arith.constant 1.000000e+00 : f32
      %max3A = vector.broadcast %jit3A : f32 to vector<64x1024xf32>
      %max3A_24 = arith.maximumf %max3A, %broadcast_in_dim3A_20 : vector<64x1024xf32>
      %div3A = arith.divf %get3A_23, %max3A_24 : vector<64x1024xf32>
      %transpose3A = tpu.transpose %div3A, [1, 0] : vector<64x1024xf32> -> vector<1024x64xf32>
      %swap3A_25 = arith.constant 0 : index
      %swap3A_26 = arith.constant 0 : index
      %swap3A_27 = vector.load %arg3[%swap3A_25, %swap3A_26] : memref<1024x64xf32, #tpu.memory_space<vmem>>, vector<1024x64xf32>
      tpu.vector_store %arg3[%swap3A_25, %swap3A_26], %transpose3A {strides = array<i32>} : memref<1024x64xf32, #tpu.memory_space<vmem>>, vector<1024x64xf32>,
    } else {
    }
    return
  }
  func.func @transform_0(%arg0: i32) -> (i32, i32, i32) {
    %c0_i32 = arith.constant 0 : i32
    %c0_i32_0 = arith.constant 0 : i32
    %c0_i32_1 = arith.constant 0 : i32
    return %arg0, %c0_i32, %c0_i32_0 : i32, i32, i32
  }
  func.func @transform_1(%arg0: i32) -> (i32, i32) {
    %c0_i32 = arith.constant 0 : i32
    %c0_i32_0 = arith.constant 0 : i32
    %c0_i32_1 = arith.constant 0 : i32
    return %c0_i32, %c0_i32_0 : i32, i32
  }
  func.func @transform_2(%arg0: i32) -> (i32, i32) {
    %c0_i32 = arith.constant 0 : i32
    %c0_i32_0 = arith.constant 0 : i32
    %c0_i32_1 = arith.constant 0 : i32
    return %c0_i32, %c0_i32_0 : i32, i32
  }
}

</mosaic_0001>

<sc_bundles>
// kernel: kernel.5.cloned.1.call-start
scs
__scs_entry_jumppad:
0x0: {  	(pc) =	sbr.rel $0x88, $3  }
0x1: {  	(tag) =	ssettag $0x0;
	lr =	simm.s32 $0x1  }
0x2: {  	[smem:$0x3F9D] =	sst lr;
	_ =	strace $0xD0000000  }
0x3: {  	_ = 	snop  }
0x4: {  	_ = 	snop  }
0x5: {  	_ = 	snop  }
0x6: {  	_ = 	snop  }
0x7: {  	_ = 	snop  }
__scs_overlays_trampoline_lowered:
0x8: {  	[smem:$0x3FAC] =	sst s0  }
0x9: {  	[smem:$0x3FAD] =	sst s1  }
0xa: {  	[smem:$0x3FAE] =	sst s2  }
0xb: {  	[smem:$0x3FAF] =	sst s3  }
0xc: {  	[smem:$0x3FB0] =	sst s4  }
0xd: {  	[smem:$0x3FB1] =	sst s5  }
0xe: {  	[smem:$0x3FB2] =	sst s6  }
0xf: {  	[smem:$0x3FB3] =	sst s7  }
0x10: {  	[smem:$0x3FB4] =	sst s8  }
0x11: {  	[smem:$0x3FB5] =	sst s9;
	s0 =	simm.s32 @!p0 $0x0  }
0x12: {  	s1 =	sld [smem:$0x3F9B];
	s0 =	simm.s32 @p0 $0x1  }
0x13: {  	[smem:$0x3FB6] =	sst s0;
	s0 =	simm.s32 @!p1 $0x0  }
0x14: {  	s2 =	sld [smem:$0x3F9A];
	s0 =	simm.s32 @p1 $0x1  }
0x15: {  	[smem:$0x3FB7] =	sst s0;
	s0 =	simm.s32 @!p2 $0x0  }
0x16: {  	s3 =	sld [smem:$0x3FDB];
	s0 =	simm.s32 @p2 $0x1  }
0x17: {  	s4 =	simm.s32 $0x1BF5;
	[smem:$0x3FB9] =	sst s0  }
0x18: {  	s0 =	sld [smem:$0x3F9C];
	_ =	swait.ge [sflag:s4], $0x0  }
0x19: {  	s7 =	sld [smem:$0x3F9D]  }
0x1a: {  	s8 =	sadd.s32 $0xFFFFE003, lr  }
0x1b: {  	s9 =	sadd.s32 $0xFFFFFEF7, lr;
	s5 =	simm.s32 $0xFFFFFFFF;
	p2 =	slt.u32 s8, $0xFFFFF086  }
0x1c: {  	p1 =	slt.u32 s9, $0xF7A;
	s5 =	simm.s32 @!p2 $0x0  }
0x1d: {  	s5 =	simm.s32 @p1 $0x1;
	p0 =	seq.s32 s7, s2  }
0x1e: {  	s7 =	smul.u32 @!p0 $0xF7A, s2;
	p2 =	seq.s32 @!p0 s5, $0x0  }
0x1f: {  	s9 =	smul.u32 $0xF7A, s1;
	s8 =	simm.s32 @!p0 $0x1BF5;
	p2 =	por !p2, p0  }
0x20: {  	[sflag:s8] =	ssyncset.s32 @!p0 $0xFFFFF086;
	s6 =	sadd.s32 @!p0 s3, s7;
	s7 =	simm.s32 @!p0 $0x108  }
0x21: {  	s3 =	sadd.s32 s3, s9;
	s6 =	sadd.s32 @!p0 $0x88, s6;
	s7 =	simm.s32 @p2 $0x1082  }
0x22: {  	[simem:s7], [sflag:s8] =	dma.local @!p0 [hbm:s6], $0xF7A  }
0x23: {  	s9 =	sor.u32 $0xD0000000, s2;
	s6 =	simm.s32 $0x108;
	_ =	swait.ge @!p0 [sflag:s8], $0x0  }
0x24: {  	s3 =	sadd.s32 $0x88, s3;
	s6 =	simm.s32 @!p1 $0x1082;
	[sflag:s4] =	ssyncset.s32 $0xFFFFF086  }
0x25: {  	[simem:s6], [sflag:s4] =	dma.local [hbm:s3], $0xF7A  }
0x26: {  	[smem:$0x3F9D] =	sst s1;
	(tag) =	ssettag s2;
	_ =	strace s9  }
0x27: {  	s1 =	sld [smem:$0x3FAD]  }
0x28: {  	s2 =	sld [smem:$0x3FAE]  }
0x29: {  	s4 =	sld [smem:$0x3FB0]  }
0x2a: {  	p0 =	seq.s32 s5, $0x0;
	s5 =	sld [smem:$0x3FB1]  }
0x2b: {  	s6 =	sld [smem:$0x3FB2]  }
0x2c: {  	s7 =	sld [smem:$0x3FB3]  }
0x2d: {  	s3 =	simm.s32 $0x108;
	s8 =	sld [smem:$0x3FB4]  }
0x2e: {  	s3 =	simm.s32 @!p0 $0x1082;
	s9 =	sld [smem:$0x3FB5]  }
0x2f: {  	lr =	sadd.s32 s0, s3;
	s0 =	sld [smem:$0x3FAC]  }
0x30: {  	s3 =	sld [smem:$0x3FAF]  }
0x31: {  	[smem:$0x3FB8] =	sst s10  }
0x32: {  	s10 =	sld [smem:$0x3FB6];
	_ =	sdelay $0x3  }
0x33: {  	p0 =	seq.s32 s10, $0x1;
	s10 =	sld [smem:$0x3FB8];
	_ =	sdelay $0x3  }
0x34: {  	[smem:$0x3FB8] =	sst s10  }
0x35: {  	s10 =	sld [smem:$0x3FB7];
	_ =	sdelay $0x3  }
0x36: {  	p1 =	seq.s32 s10, $0x1;
	s10 =	sld [smem:$0x3FB8];
	_ =	sdelay $0x3  }
0x37: {  	[smem:$0x3FB8] =	sst s10  }
0x38: {  	s10 =	sld [smem:$0x3FB9]  }
0x39: {  	_ = 	snop;
	(pc) =	sbr.ind lr, $3  }
0x3a: {  	_ = 	snop  }
0x3b: {  	_ = 	snop  }
0x3c: {  	p2 =	seq.s32 s10, $0x1;
	s10 =	sld [smem:$0x3FB8]  }
0x3d: {  	_ =	shalt  }
0x3e: {  	_ =	shalt  }
0x3f: {  	_ =	shalt  }
0x40: {  	_ =	shalt  }
0x41: {  	_ =	shalt  }
0x42: {  	_ =	shalt  }
0x43: {  	_ =	shalt  }
0x44: {  	_ =	shalt  }
0x45: {  	_ =	shalt  }
0x46: {  	_ =	shalt  }
0x47: {  	_ =	shalt  }
0x48: {  	_ =	shalt  }
0x49: {  	_ =	shalt  }
0x4a: {  	_ =	shalt  }
0x4b: {  	_ =	shalt  }
0x4c: {  	_ =	shalt  }
0x4d: {  	_ =	shalt  }
0x4e: {  	_ =	shalt  }
0x4f: {  	_ =	shalt  }
0x50: {  	_ =	shalt  }
0x51: {  	_ =	shalt  }
0x52: {  	_ =	shalt  }
0x53: {  	_ =	shalt  }
0x54: {  	_ =	shalt  }
0x55: {  	_ =	shalt  }
0x56: {  	_ =	shalt  }
0x57: {  	_ =	shalt  }
0x58: {  	_ =	shalt  }
0x59: {  	_ =	shalt  }
0x5a: {  	_ =	shalt  }
0x5b: {  	_ =	shalt  }
0x5c: {  	_ =	shalt  }
0x5d: {  	_ =	shalt  }
0x5e: {  	_ =	shalt  }
0x5f: {  	_ =	shalt  }
0x60: {  	_ =	shalt  }
0x61: {  	_ =	shalt  }
0x62: {  	_ =	shalt  }
0x63: {  	_ =	shalt  }
0x64: {  	_ =	shalt  }
0x65: {  	_ =	shalt  }
0x66: {  	_ =	shalt  }
0x67: {  	_ =	shalt  }
0x68: {  	_ =	shalt  }
0x69: {  	_ =	shalt  }
0x6a: {  	_ =	shalt  }
0x6b: {  	_ =	shalt  }
0x6c: {  	_ =	shalt  }
0x6d: {  	_ =	shalt  }
0x6e: {  	_ =	shalt  }
0x6f: {  	_ =	shalt  }
0x70: {  	_ =	shalt  }
0x71: {  	_ =	shalt  }
0x72: {  	_ =	shalt  }
0x73: {  	_ =	shalt  }
0x74: {  	_ =	shalt  }
0x75: {  	_ =	shalt  }
0x76: {  	_ =	shalt  }
0x77: {  	_ =	shalt  }
0x78: {  	_ =	shalt  }
0x79: {  	_ =	shalt  }
0x7a: {  	_ =	shalt  }
0x7b: {  	_ =	shalt  }
0x7c: {  	_ =	shalt  }
0x7d: {  	_ =	shalt  }
0x7e: {  	_ =	shalt  }
0x7f: {  	_ =	shalt  }
0x80: {  	_ =	shalt  }
0x81: {  	_ =	shalt  }
0x82: {  	_ =	shalt  }
0x83: {  	_ =	shalt  }
0x84: {  	_ =	shalt  }
0x85: {  	_ =	shalt  }
0x86: {  	_ =	shalt  }
0x87: {  	_ =	shalt  }
.Lfunc_end0:
.L_simem_size_0:
called_computation_lowered:
.L_overlay_start_0:
0x88: {  	s2 =	sld [smem:$0x3FD9]  }
0x89: {  	s3 =	sld [smem:$0x3FFE];
	_ =	sdelay $0x1  }
0x8a: {  	s1 =	srdreg.scid  }
0x8b: {  	s0 =	sand.u32 $0x1, s1  }
0x8c: {  	s14 =	sshll.u32 s0, $0xA;
	s2 =	sadd.s32 s3, s2  }
0x8d: {  	s2 =	sadd.s32 s2, s14  }
0x8e: {  	[smem:$0x3FC4] =	sst s2  }
0x8f: {  	_ = 	snop  }
0x90: {  	s2 =	sld [smem:$0x3FD0];
	_ =	sdelay $0x2  }
0x91: {  	s4 =	simm.s32 $0xA;
	s5 =	simm.s32 $0x10;
	s15 =	sld [smem:$0x3FC7]  }
0x92: {  	[smem:s5], [sflag:s4] =	dma.local [hbm:s2], $0x1  }
0x93: {  	_ =	swait.eq [sflag:s4], $0x1  }
0x94: {  	[sflag:s4] =	ssyncset.done $0x0  }
0x95: {  	s16 =	sld [smem:$0x10];
	[sflag:s4] =	ssyncadd.s32 $0xFFFFFFFF  }
0x96: {  	s17 =	sld [smem:$0x14];
	(tm) =	ssettm $0x1  }
0x97: {  	s18 =	sld [smem:$0x3FFB];
	_ =	sdelay $0x3  }
0x98: {  	_ =	strace s18  }
0x99: {  	s5 =	sld [smem:$0x3FFC];
	_ =	sdelay $0x3  }
0x9a: {  	_ =	strace s5  }
0x9b: {  	s5 =	sld [smem:$0x3FFD];
	_ =	sdelay $0x3  }
0x9c: {  	_ =	strace s5  }
0x9d: {  	_ =	strace $0x8FFFFFFF  }
0x9e: {  	s19 =	sld [smem:$0x3FDB];
	_ =	sdelay $0x1  }
0x9f: {  	s6 =	simm.s32 $_scs_section_size  }
0xa0: {  	s7 =	simm.s32 $_size__tile_overlayer_lowered;
	s8 =	simm.s32 $_tile_overlayer_lowered  }
0xa1: {  	s22 =	simm.s32 $0x1BFF;
	s21 =	sshll.u32 s8, $0x1;
	s5 =	sadd.s32 s6, s19  }
0xa2: {  	s9 =	simm.s32 $0x0;
	s20 =	sshll.u32 s7, $0x1;
	s7 =	sadd.s32 s21, s5  }
0xa3: {  	[timem:s9], [sflag:s22] =	dma.local [hbm:s7], s20  }
0xa4: {  	_ =	swait.ge [sflag:s22], s20  }
0xa5: {  	s6 =	ssub.s32 $0x0, s20;
	[sflag:s22] =	ssyncset.done $0x0  }
0xa6: {  	[sflag:s22] =	ssyncadd.s32 s6;
	_ =	sdelay $0x1  }
0xa7: {  	s23 =	simm.s32 $0x1B8B  }
0xa8: {  	_ =	swait.ge [sflag:s23], $0x1  }
0xa9: {  	[sflag:s23] =	ssyncset.done $0x0  }
0xaa: {  	s25 =	simm.s32 $0x1B8E;
	s24 =	sld [smem:$0x3FFE];
	[sflag:s23] =	ssyncadd.s32 $0xFFFFFFFF  }
0xab: {  	s26 =	simm.s32 $execute0_lowered;
	[smem:$0x3FD2] =	sst s25  }
0xac: {  	s7 =	sshll.u32 s26, $0x1;
	_ =	strace $0x80000046;
	[dreg:$0x1] =	wrdreg $0xFFFFFFFF  }
0xad: {  	s28 =	simm.s32 $_size_execute0_lowered;
	s5 =	sadd.s32 s5, s7;
	[dreg:$0x0] =	wrdreg $0x0  }
0xae: {  	s7 =	sshll.u32 s28, $0x1;
	[dreg:$0x2] =	wrdreg s5  }
0xaf: {  	[dreg:$0x3] =	wrdreg s7  }
0xb0: {  	[dreg:$0x4] =	wrdreg $0xC0  }
0xb1: {  	_ =	task [dreg:s9], $0x5FFFF  }
0xb2: {  	[dreg:$0x1] =	wrdreg $0xFFFFFFFF  }
0xb3: {  	[dreg:$0x0] =	wrdreg $0x60  }
0xb4: {  	[dreg:$0x2] =	wrdreg s24  }
0xb5: {  	[dreg:$0x3] =	wrdreg s17  }
0xb6: {  	[dreg:$0x4] =	wrdreg s16  }
0xb7: {  	[dreg:$0x5] =	wrdreg s15  }
0xb8: {  	[dreg:$0x6] =	wrdreg $0x9  }
0xb9: {  	_ =	task.clear_ibuf [dreg:s9], $0x7FFFF;
	_ =	strace $0x90000046  }
0xba: {  	s29 =	simm.s32 $0x9;
	_ =	strace $0x80000048  }
0xbb: {  	_ =	swait.ge [sflag:s29], $0x1  }
0xbc: {  	[sflag:s29] =	ssyncadd.s32 $0xFFFFFFFF  }
0xbd: {  	_ =	strace $0x90000048  }
0xbe: {  	_ =	sfence  }
0xbf: {  	s30 =	sld [smem:$0x0];
	_ =	sdelay $0x2  }
0xc0: {  	s31 =	sshll.u32 s1, $0xD;
	s1 =	sshrl.u32 s1, $0x2  }
0xc1: {  	s3 =	sand.u32 $0x4000, s31;
	s1 =	sadd.s32 s1, s30  }
0xc2: {  	s0 =	sor.u32 s3, s0;
	s1 =	sshll.u32 s1, $0x11  }
0xc3: {  	s0 =	sor.u32 s1, s0  }
0xc4: {  	s0 =	sadd.s32 $0x8F2B, s0  }
0xc5: {  	[sflag:s0] =	ssyncadd.remote.s32 $0x1  }
0xc6: {  	_ =	sfence.sel $0xFFFF  }
0xc7: {  	[dreg:$0x0] =	wrdreg $0xFFFFFFFF;
	(pc) =	sbr.abs _section_cstart, $3  }
0xc8: {  	[dreg:$0x1] =	wrdreg $0xFFFFFFFF  }
0xc9: {  	_ =	task.clear_ibuf [dreg:s9], $0x2FFFF;
	_ =	strace $0x9FFFFFFF  }
0xca: {  	(tm) =	ssettm $0x7FFFFFFF  }
0xcb: {  	_ =	shalt  }
tec
execute0_lowered:
.L_overlay_start_1:
0x0: {  	(tag) =	ssettag $0x1  }
0x1: {  	s0 =	rddreg [dreg:$0x0]  }
0x2: {  	s1 =	rddreg [dreg:$0x1];
	s5 =	simm.s32 $0x0  }
0x3: {  	s2 =	srdreg.scid;
	s3 =	stileid.u32;
	s28 =	simm.s32 $0x1  }
0x4: {  	s29 =	simm.s32 $0x1A000;
	s30 =	simm.s32 $0x1D000;
	s31 =	simm.s32 $0x1D400  }
0x5: {  	s18 =	simm.s32 $0x1C700;
	[smem:$0x7FF] =	sst s5;
	s2 =	sand.u32 $0x1, s2  }
0x6: {  	s3 =	sshll.u32 s3, $0x1;
	s6 =	sadd.s32 $0x201800, s0;
	s8 =	sadd.s32 $0x42800, s0  }
0x7: {  	s9 =	sadd.s32 $0x46800, s0;
	s10 =	sadd.s32 $0x4A800, s0;
	s3 =	sor.u32 s2, s3  }
0x8: {  	_ =	strace $0x80000047;
	s2 =	ssub.s32 $0x2, s2;
	s4 =	sshll.u32 s3, $0xD  }
0x9: {  	v0 =	vlaneseq.u32;
	s7 =	sshll.u32 s3, $0x7;
	s20 =	sshrl.u32 s2, $0x1;
	s11 =	sshll.u32 s3, $0xC  }
0xa: {  	v35 =	vmul.u32 $0x8, v0;
	s21 =	sshll.u32 s3, $0xF;
	s3 =	simm.s32 $0x5;
	s4 =	sadd.s32 s4, s0  }
0xb: {  	v37 =	vmul.u32 $0x41, v0;
	s12 =	sadd.s32 s7, s0;
	s7 =	sadd.s32 $0x4E800, s0;
	s0 =	ssub.s32 s2, s20  }
0xc: {  	[tilespmem:$0x1FF70] =	vst v35;
	s22 =	sor.u32 $0x40, s11;
	s17 =	sadd.s32 s6, s21;
	s24 =	sor.u32 $0xC0, s11  }
0xd: {  	v38 =	vor.u32 $0x1, v35;
	[tilespmem:$0x1FF80] =	vst v37;
	s19 =	sadd.s32 s1, s11;
	s16 =	sor.u32 $0x80, s11;
	[dreg:$0x9] =	wrdreg s24  }
0xe: {  	v39 =	vor.u32 $0x2, v35;
	s21 =	simm.s32 $0x1B080;
	[tilespmem:$0x1FF90] =	vst v38;
	s23 =	sshll.u32 s22, $0x3;
	[dreg:$0x5] =	wrdreg s17  }
0xf: {  	v40 =	vor.u32 $0x3, v35;
	[tilespmem:$0x1FFA0] =	vst v39;
	s25 =	sadd.s32 $0x2800, s4;
	s26 =	sadd.s32 $0x1800, s12;
	[dreg:$0x6] =	wrdreg s19  }
.Ltmp0:
0x10: {  	v41 =	vor.u32 $0x4, v35;
	[tilespmem:$0x1FFB0] =	vst v40;
	s0 =	smax.u32 s0, $0x1;
	[dreg:$0xa] =	wrdreg s25;
	(pc) =	sbr.rel .LBB2_1-.Ltmp0, $4  }
0x11: {  	v42 =	vor.u32 $0x5, v35;
	[tilespmem:$0x1FFC0] =	vst v41;
	s24 =	simm.s32 $0x1C300;
	s4 =	simm.s32 $0x0;
	[dreg:$0xb] =	wrdreg s26  }
0x12: {  	v43 =	vor.u32 $0x6, v35;
	[tilespmem:$0x1FFD0] =	vst v42;
	s20 =	sadd.s32 s6, s23;
	s23 =	sadd.s32 s1, s22;
	[dreg:$0xc] =	wrdreg s0  }
0x13: {  	v44 =	vor.u32 $0x7, v35;
	[tilespmem:$0x1FFE0] =	vst v43;
	s25 =	simm.s32 $0x18000;
	s22 =	simm.s32 $0x1C100;
	[dreg:$0x7] =	wrdreg s20  }
0x14: {  	v36 =	vimm.f32 $0.0e+00;
	[tilespmem:$0x1FFF0] =	vst v44;
	s0 =	simm.s32 $0x1C500;
	s26 =	simm.s32 $0x2;
	[dreg:$0x8] =	wrdreg s23  }
.LBB2_37:
0x15: {  	s2 =	rddreg [dreg:$0xa];
	s3 =	simm.s32 $0x5  }
0x16: {  	[hbm4b:s2+s5] =	stream.linear.scatter [tilespmem:s5], [sflag:$0x5], $0x10000, $0x38;
	[tilespmem:$0x1D800] =	vst v63  }
0x17: {  	_ =	swait.ge [sflag:s3], $0x10000  }
0x18: {  	[sflag:s3] =	ssyncset.done $0x0  }
0x19: {  	s14 =	rddreg [dreg:$0xb];
	[sflag:s3] =	ssyncadd.s32 $0xFFFF0000  }
0x1a: {  	[hbm4b:s14+s5] =	stream.linear.scatter [tilespmem:s31], [sflag:$0x5], $0x400, $0x38;
	[tilespmem:$0x1D800] =	vst v63  }
0x1b: {  	_ =	swait.ge [sflag:s3], $0x400  }
0x1c: {  	s4 =	rddreg [dreg:$0xd]  }
0x1d: {  	s15 =	rddreg [dreg:$0xc];
	s4 =	sadd.s32 $0x1, s4  }
0x1e: {  	p0 =	sne.s32 s4, s15  }
.Ltmp1:
0x1f: {  	_ = 	snop;
	(pc) =	sbr.rel @!p0 .LBB2_38-.Ltmp1, $3  }
0x20: {  	_ =	sdelay $0x1  }
0x21: {  	[sflag:s3] =	ssyncset.done $0x0  }
0x22: {  	[sflag:s3] =	ssyncadd.s32 $0xFFFFFC00  }
.LBB2_1:
0x23: {  	[tilespmem:s25], [sflag:$0x1] =	stream.linear.gather [hbm4b:s17+s5], $0x1000, $0x38;
	[tilespmem:$0x1D800] =	vst v63  }
0x24: {  	_ = 	snop  }
0x25: {  	[tilespmem:s22], [sflag:$0x1] =	stream.linear.gather [hbm4b:s19+s5], $0x200, $0x38;
	[tilespmem:$0x1D800] =	vst v63  }
0x26: {  	s2 =	simm.s32 $0x19000  }
0x27: {  	[tilespmem:s2], [sflag:$0x2] =	stream.linear.gather [hbm4b:s20+s5], $0x1000, $0x38;
	[tilespmem:$0x1D800] =	vst v63  }
0x28: {  	[dreg:$0xd] =	wrdreg s4  }
0x29: {  	[tilespmem:s24], [sflag:$0x2] =	stream.linear.gather [hbm4b:s23+s5], $0x200, $0x38;
	[tilespmem:$0x1D800] =	vst v63  }
0x2a: {  	s20 =	rddreg [dreg:$0x2]  }
0x2b: {  	[tilespmem:s5], [sflag:$0x5] =	stream.linear.gather [hbm4b:s20+s5], $0x10000, $0x38;
	[tilespmem:$0x1D800] =	vst v63  }
0x2c: {  	_ =	swait.ge [sflag:s3], $0x10000  }
0x2d: {  	[sflag:s3] =	ssyncset.done $0x0  }
0x2e: {  	[sflag:s3] =	ssyncadd.s32 $0xFFFF0000  }
0x2f: {  	s25 =	simm.s32 $0x1CC00;
	s23 =	rddreg [dreg:$0x3]  }
0x30: {  	[tilespmem:s25], [sflag:$0x5] =	stream.linear.gather [hbm4b:s23+s5], $0x400, $0x38;
	[tilespmem:$0x1D800] =	vst v63  }
0x31: {  	_ =	swait.ge [sflag:s3], $0x400  }
0x32: {  	s4 =	simm.s32 $0x0;
	[sflag:s3] =	ssyncset.done $0x0  }
0x33: {  	s2 =	simm.s32 $0x0;
	[sflag:s3] =	ssyncadd.s32 $0xFFFFFC00;
	s3 =	simm.s32 $0x0  }
.LBB2_2:
0x34: {  	s12 =	sshll.u32 s3, $0x2;
	s13 =	sand.u32 $0x7, s2  }
0x35: {  	s12 =	sand.u32 $0xFFFFFE00, s12;
	s13 =	sshll.u32 s13, $0x6  }
0x36: {  	s12 =	sor.u32 s13, s12  }
0x37: {  	s12 =	sshrl.u32 s12, $0x2  }
0x38: {  	v1 =	vmov s12;
	_ =	sdelay $0x3  }
0x39: {  	s14 =	simm.s32 $0x0  }
0x3a: {  	v0 =	vimm.f32 $0.0e+00;
	s13 =	simm.s32 $0x1000;
	s12 =	sshll.u32 s4, $0x4;
	v3 =	vld.idx.msk [tilespmem:v1+s14+$0x0 ss:$0x1], $0xffff  }
.LBB2_3:
0x3b: {  	_ = 	snop  }
0x3c: {  	p0 =	sne.s32 s13, $0x3F000  }
.Ltmp2:
0x3d: {  	_ = 	snop;
	(pc) =	sbr.rel @p0 .LBB2_3-.Ltmp2, $4  }
0x3e: {  	_ = 	snop  }
0x3f: {  	v4 =	vmul.f32 v3, v3  }
0x40: {  	s14 =	sshra.s32 s13, $0x2  }
0x41: {  	s13 =	sadd.s32 $0x1000, s13;
	v3 =	vld.idx.msk [tilespmem:v1+s14+$0x0 ss:$0x1], $0xffff;
	v0 =	vadd.f32 v4, v0  }
0x42: {  	_ =	sdelay $0x3  }
0x43: {  	v1 =	vmul.f32 v3, v3  }
0x44: {  	v63 =	vld [tilespmem:s12+$0x1CC00]  }
0x45: {  	s4 =	sadd.s32 $0x1, s4;
	v0 =	vadd.f32 v1, v0  }
0x46: {  	p0 =	sne.s32 s4, $0x40  }
.Ltmp3:
0x47: {  	v0 =	vmul.f32 $-5.000000000e-01, v0;
	(pc) =	sbr.rel @p0 .LBB2_2-.Ltmp3, $4  }
0x48: {  	_ = 	snop  }
0x49: {  	v0 =	vadd.f32 v0, v63  }
0x4a: {  	[tilespmem:s12+$0x1D400] =	vst v36  }
0x4b: {  	s3 =	sadd.s32 $0x10, s3;
	s2 =	sadd.s32 $0x1, s2;
	s25 =	simm.s32 $0x0;
	[tilespmem:s12+$0x1D000] =	vst v0  }
0x4c: {  	s13 =	simm.s32 $0x0  }
.LBB2_6:
0x4d: {  	_ =	swait.ge [sflag:s28], $0x1000  }
0x4e: {  	[sflag:s28] =	ssyncset.done $0x0  }
0x4f: {  	[sflag:s28] =	ssyncadd.s32 $0xFFFFF000  }
0x50: {  	_ =	swait.ge [sflag:s28], $0x200  }
0x51: {  	[sflag:s28] =	ssyncset.done $0x0  }
0x52: {  	s2 =	simm.s32 $0x18020;
	[sflag:s28] =	ssyncadd.s32 $0xFFFFFE00  }
0x53: {  	v1 =	vadd.s32 s25, v37;
	s4 =	simm.s32 $0x1;
	s3 =	simm.s32 $0x0;
	v0 =	vld [tilespmem:s2+$0xFFFFFFE0]  }
.LBB2_7:
0x54: {  	p0 =	sne.s32 s4, $0x3F;
	_ =	sdelay $0x3  }
0x55: {  	s12 =	sadd.s32 $0x410, s3;
	[tilespmem:v1+s29+$0x0] =	vst.idx.msk $0xffff, v0  }
0x56: {  	v1 =	vadd.s32 s12, v37;
	v0 =	vld [tilespmem:s2+$0xFFFFFFF0];
	_ =	sdelay $0x4  }
0x57: {  	s12 =	sadd.s32 $0x820, s3;
	[tilespmem:v1+s29+$0x0] =	vst.idx.msk $0xffff, v0  }
0x58: {  	v1 =	vadd.s32 s12, v37;
	v0 =	vld [tilespmem:s2+$0x0];
	_ =	sdelay $0x4  }
0x59: {  	s12 =	sadd.s32 $0xC30, s3;
	s3 =	smov.u32 s4;
	[tilespmem:v1+s29+$0x0] =	vst.idx.msk $0xffff, v0  }
0x5a: {  	v1 =	vadd.s32 s12, v37;
	v0 =	vld [tilespmem:s2+$0x10];
	_ =	sdelay $0x1  }
.Ltmp4:
0x5b: {  	(pc) =	sbr.rel @p0 .LBB2_7-.Ltmp4, $3  }
0x5c: {  	_ =	sdelay $0x1  }
0x5d: {  	s2 =	sadd.s32 $0x40, s2;
	[tilespmem:v1+s29+$0x0] =	vst.idx.msk $0xffff, v0  }
0x5e: {  	s4 =	sadd.s32 $0x1, s4;
	v1 =	vadd.s32 s3, v37;
	v0 =	vld [tilespmem:s2+$0xFFFFFFE0]  }
0x5f: {  	_ =	sdelay $0x3  }
0x60: {  	s4 =	sadd.s32 $0x410, s3;
	[tilespmem:v1+s29+$0x0] =	vst.idx.msk $0xffff, v0  }
0x61: {  	v60 =	vadd.s32 s4, v37;
	v0 =	vld [tilespmem:s2+$0xFFFFFFF0];
	_ =	sdelay $0x4  }
0x62: {  	s17 =	sadd.s32 $0x820, s3;
	[tilespmem:v60+s29+$0x0] =	vst.idx.msk $0xffff, v0  }
0x63: {  	v61 =	vadd.s32 s17, v37;
	v0 =	vld [tilespmem:s2+$0x0];
	_ =	sdelay $0x4  }
0x64: {  	s19 =	sadd.s32 $0xC30, s3;
	[tilespmem:v61+s29+$0x0] =	vst.idx.msk $0xffff, v0  }
0x65: {  	v62 =	vadd.s32 s19, v37;
	v0 =	vld [tilespmem:s2+$0x10];
	_ =	sdelay $0x3  }
0x66: {  	p0 =	seq.s32 s13, $0x0  }
0x67: {  	s2 =	simm.s32 @!p0 $0x3;
	[tilespmem:v62+s29+$0x0] =	vst.idx.msk $0xffff, v0  }
0x68: {  	_ =	swait.ge @!p0 [sflag:s2], $0x200  }
0x69: {  	[sflag:s2] =	ssyncset.done @!p0 $0x0  }
0x6a: {  	[sflag:s2] =	ssyncadd.s32 @!p0 $0xFFFFFE00  }
0x6b: {  	_ =	swait.ge @!p0 [sflag:s2], $0x40  }
0x6c: {  	[sflag:s2] =	ssyncset.done @!p0 $0x0  }
0x6d: {  	[sflag:s2] =	ssyncadd.s32 @!p0 $0xFFFFFFC0  }
0x6e: {  	_ =	swait.ge @!p0 [sflag:s2], $0x40  }
0x6f: {  	s20 =	sshll.u32 s13, $0xA;
	[sflag:s2] =	ssyncset.done @!p0 $0x0  }
0x70: {  	s23 =	sand.u32 $0x3FFFFC00, s20;
	[sflag:s2] =	ssyncadd.s32 @!p0 $0xFFFFFFC0  }
0x71: {  	s14 =	sshll.u32 s13, $0x7;
	s4 =	sadd.s32 $0x10000, s23;
	_ =	swait.ge @!p0 [sflag:s2], $0x40  }
0x72: {  	s15 =	sshll.u32 s13, $0x1;
	s3 =	sor.u32 s11, s14;
	v63 =	vmov s4;
	[sflag:s2] =	ssyncset.done @!p0 $0x0  }
0x73: {  	s17 =	simm.s32 $0x1A104;
	[tilespmem:$0x1FF60] =	vst v63;
	[sflag:s2] =	ssyncadd.s32 @!p0 $0xFFFFFFC0;
	s2 =	simm.s32 $0x0  }
.LBB2_9:
0x74: {  	s19 =	sshll.u32 s2, $0x7  }
0x75: {  	v0 =	vmov s19  }
0x76: {  	v0 =	vshrl.u32 v0, $0x7  }
0x77: {  	v0 =	vshll.u32 v0, $0x7  }
0x78: {  	v27 =	vld [tilespmem:s17+$0xC3];
	v0 =	vbroadcast v0, $0x0  }
0x79: {  	v28 =	vld [tilespmem:s17+$0x82]  }
0x7a: {  	v29 =	vld [tilespmem:s17+$0x41];
	v3 =	vor.u32 v35, v0  }
0x7b: {  	v31 =	vld [tilespmem:s17+$0x0];
	v1 =	vor.u32 v38, v0  }
0x7c: {  	v34 =	vld [tilespmem:s17+$0xFFFFFFBF];
	v5 =	vor.u32 v39, v0  }
0x7d: {  	v4 =	vor.u32 v40, v0;
	v35 =	vld [tilespmem:s17+$0xFFFFFF7E]  }
0x7e: {  	v2 =	vor.u32 v41, v0;
	v41 =	vld [tilespmem:s17+$0xFFFFFEFC]  }
0x7f: {  	v19 =	vld.idx.msk [tilespmem:v3+s22+$0x0], $0xffff  }
0x80: {  	[tilespmem:$0x1FE60] =	vst v3;
	v3 =	vor.u32 v42, v0;
	v22 =	vld.idx.msk [tilespmem:v1+s22+$0x0], $0xffff  }
0x81: {  	[tilespmem:$0x1FE70] =	vst v1;
	v1 =	vor.u32 v43, v0;
	v20 =	vld.idx.msk [tilespmem:v5+s22+$0x0], $0xffff  }
0x82: {  	v0 =	vor.u32 v44, v0;
	v23 =	vld.idx.msk [tilespmem:v4+s22+$0x0], $0xffff  }
0x83: {  	v10 =	vld.idx.msk [tilespmem:v2+s22+$0x0], $0xffff  }
0x84: {  	v39 =	vld [tilespmem:s17+$0xFFFFFF3D]  }
0x85: {  	v18 =	vld.idx.msk [tilespmem:v3+s22+$0x0], $0xffff  }
0x86: {  	[tilespmem:$0x1FEA0] =	vst v2;
	v2 =	vld.idx.msk [tilespmem:v1+s22+$0x0], $0xffff  }
0x87: {  	s20 =	simm.s32 $0x0;
	[tilespmem:$0x1FED0] =	vst v0;
	v0 =	vld.idx.msk [tilespmem:v0+s22+$0x0], $0xffff  }
0x88: {  	[tilespmem:$0x1FEC0] =	vst v1;
	v1 =	vld.idx.msk [tilespmem:v22+s20+$0x1C00], $0xffff  }
0x89: {  	[tilespmem:$0x1FEB0] =	vst v3;
	v3 =	vld.idx.msk [tilespmem:v20+s20+$0x1C00], $0xffff  }
0x8a: {  	[tilespmem:$0x1FE90] =	vst v4;
	v4 =	vld.idx.msk [tilespmem:v23+s20+$0x1C00], $0xffff  }
0x8b: {  	[tilespmem:$0x1FE80] =	vst v5;
	v5 =	vld.idx.msk [tilespmem:v10+s20+$0x1C00], $0xffff  }
0x8c: {  	v7 =	vld.idx.msk [tilespmem:v19+s20+$0x1800], $0xffff  }
0x8d: {  	v8 =	vld.idx.msk [tilespmem:v22+s20+$0x1800], $0xffff  }
0x8e: {  	v9 =	vld.idx.msk [tilespmem:v20+s20+$0x1800], $0xffff  }
0x8f: {  	v11 =	vld.idx.msk [tilespmem:v23+s20+$0x1800], $0xffff  }
0x90: {  	v12 =	vld.idx.msk [tilespmem:v10+s20+$0x1800], $0xffff  }
0x91: {  	v40 =	vld.idx.msk [tilespmem:v19+s20+$0x1400], $0xffff  }
0x92: {  	v42 =	vld.idx.msk [tilespmem:v22+s20+$0x1400], $0xffff  }
0x93: {  	v43 =	vld.idx.msk [tilespmem:v20+s20+$0x1400], $0xffff  }
0x94: {  	v48 =	vld.idx.msk [tilespmem:v23+s20+$0x1400], $0xffff  }
0x95: {  	v49 =	vld.idx.msk [tilespmem:v10+s20+$0x1400], $0xffff  }
0x96: {  	v51 =	vld.idx.msk [tilespmem:v19+s20+$0x1000], $0xffff  }
0x97: {  	v58 =	vld.idx.msk [tilespmem:v22+s20+$0x1000], $0xffff  }
0x98: {  	v14 =	vld.idx.msk [tilespmem:v20+s20+$0x1000], $0xffff  }
0x99: {  	v15 =	vld.idx.msk [tilespmem:v23+s20+$0x1000], $0xffff  }
0x9a: {  	v16 =	vld.idx.msk [tilespmem:v10+s20+$0x1000], $0xffff  }
0x9b: {  	v56 =	vmul.f32 v28, v28;
	v57 =	vmul.f32 v27, v27;
	v17 =	vld.idx.msk [tilespmem:v19+s20+$0xC00], $0xffff  }
0x9c: {  	v59 =	vmul.f32 v31, v31;
	v13 =	vmul.f32 v29, v29;
	[tilespmem:$0x1FEE0] =	vst v0;
	v0 =	vld.idx.msk [tilespmem:v19+s20+$0x1C00], $0xffff  }
0x9d: {  	v62 =	vmul.f32 v34, v34;
	v36 =	vmul.f32 v35, v35;
	v47 =	vld.idx.msk [tilespmem:v10+s20+$0x800], $0xffff  }
0x9e: {  	v32 =	vmul.f32 v41, v41;
	v37 =	vmul.f32 v39, v39;
	v6 =	vld.idx.msk [tilespmem:v18+s20+$0x1C00], $0xffff  }
0x9f: {  	v30 =	vld.idx.msk [tilespmem:v18+s20+$0x1800], $0xffff;
	v45 =	vmul.f32 v1, v27;
	v44 =	vmul.f32 v3, v27  }
0xa0: {  	v24 =	vimm.f32 $0.0e+00;
	v50 =	vld.idx.msk [tilespmem:v18+s20+$0x1400], $0xffff;
	v38 =	vmul.f32 v4, v27;
	v33 =	vmul.f32 v5, v27  }
0xa1: {  	v1 =	vld.idx.msk [tilespmem:v18+s20+$0x1000], $0xffff;
	v54 =	vmul.f32 v7, v28;
	v46 =	vmul.f32 v0, v27;
	v0 =	vadd.f32 v32, v24  }
0xa2: {  	[tilespmem:$0x1FEF0] =	vst v19;
	v55 =	vmul.f32 v8, v28;
	v52 =	vmul.f32 v9, v28;
	v7 =	vld.idx.msk [tilespmem:v22+s20+$0x400], $0xffff  }
0xa3: {  	v53 =	vmul.f32 v11, v28;
	v21 =	vmul.f32 v12, v28;
	v8 =	vld.idx.msk [tilespmem:v19+s20+$0x0], $0xffff;
	v0 =	vadd.f32 v37, v0  }
0xa4: {  	[tilespmem:$0x1FF00] =	vst v22;
	v60 =	vmul.f32 v40, v29;
	v61 =	vmul.f32 v42, v29;
	v9 =	vld.idx.msk [tilespmem:v22+s20+$0x0], $0xffff  }
0xa5: {  	v63 =	vmul.f32 v48, v29;
	v42 =	vmul.f32 v49, v29;
	v11 =	vld.idx.msk [tilespmem:v20+s20+$0x0], $0xffff;
	v0 =	vadd.f32 v36, v0  }
0xa6: {  	[tilespmem:$0x1FF10] =	vst v20;
	v48 =	vmul.f32 v51, v31;
	v49 =	vmul.f32 v58, v31;
	v58 =	vld.idx.msk [tilespmem:v23+s20+$0x0], $0xffff  }
0xa7: {  	v3 =	vmul.f32 v15, v31;
	v32 =	vmul.f32 v6, v27;
	v6 =	vld.idx.msk [tilespmem:v19+s20+$0x400], $0xffff;
	v0 =	vadd.f32 v62, v0  }
0xa8: {  	[tilespmem:$0x1FF20] =	vst v23;
	v15 =	vld.idx.msk [tilespmem:v22+s20+$0x800], $0xffff;
	v37 =	vmul.f32 v30, v28;
	v40 =	vmul.f32 v50, v29  }
0xa9: {  	v5 =	vld.idx.msk [tilespmem:v19+s20+$0x800], $0xffff;
	v8 =	vmul.f32 v8, v41;
	v9 =	vmul.f32 v9, v41;
	v12 =	vadd.f32 v59, v0  }
0xaa: {  	[tilespmem:$0x1FF30] =	vst v10;
	v4 =	vld.idx.msk [tilespmem:v22+s20+$0xC00], $0xffff;
	v22 =	vimm.f32 $0.0e+00;
	v7 =	vmul.f32 v7, v39;
	v11 =	vmul.f32 v11, v41  }
0xab: {  	v9 =	vadd.f32 v9, v24;
	v0 =	vmul.f32 v14, v31;
	v14 =	vld.idx.msk [tilespmem:v20+s20+$0x400], $0xffff;
	v12 =	vadd.f32 v13, v12  }
0xac: {  	v50 =	vmul.f32 v58, v41;
	v8 =	vadd.f32 v8, v24;
	v6 =	vmul.f32 v6, v39;
	v59 =	vld.idx.msk [tilespmem:v20+s20+$0x800], $0xffff  }
0xad: {  	v15 =	vmul.f32 v15, v35;
	v7 =	vadd.f32 v7, v9;
	v13 =	vld.idx.msk [tilespmem:v23+s20+$0x400], $0xffff;
	v12 =	vadd.f32 v56, v12  }
0xae: {  	v51 =	vmul.f32 v1, v31;
	v1 =	vmul.f32 v5, v35;
	v6 =	vadd.f32 v6, v8;
	v8 =	vld.idx.msk [tilespmem:v20+s20+$0xC00], $0xffff  }
0xaf: {  	v4 =	vmul.f32 v4, v34;
	v7 =	vadd.f32 v15, v7;
	v36 =	vadd.f32 v57, v12;
	v12 =	vld.idx.msk [tilespmem:v23+s20+$0x800], $0xffff  }
0xb0: {  	v11 =	vadd.f32 v11, v24;
	v50 =	vadd.f32 v50, v24;
	v9 =	vld.idx.msk [tilespmem:v23+s20+$0xC00], $0xffff;
	v14 =	vmul.f32 v14, v39  }
0xb1: {  	v58 =	vld.idx.msk [tilespmem:v18+s20+$0x400], $0xffff;
	v62 =	vmul.f32 v43, v29;
	v43 =	vmul.f32 v16, v31;
	v7 =	vadd.f32 v4, v7  }
0xb2: {  	v16 =	vmul.f32 v59, v35;
	v13 =	vmul.f32 v13, v39;
	v5 =	vadd.f32 v14, v11;
	v11 =	vld.idx.msk [tilespmem:v10+s20+$0xC00], $0xffff  }
0xb3: {  	v1 =	vadd.f32 v1, v6;
	v14 =	vmul.f32 v17, v34;
	v17 =	vld.idx.msk [tilespmem:v18+s20+$0xC00], $0xffff;
	v8 =	vmul.f32 v8, v34  }
0xb4: {  	v56 =	vld.idx.msk [tilespmem:v18+s20+$0x800], $0xffff;
	v13 =	vadd.f32 v13, v50;
	v5 =	vadd.f32 v16, v5;
	v6 =	vmul.f32 v12, v35  }
0xb5: {  	[tilespmem:$0x1FF40] =	vst v18;
	v9 =	vmul.f32 v9, v34;
	v59 =	vld.idx.msk [tilespmem:v10+s20+$0x0], $0xffff;
	v50 =	vimm.f32 $0.0e+00;
	v12 =	vadd.f32 v14, v1  }
0xb6: {  	v57 =	vld.idx.msk [tilespmem:v10+s20+$0x400], $0xffff;
	v8 =	vadd.f32 v8, v5;
	v5 =	vmul.f32 v47, v35;
	v6 =	vadd.f32 v6, v13  }
0xb7: {  	v1 =	vmul.f32 v11, v34;
	v11 =	vadd.f32 v48, v12;
	v12 =	vadd.f32 v49, v7;
	v7 =	vld.idx.msk [tilespmem:v2+s20+$0x0], $0xffff  }
0xb8: {  	s12 =	sshll.u32 s2, $0x4;
	s23 =	simm.s32 $0x8000;
	s4 =	smov.u32 s17;
	[tilespmem:$0x1FF50] =	vst v2;
	v4 =	vmul.f32 v17, v34;
	v49 =	vimm.f32 $0.0e+00;
	v9 =	vadd.f32 v9, v6;
	v6 =	vld.idx.msk [tilespmem:v18+s20+$0x0], $0xffff  }
.LBB2_10:
0xb9: {  	v2 =	vld [tilespmem:$0x1FEE0]  }
0xba: {  	v20 =	vld [tilespmem:$0x1FF50];
	v0 =	vadd.f32 v0, v8;
	_ =	sdelay $0x1  }
0xbb: {  	v0 =	vadd.f32 v62, v0  }
0xbc: {  	v26 =	vld [tilespmem:$0x1FF00]  }
0xbd: {  	v25 =	vld [tilespmem:$0x1FF10];
	v0 =	vadd.f32 v52, v0  }
0xbe: {  	v23 =	vld [tilespmem:$0x1FF40]  }
0xbf: {  	v15 =	vmul.f32 v58, v39;
	v58 =	vadd.f32 v44, v0;
	v44 =	vld [tilespmem:$0x1FF20]  }
0xc0: {  	v3 =	vadd.f32 v3, v9;
	v9 =	vld.idx.msk [tilespmem:v2+s20+$0x0], $0xffff  }
0xc1: {  	v11 =	vadd.f32 v60, v11;
	v14 =	vld.idx.msk [tilespmem:v20+s20+$0x400], $0xffff  }
0xc2: {  	v3 =	vadd.f32 v63, v3;
	v6 =	vmul.f32 v6, v41;
	v16 =	vld.idx.msk [tilespmem:v2+s20+$0x400], $0xffff  }
0xc3: {  	v12 =	vadd.f32 v61, v12;
	v11 =	vadd.f32 v54, v11;
	v60 =	vld.idx.msk [tilespmem:v20+s20+$0x800], $0xffff  }
0xc4: {  	v3 =	vadd.f32 v53, v3;
	v6 =	vadd.f32 v6, v49;
	v61 =	vld.idx.msk [tilespmem:v2+s20+$0x800], $0xffff  }
0xc5: {  	v8 =	vmul.f32 v56, v35;
	v56 =	vadd.f32 v46, v11;
	v11 =	vld.idx.msk [tilespmem:v20+s20+$0xC00], $0xffff  }
0xc6: {  	v17 =	vmul.f32 v59, v41;
	v59 =	vadd.f32 v38, v3;
	v3 =	vld.idx.msk [tilespmem:v2+s20+$0xC00], $0xffff;
	v6 =	vadd.f32 v15, v6  }
0xc7: {  	v62 =	vld.idx.msk [tilespmem:v2+s20+$0x1000], $0xffff  }
0xc8: {  	v15 =	vld.idx.msk [tilespmem:v20+s20+$0x1400], $0xffff;
	v6 =	vadd.f32 v8, v6  }
0xc9: {  	v12 =	vadd.f32 v55, v12;
	v63 =	vld.idx.msk [tilespmem:v2+s20+$0x1400], $0xffff  }
0xca: {  	v7 =	vmul.f32 v7, v41;
	v4 =	vadd.f32 v4, v6;
	v6 =	vld.idx.msk [tilespmem:v20+s20+$0x1C00], $0xffff  }
0xcb: {  	v10 =	vadd.f32 v45, v12;
	v12 =	vmul.f32 v14, v39;
	v14 =	vld.idx.msk [tilespmem:v20+s20+$0x1000], $0xffff  }
0xcc: {  	s4 =	sadd.s32 $0x208, s4;
	v13 =	vmul.f32 v57, v39;
	v7 =	vadd.f32 v7, v50;
	v8 =	vmul.f32 v11, v34;
	v11 =	vld.idx.msk [tilespmem:v2+s20+$0x1800], $0xffff  }
0xcd: {  	v0 =	vmul.f32 v9, v41;
	v9 =	vadd.f32 v17, v24;
	v3 =	vmul.f32 v3, v34;
	v34 =	vld [tilespmem:s4+$0xFFFFFFBF]  }
0xce: {  	v16 =	vmul.f32 v16, v39;
	v39 =	vld [tilespmem:s4+$0xFFFFFF3D]  }
0xcf: {  	v41 =	vld [tilespmem:s4+$0xFFFFFEFC];
	v9 =	vadd.f32 v13, v9;
	v13 =	vmul.f32 v60, v35;
	v7 =	vadd.f32 v12, v7  }
0xd0: {  	v0 =	vadd.f32 v0, v22;
	v22 =	vld [tilespmem:$0x1FF30]  }
0xd1: {  	v4 =	vadd.f32 v51, v4;
	v12 =	vmul.f32 v61, v35;
	v35 =	vld [tilespmem:s4+$0xFFFFFF7E];
	v7 =	vadd.f32 v13, v7  }
0xd2: {  	v0 =	vadd.f32 v16, v0;
	v5 =	vadd.f32 v5, v9;
	v9 =	vld.idx.msk [tilespmem:v20+s20+$0x1800], $0xffff  }
0xd3: {  	v4 =	vadd.f32 v40, v4;
	v7 =	vadd.f32 v8, v7;
	v8 =	vld.idx.msk [tilespmem:v2+s20+$0x1C00], $0xffff  }
0xd4: {  	v0 =	vadd.f32 v12, v0;
	v12 =	vld [tilespmem:s4+$0xC3]  }
0xd5: {  	v4 =	vadd.f32 v37, v4;
	v1 =	vadd.f32 v1, v5;
	v5 =	vmul.f32 v14, v31;
	v14 =	vld [tilespmem:s4+$0x82];
	s20 =	sshra.s32 s23, $0x2  }
0xd6: {  	v13 =	vmul.f32 v15, v29;
	v15 =	vld.idx.msk [tilespmem:v26+s20+$0x1C00], $0xffff  }
0xd7: {  	v49 =	vadd.f32 v32, v4;
	v4 =	vld.idx.msk [tilespmem:v25+s20+$0x1800], $0xffff  }
0xd8: {  	v17 =	vld.idx.msk [tilespmem:v26+s20+$0x1400], $0xffff  }
0xd9: {  	v40 =	vld.idx.msk [tilespmem:v25+s20+$0x1400], $0xffff  }
0xda: {  	v51 =	vld.idx.msk [tilespmem:v23+s20+$0x1400], $0xffff  }
0xdb: {  	[tilespmem:$0x1FE40] =	vst v10;
	v10 =	vld.idx.msk [tilespmem:v26+s20+$0x1000], $0xffff  }
0xdc: {  	v32 =	vld.idx.msk [tilespmem:v25+s20+$0x1000], $0xffff  }
0xdd: {  	v19 =	vmov v36;
	v36 =	vld.idx.msk [tilespmem:v44+s20+$0x1000], $0xffff  }
0xde: {  	v0 =	vadd.f32 v3, v0;
	v3 =	vmul.f32 v62, v31;
	v5 =	vadd.f32 v5, v7;
	v62 =	vld [tilespmem:$0x1FEF0]  }
0xdf: {  	v31 =	vld [tilespmem:s4+$0x0]  }
0xe0: {  	v1 =	vadd.f32 v43, v1;
	v5 =	vadd.f32 v13, v5;
	v13 =	vld.idx.msk [tilespmem:v44+s20+$0x1C00], $0xffff  }
0xe1: {  	v0 =	vadd.f32 v3, v0;
	v3 =	vmul.f32 v63, v29;
	v29 =	vld [tilespmem:s4+$0x41]  }
0xe2: {  	v1 =	vadd.f32 v42, v1;
	v42 =	vld.idx.msk [tilespmem:v44+s20+$0x1400], $0xffff  }
0xe3: {  	v43 =	vld.idx.msk [tilespmem:v22+s20+$0x1400], $0xffff  }
0xe4: {  	v9 =	vmul.f32 v9, v28;
	v47 =	vld.idx.msk [tilespmem:v22+s20+$0x1000], $0xffff  }
0xe5: {  	v0 =	vadd.f32 v3, v0;
	v3 =	vmul.f32 v11, v28;
	v11 =	vld.idx.msk [tilespmem:v25+s20+$0x1C00], $0xffff  }
0xe6: {  	v1 =	vadd.f32 v21, v1;
	v5 =	vadd.f32 v9, v5;
	v9 =	vld.idx.msk [tilespmem:v23+s20+$0x1800], $0xffff  }
0xe7: {  	v6 =	vmul.f32 v6, v27;
	v0 =	vadd.f32 v3, v0;
	v3 =	vmul.f32 v8, v27;
	v8 =	vld.idx.msk [tilespmem:v22+s20+$0x1C00], $0xffff  }
0xe8: {  	v57 =	vadd.f32 v33, v1;
	v1 =	vld.idx.msk [tilespmem:v23+s20+$0x1C00], $0xffff  }
0xe9: {  	v50 =	vadd.f32 v6, v5;
	v5 =	vld.idx.msk [tilespmem:v44+s20+$0x1800], $0xffff  }
0xea: {  	v27 =	vmov v12;
	v6 =	vld.idx.msk [tilespmem:v22+s20+$0x1800], $0xffff;
	v0 =	vadd.f32 v3, v0  }
0xeb: {  	v38 =	vmul.f32 v13, v27;
	v13 =	vld.idx.msk [tilespmem:v26+s20+$0xC00], $0xffff  }
0xec: {  	[tilespmem:$0x1FE50] =	vst v0;
	v0 =	vld.idx.msk [tilespmem:v62+s20+$0x1800], $0xffff  }
0xed: {  	v61 =	vmul.f32 v41, v41;
	v7 =	vld.idx.msk [tilespmem:v62+s20+$0x1C00], $0xffff  }
0xee: {  	v3 =	vld.idx.msk [tilespmem:v26+s20+$0x1800], $0xffff  }
0xef: {  	v63 =	vmul.f32 v39, v39;
	v16 =	vld.idx.msk [tilespmem:v62+s20+$0x1400], $0xffff;
	v48 =	vmul.f32 v11, v27;
	v11 =	vadd.f32 v61, v19  }
0xf0: {  	v60 =	vmul.f32 v35, v35;
	v28 =	vmov v14;
	v18 =	vld.idx.msk [tilespmem:v62+s20+$0x1000], $0xffff  }
0xf1: {  	v45 =	vmul.f32 v15, v27;
	v15 =	vld.idx.msk [tilespmem:v62+s20+$0xC00], $0xffff;
	v54 =	vmul.f32 v0, v28;
	v0 =	vadd.f32 v63, v11  }
0xf2: {  	v14 =	vmul.f32 v14, v28;
	v52 =	vmul.f32 v4, v28;
	v4 =	vld.idx.msk [tilespmem:v62+s20+$0x400], $0xffff  }
0xf3: {  	v33 =	vmul.f32 v34, v34;
	v21 =	vmul.f32 v6, v28;
	v6 =	vld.idx.msk [tilespmem:v62+s20+$0x0], $0xffff;
	v0 =	vadd.f32 v60, v0  }
0xf4: {  	v2 =	vmul.f32 v31, v31;
	v37 =	vmul.f32 v9, v28;
	v9 =	vld.idx.msk [tilespmem:v26+s20+$0x0], $0xffff  }
0xf5: {  	v12 =	vmul.f32 v12, v27;
	v61 =	vmul.f32 v17, v29;
	v17 =	vld.idx.msk [tilespmem:v44+s20+$0x0], $0xffff;
	v0 =	vadd.f32 v33, v0  }
0xf6: {  	v30 =	vmul.f32 v29, v29;
	v46 =	vmul.f32 v7, v27;
	v7 =	vld.idx.msk [tilespmem:v23+s20+$0x1000], $0xffff  }
0xf7: {  	v24 =	vmul.f32 v1, v27;
	v1 =	vld.idx.msk [tilespmem:v62+s20+$0x800], $0xffff;
	v53 =	vmul.f32 v5, v28;
	v2 =	vadd.f32 v2, v0  }
0xf8: {  	v6 =	vmul.f32 v6, v41;
	v60 =	vmul.f32 v16, v29;
	v16 =	vld.idx.msk [tilespmem:v25+s20+$0x0], $0xffff  }
0xf9: {  	v5 =	vld.idx.msk [tilespmem:v26+s20+$0x400], $0xffff;
	v62 =	vmul.f32 v40, v29;
	v40 =	vmul.f32 v51, v29;
	v2 =	vadd.f32 v30, v2  }
0xfa: {  	v4 =	vmul.f32 v4, v39;
	v11 =	vmul.f32 v18, v31;
	v18 =	vld.idx.msk [tilespmem:v25+s20+$0x400], $0xffff;
	v6 =	vadd.f32 v6, v56  }
0xfb: {  	v51 =	vmul.f32 v7, v31;
	v7 =	vmul.f32 v15, v34;
	v15 =	vld.idx.msk [tilespmem:v44+s20+$0x400], $0xffff;
	v2 =	vadd.f32 v14, v2  }
0xfc: {  	v55 =	vmul.f32 v3, v28;
	v1 =	vmul.f32 v1, v35;
	v4 =	vadd.f32 v4, v6;
	v14 =	vld.idx.msk [tilespmem:v44+s20+$0x800], $0xffff  }
0xfd: {  	v3 =	vmul.f32 v36, v31;
	v36 =	vadd.f32 v12, v2;
	v2 =	vmul.f32 v16, v41;
	v16 =	vld.idx.msk [tilespmem:v44+s20+$0xC00], $0xffff  }
0xfe: {  	v1 =	vadd.f32 v1, v4;
	v44 =	vmov v48;
	v48 =	vld [tilespmem:$0x1FE40]  }
0xff: {  	v19 =	vmul.f32 v8, v27;
	v9 =	vmul.f32 v9, v41;
	v30 =	vld.idx.msk [tilespmem:v25+s20+$0x800], $0xffff  }
0x100: {  	v8 =	vld.idx.msk [tilespmem:v26+s20+$0x800], $0xffff;
	v63 =	vmul.f32 v42, v29;
	v42 =	vmul.f32 v43, v29;
	v7 =	vadd.f32 v7, v1  }
0x101: {  	v43 =	vmul.f32 v47, v31;
	v47 =	vld.idx.msk [tilespmem:v22+s20+$0xC00], $0xffff;
	v5 =	vmul.f32 v5, v39  }
0x102: {  	v0 =	vmul.f32 v32, v31;
	v32 =	vld.idx.msk [tilespmem:v25+s20+$0xC00], $0xffff;
	v11 =	vadd.f32 v11, v7;
	v12 =	vmul.f32 v17, v41  }
0x103: {  	v56 =	vmul.f32 v18, v39;
	v7 =	vld.idx.msk [tilespmem:v20+s20+$0x0], $0xffff;
	v2 =	vadd.f32 v2, v58;
	v9 =	vadd.f32 v9, v48  }
0x104: {  	v15 =	vmul.f32 v15, v39;
	v6 =	vmul.f32 v30, v35;
	v30 =	vld.idx.msk [tilespmem:v22+s20+$0x800], $0xffff;
	v12 =	vadd.f32 v12, v59  }
0x105: {  	v8 =	vmul.f32 v8, v35;
	v58 =	vld.idx.msk [tilespmem:v23+s20+$0x400], $0xffff;
	v2 =	vadd.f32 v56, v2;
	v5 =	vadd.f32 v5, v9  }
0x106: {  	p1 =	sne.s32 s23, $0x38000;
	v48 =	vld.idx.msk [tilespmem:v23+s20+$0xC00], $0xffff;
	v9 =	vadd.f32 v15, v12;
	v12 =	vmul.f32 v14, v35  }
.Ltmp5:
0x107: {  	v13 =	vmul.f32 v13, v34;
	v59 =	vld.idx.msk [tilespmem:v22+s20+$0x0], $0xffff;
	v2 =	vadd.f32 v6, v2;
	v4 =	vadd.f32 v8, v5;
	(pc) =	sbr.rel @p1 .LBB2_10-.Ltmp5, $4  }
0x108: {  	v56 =	vld.idx.msk [tilespmem:v23+s20+$0x800], $0xffff;
	v5 =	vmul.f32 v32, v34;
	v6 =	vadd.f32 v12, v9;
	v9 =	vmul.f32 v16, v34  }
0x109: {  	v10 =	vmul.f32 v10, v31;
	v32 =	vmovc v24;
	v24 =	vmov v57;
	v57 =	vld.idx.msk [tilespmem:v22+s20+$0x400], $0xffff;
	v12 =	vadd.f32 v13, v4  }
0x10a: {  	v33 =	vmovc v19;
	v1 =	vmul.f32 v47, v34;
	v22 =	vld [tilespmem:$0x1FE50];
	v8 =	vadd.f32 v5, v2;
	v9 =	vadd.f32 v9, v6  }
0x10b: {  	s23 =	sadd.s32 $0x8000, s23;
	v6 =	vld.idx.msk [tilespmem:v23+s20+$0x0], $0xffff;
	v4 =	vmul.f32 v48, v34;
	v5 =	vmul.f32 v30, v35;
	v12 =	vadd.f32 v10, v12  }
0x10c: {  	v20 =	vld [tilespmem:$0x1FEE0]  }
0x10d: {  	v19 =	vld [tilespmem:$0x1FF50];
	_ =	sdelay $0x3  }
0x10e: {  	v23 =	vmul.f32 v59, v41  }
0x10f: {  	v0 =	vadd.f32 v0, v8  }
0x110: {  	v61 =	vadd.f32 v61, v12;
	v12 =	vadd.f32 v23, v24;
	v23 =	vld [tilespmem:$0x1FEF0]  }
0x111: {  	v2 =	vadd.f32 v3, v9;
	v0 =	vadd.f32 v62, v0;
	v62 =	vld.idx.msk [tilespmem:v20+s20+$0x0], $0xffff  }
0x112: {  	v10 =	vld.idx.msk [tilespmem:v19+s20+$0x400], $0xffff  }
0x113: {  	v2 =	vadd.f32 v63, v2;
	v63 =	vld.idx.msk [tilespmem:v20+s20+$0x400], $0xffff  }
0x114: {  	v13 =	vld.idx.msk [tilespmem:v19+s20+$0x800], $0xffff  }
0x115: {  	v16 =	vmul.f32 v57, v39;
	v14 =	vld.idx.msk [tilespmem:v20+s20+$0x800], $0xffff  }
0x116: {  	v15 =	vld.idx.msk [tilespmem:v19+s20+$0xC00], $0xffff  }
0x117: {  	v12 =	vadd.f32 v16, v12;
	v18 =	vld.idx.msk [tilespmem:v20+s20+$0xC00], $0xffff  }
0x118: {  	v60 =	vadd.f32 v60, v11;
	v6 =	vmul.f32 v6, v41;
	v30 =	vld.idx.msk [tilespmem:v19+s20+$0x1000], $0xffff  }
0x119: {  	v0 =	vadd.f32 v52, v0;
	v5 =	vadd.f32 v5, v12;
	v24 =	vld.idx.msk [tilespmem:v20+s20+$0x1000], $0xffff  }
0x11a: {  	v17 =	vmul.f32 v58, v39;
	v3 =	vadd.f32 v54, v60;
	v6 =	vadd.f32 v6, v49;
	v26 =	vld.idx.msk [tilespmem:v19+s20+$0x1400], $0xffff  }
0x11b: {  	v7 =	vmul.f32 v7, v41;
	v0 =	vadd.f32 v44, v0;
	v44 =	vld.idx.msk [tilespmem:v19+s20+$0x1800], $0xffff;
	v1 =	vadd.f32 v1, v5  }
0x11c: {  	v25 =	vmul.f32 v56, v35;
	v3 =	vadd.f32 v46, v3;
	v6 =	vadd.f32 v17, v6;
	v46 =	vld.idx.msk [tilespmem:v20+s20+$0x1800], $0xffff  }
0x11d: {  	v48 =	vld.idx.msk [tilespmem:v19+s20+$0x1C00], $0xffff;
	v1 =	vadd.f32 v43, v1  }
0x11e: {  	v7 =	vadd.f32 v7, v50;
	v6 =	vadd.f32 v25, v6;
	v25 =	vld [tilespmem:$0x1FF00];
	v10 =	vmul.f32 v10, v39  }
0x11f: {  	v1 =	vadd.f32 v42, v1;
	v9 =	vmul.f32 v62, v41;
	v49 =	vmul.f32 v24, v31;
	v24 =	vld [tilespmem:$0x1FF10]  }
0x120: {  	v2 =	vadd.f32 v53, v2;
	v7 =	vadd.f32 v10, v7;
	v10 =	vmul.f32 v26, v29;
	v26 =	vld [tilespmem:$0x1FF20]  }
0x121: {  	v11 =	vmul.f32 v63, v39;
	v1 =	vadd.f32 v21, v1;
	v21 =	vld [tilespmem:$0x1FF30];
	v9 =	vadd.f32 v9, v22  }
0x122: {  	v8 =	vadd.f32 v55, v61;
	v4 =	vadd.f32 v4, v6;
	v13 =	vmul.f32 v13, v35;
	v22 =	vld [tilespmem:$0x1FF40]  }
0x123: {  	v2 =	vadd.f32 v38, v2;
	v38 =	vmul.f32 v14, v35;
	v39 =	vld.idx.msk [tilespmem:v20+s20+$0x1400], $0xffff;
	v9 =	vadd.f32 v11, v9  }
0x124: {  	v41 =	vmul.f32 v15, v34;
	v4 =	vadd.f32 v51, v4;
	v51 =	vld.idx.msk [tilespmem:v23+s30+$0x0], $0xffff;
	v7 =	vadd.f32 v13, v7  }
0x125: {  	v8 =	vadd.f32 v45, v8;
	v50 =	vld.idx.msk [tilespmem:v20+s20+$0x1C00], $0xffff;
	v45 =	vmul.f32 v18, v34;
	v9 =	vadd.f32 v38, v9  }
0x126: {  	v47 =	vmul.f32 v30, v31;
	v4 =	vadd.f32 v40, v4;
	v53 =	vld.idx.msk [tilespmem:v25+s30+$0x0], $0xffff;
	v7 =	vadd.f32 v41, v7  }
0x127: {  	v5 =	vmul.f32 v46, v28;
	v1 =	vadd.f32 v33, v1;
	v9 =	vadd.f32 v45, v9;
	v54 =	vld.idx.msk [tilespmem:v24+s30+$0x0], $0xffff  }
0x128: {  	v58 =	vmul.f32 v48, v27;
	v4 =	vadd.f32 v37, v4;
	v6 =	vadd.f32 v47, v7;
	v55 =	vld.idx.msk [tilespmem:v26+s30+$0x0], $0xffff  }
0x129: {  	v52 =	vmul.f32 v39, v29;
	v3 =	vadd.f32 v51, v3;
	v56 =	vld.idx.msk [tilespmem:v21+s30+$0x0], $0xffff;
	v9 =	vadd.f32 v49, v9  }
0x12a: {  	v13 =	vmul.f32 v44, v28;
	v4 =	vadd.f32 v32, v4;
	v6 =	vadd.f32 v10, v6;
	v57 =	vld.idx.msk [tilespmem:v22+s30+$0x0], $0xffff  }
0x12b: {  	v60 =	vld.idx.msk [tilespmem:v19+s30+$0x0], $0xffff;
	v59 =	vmul.f32 v50, v27;
	v8 =	vadd.f32 v53, v8;
	v9 =	vadd.f32 v52, v9  }
0x12c: {  	v61 =	vld.idx.msk [tilespmem:v20+s30+$0x0], $0xffff;
	v62 =	vmax.f32 v3, $-5.000000000e+00;
	v6 =	vadd.f32 v13, v6;
	v0 =	vadd.f32 v54, v0  }
0x12d: {  	v10 =	vmax.f32 v62, v8;
	v5 =	vadd.f32 v5, v9;
	v2 =	vadd.f32 v55, v2  }
0x12e: {  	v6 =	vadd.f32 v58, v6;
	v1 =	vadd.f32 v56, v1;
	v63 =	vmax.f32 v10, v0  }
0x12f: {  	v4 =	vadd.f32 v57, v4;
	v5 =	vadd.f32 v59, v5;
	v13 =	vmax.f32 v63, v2  }
0x130: {  	v6 =	vadd.f32 v60, v6;
	v7 =	vmax.f32 v13, v1  }
0x131: {  	v5 =	vadd.f32 v61, v5;
	v7 =	vmax.f32 v7, v4  }
0x132: {  	v7 =	vmax.f32 v7, v6  }
0x133: {  	v7 =	vmax.f32 v7, v5  }
0x134: {  	v14 =	vsub.f32 v3, v7  }
0x135: {  	v15 =	vsub.f32 v8, v7  }
0x136: {  	v16 =	vsub.f32 v0, v7;
	v9 =	vmul.f32 $1.442695020e+00, v14  }
0x137: {  	v17 =	vsub.f32 v2, v7;
	v10 =	vmul.f32 $1.442695020e+00, v15  }
0x138: {  	v27 =	vsub.f32 v1, v7;
	v18 =	vmul.f32 $1.442695020e+00, v16;
	(erf) = vpow2.f32 v9  }
0x139: {  	v29 =	vsub.f32 v4, v7;
	v28 =	vmul.f32 $1.442695020e+00, v17;
	(erf) = vpow2.f32 v10  }
0x13a: {  	v31 =	vsub.f32 v6, v7;
	v30 =	vmul.f32 $1.442695020e+00, v27;
	(erf) = vpow2.f32 v18  }
0x13b: {  	v33 =	vsub.f32 v5, v7;
	v32 =	vmul.f32 $1.442695020e+00, v29;
	(erf) = vpow2.f32 v28  }
0x13c: {  	v35 =	vsub.f32 $-5.000000000e+00, v7;
	v34 =	vmul.f32 $1.442695020e+00, v31;
	(erf) = vpow2.f32 v30  }
0x13d: {  	v37 =	vmul.f32 $1.442695020e+00, v33;
	(erf) = vpow2.f32 v32  }
0x13e: {  	v38 =	vmul.f32 $1.442695020e+00, v35;
	(erf) = vpow2.f32 v34  }
0x13f: {  	(erf) = vpow2.f32 v37  }
0x140: {  	(erf) = vpow2.f32 v38  }
0x141: {  	v39 =	vpop (erf)  }
0x142: {  	v40 =	vpop (erf)  }
0x143: {  	v41 =	vpop (erf)  }
0x144: {  	v42 =	vpop (erf)  }
0x145: {  	v43 =	vpop (erf)  }
0x146: {  	v44 =	vpop (erf)  }
0x147: {  	v45 =	vpop (erf)  }
0x148: {  	v46 =	vpop (erf)  }
0x149: {  	v47 =	vpop (erf)  }
0x14a: {  	v17 =	vadd.f32 v39, v47;
	_ =	sdelay $0x1  }
0x14b: {  	v17 =	vadd.f32 v17, v40;
	_ =	sdelay $0x1  }
0x14c: {  	v17 =	vadd.f32 v17, v41;
	_ =	sdelay $0x1  }
0x14d: {  	v17 =	vadd.f32 v17, v42;
	_ =	sdelay $0x1  }
0x14e: {  	v17 =	vadd.f32 v17, v43;
	_ =	sdelay $0x1  }
0x14f: {  	v17 =	vadd.f32 v17, v44;
	_ =	sdelay $0x1  }
0x150: {  	v17 =	vadd.f32 v17, v45;
	_ =	sdelay $0x1  }
0x151: {  	v17 =	vadd.f32 v17, v46;
	_ =	sdelay $0x1  }
0x152: {  	(erf) = vrcp.f32 v17;
	_ =	sdelay $0x4  }
0x153: {  	v48 =	vmul.f32 $5.000000000e-01, v36;
	v50 =	vld [tilespmem:$0x1FF60]  }
0x154: {  	vm0 =	vge.f32 v3, v8  }
0x155: {  	v56 =	vsel vm0, v3, v8;
	v7 =	vsub.f32 v7, v48  }
0x156: {  	v58 =	vsel vm0, v25, v23;
	vm1 =	vge.f32 v0, v2;
	v18 =	vsub.f32 $-5.000000000e+00, v48  }
0x157: {  	v57 =	vsel vm0, v23, v25;
	vm11 =	vge.f32 v1, v4;
	v59 =	vsel vm1, v0, v2;
	[tilespmem:s12+$0x1C900] =	vst v7;
	v49 =	vpop (erf)  }
0x158: {  	v60 =	vsel vm1, v24, v26;
	v61 =	vsel vm1, v26, v24;
	[tilespmem:s12+$0x1CB00] =	vst v18;
	v9 =	vmul.f32 v49, v39  }
0x159: {  	v62 =	vsel vm11, v1, v4;
	v63 =	vsel vm11, v21, v22;
	vm13 =	vge.f32 v56, v59;
	[tilespmem:s12+$0x1CA00] =	vst v17  }
0x15a: {  	vm12 =	vge.f32 v6, v5;
	v10 =	vmul.f32 v49, v40;
	[tilespmem:v23+s31+$0x0] =	vst.idx.add.f32.msk $0xffff, v9  }
0x15b: {  	v3 =	vsel vm0, v8, v3;
	v0 =	vsel vm1, v2, v0;
	[tilespmem:v50+s19+$0x0 ss:$0x1] =	vst.idx.msk $0xffff, v9  }
0x15c: {  	v1 =	vsel vm11, v4, v1;
	v51 =	vmul.f32 v49, v41;
	[tilespmem:v25+s31+$0x0] =	vst.idx.add.f32.msk $0xffff, v10  }
0x15d: {  	v2 =	vsel vm13, v60, v57;
	vm0 =	vge.f32 v3, v0;
	[tilespmem:v50+s19+$0x10 ss:$0x1] =	vst.idx.msk $0xffff, v10  }
0x15e: {  	v27 =	vsel vm0, v3, v0;
	v52 =	vmul.f32 v49, v42;
	[tilespmem:v24+s31+$0x0] =	vst.idx.add.f32.msk $0xffff, v51  }
0x15f: {  	v0 =	vsel vm0, v0, v3;
	v28 =	vsel vm0, v58, v61;
	[tilespmem:v50+s19+$0x20 ss:$0x1] =	vst.idx.msk $0xffff, v51  }
0x160: {  	v53 =	vmul.f32 v49, v43;
	v54 =	vmul.f32 v49, v44;
	[tilespmem:v26+s31+$0x0] =	vst.idx.add.f32.msk $0xffff, v52  }
0x161: {  	v55 =	vmul.f32 v49, v45;
	v7 =	vmul.f32 v49, v46;
	[tilespmem:v50+s19+$0x30 ss:$0x1] =	vst.idx.msk $0xffff, v52  }
0x162: {  	v49 =	vsel vm0, v61, v58;
	v23 =	vsel vm12, v19, v20;
	[tilespmem:v21+s31+$0x0] =	vst.idx.add.f32.msk $0xffff, v53  }
0x163: {  	v25 =	vsel vm13, v56, v59;
	v24 =	vsel vm12, v20, v19;
	[tilespmem:v50+s19+$0x40 ss:$0x1] =	vst.idx.msk $0xffff, v53  }
0x164: {  	v26 =	vsel vm13, v57, v60;
	v21 =	vsel vm11, v22, v21;
	[tilespmem:v22+s31+$0x0] =	vst.idx.add.f32.msk $0xffff, v54  }
0x165: {  	v22 =	vsel vm12, v6, v5;
	v5 =	vsel vm12, v5, v6;
	[tilespmem:v50+s19+$0x50 ss:$0x1] =	vst.idx.msk $0xffff, v54  }
0x166: {  	vm14 =	vge.f32 v62, v22;
	vm15 =	vge.f32 v1, v5;
	[tilespmem:v19+s31+$0x0] =	vst.idx.add.f32.msk $0xffff, v55  }
0x167: {  	v46 =	vld [tilespmem:$0x1FE60];
	v29 =	vsel vm14, v62, v22;
	v12 =	vsel vm14, v22, v62;
	v30 =	vsel vm14, v63, v23  }
0x168: {  	v4 =	vsel vm14, v23, v63;
	v31 =	vsel vm15, v1, v5;
	v1 =	vsel vm15, v5, v1  }
0x169: {  	v32 =	vsel vm15, v21, v24;
	[tilespmem:v50+s19+$0x60 ss:$0x1] =	vst.idx.msk $0xffff, v55;
	vm12 =	vge.f32 v31, v12  }
0x16a: {  	vm4 =	vge.f32 v25, v29;
	[tilespmem:v20+s31+$0x0] =	vst.idx.add.f32.msk $0xffff, v7;
	v35 =	vsel vm12, v31, v12  }
0x16b: {  	v6 =	vsel vm12, v12, v31;
	v36 =	vsel vm12, v32, v4;
	v4 =	vsel vm12, v4, v32  }
0x16c: {  	v37 =	vsel vm4, v29, v25;
	v38 =	vsel vm4, v26, v30;
	v10 =	vsel vm4, v30, v26  }
0x16d: {  	[tilespmem:v50+s19+$0x70 ss:$0x1] =	vst.idx.msk $0xffff, v7;
	v7 =	vsel vm13, v59, v56;
	vm13 =	vge.f32 v0, v1  }
0x16e: {  	v50 =	vsel vm15, v24, v21;
	vm2 =	vge.f32 v27, v7;
	v0 =	vsel vm13, v0, v1  }
0x16f: {  	[tilespmem:v46+s0+$0x0] =	vst.idx.msk $0xffff, v38;
	v11 =	vsel vm13, v49, v50;
	v33 =	vsel vm2, v27, v7  }
0x170: {  	v48 =	vld [tilespmem:$0x1FE70];
	v7 =	vsel vm2, v7, v27;
	v34 =	vsel vm2, v28, v2;
	vm5 =	vge.f32 v33, v35  }
0x171: {  	v51 =	vld [tilespmem:$0x1FE80];
	v2 =	vsel vm2, v2, v28;
	vm3 =	vge.f32 v7, v6;
	v39 =	vsel vm5, v33, v35  }
0x172: {  	v55 =	vld [tilespmem:$0x1FE90];
	v40 =	vsel vm3, v7, v6;
	v3 =	vsel vm5, v35, v33;
	v41 =	vsel vm5, v34, v36  }
0x173: {  	v58 =	vld [tilespmem:$0x1FEA0];
	v43 =	vsel vm3, v2, v4;
	v8 =	vsel vm5, v36, v34;
	v6 =	vsel vm3, v6, v7  }
0x174: {  	v60 =	vld [tilespmem:$0x1FEB0];
	v56 =	vsel vm3, v4, v2;
	vm14 =	vge.f32 v40, v37;
	vm6 =	vge.f32 v0, v3  }
0x175: {  	v61 =	vld [tilespmem:$0x1FEC0];
	v42 =	vsel vm14, v40, v37;
	v5 =	vsel vm14, v37, v40;
	v44 =	vsel vm14, v43, v10  }
0x176: {  	v63 =	vld [tilespmem:$0x1FED0];
	v45 =	vsel vm6, v0, v3;
	v52 =	vsel vm14, v10, v43;
	vm7 =	vge.f32 v39, v42  }
0x177: {  	v38 =	vld [tilespmem:$0x1FF90];
	v53 =	vsel vm6, v11, v8;
	v0 =	vsel vm6, v3, v0;
	v47 =	vsel vm7, v41, v44  }
0x178: {  	s2 =	sadd.s32 $0x1, s2;
	v35 =	vld [tilespmem:$0x1FF70];
	vm8 =	vge.f32 v45, v5;
	v1 =	vsel vm7, v44, v41;
	[tilespmem:v48+s0+$0x0] =	vst.idx.msk $0xffff, v47  }
0x179: {  	p1 =	sne.s32 s2, $0x4;
	v57 =	vsel vm6, v8, v11;
	v40 =	vld [tilespmem:$0x1FFB0];
	v54 =	vsel vm8, v53, v52;
	[tilespmem:v51+s0+$0x0] =	vst.idx.msk $0xffff, v1  }
.Ltmp6:
0x17a: {  	v43 =	vld [tilespmem:$0x1FFE0];
	vm15 =	vge.f32 v0, v6;
	v1 =	vsel vm8, v52, v53;
	[tilespmem:v55+s0+$0x0] =	vst.idx.msk $0xffff, v54;
	(pc) =	sbr.rel @p1 .LBB2_9-.Ltmp6, $4  }
0x17b: {  	v39 =	vld [tilespmem:$0x1FFA0];
	v59 =	vsel vm15, v57, v56;
	[tilespmem:v58+s0+$0x0] =	vst.idx.msk $0xffff, v1  }
0x17c: {  	v42 =	vld [tilespmem:$0x1FFD0];
	v0 =	vsel vm15, v56, v57;
	[tilespmem:v60+s0+$0x0] =	vst.idx.msk $0xffff, v59  }
0x17d: {  	v62 =	vsel vm13, v50, v49;
	v41 =	vld [tilespmem:$0x1FFC0];
	[tilespmem:v61+s0+$0x0] =	vst.idx.msk $0xffff, v0  }
0x17e: {  	s17 =	sadd.s32 $0x10, s17;
	v44 =	vld [tilespmem:$0x1FFF0];
	[tilespmem:v63+s0+$0x0] =	vst.idx.msk $0xffff, v62  }
0x17f: {  	s2 =	sadd.s32 s7, s3;
	s17 =	sshrl.u32 s3, $0x3  }
0x180: {  	[hbm4b:s2+s5] =	stream.linear.scatter [tilespmem:s0], [sflag:$0x3], $0x200, $0x38;
	[tilespmem:$0x1D800] =	vst v63  }
0x181: {  	s4 =	simm.s32 $0x1C900;
	s3 =	sadd.s32 s8, s17  }
0x182: {  	[hbm4b:s3+s5] =	stream.linear.scatter [tilespmem:s4], [sflag:$0x3], $0x40, $0x38;
	[tilespmem:$0x1D800] =	vst v63  }
0x183: {  	s20 =	simm.s32 $0x1CA00;
	s19 =	sadd.s32 s9, s17  }
0x184: {  	[hbm4b:s19+s5] =	stream.linear.scatter [tilespmem:s20], [sflag:$0x3], $0x40, $0x38;
	[tilespmem:$0x1D800] =	vst v63  }
0x185: {  	s23 =	simm.s32 $0x1CB00;
	p1 =	seq.s32 s13, $0x1F;
	s2 =	sadd.s32 s10, s17  }
0x186: {  	[hbm4b:s2+s5] =	stream.linear.scatter [tilespmem:s23], [sflag:$0x3], $0x40, $0x38;
	[tilespmem:$0x1D800] =	vst v63  }
0x187: {  	s2 =	sadd.s32 @!p1 s14, s16  }
0x188: {  	s3 =	sshll.u32 @!p1 s2, $0x3  }
0x189: {  	s3 =	sand.u32 @!p1 $0x1FFFFC00, s3  }
0x18a: {  	s12 =	simm.s32 @!p1 $0x18000;
	s4 =	simm.s32 @!p1 $0x0;
	s3 =	sadd.s32 @!p1 s6, s3  }
0x18b: {  	[tilespmem:s12], [sflag:$0x1] =	stream.linear.gather @!p1 [hbm4b:s3+s4], $0x1000, $0x38;
	[tilespmem:$0x1D800] =	vst v63  }
0x18c: {  	s2 =	sadd.s32 @!p1 s1, s2;
	s3 =	simm.s32 @!p1 $0x1C100  }
0x18d: {  	[tilespmem:s3], [sflag:$0x1] =	stream.linear.gather @!p1 [hbm4b:s2+s4], $0x200, $0x38;
	[tilespmem:$0x1D800] =	vst v63  }
0x18e: {  	_ =	swait.ge [sflag:s26], $0x1000  }
0x18f: {  	[sflag:s26] =	ssyncset.done $0x0  }
0x190: {  	[sflag:s26] =	ssyncadd.s32 $0xFFFFF000  }
0x191: {  	_ =	swait.ge [sflag:s26], $0x200  }
0x192: {  	v2 =	vld [tilespmem:$0x1FF80];
	_ =	sdelay $0x2  }
0x193: {  	[sflag:s26] =	ssyncset.done $0x0  }
0x194: {  	s3 =	simm.s32 $0x0;
	s2 =	simm.s32 $0x19020;
	[sflag:s26] =	ssyncadd.s32 $0xFFFFFE00  }
0x195: {  	s4 =	simm.s32 $0x1;
	v0 =	vld [tilespmem:s2+$0xFFFFFFE0];
	v1 =	vadd.s32 s3, v2  }
.LBB2_13:
0x196: {  	p2 =	sne.s32 s4, $0x3F;
	_ =	sdelay $0x3  }
0x197: {  	s12 =	sadd.s32 $0x410, s3;
	[tilespmem:v1+s21+$0x0] =	vst.idx.msk $0xffff, v0  }
0x198: {  	v1 =	vadd.s32 s12, v2;
	v0 =	vld [tilespmem:s2+$0xFFFFFFF0];
	_ =	sdelay $0x4  }
0x199: {  	s12 =	sadd.s32 $0x820, s3;
	[tilespmem:v1+s21+$0x0] =	vst.idx.msk $0xffff, v0  }
0x19a: {  	v1 =	vadd.s32 s12, v2;
	v0 =	vld [tilespmem:s2+$0x0];
	_ =	sdelay $0x4  }
0x19b: {  	s12 =	sadd.s32 $0xC30, s3;
	s3 =	smov.u32 s4;
	[tilespmem:v1+s21+$0x0] =	vst.idx.msk $0xffff, v0  }
0x19c: {  	v1 =	vadd.s32 s12, v2;
	v0 =	vld [tilespmem:s2+$0x10];
	_ =	sdelay $0x1  }
.Ltmp7:
0x19d: {  	(pc) =	sbr.rel @p2 .LBB2_13-.Ltmp7, $3  }
0x19e: {  	_ =	sdelay $0x1  }
0x19f: {  	s2 =	sadd.s32 $0x40, s2;
	[tilespmem:v1+s21+$0x0] =	vst.idx.msk $0xffff, v0  }
0x1a0: {  	s4 =	sadd.s32 $0x1, s4;
	v1 =	vadd.s32 s3, v2;
	v0 =	vld [tilespmem:s2+$0xFFFFFFE0]  }
0x1a1: {  	_ =	sdelay $0x3  }
0x1a2: {  	s4 =	sadd.s32 $0x410, s3;
	[tilespmem:v1+s21+$0x0] =	vst.idx.msk $0xffff, v0  }
0x1a3: {  	v60 =	vadd.s32 s4, v2;
	v0 =	vld [tilespmem:s2+$0xFFFFFFF0];
	_ =	sdelay $0x4  }
0x1a4: {  	s17 =	sadd.s32 $0x820, s3;
	[tilespmem:v60+s21+$0x0] =	vst.idx.msk $0xffff, v0  }
0x1a5: {  	v61 =	vadd.s32 s17, v2;
	v0 =	vld [tilespmem:s2+$0x0];
	_ =	sdelay $0x4  }
0x1a6: {  	s19 =	sadd.s32 $0xC30, s3;
	[tilespmem:v61+s21+$0x0] =	vst.idx.msk $0xffff, v0  }
0x1a7: {  	v62 =	vadd.s32 s19, v2;
	v0 =	vld [tilespmem:s2+$0x10];
	_ =	sdelay $0x4  }
0x1a8: {  	s2 =	simm.s32 @!p0 $0x4;
	[tilespmem:v62+s21+$0x0] =	vst.idx.msk $0xffff, v0  }
0x1a9: {  	_ =	swait.ge @!p0 [sflag:s2], $0x200  }
0x1aa: {  	[sflag:s2] =	ssyncset.done @!p0 $0x0  }
0x1ab: {  	[sflag:s2] =	ssyncadd.s32 @!p0 $0xFFFFFE00  }
0x1ac: {  	_ =	swait.ge @!p0 [sflag:s2], $0x40  }
0x1ad: {  	[sflag:s2] =	ssyncset.done @!p0 $0x0  }
0x1ae: {  	[sflag:s2] =	ssyncadd.s32 @!p0 $0xFFFFFFC0  }
0x1af: {  	s20 =	sor.u32 $0x1, s15;
	_ =	swait.ge @!p0 [sflag:s2], $0x40  }
0x1b0: {  	s23 =	sshll.u32 s20, $0x9;
	[sflag:s2] =	ssyncset.done @!p0 $0x0  }
0x1b1: {  	s4 =	sand.u32 $0x3FFFFE00, s23;
	[sflag:s2] =	ssyncadd.s32 @!p0 $0xFFFFFFC0  }
0x1b2: {  	s3 =	sshll.u32 s20, $0x6;
	s12 =	sadd.s32 $0x10000, s4;
	_ =	swait.ge @!p0 [sflag:s2], $0x40  }
0x1b3: {  	s3 =	sadd.s32 s11, s3;
	v63 =	vmov s12;
	[sflag:s2] =	ssyncset.done @!p0 $0x0  }
0x1b4: {  	s4 =	simm.s32 $0x1B184;
	[tilespmem:$0x1FE30] =	vst v63;
	[sflag:s2] =	ssyncadd.s32 @!p0 $0xFFFFFFC0;
	s2 =	simm.s32 $0x0  }
.LBB2_15:
0x1b5: {  	s15 =	sshll.u32 s2, $0x7  }
0x1b6: {  	v0 =	vmov s15  }
0x1b7: {  	v0 =	vshrl.u32 v0, $0x7  }
0x1b8: {  	v0 =	vshll.u32 v0, $0x7  }
0x1b9: {  	v27 =	vld [tilespmem:s4+$0xC3];
	v0 =	vbroadcast v0, $0x0  }
0x1ba: {  	v28 =	vld [tilespmem:s4+$0x82]  }
0x1bb: {  	v29 =	vld [tilespmem:s4+$0x41];
	v3 =	vor.u32 v35, v0  }
0x1bc: {  	v31 =	vld [tilespmem:s4+$0x0];
	v1 =	vor.u32 v38, v0  }
0x1bd: {  	v34 =	vld [tilespmem:s4+$0xFFFFFFBF];
	v5 =	vor.u32 v39, v0  }
0x1be: {  	v4 =	vor.u32 v40, v0;
	v35 =	vld [tilespmem:s4+$0xFFFFFF7E]  }
0x1bf: {  	v2 =	vor.u32 v41, v0;
	v41 =	vld [tilespmem:s4+$0xFFFFFEFC]  }
0x1c0: {  	v19 =	vld.idx.msk [tilespmem:v3+s24+$0x0], $0xffff  }
0x1c1: {  	[tilespmem:$0x1FD30] =	vst v3;
	v3 =	vor.u32 v42, v0;
	v22 =	vld.idx.msk [tilespmem:v1+s24+$0x0], $0xffff  }
0x1c2: {  	[tilespmem:$0x1FD40] =	vst v1;
	v1 =	vor.u32 v43, v0;
	v20 =	vld.idx.msk [tilespmem:v5+s24+$0x0], $0xffff  }
0x1c3: {  	v0 =	vor.u32 v44, v0;
	v23 =	vld.idx.msk [tilespmem:v4+s24+$0x0], $0xffff  }
0x1c4: {  	v17 =	vld.idx.msk [tilespmem:v2+s24+$0x0], $0xffff  }
0x1c5: {  	v39 =	vld [tilespmem:s4+$0xFFFFFF3D]  }
0x1c6: {  	v18 =	vld.idx.msk [tilespmem:v3+s24+$0x0], $0xffff  }
0x1c7: {  	v10 =	vld.idx.msk [tilespmem:v1+s24+$0x0], $0xffff  }
0x1c8: {  	s19 =	simm.s32 $0x0;
	[tilespmem:$0x1FDA0] =	vst v0;
	v0 =	vld.idx.msk [tilespmem:v0+s24+$0x0], $0xffff  }
0x1c9: {  	[tilespmem:$0x1FD90] =	vst v1;
	v1 =	vld.idx.msk [tilespmem:v22+s19+$0x1C00], $0xffff  }
0x1ca: {  	[tilespmem:$0x1FD70] =	vst v2;
	v2 =	vld.idx.msk [tilespmem:v20+s19+$0x1C00], $0xffff  }
0x1cb: {  	[tilespmem:$0x1FD80] =	vst v3;
	v3 =	vld.idx.msk [tilespmem:v23+s19+$0x1C00], $0xffff  }
0x1cc: {  	[tilespmem:$0x1FD60] =	vst v4;
	v4 =	vld.idx.msk [tilespmem:v17+s19+$0x1C00], $0xffff  }
0x1cd: {  	v6 =	vld.idx.msk [tilespmem:v19+s19+$0x1800], $0xffff  }
0x1ce: {  	v7 =	vld.idx.msk [tilespmem:v22+s19+$0x1800], $0xffff  }
0x1cf: {  	v8 =	vld.idx.msk [tilespmem:v20+s19+$0x1800], $0xffff  }
0x1d0: {  	v9 =	vld.idx.msk [tilespmem:v23+s19+$0x1800], $0xffff  }
0x1d1: {  	v11 =	vld.idx.msk [tilespmem:v17+s19+$0x1800], $0xffff  }
0x1d2: {  	v30 =	vld.idx.msk [tilespmem:v19+s19+$0x1400], $0xffff  }
0x1d3: {  	v40 =	vld.idx.msk [tilespmem:v22+s19+$0x1400], $0xffff  }
0x1d4: {  	v42 =	vld.idx.msk [tilespmem:v20+s19+$0x1400], $0xffff  }
0x1d5: {  	v43 =	vld.idx.msk [tilespmem:v23+s19+$0x1400], $0xffff  }
0x1d6: {  	v48 =	vld.idx.msk [tilespmem:v17+s19+$0x1400], $0xffff  }
0x1d7: {  	v50 =	vld.idx.msk [tilespmem:v19+s19+$0x1000], $0xffff  }
0x1d8: {  	v57 =	vld.idx.msk [tilespmem:v22+s19+$0x1000], $0xffff  }
0x1d9: {  	v13 =	vld.idx.msk [tilespmem:v20+s19+$0x1000], $0xffff  }
0x1da: {  	v14 =	vld.idx.msk [tilespmem:v23+s19+$0x1000], $0xffff  }
0x1db: {  	v15 =	vld.idx.msk [tilespmem:v17+s19+$0x1000], $0xffff  }
0x1dc: {  	v51 =	vmul.f32 v28, v28;
	v56 =	vmul.f32 v27, v27;
	[tilespmem:$0x1FDB0] =	vst v0;
	v0 =	vld.idx.msk [tilespmem:v19+s19+$0x1C00], $0xffff  }
0x1dd: {  	v58 =	vmul.f32 v31, v31;
	v59 =	vmul.f32 v29, v29;
	v16 =	vld.idx.msk [tilespmem:v19+s19+$0xC00], $0xffff  }
0x1de: {  	v62 =	vmul.f32 v34, v34;
	[tilespmem:$0x1FD50] =	vst v5;
	v36 =	vmul.f32 v35, v35;
	v5 =	vld.idx.msk [tilespmem:v18+s19+$0x1C00], $0xffff  }
0x1df: {  	v32 =	vmul.f32 v41, v41;
	v37 =	vmul.f32 v39, v39;
	v12 =	vld.idx.msk [tilespmem:v18+s19+$0x1800], $0xffff  }
0x1e0: {  	v24 =	vimm.f32 $0.0e+00;
	v49 =	vld.idx.msk [tilespmem:v18+s19+$0x1400], $0xffff;
	v45 =	vmul.f32 v1, v27;
	v44 =	vmul.f32 v2, v27  }
0x1e1: {  	v1 =	vld.idx.msk [tilespmem:v18+s19+$0x1000], $0xffff;
	v38 =	vmul.f32 v3, v27;
	v46 =	vmul.f32 v0, v27;
	v0 =	vadd.f32 v32, v24  }
0x1e2: {  	v33 =	vmul.f32 v4, v27;
	v54 =	vmul.f32 v6, v28;
	v6 =	vld.idx.msk [tilespmem:v22+s19+$0x400], $0xffff  }
0x1e3: {  	v55 =	vmul.f32 v7, v28;
	v52 =	vmul.f32 v8, v28;
	v7 =	vld.idx.msk [tilespmem:v19+s19+$0x0], $0xffff;
	v0 =	vadd.f32 v37, v0  }
0x1e4: {  	[tilespmem:$0x1FDC0] =	vst v19;
	v53 =	vmul.f32 v9, v28;
	v21 =	vmul.f32 v11, v28;
	v8 =	vld.idx.msk [tilespmem:v22+s19+$0x0], $0xffff  }
0x1e5: {  	v60 =	vmul.f32 v30, v29;
	v61 =	vmul.f32 v40, v29;
	v9 =	vld.idx.msk [tilespmem:v20+s19+$0x0], $0xffff;
	v0 =	vadd.f32 v36, v0  }
0x1e6: {  	[tilespmem:$0x1FDD0] =	vst v22;
	v63 =	vmul.f32 v43, v29;
	v3 =	vmul.f32 v14, v31;
	v14 =	vld.idx.msk [tilespmem:v23+s19+$0x400], $0xffff  }
0x1e7: {  	v2 =	vld.idx.msk [tilespmem:v22+s19+$0xC00], $0xffff;
	v43 =	vmul.f32 v15, v31;
	v32 =	vmul.f32 v5, v27;
	v0 =	vadd.f32 v62, v0  }
0x1e8: {  	[tilespmem:$0x1FDE0] =	vst v20;
	v15 =	vld.idx.msk [tilespmem:v22+s19+$0x800], $0xffff;
	v37 =	vmul.f32 v12, v28;
	v40 =	vmul.f32 v49, v29  }
0x1e9: {  	v5 =	vld.idx.msk [tilespmem:v19+s19+$0x400], $0xffff;
	v12 =	vmul.f32 v50, v31;
	v7 =	vmul.f32 v7, v41;
	v11 =	vadd.f32 v58, v0  }
0x1ea: {  	[tilespmem:$0x1FDF0] =	vst v23;
	v4 =	vld.idx.msk [tilespmem:v19+s19+$0x800], $0xffff;
	v8 =	vmul.f32 v8, v41;
	v6 =	vmul.f32 v6, v39  }
0x1eb: {  	v9 =	vmul.f32 v9, v41;
	v14 =	vmul.f32 v14, v39;
	v58 =	vld.idx.msk [tilespmem:v23+s19+$0x0], $0xffff;
	v11 =	vadd.f32 v59, v11  }
0x1ec: {  	[tilespmem:$0x1FE00] =	vst v17;
	v22 =	vimm.f32 $0.0e+00;
	v62 =	vmul.f32 v42, v29;
	v0 =	vmul.f32 v13, v31;
	v13 =	vld.idx.msk [tilespmem:v20+s19+$0x400], $0xffff  }
0x1ed: {  	v42 =	vmul.f32 v48, v29;
	v48 =	vmul.f32 v57, v31;
	v57 =	vld.idx.msk [tilespmem:v17+s19+$0x400], $0xffff;
	v11 =	vadd.f32 v51, v11  }
0x1ee: {  	v15 =	vmul.f32 v15, v35;
	v7 =	vadd.f32 v7, v24;
	v5 =	vmul.f32 v5, v39;
	v59 =	vld.idx.msk [tilespmem:v20+s19+$0x800], $0xffff  }
0x1ef: {  	v8 =	vadd.f32 v8, v24;
	v51 =	vmul.f32 v1, v31;
	v36 =	vadd.f32 v56, v11;
	v11 =	vld.idx.msk [tilespmem:v23+s19+$0x800], $0xffff  }
0x1f0: {  	v5 =	vadd.f32 v5, v7;
	v7 =	vld.idx.msk [tilespmem:v20+s19+$0xC00], $0xffff;
	v1 =	vmul.f32 v4, v35;
	v49 =	vmul.f32 v58, v41  }
0x1f1: {  	v9 =	vadd.f32 v9, v24;
	v6 =	vadd.f32 v6, v8;
	v8 =	vld.idx.msk [tilespmem:v23+s19+$0xC00], $0xffff;
	v13 =	vmul.f32 v13, v39  }
0x1f2: {  	v2 =	vmul.f32 v2, v34;
	v1 =	vadd.f32 v1, v5;
	v5 =	vld.idx.msk [tilespmem:v17+s19+$0x800], $0xffff;
	v49 =	vadd.f32 v49, v24  }
0x1f3: {  	v6 =	vadd.f32 v15, v6;
	v4 =	vadd.f32 v13, v9;
	v9 =	vld.idx.msk [tilespmem:v17+s19+$0xC00], $0xffff;
	v13 =	vmul.f32 v16, v34  }
0x1f4: {  	v16 =	vld.idx.msk [tilespmem:v18+s19+$0xC00], $0xffff;
	v47 =	vmul.f32 v59, v35;
	v14 =	vadd.f32 v14, v49;
	v11 =	vmul.f32 v11, v35  }
0x1f5: {  	[tilespmem:$0x1FE10] =	vst v18;
	v50 =	vimm.f32 $0.0e+00;
	v2 =	vadd.f32 v2, v6;
	v6 =	vld.idx.msk [tilespmem:v17+s19+$0x0], $0xffff;
	v7 =	vmul.f32 v7, v34  }
0x1f6: {  	v58 =	vld.idx.msk [tilespmem:v18+s19+$0x400], $0xffff;
	v4 =	vadd.f32 v47, v4;
	v11 =	vadd.f32 v11, v14;
	v14 =	vmul.f32 v8, v34  }
0x1f7: {  	[tilespmem:$0x1FE20] =	vst v10;
	v56 =	vld.idx.msk [tilespmem:v18+s19+$0x800], $0xffff;
	v13 =	vadd.f32 v13, v1;
	v49 =	vimm.f32 $0.0e+00;
	v5 =	vmul.f32 v5, v35  }
0x1f8: {  	v59 =	vld.idx.msk [tilespmem:v18+s19+$0x0], $0xffff;
	v1 =	vmul.f32 v9, v34;
	v8 =	vadd.f32 v7, v4;
	v9 =	vadd.f32 v14, v11  }
0x1f9: {  	s12 =	sshll.u32 s2, $0x4;
	s20 =	simm.s32 $0x8000;
	s17 =	smov.u32 s4;
	v4 =	vmul.f32 v16, v34;
	v7 =	vld.idx.msk [tilespmem:v10+s19+$0x0], $0xffff;
	v11 =	vadd.f32 v12, v13;
	v12 =	vadd.f32 v48, v2  }
.LBB2_16:
0x1fa: {  	v10 =	vld [tilespmem:$0x1FDB0]  }
0x1fb: {  	v20 =	vld [tilespmem:$0x1FE20];
	v0 =	vadd.f32 v0, v8;
	_ =	sdelay $0x1  }
0x1fc: {  	v0 =	vadd.f32 v62, v0  }
0x1fd: {  	v26 =	vld [tilespmem:$0x1FDD0]  }
0x1fe: {  	v25 =	vld [tilespmem:$0x1FDE0];
	v0 =	vadd.f32 v52, v0  }
0x1ff: {  	v23 =	vld [tilespmem:$0x1FE10];
	v2 =	vadd.f32 v3, v9;
	v9 =	vadd.f32 v60, v11  }
0x200: {  	v11 =	vadd.f32 v61, v12;
	v14 =	vmul.f32 v58, v39;
	v58 =	vadd.f32 v44, v0;
	v44 =	vld [tilespmem:$0x1FDF0]  }
0x201: {  	v6 =	vmul.f32 v6, v41;
	v8 =	vld.idx.msk [tilespmem:v10+s19+$0x0], $0xffff  }
0x202: {  	v9 =	vadd.f32 v54, v9;
	v11 =	vadd.f32 v55, v11;
	v13 =	vld.idx.msk [tilespmem:v20+s19+$0x400], $0xffff  }
0x203: {  	v2 =	vadd.f32 v63, v2;
	v12 =	vmul.f32 v57, v39;
	v6 =	vadd.f32 v6, v24;
	v15 =	vld.idx.msk [tilespmem:v10+s19+$0x400], $0xffff  }
0x204: {  	v3 =	vmul.f32 v56, v35;
	v56 =	vadd.f32 v46, v9;
	v9 =	vadd.f32 v45, v11;
	v16 =	vld.idx.msk [tilespmem:v20+s19+$0x800], $0xffff  }
0x205: {  	v2 =	vadd.f32 v53, v2;
	v63 =	vld.idx.msk [tilespmem:v10+s19+$0x800], $0xffff;
	v6 =	vadd.f32 v12, v6  }
0x206: {  	[tilespmem:$0x1FD10] =	vst v9;
	v9 =	vld.idx.msk [tilespmem:v20+s19+$0xC00], $0xffff  }
0x207: {  	v0 =	vadd.f32 v38, v2;
	v2 =	vld.idx.msk [tilespmem:v10+s19+$0xC00], $0xffff;
	v5 =	vadd.f32 v5, v6  }
0x208: {  	v18 =	vld.idx.msk [tilespmem:v10+s19+$0x1000], $0xffff  }
0x209: {  	v1 =	vadd.f32 v1, v5;
	v5 =	vld.idx.msk [tilespmem:v20+s19+$0x1C00], $0xffff  }
0x20a: {  	v62 =	vmul.f32 v59, v41;
	v11 =	vmul.f32 v13, v39;
	v13 =	vld.idx.msk [tilespmem:v20+s19+$0x1000], $0xffff  }
0x20b: {  	v6 =	vmul.f32 v9, v34;
	v9 =	vld.idx.msk [tilespmem:v10+s19+$0x1800], $0xffff  }
0x20c: {  	s17 =	sadd.s32 $0x208, s17;
	[tilespmem:$0x1FD20] =	vst v0;
	v0 =	vmul.f32 v8, v41;
	v8 =	vadd.f32 v62, v49;
	v62 =	vld [tilespmem:$0x1FDC0]  }
0x20d: {  	v7 =	vmul.f32 v7, v41;
	v2 =	vmul.f32 v2, v34;
	v34 =	vld [tilespmem:s17+$0xFFFFFFBF]  }
0x20e: {  	v15 =	vmul.f32 v15, v39;
	v39 =	vld [tilespmem:s17+$0xFFFFFF3D]  }
0x20f: {  	v7 =	vadd.f32 v7, v50;
	v41 =	vld [tilespmem:s17+$0xFFFFFEFC]  }
0x210: {  	v8 =	vadd.f32 v14, v8;
	v14 =	vld.idx.msk [tilespmem:v20+s19+$0x1400], $0xffff  }
0x211: {  	v12 =	vmul.f32 v16, v35;
	v0 =	vadd.f32 v0, v22;
	v7 =	vadd.f32 v11, v7;
	v22 =	vld [tilespmem:$0x1FE00]  }
0x212: {  	v1 =	vadd.f32 v43, v1;
	v11 =	vmul.f32 v63, v35;
	v35 =	vld [tilespmem:s17+$0xFFFFFF7E]  }
0x213: {  	v0 =	vadd.f32 v15, v0;
	v15 =	vld.idx.msk [tilespmem:v10+s19+$0x1400], $0xffff;
	v7 =	vadd.f32 v12, v7  }
0x214: {  	v3 =	vadd.f32 v3, v8;
	v8 =	vld.idx.msk [tilespmem:v20+s19+$0x1800], $0xffff  }
0x215: {  	v1 =	vadd.f32 v42, v1;
	v6 =	vadd.f32 v6, v7;
	v7 =	vld.idx.msk [tilespmem:v10+s19+$0x1C00], $0xffff  }
0x216: {  	v0 =	vadd.f32 v11, v0;
	v11 =	vld [tilespmem:s17+$0xC3]  }
0x217: {  	v1 =	vadd.f32 v21, v1;
	v3 =	vadd.f32 v4, v3;
	v4 =	vmul.f32 v13, v31;
	v13 =	vld [tilespmem:s17+$0x82];
	s19 =	sshra.s32 s20, $0x2  }
0x218: {  	v12 =	vmul.f32 v14, v29;
	v14 =	vld.idx.msk [tilespmem:v26+s19+$0x1C00], $0xffff  }
0x219: {  	v57 =	vadd.f32 v33, v1;
	v1 =	vld.idx.msk [tilespmem:v23+s19+$0x1C00], $0xffff  }
0x21a: {  	v16 =	vld.idx.msk [tilespmem:v26+s19+$0x1400], $0xffff  }
0x21b: {  	v42 =	vld.idx.msk [tilespmem:v44+s19+$0x1400], $0xffff  }
0x21c: {  	v19 =	vmov v36;
	v36 =	vld.idx.msk [tilespmem:v44+s19+$0x1000], $0xffff  }
0x21d: {  	v4 =	vadd.f32 v4, v6;
	v6 =	vld.idx.msk [tilespmem:v62+s19+$0x1C00], $0xffff  }
0x21e: {  	v0 =	vadd.f32 v2, v0;
	v2 =	vmul.f32 v18, v31;
	v31 =	vld [tilespmem:s17+$0x0]  }
0x21f: {  	v3 =	vadd.f32 v51, v3;
	v51 =	vld.idx.msk [tilespmem:v23+s19+$0x1400], $0xffff  }
0x220: {  	v17 =	vld.idx.msk [tilespmem:v62+s19+$0x1000], $0xffff  }
0x221: {  	v18 =	vld.idx.msk [tilespmem:v26+s19+$0x1000], $0xffff  }
0x222: {  	v4 =	vadd.f32 v12, v4;
	v12 =	vld.idx.msk [tilespmem:v44+s19+$0x1C00], $0xffff  }
0x223: {  	v0 =	vadd.f32 v2, v0;
	v2 =	vmul.f32 v15, v29;
	v29 =	vld [tilespmem:s17+$0x41]  }
0x224: {  	v15 =	vld.idx.msk [tilespmem:v62+s19+$0x1400], $0xffff  }
0x225: {  	v3 =	vadd.f32 v40, v3;
	v40 =	vld.idx.msk [tilespmem:v25+s19+$0x1400], $0xffff  }
0x226: {  	v43 =	vld.idx.msk [tilespmem:v22+s19+$0x1400], $0xffff  }
0x227: {  	v8 =	vmul.f32 v8, v28;
	v47 =	vld.idx.msk [tilespmem:v22+s19+$0x1000], $0xffff  }
0x228: {  	v0 =	vadd.f32 v2, v0;
	v2 =	vmul.f32 v9, v28;
	v9 =	vld.idx.msk [tilespmem:v25+s19+$0x1C00], $0xffff  }
0x229: {  	v3 =	vadd.f32 v37, v3;
	v4 =	vadd.f32 v8, v4;
	v8 =	vld.idx.msk [tilespmem:v23+s19+$0x1800], $0xffff  }
0x22a: {  	v5 =	vmul.f32 v5, v27;
	v0 =	vadd.f32 v2, v0;
	v2 =	vmul.f32 v7, v27;
	v7 =	vld.idx.msk [tilespmem:v22+s19+$0x1C00], $0xffff  }
0x22b: {  	v49 =	vadd.f32 v32, v3;
	v3 =	vld.idx.msk [tilespmem:v25+s19+$0x1800], $0xffff  }
0x22c: {  	v50 =	vadd.f32 v5, v4;
	v4 =	vld.idx.msk [tilespmem:v44+s19+$0x1800], $0xffff  }
0x22d: {  	v5 =	vld.idx.msk [tilespmem:v22+s19+$0x1800], $0xffff  }
0x22e: {  	v59 =	vadd.f32 v2, v0;
	v0 =	vld.idx.msk [tilespmem:v62+s19+$0x1800], $0xffff  }
0x22f: {  	v61 =	vmul.f32 v41, v41;
	v27 =	vmov v11;
	v32 =	vld.idx.msk [tilespmem:v25+s19+$0x1000], $0xffff  }
0x230: {  	v63 =	vmul.f32 v39, v39;
	v46 =	vmul.f32 v6, v27;
	v6 =	vld.idx.msk [tilespmem:v23+s19+$0x1000], $0xffff  }
0x231: {  	v45 =	vmul.f32 v14, v27;
	v14 =	vld.idx.msk [tilespmem:v62+s19+$0xC00], $0xffff;
	v48 =	vmul.f32 v9, v27;
	v9 =	vadd.f32 v61, v19  }
0x232: {  	v28 =	vmov v13;
	v24 =	vmul.f32 v1, v27;
	v1 =	vld.idx.msk [tilespmem:v62+s19+$0x800], $0xffff  }
0x233: {  	v60 =	vmul.f32 v35, v35;
	v2 =	vld.idx.msk [tilespmem:v26+s19+$0x1800], $0xffff;
	v54 =	vmul.f32 v0, v28;
	v0 =	vadd.f32 v63, v9  }
0x234: {  	v33 =	vmul.f32 v34, v34;
	v37 =	vmul.f32 v8, v28;
	v8 =	vld.idx.msk [tilespmem:v26+s19+$0x0], $0xffff  }
0x235: {  	v61 =	vmul.f32 v16, v29;
	v16 =	vmul.f32 v18, v31;
	v18 =	vld.idx.msk [tilespmem:v25+s19+$0x400], $0xffff;
	v0 =	vadd.f32 v60, v0  }
0x236: {  	v13 =	vmul.f32 v13, v28;
	v53 =	vmul.f32 v4, v28;
	v4 =	vld.idx.msk [tilespmem:v62+s19+$0x400], $0xffff  }
0x237: {  	v10 =	vmul.f32 v31, v31;
	v21 =	vmul.f32 v5, v28;
	v5 =	vld.idx.msk [tilespmem:v26+s19+$0x400], $0xffff;
	v0 =	vadd.f32 v33, v0  }
0x238: {  	v30 =	vmul.f32 v29, v29;
	v19 =	vmul.f32 v7, v27;
	v7 =	vld.idx.msk [tilespmem:v62+s19+$0x0], $0xffff  }
0x239: {  	v62 =	vmul.f32 v40, v29;
	v55 =	vmul.f32 v2, v28;
	v2 =	vld.idx.msk [tilespmem:v26+s19+$0x800], $0xffff;
	v10 =	vadd.f32 v10, v0  }
0x23a: {  	v40 =	vmul.f32 v51, v29;
	v51 =	vmul.f32 v6, v31;
	v9 =	vld.idx.msk [tilespmem:v25+s19+$0x0], $0xffff  }
0x23b: {  	v60 =	vmul.f32 v15, v29;
	v15 =	vmul.f32 v17, v31;
	v17 =	vld.idx.msk [tilespmem:v44+s19+$0x0], $0xffff;
	v6 =	vadd.f32 v30, v10  }
0x23c: {  	v0 =	vmul.f32 v32, v31;
	v32 =	vld.idx.msk [tilespmem:v25+s19+$0xC00], $0xffff  }
0x23d: {  	v11 =	vmul.f32 v11, v27;
	v10 =	vmul.f32 v14, v34;
	v14 =	vld.idx.msk [tilespmem:v44+s19+$0x400], $0xffff;
	v6 =	vadd.f32 v13, v6  }
0x23e: {  	v38 =	vmul.f32 v12, v27;
	v7 =	vmul.f32 v7, v41;
	v13 =	vld.idx.msk [tilespmem:v44+s19+$0x800], $0xffff  }
0x23f: {  	v52 =	vmul.f32 v3, v28;
	v3 =	vmul.f32 v36, v31;
	v36 =	vadd.f32 v11, v6;
	v11 =	vld.idx.msk [tilespmem:v44+s19+$0xC00], $0xffff  }
0x240: {  	v63 =	vmul.f32 v42, v29;
	v4 =	vmul.f32 v4, v39;
	v7 =	vadd.f32 v7, v56;
	v44 =	vmovc v48;
	v48 =	vld [tilespmem:$0x1FD10]  }
0x241: {  	v42 =	vmul.f32 v43, v29;
	v43 =	vmul.f32 v47, v31;
	v47 =	vld [tilespmem:$0x1FD20]  }
0x242: {  	v1 =	vmul.f32 v1, v35;
	v8 =	vmul.f32 v8, v41;
	v4 =	vadd.f32 v4, v7;
	v30 =	vld.idx.msk [tilespmem:v25+s19+$0x800], $0xffff  }
0x243: {  	v5 =	vmul.f32 v5, v39;
	v56 =	vmul.f32 v18, v39  }
0x244: {  	v12 =	vld.idx.msk [tilespmem:v26+s19+$0xC00], $0xffff;
	v1 =	vadd.f32 v1, v4;
	v6 =	vmul.f32 v9, v41;
	v9 =	vmul.f32 v17, v41  }
0x245: {  	v18 =	vld.idx.msk [tilespmem:v22+s19+$0xC00], $0xffff;
	v4 =	vmul.f32 v32, v34;
	v32 =	vmovc v24;
	v24 =	vmov v57;
	v8 =	vadd.f32 v8, v48  }
0x246: {  	v57 =	vld.idx.msk [tilespmem:v22+s19+$0x400], $0xffff;
	v14 =	vmul.f32 v14, v39;
	v6 =	vadd.f32 v6, v58;
	v9 =	vadd.f32 v9, v47  }
0x247: {  	v2 =	vmul.f32 v2, v35;
	v7 =	vmul.f32 v30, v35;
	v30 =	vld.idx.msk [tilespmem:v22+s19+$0x800], $0xffff;
	v5 =	vadd.f32 v5, v8  }
0x248: {  	p0 =	sne.s32 s20, $0x38000;
	v6 =	vadd.f32 v56, v6;
	v48 =	vld.idx.msk [tilespmem:v23+s19+$0xC00], $0xffff;
	v8 =	vadd.f32 v14, v9;
	v9 =	vmul.f32 v13, v35  }
.Ltmp8:
0x249: {  	v12 =	vmul.f32 v12, v34;
	v10 =	vadd.f32 v10, v1;
	v58 =	vld.idx.msk [tilespmem:v23+s19+$0x400], $0xffff;
	v2 =	vadd.f32 v2, v5;
	(pc) =	sbr.rel @p0 .LBB2_16-.Ltmp8, $4  }
0x24a: {  	v56 =	vld.idx.msk [tilespmem:v23+s19+$0x800], $0xffff;
	v5 =	vadd.f32 v7, v6;
	v7 =	vadd.f32 v9, v8;
	v9 =	vmul.f32 v11, v34  }
0x24b: {  	v1 =	vmul.f32 v18, v34;
	v6 =	vld.idx.msk [tilespmem:v22+s19+$0x0], $0xffff;
	v11 =	vadd.f32 v15, v10;
	v2 =	vadd.f32 v12, v2  }
0x24c: {  	v33 =	vmovc v19;
	v22 =	vmov v59;
	v59 =	vld.idx.msk [tilespmem:v23+s19+$0x0], $0xffff;
	v8 =	vadd.f32 v4, v5;
	v9 =	vadd.f32 v9, v7  }
0x24d: {  	s20 =	sadd.s32 $0x8000, s20;
	v4 =	vmul.f32 v48, v34;
	v5 =	vmul.f32 v30, v35;
	v7 =	vld.idx.msk [tilespmem:v20+s19+$0x0], $0xffff;
	v12 =	vadd.f32 v16, v2  }
0x24e: {  	v20 =	vld [tilespmem:$0x1FDB0]  }
0x24f: {  	v19 =	vld [tilespmem:$0x1FE20];
	_ =	sdelay $0x4  }
0x250: {  	v0 =	vadd.f32 v0, v8;
	_ =	sdelay $0x1  }
0x251: {  	v2 =	vadd.f32 v3, v9;
	v0 =	vadd.f32 v62, v0;
	v62 =	vld.idx.msk [tilespmem:v20+s19+$0x0], $0xffff  }
0x252: {  	v10 =	vld.idx.msk [tilespmem:v19+s19+$0x400], $0xffff  }
0x253: {  	v2 =	vadd.f32 v63, v2;
	v63 =	vld.idx.msk [tilespmem:v20+s19+$0x400], $0xffff  }
0x254: {  	v6 =	vmul.f32 v6, v41;
	v23 =	vld.idx.msk [tilespmem:v19+s19+$0x800], $0xffff  }
0x255: {  	v14 =	vld.idx.msk [tilespmem:v20+s19+$0x800], $0xffff  }
0x256: {  	v16 =	vmul.f32 v57, v39;
	v6 =	vadd.f32 v6, v24;
	v15 =	vld.idx.msk [tilespmem:v19+s19+$0xC00], $0xffff  }
0x257: {  	v18 =	vld.idx.msk [tilespmem:v20+s19+$0xC00], $0xffff  }
0x258: {  	v60 =	vadd.f32 v60, v11;
	v6 =	vadd.f32 v16, v6;
	v30 =	vld.idx.msk [tilespmem:v19+s19+$0x1000], $0xffff  }
0x259: {  	v61 =	vadd.f32 v61, v12;
	v13 =	vmul.f32 v59, v41;
	v0 =	vadd.f32 v52, v0;
	v24 =	vld.idx.msk [tilespmem:v20+s19+$0x1000], $0xffff  }
0x25a: {  	v3 =	vadd.f32 v54, v60;
	v26 =	vld.idx.msk [tilespmem:v19+s19+$0x1400], $0xffff;
	v5 =	vadd.f32 v5, v6  }
0x25b: {  	v17 =	vmul.f32 v58, v39;
	v13 =	vadd.f32 v13, v49;
	v0 =	vadd.f32 v44, v0;
	v44 =	vld.idx.msk [tilespmem:v19+s19+$0x1800], $0xffff  }
0x25c: {  	v3 =	vadd.f32 v46, v3;
	v46 =	vld.idx.msk [tilespmem:v20+s19+$0x1800], $0xffff;
	v1 =	vadd.f32 v1, v5  }
0x25d: {  	v25 =	vmul.f32 v56, v35;
	v7 =	vmul.f32 v7, v41;
	v13 =	vadd.f32 v17, v13;
	v48 =	vld.idx.msk [tilespmem:v19+s19+$0x1C00], $0xffff  }
0x25e: {  	v2 =	vadd.f32 v53, v2;
	v1 =	vadd.f32 v43, v1;
	v12 =	vmul.f32 v23, v35;
	v23 =	vld [tilespmem:$0x1FDC0]  }
0x25f: {  	v7 =	vadd.f32 v7, v50;
	v13 =	vadd.f32 v25, v13;
	v25 =	vld [tilespmem:$0x1FDD0];
	v10 =	vmul.f32 v10, v39  }
0x260: {  	v9 =	vmul.f32 v62, v41;
	v49 =	vmul.f32 v24, v31;
	v24 =	vld [tilespmem:$0x1FDE0];
	v1 =	vadd.f32 v42, v1  }
0x261: {  	v4 =	vadd.f32 v4, v13;
	v7 =	vadd.f32 v10, v7;
	v10 =	vmul.f32 v26, v29;
	v26 =	vld [tilespmem:$0x1FDF0]  }
0x262: {  	v11 =	vmul.f32 v63, v39;
	v9 =	vadd.f32 v9, v22;
	v1 =	vadd.f32 v21, v1;
	v21 =	vld [tilespmem:$0x1FE00]  }
0x263: {  	v8 =	vadd.f32 v55, v61;
	v2 =	vadd.f32 v38, v2;
	v22 =	vld [tilespmem:$0x1FE10]  }
0x264: {  	v50 =	vld.idx.msk [tilespmem:v20+s19+$0x1C00], $0xffff;
	v38 =	vmul.f32 v14, v35;
	v4 =	vadd.f32 v51, v4;
	v9 =	vadd.f32 v11, v9  }
0x265: {  	v8 =	vadd.f32 v45, v8;
	v39 =	vld.idx.msk [tilespmem:v20+s19+$0x1400], $0xffff;
	v41 =	vmul.f32 v15, v34;
	v7 =	vadd.f32 v12, v7  }
0x266: {  	v45 =	vmul.f32 v18, v34;
	v4 =	vadd.f32 v40, v4;
	v9 =	vadd.f32 v38, v9;
	v52 =	vld.idx.msk [tilespmem:v23+s30+$0x0], $0xffff  }
0x267: {  	v47 =	vmul.f32 v30, v31;
	v53 =	vld.idx.msk [tilespmem:v25+s30+$0x0], $0xffff;
	v7 =	vadd.f32 v41, v7  }
0x268: {  	v5 =	vmul.f32 v46, v28;
	v4 =	vadd.f32 v37, v4;
	v9 =	vadd.f32 v45, v9;
	v54 =	vld.idx.msk [tilespmem:v24+s30+$0x0], $0xffff  }
0x269: {  	v58 =	vmul.f32 v48, v27;
	v1 =	vadd.f32 v33, v1;
	v7 =	vadd.f32 v47, v7;
	v55 =	vld.idx.msk [tilespmem:v26+s30+$0x0], $0xffff  }
0x26a: {  	v6 =	vmul.f32 v39, v29;
	v4 =	vadd.f32 v32, v4;
	v9 =	vadd.f32 v49, v9;
	v56 =	vld.idx.msk [tilespmem:v21+s30+$0x0], $0xffff  }
0x26b: {  	v12 =	vmul.f32 v44, v28;
	v7 =	vadd.f32 v10, v7;
	v57 =	vld.idx.msk [tilespmem:v22+s30+$0x0], $0xffff;
	v3 =	vadd.f32 v52, v3  }
0x26c: {  	v60 =	vld.idx.msk [tilespmem:v19+s30+$0x0], $0xffff;
	v59 =	vmul.f32 v50, v27;
	v8 =	vadd.f32 v53, v8;
	v6 =	vadd.f32 v6, v9  }
0x26d: {  	v61 =	vld.idx.msk [tilespmem:v20+s30+$0x0], $0xffff;
	v7 =	vadd.f32 v12, v7;
	v0 =	vadd.f32 v54, v0;
	v62 =	vmax.f32 v3, $-5.000000000e+00  }
0x26e: {  	v5 =	vadd.f32 v5, v6;
	v2 =	vadd.f32 v55, v2;
	v63 =	vmax.f32 v62, v8  }
0x26f: {  	v7 =	vadd.f32 v58, v7;
	v1 =	vadd.f32 v56, v1;
	v9 =	vmax.f32 v63, v0  }
0x270: {  	v4 =	vadd.f32 v57, v4;
	v5 =	vadd.f32 v59, v5;
	v13 =	vmax.f32 v9, v2  }
0x271: {  	v7 =	vadd.f32 v60, v7;
	v6 =	vmax.f32 v13, v1  }
0x272: {  	v5 =	vadd.f32 v61, v5;
	v6 =	vmax.f32 v6, v4  }
0x273: {  	v6 =	vmax.f32 v6, v7  }
0x274: {  	v6 =	vmax.f32 v6, v5  }
0x275: {  	v14 =	vsub.f32 v3, v6  }
0x276: {  	v15 =	vsub.f32 v8, v6  }
0x277: {  	v16 =	vsub.f32 v0, v6;
	v9 =	vmul.f32 $1.442695020e+00, v14  }
0x278: {  	v17 =	vsub.f32 v2, v6;
	v10 =	vmul.f32 $1.442695020e+00, v15  }
0x279: {  	v27 =	vsub.f32 v1, v6;
	v18 =	vmul.f32 $1.442695020e+00, v16;
	(erf) = vpow2.f32 v9  }
0x27a: {  	v29 =	vsub.f32 v4, v6;
	v28 =	vmul.f32 $1.442695020e+00, v17;
	(erf) = vpow2.f32 v10  }
0x27b: {  	v31 =	vsub.f32 v7, v6;
	v30 =	vmul.f32 $1.442695020e+00, v27;
	(erf) = vpow2.f32 v18  }
0x27c: {  	v33 =	vsub.f32 v5, v6;
	v32 =	vmul.f32 $1.442695020e+00, v29;
	(erf) = vpow2.f32 v28  }
0x27d: {  	v35 =	vsub.f32 $-5.000000000e+00, v6;
	v34 =	vmul.f32 $1.442695020e+00, v31;
	(erf) = vpow2.f32 v30  }
0x27e: {  	v37 =	vmul.f32 $1.442695020e+00, v33;
	(erf) = vpow2.f32 v32  }
0x27f: {  	v38 =	vmul.f32 $1.442695020e+00, v35;
	(erf) = vpow2.f32 v34  }
0x280: {  	(erf) = vpow2.f32 v37  }
0x281: {  	(erf) = vpow2.f32 v38  }
0x282: {  	v39 =	vpop (erf)  }
0x283: {  	v40 =	vpop (erf)  }
0x284: {  	v41 =	vpop (erf)  }
0x285: {  	v42 =	vpop (erf)  }
0x286: {  	v43 =	vpop (erf)  }
0x287: {  	v44 =	vpop (erf)  }
0x288: {  	v45 =	vpop (erf)  }
0x289: {  	v46 =	vpop (erf)  }
0x28a: {  	v47 =	vpop (erf)  }
0x28b: {  	v17 =	vadd.f32 v39, v47;
	_ =	sdelay $0x1  }
0x28c: {  	v17 =	vadd.f32 v17, v40;
	_ =	sdelay $0x1  }
0x28d: {  	v17 =	vadd.f32 v17, v41;
	_ =	sdelay $0x1  }
0x28e: {  	v17 =	vadd.f32 v17, v42;
	_ =	sdelay $0x1  }
0x28f: {  	v17 =	vadd.f32 v17, v43;
	_ =	sdelay $0x1  }
0x290: {  	v17 =	vadd.f32 v17, v44;
	_ =	sdelay $0x1  }
0x291: {  	v17 =	vadd.f32 v17, v45;
	_ =	sdelay $0x1  }
0x292: {  	v17 =	vadd.f32 v17, v46;
	_ =	sdelay $0x1  }
0x293: {  	(erf) = vrcp.f32 v17;
	_ =	sdelay $0x4  }
0x294: {  	v48 =	vmul.f32 $5.000000000e-01, v36;
	v50 =	vld [tilespmem:$0x1FE30]  }
0x295: {  	vm0 =	vge.f32 v3, v8  }
0x296: {  	v56 =	vsel vm0, v3, v8;
	v6 =	vsub.f32 v6, v48  }
0x297: {  	v57 =	vsel vm0, v23, v25;
	vm1 =	vge.f32 v0, v2;
	v18 =	vsub.f32 $-5.000000000e+00, v48  }
0x298: {  	v58 =	vsel vm0, v25, v23;
	v59 =	vsel vm1, v0, v2;
	v60 =	vsel vm1, v24, v26;
	[tilespmem:s12+$0x1C980] =	vst v6;
	v49 =	vpop (erf)  }
0x299: {  	v61 =	vsel vm1, v26, v24;
	vm11 =	vge.f32 v1, v4;
	[tilespmem:s12+$0x1CB80] =	vst v18;
	v9 =	vmul.f32 v49, v39  }
0x29a: {  	v62 =	vsel vm11, v1, v4;
	v63 =	vsel vm11, v21, v22;
	vm13 =	vge.f32 v56, v59;
	[tilespmem:s12+$0x1CA80] =	vst v17  }
0x29b: {  	vm12 =	vge.f32 v7, v5;
	v10 =	vmul.f32 v49, v40;
	[tilespmem:v23+s31+$0x0] =	vst.idx.add.f32.msk $0xffff, v9  }
0x29c: {  	v3 =	vsel vm0, v8, v3;
	v0 =	vsel vm1, v2, v0;
	[tilespmem:v50+s15+$0x0 ss:$0x1] =	vst.idx.msk $0xffff, v9  }
0x29d: {  	v1 =	vsel vm11, v4, v1;
	v51 =	vmul.f32 v49, v41;
	[tilespmem:v25+s31+$0x0] =	vst.idx.add.f32.msk $0xffff, v10  }
0x29e: {  	v2 =	vsel vm13, v60, v57;
	vm0 =	vge.f32 v3, v0;
	[tilespmem:v50+s15+$0x10 ss:$0x1] =	vst.idx.msk $0xffff, v10  }
0x29f: {  	v27 =	vsel vm0, v3, v0;
	v52 =	vmul.f32 v49, v42;
	[tilespmem:v24+s31+$0x0] =	vst.idx.add.f32.msk $0xffff, v51  }
0x2a0: {  	v0 =	vsel vm0, v0, v3;
	v28 =	vsel vm0, v58, v61;
	[tilespmem:v50+s15+$0x20 ss:$0x1] =	vst.idx.msk $0xffff, v51  }
0x2a1: {  	v53 =	vmul.f32 v49, v43;
	v54 =	vmul.f32 v49, v44;
	[tilespmem:v26+s31+$0x0] =	vst.idx.add.f32.msk $0xffff, v52  }
0x2a2: {  	v55 =	vmul.f32 v49, v45;
	v6 =	vmul.f32 v49, v46;
	[tilespmem:v50+s15+$0x30 ss:$0x1] =	vst.idx.msk $0xffff, v52  }
0x2a3: {  	v49 =	vsel vm0, v61, v58;
	v23 =	vsel vm12, v19, v20;
	[tilespmem:v21+s31+$0x0] =	vst.idx.add.f32.msk $0xffff, v53  }
0x2a4: {  	v25 =	vsel vm13, v56, v59;
	v24 =	vsel vm12, v20, v19;
	[tilespmem:v50+s15+$0x40 ss:$0x1] =	vst.idx.msk $0xffff, v53  }
0x2a5: {  	v26 =	vsel vm13, v57, v60;
	v21 =	vsel vm11, v22, v21;
	[tilespmem:v22+s31+$0x0] =	vst.idx.add.f32.msk $0xffff, v54  }
0x2a6: {  	v22 =	vsel vm12, v7, v5;
	v5 =	vsel vm12, v5, v7;
	[tilespmem:v50+s15+$0x50 ss:$0x1] =	vst.idx.msk $0xffff, v54  }
0x2a7: {  	vm14 =	vge.f32 v62, v22;
	vm15 =	vge.f32 v1, v5;
	[tilespmem:v19+s31+$0x0] =	vst.idx.add.f32.msk $0xffff, v55  }
0x2a8: {  	v46 =	vld [tilespmem:$0x1FD30];
	v29 =	vsel vm14, v62, v22;
	v12 =	vsel vm14, v22, v62;
	v30 =	vsel vm14, v63, v23  }
0x2a9: {  	v4 =	vsel vm14, v23, v63;
	v31 =	vsel vm15, v1, v5;
	v1 =	vsel vm15, v5, v1  }
0x2aa: {  	v32 =	vsel vm15, v21, v24;
	[tilespmem:v50+s15+$0x60 ss:$0x1] =	vst.idx.msk $0xffff, v55;
	vm12 =	vge.f32 v31, v12  }
0x2ab: {  	vm4 =	vge.f32 v25, v29;
	[tilespmem:v20+s31+$0x0] =	vst.idx.add.f32.msk $0xffff, v6;
	v35 =	vsel vm12, v31, v12  }
0x2ac: {  	v7 =	vsel vm12, v12, v31;
	v36 =	vsel vm12, v32, v4;
	v4 =	vsel vm12, v4, v32  }
0x2ad: {  	v37 =	vsel vm4, v29, v25;
	v38 =	vsel vm4, v26, v30;
	v10 =	vsel vm4, v30, v26  }
0x2ae: {  	[tilespmem:v50+s15+$0x70 ss:$0x1] =	vst.idx.msk $0xffff, v6;
	v6 =	vsel vm13, v59, v56;
	vm13 =	vge.f32 v0, v1  }
0x2af: {  	v50 =	vsel vm15, v24, v21;
	vm2 =	vge.f32 v27, v6;
	v0 =	vsel vm13, v0, v1  }
0x2b0: {  	[tilespmem:v46+s18+$0x0] =	vst.idx.msk $0xffff, v38;
	v11 =	vsel vm13, v49, v50;
	v33 =	vsel vm2, v27, v6  }
0x2b1: {  	v48 =	vld [tilespmem:$0x1FD40];
	v6 =	vsel vm2, v6, v27;
	v34 =	vsel vm2, v28, v2;
	vm5 =	vge.f32 v33, v35  }
0x2b2: {  	v51 =	vld [tilespmem:$0x1FD50];
	v2 =	vsel vm2, v2, v28;
	vm3 =	vge.f32 v6, v7;
	v39 =	vsel vm5, v33, v35  }
0x2b3: {  	v55 =	vld [tilespmem:$0x1FD60];
	v40 =	vsel vm3, v6, v7;
	v3 =	vsel vm5, v35, v33;
	v41 =	vsel vm5, v34, v36  }
0x2b4: {  	v58 =	vld [tilespmem:$0x1FD70];
	v43 =	vsel vm3, v2, v4;
	v8 =	vsel vm5, v36, v34;
	v6 =	vsel vm3, v7, v6  }
0x2b5: {  	v60 =	vld [tilespmem:$0x1FD80];
	v56 =	vsel vm3, v4, v2;
	vm14 =	vge.f32 v40, v37;
	vm6 =	vge.f32 v0, v3  }
0x2b6: {  	v61 =	vld [tilespmem:$0x1FD90];
	v42 =	vsel vm14, v40, v37;
	v5 =	vsel vm14, v37, v40;
	v44 =	vsel vm14, v43, v10  }
0x2b7: {  	v63 =	vld [tilespmem:$0x1FDA0];
	v45 =	vsel vm6, v0, v3;
	v52 =	vsel vm14, v10, v43;
	vm7 =	vge.f32 v39, v42  }
0x2b8: {  	v38 =	vld [tilespmem:$0x1FF90];
	v53 =	vsel vm6, v11, v8;
	v0 =	vsel vm6, v3, v0;
	v47 =	vsel vm7, v41, v44  }
0x2b9: {  	s2 =	sadd.s32 $0x1, s2;
	v35 =	vld [tilespmem:$0x1FF70];
	vm8 =	vge.f32 v45, v5;
	v1 =	vsel vm7, v44, v41;
	[tilespmem:v48+s18+$0x0] =	vst.idx.msk $0xffff, v47  }
0x2ba: {  	p0 =	sne.s32 s2, $0x4;
	v57 =	vsel vm6, v8, v11;
	v40 =	vld [tilespmem:$0x1FFB0];
	v54 =	vsel vm8, v53, v52;
	[tilespmem:v51+s18+$0x0] =	vst.idx.msk $0xffff, v1  }
.Ltmp9:
0x2bb: {  	v43 =	vld [tilespmem:$0x1FFE0];
	vm15 =	vge.f32 v0, v6;
	v1 =	vsel vm8, v52, v53;
	[tilespmem:v55+s18+$0x0] =	vst.idx.msk $0xffff, v54;
	(pc) =	sbr.rel @p0 .LBB2_15-.Ltmp9, $4  }
0x2bc: {  	v39 =	vld [tilespmem:$0x1FFA0];
	v59 =	vsel vm15, v57, v56;
	[tilespmem:v58+s18+$0x0] =	vst.idx.msk $0xffff, v1  }
0x2bd: {  	v42 =	vld [tilespmem:$0x1FFD0];
	v0 =	vsel vm15, v56, v57;
	[tilespmem:v60+s18+$0x0] =	vst.idx.msk $0xffff, v59  }
0x2be: {  	v62 =	vsel vm13, v50, v49;
	v41 =	vld [tilespmem:$0x1FFC0];
	[tilespmem:v61+s18+$0x0] =	vst.idx.msk $0xffff, v0  }
0x2bf: {  	s4 =	sadd.s32 $0x10, s4;
	v44 =	vld [tilespmem:$0x1FFF0];
	[tilespmem:v63+s18+$0x0] =	vst.idx.msk $0xffff, v62  }
0x2c0: {  	s2 =	sadd.s32 s7, s3;
	s17 =	sshrl.u32 s3, $0x3  }
0x2c1: {  	[hbm4b:s2+s5] =	stream.linear.scatter [tilespmem:s18], [sflag:$0x4], $0x200, $0x38;
	[tilespmem:$0x1D800] =	vst v63  }
0x2c2: {  	s4 =	simm.s32 $0x1C980;
	s3 =	sadd.s32 s8, s17  }
0x2c3: {  	[hbm4b:s3+s5] =	stream.linear.scatter [tilespmem:s4], [sflag:$0x4], $0x40, $0x38;
	[tilespmem:$0x1D800] =	vst v63  }
.Ltmp10:
0x2c4: {  	_ = 	snop;
	(pc) =	sbr.rel @p1 .LBB2_20-.Ltmp10, $4  }
0x2c5: {  	s20 =	simm.s32 $0x1CA80;
	s19 =	sadd.s32 s9, s17  }
0x2c6: {  	[hbm4b:s19+s5] =	stream.linear.scatter [tilespmem:s20], [sflag:$0x4], $0x40, $0x38;
	[tilespmem:$0x1D800] =	vst v63  }
0x2c7: {  	s23 =	simm.s32 $0x1CB80;
	s2 =	sadd.s32 s10, s17  }
0x2c8: {  	[hbm4b:s2+s5] =	stream.linear.scatter [tilespmem:s23], [sflag:$0x4], $0x40, $0x38;
	[tilespmem:$0x1D800] =	vst v63  }
0x2c9: {  	s2 =	rddreg [dreg:$0x9]  }
0x2ca: {  	s2 =	sadd.s32 s14, s2  }
0x2cb: {  	s3 =	sshll.u32 s2, $0x3  }
.Ltmp11:
0x2cc: {  	s3 =	sand.u32 $0x1FFFFE00, s3;
	(pc) =	sbr.rel .LBB2_6-.Ltmp11, $4  }
0x2cd: {  	s4 =	simm.s32 $0x19000;
	s3 =	sadd.s32 s6, s3  }
0x2ce: {  	[tilespmem:s4], [sflag:$0x2] =	stream.linear.gather [hbm4b:s3+s5], $0x1000, $0x38;
	[tilespmem:$0x1D800] =	vst v63  }
0x2cf: {  	s13 =	sadd.s32 $0x1, s13;
	s2 =	sadd.s32 s1, s2  }
0x2d0: {  	v37 =	vld [tilespmem:$0x1FF80];
	[tilespmem:s24], [sflag:$0x2] =	stream.linear.gather [hbm4b:s2+s5], $0x200, $0x38  }
.LBB2_20:
0x2d1: {  	s13 =	simm.s32 $0x0;
	s17 =	rddreg [dreg:$0x5];
	s25 =	simm.s32 $0x18000  }
0x2d2: {  	[tilespmem:s25], [sflag:$0x1] =	stream.linear.gather [hbm4b:s17+s13], $0x1000, $0x38;
	[tilespmem:$0x1D800] =	vst v63  }
0x2d3: {  	s19 =	rddreg [dreg:$0x6]  }
0x2d4: {  	[tilespmem:s22], [sflag:$0x1] =	stream.linear.gather [hbm4b:s19+s13], $0x200, $0x38;
	[tilespmem:$0x1D800] =	vst v63  }
0x2d5: {  	s20 =	rddreg [dreg:$0x7];
	s2 =	simm.s32 $0x19000  }
0x2d6: {  	[tilespmem:s2], [sflag:$0x2] =	stream.linear.gather [hbm4b:s20+s13], $0x1000, $0x38;
	[tilespmem:$0x1D800] =	vst v63  }
0x2d7: {  	s23 =	rddreg [dreg:$0x8];
	s14 =	simm.s32 $0x3  }
0x2d8: {  	[tilespmem:s24], [sflag:$0x2] =	stream.linear.gather [hbm4b:s23+s13], $0x200, $0x38;
	[tilespmem:$0x1D800] =	vst v63  }
0x2d9: {  	_ =	swait.ge [sflag:s14], $0x200  }
0x2da: {  	[sflag:s14] =	ssyncset.done $0x0  }
0x2db: {  	[sflag:s14] =	ssyncadd.s32 $0xFFFFFE00  }
0x2dc: {  	_ =	swait.ge [sflag:s14], $0x40  }
0x2dd: {  	[sflag:s14] =	ssyncset.done $0x0  }
0x2de: {  	[sflag:s14] =	ssyncadd.s32 $0xFFFFFFC0  }
0x2df: {  	_ =	swait.ge [sflag:s14], $0x40  }
0x2e0: {  	[sflag:s14] =	ssyncset.done $0x0  }
0x2e1: {  	[sflag:s14] =	ssyncadd.s32 $0xFFFFFFC0  }
0x2e2: {  	_ =	swait.ge [sflag:s14], $0x40  }
0x2e3: {  	[sflag:s14] =	ssyncset.done $0x0  }
0x2e4: {  	s15 =	simm.s32 $0x4;
	[sflag:s14] =	ssyncadd.s32 $0xFFFFFFC0  }
0x2e5: {  	_ =	swait.ge [sflag:s15], $0x200  }
0x2e6: {  	[sflag:s15] =	ssyncset.done $0x0  }
0x2e7: {  	[sflag:s15] =	ssyncadd.s32 $0xFFFFFE00  }
0x2e8: {  	_ =	swait.ge [sflag:s15], $0x40  }
0x2e9: {  	[sflag:s15] =	ssyncset.done $0x0  }
0x2ea: {  	[sflag:s15] =	ssyncadd.s32 $0xFFFFFFC0  }
0x2eb: {  	_ =	swait.ge [sflag:s15], $0x40  }
0x2ec: {  	[sflag:s15] =	ssyncset.done $0x0  }
0x2ed: {  	[sflag:s15] =	ssyncadd.s32 $0xFFFFFFC0  }
0x2ee: {  	_ =	swait.ge [sflag:s15], $0x40  }
0x2ef: {  	[sflag:s15] =	ssyncset.done $0x0  }
0x2f0: {  	s3 =	simm.s32 $0x0;
	v36 =	vimm.f32 $0.0e+00;
	s2 =	simm.s32 $0x40;
	[sflag:s15] =	ssyncadd.s32 $0xFFFFFFC0  }
.LBB2_21:
0x2f1: {  	p0 =	sne.s32 s2, $0x3FFC0;
	[tilespmem:s3+$0x0] =	vst v36;
	s3 =	smov.u32 s2;
	s2 =	sadd.s32 $0x40, s2  }
.Ltmp12:
0x2f2: {  	(pc) =	sbr.rel @p0 .LBB2_21-.Ltmp12, $2  }
0x2f3: {  	_ =	sdelay $0x2  }
0x2f4: {  	s3 =	sshra.s32 s3, $0x2  }
0x2f5: {  	[tilespmem:s3+$0x0] =	vst v36;
	v37 =	vld [tilespmem:$0x1FF80]  }
.LBB2_23:
0x2f6: {  	_ =	swait.ge [sflag:s28], $0x1000  }
0x2f7: {  	[sflag:s28] =	ssyncset.done $0x0  }
0x2f8: {  	[sflag:s28] =	ssyncadd.s32 $0xFFFFF000  }
0x2f9: {  	_ =	swait.ge [sflag:s28], $0x200  }
0x2fa: {  	[sflag:s28] =	ssyncset.done $0x0  }
0x2fb: {  	s3 =	simm.s32 $0x0;
	s2 =	simm.s32 $0x18020;
	[sflag:s28] =	ssyncadd.s32 $0xFFFFFE00  }
0x2fc: {  	s4 =	simm.s32 $0x1;
	v1 =	vadd.s32 s3, v37;
	v0 =	vld [tilespmem:s2+$0xFFFFFFE0]  }
.LBB2_24:
0x2fd: {  	p0 =	seq.s32 s4, $0x3F;
	_ =	sdelay $0x3  }
0x2fe: {  	s12 =	sadd.s32 $0x410, s3;
	[tilespmem:v1+s29+$0x0] =	vst.idx.msk $0xffff, v0  }
0x2ff: {  	v1 =	vadd.s32 s12, v37;
	v0 =	vld [tilespmem:s2+$0xFFFFFFF0];
	_ =	sdelay $0x4  }
0x300: {  	s12 =	sadd.s32 $0x820, s3;
	[tilespmem:v1+s29+$0x0] =	vst.idx.msk $0xffff, v0  }
0x301: {  	v1 =	vadd.s32 s12, v37;
	v0 =	vld [tilespmem:s2+$0x0];
	_ =	sdelay $0x4  }
0x302: {  	s12 =	sadd.s32 $0xC30, s3;
	s3 =	smov.u32 s4;
	[tilespmem:v1+s29+$0x0] =	vst.idx.msk $0xffff, v0  }
0x303: {  	v1 =	vadd.s32 s12, v37;
	v0 =	vld [tilespmem:s2+$0x10];
	_ =	sdelay $0x1  }
.Ltmp13:
0x304: {  	(pc) =	sbr.rel @!p0 .LBB2_24-.Ltmp13, $3  }
0x305: {  	_ =	sdelay $0x1  }
0x306: {  	s2 =	sadd.s32 $0x40, s2;
	[tilespmem:v1+s29+$0x0] =	vst.idx.msk $0xffff, v0  }
0x307: {  	s4 =	sadd.s32 $0x1, s4;
	v1 =	vadd.s32 s3, v37;
	v0 =	vld [tilespmem:s2+$0xFFFFFFE0]  }
0x308: {  	_ =	sdelay $0x3  }
0x309: {  	s4 =	sadd.s32 $0x410, s3;
	[tilespmem:v1+s29+$0x0] =	vst.idx.msk $0xffff, v0  }
0x30a: {  	v61 =	vadd.s32 s4, v37;
	v0 =	vld [tilespmem:s2+$0xFFFFFFF0];
	_ =	sdelay $0x4  }
0x30b: {  	s15 =	sadd.s32 $0x820, s3;
	[tilespmem:v61+s29+$0x0] =	vst.idx.msk $0xffff, v0  }
0x30c: {  	v62 =	vadd.s32 s15, v37;
	v0 =	vld [tilespmem:s2+$0x0];
	_ =	sdelay $0x4  }
0x30d: {  	s12 =	sadd.s32 $0xC30, s3;
	[tilespmem:v62+s29+$0x0] =	vst.idx.msk $0xffff, v0  }
0x30e: {  	v63 =	vadd.s32 s12, v37;
	v0 =	vld [tilespmem:s2+$0x10];
	_ =	sdelay $0x1  }
0x30f: {  	s14 =	sshll.u32 s13, $0xA  }
0x310: {  	s2 =	sand.u32 $0x3FFFFC00, s14  }
0x311: {  	s15 =	sadd.s32 $0x10000, s2  }
0x312: {  	s3 =	simm.s32 $0x1A104;
	s2 =	simm.s32 $0x0;
	v10 =	vmov s15;
	[tilespmem:v63+s29+$0x0] =	vst.idx.msk $0xffff, v0  }
.LBB2_26:
0x313: {  	_ = 	snop  }
0x314: {  	s4 =	sshll.u32 s2, $0x7  }
0x315: {  	v6 =	vld [tilespmem:s3+$0x41];
	v0 =	vmov s4  }
0x316: {  	v8 =	vld [tilespmem:s3+$0x82];
	v0 =	vshrl.u32 v0, $0x7  }
0x317: {  	v19 =	vld.idx.msk [tilespmem:v10+s4+$0x0 ss:$0x1], $0xffff;
	v0 =	vshll.u32 v0, $0x7  }
0x318: {  	v20 =	vld.idx.msk [tilespmem:v10+s4+$0x10 ss:$0x1], $0xffff;
	v0 =	vbroadcast v0, $0x0  }
0x319: {  	v21 =	vld.idx.msk [tilespmem:v10+s4+$0x20 ss:$0x1], $0xffff  }
0x31a: {  	v22 =	vld.idx.msk [tilespmem:v10+s4+$0x30 ss:$0x1], $0xffff;
	v1 =	vor.u32 v35, v0  }
0x31b: {  	v23 =	vld.idx.msk [tilespmem:v10+s4+$0x40 ss:$0x1], $0xffff;
	v2 =	vor.u32 v38, v0  }
0x31c: {  	v24 =	vld.idx.msk [tilespmem:v10+s4+$0x50 ss:$0x1], $0xffff;
	v3 =	vor.u32 v39, v0  }
0x31d: {  	v25 =	vld.idx.msk [tilespmem:v10+s4+$0x60 ss:$0x1], $0xffff;
	v4 =	vor.u32 v40, v0  }
0x31e: {  	v26 =	vld.idx.msk [tilespmem:v10+s4+$0x70 ss:$0x1], $0xffff;
	v5 =	vor.u32 v41, v0  }
0x31f: {  	v11 =	vld.idx.msk [tilespmem:v1+s22+$0x0], $0xffff;
	v1 =	vor.u32 v42, v0  }
0x320: {  	v12 =	vld.idx.msk [tilespmem:v2+s22+$0x0], $0xffff;
	v2 =	vor.u32 v43, v0  }
0x321: {  	v13 =	vld.idx.msk [tilespmem:v3+s22+$0x0], $0xffff  }
0x322: {  	v14 =	vld.idx.msk [tilespmem:v4+s22+$0x0], $0xffff  }
0x323: {  	v16 =	vld.idx.msk [tilespmem:v5+s22+$0x0], $0xffff  }
0x324: {  	v17 =	vld.idx.msk [tilespmem:v1+s22+$0x0], $0xffff  }
0x325: {  	v18 =	vld.idx.msk [tilespmem:v2+s22+$0x0], $0xffff  }
0x326: {  	v0 =	vor.u32 v44, v0;
	v1 =	vld [tilespmem:s3+$0xFFFFFEFC]  }
0x327: {  	v2 =	vld [tilespmem:s3+$0xFFFFFF3D]  }
0x328: {  	v3 =	vld [tilespmem:s3+$0xFFFFFF7E]  }
0x329: {  	v4 =	vld [tilespmem:s3+$0xFFFFFFBF]  }
0x32a: {  	v5 =	vld [tilespmem:s3+$0x0]  }
0x32b: {  	v15 =	vld.idx.msk [tilespmem:v0+s22+$0x0], $0xffff;
	v7 =	vmul.f32 v1, v19  }
0x32c: {  	s4 =	simm.s32 $0x0;
	v0 =	vld [tilespmem:s3+$0xC3];
	v9 =	vmul.f32 v2, v19  }
0x32d: {  	v63 =	vmul.f32 v3, v19;
	[tilespmem:v11+s4+$0x0] =	vst.idx.add.f32.msk $0xffff, v7  }
0x32e: {  	[tilespmem:v11+s4+$0x400] =	vst.idx.add.f32.msk $0xffff, v9;
	v9 =	vmul.f32 v4, v19  }
0x32f: {  	v28 =	vmul.f32 v5, v19;
	[tilespmem:v11+s4+$0x800] =	vst.idx.add.f32.msk $0xffff, v63  }
0x330: {  	[tilespmem:v11+s4+$0xC00] =	vst.idx.add.f32.msk $0xffff, v9;
	v9 =	vmul.f32 v6, v19  }
0x331: {  	v29 =	vmul.f32 v8, v19;
	[tilespmem:v11+s4+$0x1000] =	vst.idx.add.f32.msk $0xffff, v28  }
0x332: {  	[tilespmem:v11+s4+$0x1400] =	vst.idx.add.f32.msk $0xffff, v9;
	v9 =	vmul.f32 v0, v19  }
0x333: {  	v30 =	vmul.f32 v1, v20;
	[tilespmem:v11+s4+$0x1800] =	vst.idx.add.f32.msk $0xffff, v29  }
0x334: {  	[tilespmem:v11+s4+$0x1C00] =	vst.idx.add.f32.msk $0xffff, v9;
	v9 =	vmul.f32 v2, v20  }
0x335: {  	v31 =	vmul.f32 v3, v20;
	[tilespmem:v12+s4+$0x0] =	vst.idx.add.f32.msk $0xffff, v30  }
0x336: {  	[tilespmem:v12+s4+$0x400] =	vst.idx.add.f32.msk $0xffff, v9;
	v9 =	vmul.f32 v4, v20  }
0x337: {  	v32 =	vmul.f32 v5, v20;
	[tilespmem:v12+s4+$0x800] =	vst.idx.add.f32.msk $0xffff, v31  }
0x338: {  	[tilespmem:v12+s4+$0xC00] =	vst.idx.add.f32.msk $0xffff, v9;
	v9 =	vmul.f32 v6, v20  }
0x339: {  	v33 =	vmul.f32 v8, v20;
	[tilespmem:v12+s4+$0x1000] =	vst.idx.add.f32.msk $0xffff, v32  }
0x33a: {  	[tilespmem:v12+s4+$0x1400] =	vst.idx.add.f32.msk $0xffff, v9;
	v9 =	vmul.f32 v0, v20  }
0x33b: {  	v34 =	vmul.f32 v1, v21;
	[tilespmem:v12+s4+$0x1800] =	vst.idx.add.f32.msk $0xffff, v33  }
0x33c: {  	[tilespmem:v12+s4+$0x1C00] =	vst.idx.add.f32.msk $0xffff, v9;
	v9 =	vmul.f32 v2, v21  }
0x33d: {  	v45 =	vmul.f32 v3, v21;
	[tilespmem:v13+s4+$0x0] =	vst.idx.add.f32.msk $0xffff, v34  }
0x33e: {  	[tilespmem:v13+s4+$0x400] =	vst.idx.add.f32.msk $0xffff, v9;
	v9 =	vmul.f32 v4, v21  }
0x33f: {  	v46 =	vmul.f32 v5, v21;
	[tilespmem:v13+s4+$0x800] =	vst.idx.add.f32.msk $0xffff, v45  }
0x340: {  	[tilespmem:v13+s4+$0xC00] =	vst.idx.add.f32.msk $0xffff, v9;
	v9 =	vmul.f32 v6, v21  }
0x341: {  	v47 =	vmul.f32 v8, v21;
	[tilespmem:v13+s4+$0x1000] =	vst.idx.add.f32.msk $0xffff, v46  }
0x342: {  	[tilespmem:v13+s4+$0x1400] =	vst.idx.add.f32.msk $0xffff, v9;
	v9 =	vmul.f32 v0, v21  }
0x343: {  	v48 =	vmul.f32 v1, v22;
	[tilespmem:v13+s4+$0x1800] =	vst.idx.add.f32.msk $0xffff, v47  }
0x344: {  	[tilespmem:v13+s4+$0x1C00] =	vst.idx.add.f32.msk $0xffff, v9;
	v9 =	vmul.f32 v2, v22  }
0x345: {  	v49 =	vmul.f32 v3, v22;
	[tilespmem:v14+s4+$0x0] =	vst.idx.add.f32.msk $0xffff, v48  }
0x346: {  	[tilespmem:v14+s4+$0x400] =	vst.idx.add.f32.msk $0xffff, v9;
	v9 =	vmul.f32 v4, v22  }
0x347: {  	v50 =	vmul.f32 v5, v22;
	[tilespmem:v14+s4+$0x800] =	vst.idx.add.f32.msk $0xffff, v49  }
0x348: {  	[tilespmem:v14+s4+$0xC00] =	vst.idx.add.f32.msk $0xffff, v9;
	v9 =	vmul.f32 v6, v22  }
0x349: {  	v51 =	vmul.f32 v8, v22;
	[tilespmem:v14+s4+$0x1000] =	vst.idx.add.f32.msk $0xffff, v50  }
0x34a: {  	[tilespmem:v14+s4+$0x1400] =	vst.idx.add.f32.msk $0xffff, v9;
	v9 =	vmul.f32 v0, v22  }
0x34b: {  	v52 =	vmul.f32 v1, v23;
	[tilespmem:v14+s4+$0x1800] =	vst.idx.add.f32.msk $0xffff, v51  }
0x34c: {  	[tilespmem:v14+s4+$0x1C00] =	vst.idx.add.f32.msk $0xffff, v9;
	v9 =	vmul.f32 v2, v23  }
0x34d: {  	v53 =	vmul.f32 v3, v23;
	[tilespmem:v16+s4+$0x0] =	vst.idx.add.f32.msk $0xffff, v52  }
0x34e: {  	[tilespmem:v16+s4+$0x400] =	vst.idx.add.f32.msk $0xffff, v9;
	v9 =	vmul.f32 v4, v23  }
0x34f: {  	v54 =	vmul.f32 v5, v23;
	[tilespmem:v16+s4+$0x800] =	vst.idx.add.f32.msk $0xffff, v53  }
0x350: {  	[tilespmem:v16+s4+$0xC00] =	vst.idx.add.f32.msk $0xffff, v9;
	v9 =	vmul.f32 v6, v23  }
0x351: {  	v55 =	vmul.f32 v8, v23;
	[tilespmem:v16+s4+$0x1000] =	vst.idx.add.f32.msk $0xffff, v54  }
0x352: {  	[tilespmem:v16+s4+$0x1400] =	vst.idx.add.f32.msk $0xffff, v9;
	v9 =	vmul.f32 v0, v23  }
0x353: {  	v56 =	vmul.f32 v1, v24;
	[tilespmem:v16+s4+$0x1800] =	vst.idx.add.f32.msk $0xffff, v55  }
0x354: {  	[tilespmem:v16+s4+$0x1C00] =	vst.idx.add.f32.msk $0xffff, v9;
	v9 =	vmul.f32 v2, v24  }
0x355: {  	v57 =	vmul.f32 v3, v24;
	[tilespmem:v17+s4+$0x0] =	vst.idx.add.f32.msk $0xffff, v56  }
0x356: {  	[tilespmem:v17+s4+$0x400] =	vst.idx.add.f32.msk $0xffff, v9;
	v9 =	vmul.f32 v4, v24  }
0x357: {  	v58 =	vmul.f32 v5, v24;
	[tilespmem:v17+s4+$0x800] =	vst.idx.add.f32.msk $0xffff, v57  }
0x358: {  	[tilespmem:v17+s4+$0xC00] =	vst.idx.add.f32.msk $0xffff, v9;
	v9 =	vmul.f32 v6, v24  }
0x359: {  	v59 =	vmul.f32 v8, v24;
	[tilespmem:v17+s4+$0x1000] =	vst.idx.add.f32.msk $0xffff, v58  }
0x35a: {  	[tilespmem:v17+s4+$0x1400] =	vst.idx.add.f32.msk $0xffff, v9;
	v9 =	vmul.f32 v0, v24  }
0x35b: {  	v60 =	vmul.f32 v1, v25;
	[tilespmem:v17+s4+$0x1800] =	vst.idx.add.f32.msk $0xffff, v59  }
0x35c: {  	[tilespmem:v17+s4+$0x1C00] =	vst.idx.add.f32.msk $0xffff, v9;
	v9 =	vmul.f32 v2, v25  }
0x35d: {  	v61 =	vmul.f32 v3, v25;
	[tilespmem:v18+s4+$0x0] =	vst.idx.add.f32.msk $0xffff, v60  }
0x35e: {  	[tilespmem:v18+s4+$0x400] =	vst.idx.add.f32.msk $0xffff, v9;
	v9 =	vmul.f32 v4, v25  }
0x35f: {  	v62 =	vmul.f32 v5, v25;
	[tilespmem:v18+s4+$0x800] =	vst.idx.add.f32.msk $0xffff, v61  }
0x360: {  	[tilespmem:v18+s4+$0xC00] =	vst.idx.add.f32.msk $0xffff, v9;
	v9 =	vmul.f32 v6, v25  }
0x361: {  	v63 =	vmul.f32 v8, v25;
	[tilespmem:v18+s4+$0x1000] =	vst.idx.add.f32.msk $0xffff, v62  }
0x362: {  	[tilespmem:v18+s4+$0x1400] =	vst.idx.add.f32.msk $0xffff, v9;
	v9 =	vmul.f32 v0, v25  }
0x363: {  	v1 =	vmul.f32 v1, v26;
	[tilespmem:v18+s4+$0x1800] =	vst.idx.add.f32.msk $0xffff, v63  }
0x364: {  	v2 =	vmul.f32 v2, v26;
	[tilespmem:v18+s4+$0x1C00] =	vst.idx.add.f32.msk $0xffff, v9  }
0x365: {  	[tilespmem:v15+s4+$0x0] =	vst.idx.add.f32.msk $0xffff, v1;
	v1 =	vmul.f32 v3, v26  }
0x366: {  	[tilespmem:v15+s4+$0x400] =	vst.idx.add.f32.msk $0xffff, v2;
	v2 =	vmul.f32 v4, v26  }
0x367: {  	[tilespmem:v15+s4+$0x800] =	vst.idx.add.f32.msk $0xffff, v1;
	v1 =	vmul.f32 v5, v26  }
0x368: {  	[tilespmem:v15+s4+$0xC00] =	vst.idx.add.f32.msk $0xffff, v2;
	v2 =	vmul.f32 v6, v26  }
0x369: {  	[tilespmem:v15+s4+$0x1000] =	vst.idx.add.f32.msk $0xffff, v1;
	v1 =	vmul.f32 v8, v26  }
0x36a: {  	[tilespmem:v15+s4+$0x1400] =	vst.idx.add.f32.msk $0xffff, v2  }
0x36b: {  	s12 =	simm.s32 $0x8000;
	s14 =	smov.u32 s3;
	v0 =	vmul.f32 v0, v26;
	[tilespmem:v15+s4+$0x1800] =	vst.idx.add.f32.msk $0xffff, v1  }
.LBB2_27:
0x36c: {  	p0 =	sne.s32 s12, $0x38000  }
0x36d: {  	[tilespmem:v15+s4+$0x1C00] =	vst.idx.add.f32.msk $0xffff, v0;
	s14 =	sadd.s32 $0x208, s14;
	s4 =	smov.u32 s12;
	s12 =	sadd.s32 $0x8000, s12  }
0x36e: {  	v27 =	vld [tilespmem:s14+$0xC3]  }
0x36f: {  	v34 =	vld [tilespmem:s14+$0xFFFFFEFC]  }
0x370: {  	v33 =	vld [tilespmem:s14+$0xFFFFFF3D]  }
0x371: {  	v32 =	vld [tilespmem:s14+$0xFFFFFF7E]  }
0x372: {  	v31 =	vld [tilespmem:s14+$0xFFFFFFBF]  }
0x373: {  	v30 =	vld [tilespmem:s14+$0x0]  }
0x374: {  	v28 =	vld [tilespmem:s14+$0x41];
	v0 =	vmul.f32 v34, v19  }
0x375: {  	s4 =	sshra.s32 s4, $0x2;
	v29 =	vld [tilespmem:s14+$0x82];
	v1 =	vmul.f32 v33, v19  }
0x376: {  	[tilespmem:v11+s4+$0x0] =	vst.idx.add.f32.msk $0xffff, v0;
	v0 =	vmul.f32 v32, v19  }
0x377: {  	[tilespmem:v11+s4+$0x400] =	vst.idx.add.f32.msk $0xffff, v1;
	v1 =	vmul.f32 v31, v19  }
0x378: {  	[tilespmem:v11+s4+$0x800] =	vst.idx.add.f32.msk $0xffff, v0;
	v0 =	vmul.f32 v30, v19  }
0x379: {  	[tilespmem:v11+s4+$0xC00] =	vst.idx.add.f32.msk $0xffff, v1;
	v1 =	vmul.f32 v28, v19  }
0x37a: {  	[tilespmem:v11+s4+$0x1000] =	vst.idx.add.f32.msk $0xffff, v0;
	v0 =	vmul.f32 v29, v19  }
0x37b: {  	[tilespmem:v11+s4+$0x1400] =	vst.idx.add.f32.msk $0xffff, v1;
	v1 =	vmul.f32 v27, v19  }
0x37c: {  	[tilespmem:v11+s4+$0x1800] =	vst.idx.add.f32.msk $0xffff, v0;
	v0 =	vmul.f32 v34, v20  }
0x37d: {  	[tilespmem:v11+s4+$0x1C00] =	vst.idx.add.f32.msk $0xffff, v1;
	v1 =	vmul.f32 v33, v20  }
0x37e: {  	[tilespmem:v12+s4+$0x0] =	vst.idx.add.f32.msk $0xffff, v0;
	v0 =	vmul.f32 v32, v20  }
0x37f: {  	[tilespmem:v12+s4+$0x400] =	vst.idx.add.f32.msk $0xffff, v1;
	v1 =	vmul.f32 v31, v20  }
0x380: {  	[tilespmem:v12+s4+$0x800] =	vst.idx.add.f32.msk $0xffff, v0;
	v0 =	vmul.f32 v30, v20  }
0x381: {  	[tilespmem:v12+s4+$0xC00] =	vst.idx.add.f32.msk $0xffff, v1;
	v1 =	vmul.f32 v28, v20  }
0x382: {  	[tilespmem:v12+s4+$0x1000] =	vst.idx.add.f32.msk $0xffff, v0;
	v0 =	vmul.f32 v29, v20  }
0x383: {  	[tilespmem:v12+s4+$0x1400] =	vst.idx.add.f32.msk $0xffff, v1;
	v1 =	vmul.f32 v27, v20  }
0x384: {  	[tilespmem:v12+s4+$0x1800] =	vst.idx.add.f32.msk $0xffff, v0;
	v0 =	vmul.f32 v34, v21  }
0x385: {  	[tilespmem:v12+s4+$0x1C00] =	vst.idx.add.f32.msk $0xffff, v1;
	v1 =	vmul.f32 v33, v21  }
0x386: {  	[tilespmem:v13+s4+$0x0] =	vst.idx.add.f32.msk $0xffff, v0;
	v0 =	vmul.f32 v32, v21  }
0x387: {  	[tilespmem:v13+s4+$0x400] =	vst.idx.add.f32.msk $0xffff, v1;
	v1 =	vmul.f32 v31, v21  }
0x388: {  	[tilespmem:v13+s4+$0x800] =	vst.idx.add.f32.msk $0xffff, v0;
	v0 =	vmul.f32 v30, v21  }
0x389: {  	[tilespmem:v13+s4+$0xC00] =	vst.idx.add.f32.msk $0xffff, v1;
	v1 =	vmul.f32 v28, v21  }
0x38a: {  	[tilespmem:v13+s4+$0x1000] =	vst.idx.add.f32.msk $0xffff, v0;
	v0 =	vmul.f32 v29, v21  }
0x38b: {  	[tilespmem:v13+s4+$0x1400] =	vst.idx.add.f32.msk $0xffff, v1;
	v1 =	vmul.f32 v27, v21  }
0x38c: {  	[tilespmem:v13+s4+$0x1800] =	vst.idx.add.f32.msk $0xffff, v0;
	v0 =	vmul.f32 v34, v22  }
0x38d: {  	[tilespmem:v13+s4+$0x1C00] =	vst.idx.add.f32.msk $0xffff, v1;
	v1 =	vmul.f32 v33, v22  }
0x38e: {  	[tilespmem:v14+s4+$0x0] =	vst.idx.add.f32.msk $0xffff, v0;
	v0 =	vmul.f32 v32, v22  }
0x38f: {  	[tilespmem:v14+s4+$0x400] =	vst.idx.add.f32.msk $0xffff, v1;
	v1 =	vmul.f32 v31, v22  }
0x390: {  	[tilespmem:v14+s4+$0x800] =	vst.idx.add.f32.msk $0xffff, v0;
	v0 =	vmul.f32 v30, v22  }
0x391: {  	[tilespmem:v14+s4+$0xC00] =	vst.idx.add.f32.msk $0xffff, v1;
	v1 =	vmul.f32 v28, v22  }
0x392: {  	[tilespmem:v14+s4+$0x1000] =	vst.idx.add.f32.msk $0xffff, v0;
	v0 =	vmul.f32 v29, v22  }
0x393: {  	[tilespmem:v14+s4+$0x1400] =	vst.idx.add.f32.msk $0xffff, v1;
	v1 =	vmul.f32 v27, v22  }
0x394: {  	[tilespmem:v14+s4+$0x1800] =	vst.idx.add.f32.msk $0xffff, v0;
	v0 =	vmul.f32 v34, v23  }
0x395: {  	[tilespmem:v14+s4+$0x1C00] =	vst.idx.add.f32.msk $0xffff, v1;
	v1 =	vmul.f32 v33, v23  }
0x396: {  	[tilespmem:v16+s4+$0x0] =	vst.idx.add.f32.msk $0xffff, v0;
	v0 =	vmul.f32 v32, v23  }
0x397: {  	[tilespmem:v16+s4+$0x400] =	vst.idx.add.f32.msk $0xffff, v1;
	v1 =	vmul.f32 v31, v23  }
0x398: {  	[tilespmem:v16+s4+$0x800] =	vst.idx.add.f32.msk $0xffff, v0;
	v0 =	vmul.f32 v30, v23  }
0x399: {  	[tilespmem:v16+s4+$0xC00] =	vst.idx.add.f32.msk $0xffff, v1;
	v1 =	vmul.f32 v28, v23  }
0x39a: {  	[tilespmem:v16+s4+$0x1000] =	vst.idx.add.f32.msk $0xffff, v0;
	v0 =	vmul.f32 v29, v23  }
0x39b: {  	[tilespmem:v16+s4+$0x1400] =	vst.idx.add.f32.msk $0xffff, v1;
	v1 =	vmul.f32 v27, v23  }
0x39c: {  	[tilespmem:v16+s4+$0x1800] =	vst.idx.add.f32.msk $0xffff, v0;
	v0 =	vmul.f32 v34, v24  }
0x39d: {  	[tilespmem:v16+s4+$0x1C00] =	vst.idx.add.f32.msk $0xffff, v1;
	v1 =	vmul.f32 v33, v24  }
0x39e: {  	[tilespmem:v17+s4+$0x0] =	vst.idx.add.f32.msk $0xffff, v0;
	v0 =	vmul.f32 v32, v24  }
0x39f: {  	[tilespmem:v17+s4+$0x400] =	vst.idx.add.f32.msk $0xffff, v1;
	v1 =	vmul.f32 v31, v24  }
0x3a0: {  	[tilespmem:v17+s4+$0x800] =	vst.idx.add.f32.msk $0xffff, v0;
	v0 =	vmul.f32 v30, v24  }
0x3a1: {  	[tilespmem:v17+s4+$0xC00] =	vst.idx.add.f32.msk $0xffff, v1;
	v1 =	vmul.f32 v28, v24  }
0x3a2: {  	[tilespmem:v17+s4+$0x1000] =	vst.idx.add.f32.msk $0xffff, v0;
	v0 =	vmul.f32 v29, v24  }
0x3a3: {  	[tilespmem:v17+s4+$0x1400] =	vst.idx.add.f32.msk $0xffff, v1;
	v1 =	vmul.f32 v27, v24  }
0x3a4: {  	[tilespmem:v17+s4+$0x1800] =	vst.idx.add.f32.msk $0xffff, v0;
	v0 =	vmul.f32 v34, v25  }
0x3a5: {  	[tilespmem:v17+s4+$0x1C00] =	vst.idx.add.f32.msk $0xffff, v1;
	v1 =	vmul.f32 v33, v25  }
0x3a6: {  	[tilespmem:v18+s4+$0x0] =	vst.idx.add.f32.msk $0xffff, v0;
	v0 =	vmul.f32 v32, v25  }
0x3a7: {  	[tilespmem:v18+s4+$0x400] =	vst.idx.add.f32.msk $0xffff, v1;
	v1 =	vmul.f32 v31, v25  }
0x3a8: {  	[tilespmem:v18+s4+$0x800] =	vst.idx.add.f32.msk $0xffff, v0;
	v0 =	vmul.f32 v30, v25  }
0x3a9: {  	[tilespmem:v18+s4+$0xC00] =	vst.idx.add.f32.msk $0xffff, v1;
	v1 =	vmul.f32 v28, v25  }
0x3aa: {  	[tilespmem:v18+s4+$0x1000] =	vst.idx.add.f32.msk $0xffff, v0;
	v0 =	vmul.f32 v29, v25  }
0x3ab: {  	[tilespmem:v18+s4+$0x1400] =	vst.idx.add.f32.msk $0xffff, v1;
	v1 =	vmul.f32 v27, v25  }
0x3ac: {  	[tilespmem:v18+s4+$0x1800] =	vst.idx.add.f32.msk $0xffff, v0;
	v0 =	vmul.f32 v34, v26  }
0x3ad: {  	[tilespmem:v18+s4+$0x1C00] =	vst.idx.add.f32.msk $0xffff, v1;
	v1 =	vmul.f32 v33, v26  }
0x3ae: {  	[tilespmem:v15+s4+$0x0] =	vst.idx.add.f32.msk $0xffff, v0;
	v0 =	vmul.f32 v32, v26  }
0x3af: {  	[tilespmem:v15+s4+$0x400] =	vst.idx.add.f32.msk $0xffff, v1;
	v1 =	vmul.f32 v31, v26  }
.Ltmp14:
0x3b0: {  	[tilespmem:v15+s4+$0x800] =	vst.idx.add.f32.msk $0xffff, v0;
	v0 =	vmul.f32 v30, v26;
	(pc) =	sbr.rel @p0 .LBB2_27-.Ltmp14, $4  }
0x3b1: {  	[tilespmem:v15+s4+$0xC00] =	vst.idx.add.f32.msk $0xffff, v1;
	v1 =	vmul.f32 v28, v26  }
0x3b2: {  	v2 =	vmul.f32 v29, v26;
	[tilespmem:v15+s4+$0x1000] =	vst.idx.add.f32.msk $0xffff, v0  }
0x3b3: {  	v0 =	vmul.f32 v27, v26;
	[tilespmem:v15+s4+$0x1400] =	vst.idx.add.f32.msk $0xffff, v1  }
0x3b4: {  	[tilespmem:v15+s4+$0x1800] =	vst.idx.add.f32.msk $0xffff, v2  }
0x3b5: {  	s2 =	sadd.s32 $0x1, s2  }
0x3b6: {  	p0 =	sne.s32 s2, $0x4  }
.Ltmp15:
0x3b7: {  	_ = 	snop;
	(pc) =	sbr.rel @p0 .LBB2_26-.Ltmp15, $2  }
0x3b8: {  	_ =	sdelay $0x2  }
0x3b9: {  	[tilespmem:v15+s4+$0x1C00] =	vst.idx.add.f32.msk $0xffff, v0;
	s3 =	sadd.s32 $0x10, s3  }
0x3ba: {  	s2 =	sshll.u32 s13, $0x7;
	p0 =	seq.s32 s13, $0x1F  }
0x3bb: {  	s3 =	sadd.s32 @!p0 s2, s16  }
0x3bc: {  	s4 =	sshll.u32 @!p0 s3, $0x3  }
0x3bd: {  	s4 =	sand.u32 @!p0 $0x1FFFFC00, s4  }
0x3be: {  	s12 =	simm.s32 @!p0 $0x0;
	s14 =	simm.s32 @!p0 $0x18000;
	s4 =	sadd.s32 @!p0 s6, s4  }
0x3bf: {  	[tilespmem:s14], [sflag:$0x1] =	stream.linear.gather @!p0 [hbm4b:s4+s12], $0x1000, $0x38;
	[tilespmem:$0x1D800] =	vst v63  }
0x3c0: {  	s3 =	sadd.s32 @!p0 s1, s3;
	s4 =	simm.s32 @!p0 $0x1C100  }
0x3c1: {  	[tilespmem:s4], [sflag:$0x1] =	stream.linear.gather @!p0 [hbm4b:s3+s12], $0x200, $0x38;
	[tilespmem:$0x1D800] =	vst v63  }
0x3c2: {  	_ =	swait.ge [sflag:s26], $0x1000  }
0x3c3: {  	[sflag:s26] =	ssyncset.done $0x0  }
0x3c4: {  	[sflag:s26] =	ssyncadd.s32 $0xFFFFF000  }
0x3c5: {  	_ =	swait.ge [sflag:s26], $0x200  }
0x3c6: {  	[sflag:s26] =	ssyncset.done $0x0  }
0x3c7: {  	s3 =	simm.s32 $0x0;
	s4 =	simm.s32 $0x19020;
	[sflag:s26] =	ssyncadd.s32 $0xFFFFFE00  }
0x3c8: {  	s14 =	simm.s32 $0x1;
	s12 =	simm.s32 $0x0;
	v1 =	vadd.s32 s3, v37;
	v0 =	vld [tilespmem:s4+$0xFFFFFFE0]  }
.LBB2_30:
0x3c9: {  	p1 =	sne.s32 s14, $0x3F;
	_ =	sdelay $0x3  }
0x3ca: {  	s15 =	sadd.s32 $0x410, s12;
	[tilespmem:v1+s21+$0x0] =	vst.idx.msk $0xffff, v0  }
0x3cb: {  	v1 =	vadd.s32 s15, v37;
	v0 =	vld [tilespmem:s4+$0xFFFFFFF0];
	_ =	sdelay $0x4  }
0x3cc: {  	s15 =	sadd.s32 $0x820, s12;
	[tilespmem:v1+s21+$0x0] =	vst.idx.msk $0xffff, v0  }
0x3cd: {  	v1 =	vadd.s32 s15, v37;
	v0 =	vld [tilespmem:s4+$0x0];
	_ =	sdelay $0x4  }
0x3ce: {  	s15 =	sadd.s32 $0xC30, s12;
	s12 =	smov.u32 s14;
	[tilespmem:v1+s21+$0x0] =	vst.idx.msk $0xffff, v0  }
0x3cf: {  	v1 =	vadd.s32 s15, v37;
	v0 =	vld [tilespmem:s4+$0x10];
	_ =	sdelay $0x1  }
.Ltmp16:
0x3d0: {  	(pc) =	sbr.rel @p1 .LBB2_30-.Ltmp16, $3  }
0x3d1: {  	_ =	sdelay $0x1  }
0x3d2: {  	s4 =	sadd.s32 $0x40, s4;
	[tilespmem:v1+s21+$0x0] =	vst.idx.msk $0xffff, v0  }
0x3d3: {  	s14 =	sadd.s32 $0x1, s14;
	v1 =	vadd.s32 s12, v37;
	v0 =	vld [tilespmem:s4+$0xFFFFFFE0]  }
0x3d4: {  	_ =	sdelay $0x3  }
0x3d5: {  	s14 =	sadd.s32 $0x410, s12;
	[tilespmem:v1+s21+$0x0] =	vst.idx.msk $0xffff, v0  }
0x3d6: {  	v61 =	vadd.s32 s14, v37;
	v0 =	vld [tilespmem:s4+$0xFFFFFFF0];
	_ =	sdelay $0x4  }
0x3d7: {  	s15 =	sadd.s32 $0x820, s12;
	[tilespmem:v61+s21+$0x0] =	vst.idx.msk $0xffff, v0  }
0x3d8: {  	v62 =	vadd.s32 s15, v37;
	v0 =	vld [tilespmem:s4+$0x0];
	_ =	sdelay $0x4  }
0x3d9: {  	s15 =	sadd.s32 $0xC30, s12;
	[tilespmem:v62+s21+$0x0] =	vst.idx.msk $0xffff, v0  }
0x3da: {  	v63 =	vadd.s32 s15, v37;
	v0 =	vld [tilespmem:s4+$0x10];
	_ =	sdelay $0x4  }
0x3db: {  	s4 =	simm.s32 $0x1B184;
	[tilespmem:v63+s21+$0x0] =	vst.idx.msk $0xffff, v0  }
.LBB2_32:
0x3dc: {  	_ = 	snop  }
0x3dd: {  	s12 =	sshll.u32 s3, $0x7  }
0x3de: {  	v6 =	vld [tilespmem:s4+$0x41];
	v0 =	vmov s12  }
0x3df: {  	v8 =	vld [tilespmem:s4+$0x82];
	s12 =	sand.u32 $0x3FFFFF80, s12;
	v0 =	vshrl.u32 v0, $0x7  }
0x3e0: {  	v19 =	vld.idx.msk [tilespmem:v10+s12+$0x200 ss:$0x1], $0xffff;
	v0 =	vshll.u32 v0, $0x7  }
0x3e1: {  	v20 =	vld.idx.msk [tilespmem:v10+s12+$0x210 ss:$0x1], $0xffff;
	v0 =	vbroadcast v0, $0x0  }
0x3e2: {  	v21 =	vld.idx.msk [tilespmem:v10+s12+$0x220 ss:$0x1], $0xffff  }
0x3e3: {  	v22 =	vld.idx.msk [tilespmem:v10+s12+$0x230 ss:$0x1], $0xffff;
	v1 =	vor.u32 v35, v0  }
0x3e4: {  	v23 =	vld.idx.msk [tilespmem:v10+s12+$0x240 ss:$0x1], $0xffff;
	v2 =	vor.u32 v38, v0  }
0x3e5: {  	v24 =	vld.idx.msk [tilespmem:v10+s12+$0x250 ss:$0x1], $0xffff;
	v3 =	vor.u32 v39, v0  }
0x3e6: {  	v25 =	vld.idx.msk [tilespmem:v10+s12+$0x260 ss:$0x1], $0xffff;
	v4 =	vor.u32 v40, v0  }
0x3e7: {  	v26 =	vld.idx.msk [tilespmem:v10+s12+$0x270 ss:$0x1], $0xffff;
	v5 =	vor.u32 v41, v0  }
0x3e8: {  	v11 =	vld.idx.msk [tilespmem:v1+s24+$0x0], $0xffff;
	v1 =	vor.u32 v42, v0  }
0x3e9: {  	v12 =	vld.idx.msk [tilespmem:v2+s24+$0x0], $0xffff;
	v2 =	vor.u32 v43, v0  }
0x3ea: {  	v13 =	vld.idx.msk [tilespmem:v3+s24+$0x0], $0xffff  }
0x3eb: {  	v14 =	vld.idx.msk [tilespmem:v4+s24+$0x0], $0xffff  }
0x3ec: {  	v16 =	vld.idx.msk [tilespmem:v5+s24+$0x0], $0xffff  }
0x3ed: {  	v17 =	vld.idx.msk [tilespmem:v1+s24+$0x0], $0xffff  }
0x3ee: {  	v18 =	vld.idx.msk [tilespmem:v2+s24+$0x0], $0xffff  }
0x3ef: {  	v0 =	vor.u32 v44, v0;
	v1 =	vld [tilespmem:s4+$0xFFFFFEFC]  }
0x3f0: {  	v2 =	vld [tilespmem:s4+$0xFFFFFF3D]  }
0x3f1: {  	v3 =	vld [tilespmem:s4+$0xFFFFFF7E]  }
0x3f2: {  	v4 =	vld [tilespmem:s4+$0xFFFFFFBF]  }
0x3f3: {  	v5 =	vld [tilespmem:s4+$0x0]  }
0x3f4: {  	v15 =	vld.idx.msk [tilespmem:v0+s24+$0x0], $0xffff;
	v7 =	vmul.f32 v1, v19  }
0x3f5: {  	s12 =	simm.s32 $0x0;
	v0 =	vld [tilespmem:s4+$0xC3];
	v9 =	vmul.f32 v2, v19  }
0x3f6: {  	v63 =	vmul.f32 v3, v19;
	[tilespmem:v11+s12+$0x0] =	vst.idx.add.f32.msk $0xffff, v7  }
0x3f7: {  	[tilespmem:v11+s12+$0x400] =	vst.idx.add.f32.msk $0xffff, v9;
	v9 =	vmul.f32 v4, v19  }
0x3f8: {  	v28 =	vmul.f32 v5, v19;
	[tilespmem:v11+s12+$0x800] =	vst.idx.add.f32.msk $0xffff, v63  }
0x3f9: {  	[tilespmem:v11+s12+$0xC00] =	vst.idx.add.f32.msk $0xffff, v9;
	v9 =	vmul.f32 v6, v19  }
0x3fa: {  	v29 =	vmul.f32 v8, v19;
	[tilespmem:v11+s12+$0x1000] =	vst.idx.add.f32.msk $0xffff, v28  }
0x3fb: {  	[tilespmem:v11+s12+$0x1400] =	vst.idx.add.f32.msk $0xffff, v9;
	v9 =	vmul.f32 v0, v19  }
0x3fc: {  	v30 =	vmul.f32 v1, v20;
	[tilespmem:v11+s12+$0x1800] =	vst.idx.add.f32.msk $0xffff, v29  }
0x3fd: {  	[tilespmem:v11+s12+$0x1C00] =	vst.idx.add.f32.msk $0xffff, v9;
	v9 =	vmul.f32 v2, v20  }
0x3fe: {  	v31 =	vmul.f32 v3, v20;
	[tilespmem:v12+s12+$0x0] =	vst.idx.add.f32.msk $0xffff, v30  }
0x3ff: {  	[tilespmem:v12+s12+$0x400] =	vst.idx.add.f32.msk $0xffff, v9;
	v9 =	vmul.f32 v4, v20  }
0x400: {  	v32 =	vmul.f32 v5, v20;
	[tilespmem:v12+s12+$0x800] =	vst.idx.add.f32.msk $0xffff, v31  }
0x401: {  	[tilespmem:v12+s12+$0xC00] =	vst.idx.add.f32.msk $0xffff, v9;
	v9 =	vmul.f32 v6, v20  }
0x402: {  	v33 =	vmul.f32 v8, v20;
	[tilespmem:v12+s12+$0x1000] =	vst.idx.add.f32.msk $0xffff, v32  }
0x403: {  	[tilespmem:v12+s12+$0x1400] =	vst.idx.add.f32.msk $0xffff, v9;
	v9 =	vmul.f32 v0, v20  }
0x404: {  	v34 =	vmul.f32 v1, v21;
	[tilespmem:v12+s12+$0x1800] =	vst.idx.add.f32.msk $0xffff, v33  }
0x405: {  	[tilespmem:v12+s12+$0x1C00] =	vst.idx.add.f32.msk $0xffff, v9;
	v9 =	vmul.f32 v2, v21  }
0x406: {  	v45 =	vmul.f32 v3, v21;
	[tilespmem:v13+s12+$0x0] =	vst.idx.add.f32.msk $0xffff, v34  }
0x407: {  	[tilespmem:v13+s12+$0x400] =	vst.idx.add.f32.msk $0xffff, v9;
	v9 =	vmul.f32 v4, v21  }
0x408: {  	v46 =	vmul.f32 v5, v21;
	[tilespmem:v13+s12+$0x800] =	vst.idx.add.f32.msk $0xffff, v45  }
0x409: {  	[tilespmem:v13+s12+$0xC00] =	vst.idx.add.f32.msk $0xffff, v9;
	v9 =	vmul.f32 v6, v21  }
0x40a: {  	v47 =	vmul.f32 v8, v21;
	[tilespmem:v13+s12+$0x1000] =	vst.idx.add.f32.msk $0xffff, v46  }
0x40b: {  	[tilespmem:v13+s12+$0x1400] =	vst.idx.add.f32.msk $0xffff, v9;
	v9 =	vmul.f32 v0, v21  }
0x40c: {  	v48 =	vmul.f32 v1, v22;
	[tilespmem:v13+s12+$0x1800] =	vst.idx.add.f32.msk $0xffff, v47  }
0x40d: {  	[tilespmem:v13+s12+$0x1C00] =	vst.idx.add.f32.msk $0xffff, v9;
	v9 =	vmul.f32 v2, v22  }
0x40e: {  	v49 =	vmul.f32 v3, v22;
	[tilespmem:v14+s12+$0x0] =	vst.idx.add.f32.msk $0xffff, v48  }
0x40f: {  	[tilespmem:v14+s12+$0x400] =	vst.idx.add.f32.msk $0xffff, v9;
	v9 =	vmul.f32 v4, v22  }
0x410: {  	v50 =	vmul.f32 v5, v22;
	[tilespmem:v14+s12+$0x800] =	vst.idx.add.f32.msk $0xffff, v49  }
0x411: {  	[tilespmem:v14+s12+$0xC00] =	vst.idx.add.f32.msk $0xffff, v9;
	v9 =	vmul.f32 v6, v22  }
0x412: {  	v51 =	vmul.f32 v8, v22;
	[tilespmem:v14+s12+$0x1000] =	vst.idx.add.f32.msk $0xffff, v50  }
0x413: {  	[tilespmem:v14+s12+$0x1400] =	vst.idx.add.f32.msk $0xffff, v9;
	v9 =	vmul.f32 v0, v22  }
0x414: {  	v52 =	vmul.f32 v1, v23;
	[tilespmem:v14+s12+$0x1800] =	vst.idx.add.f32.msk $0xffff, v51  }
0x415: {  	[tilespmem:v14+s12+$0x1C00] =	vst.idx.add.f32.msk $0xffff, v9;
	v9 =	vmul.f32 v2, v23  }
0x416: {  	v53 =	vmul.f32 v3, v23;
	[tilespmem:v16+s12+$0x0] =	vst.idx.add.f32.msk $0xffff, v52  }
0x417: {  	[tilespmem:v16+s12+$0x400] =	vst.idx.add.f32.msk $0xffff, v9;
	v9 =	vmul.f32 v4, v23  }
0x418: {  	v54 =	vmul.f32 v5, v23;
	[tilespmem:v16+s12+$0x800] =	vst.idx.add.f32.msk $0xffff, v53  }
0x419: {  	[tilespmem:v16+s12+$0xC00] =	vst.idx.add.f32.msk $0xffff, v9;
	v9 =	vmul.f32 v6, v23  }
0x41a: {  	v55 =	vmul.f32 v8, v23;
	[tilespmem:v16+s12+$0x1000] =	vst.idx.add.f32.msk $0xffff, v54  }
0x41b: {  	[tilespmem:v16+s12+$0x1400] =	vst.idx.add.f32.msk $0xffff, v9;
	v9 =	vmul.f32 v0, v23  }
0x41c: {  	v56 =	vmul.f32 v1, v24;
	[tilespmem:v16+s12+$0x1800] =	vst.idx.add.f32.msk $0xffff, v55  }
0x41d: {  	[tilespmem:v16+s12+$0x1C00] =	vst.idx.add.f32.msk $0xffff, v9;
	v9 =	vmul.f32 v2, v24  }
0x41e: {  	v57 =	vmul.f32 v3, v24;
	[tilespmem:v17+s12+$0x0] =	vst.idx.add.f32.msk $0xffff, v56  }
0x41f: {  	[tilespmem:v17+s12+$0x400] =	vst.idx.add.f32.msk $0xffff, v9;
	v9 =	vmul.f32 v4, v24  }
0x420: {  	v58 =	vmul.f32 v5, v24;
	[tilespmem:v17+s12+$0x800] =	vst.idx.add.f32.msk $0xffff, v57  }
0x421: {  	[tilespmem:v17+s12+$0xC00] =	vst.idx.add.f32.msk $0xffff, v9;
	v9 =	vmul.f32 v6, v24  }
0x422: {  	v59 =	vmul.f32 v8, v24;
	[tilespmem:v17+s12+$0x1000] =	vst.idx.add.f32.msk $0xffff, v58  }
0x423: {  	[tilespmem:v17+s12+$0x1400] =	vst.idx.add.f32.msk $0xffff, v9;
	v9 =	vmul.f32 v0, v24  }
0x424: {  	v60 =	vmul.f32 v1, v25;
	[tilespmem:v17+s12+$0x1800] =	vst.idx.add.f32.msk $0xffff, v59  }
0x425: {  	[tilespmem:v17+s12+$0x1C00] =	vst.idx.add.f32.msk $0xffff, v9;
	v9 =	vmul.f32 v2, v25  }
0x426: {  	v61 =	vmul.f32 v3, v25;
	[tilespmem:v18+s12+$0x0] =	vst.idx.add.f32.msk $0xffff, v60  }
0x427: {  	[tilespmem:v18+s12+$0x400] =	vst.idx.add.f32.msk $0xffff, v9;
	v9 =	vmul.f32 v4, v25  }
0x428: {  	v62 =	vmul.f32 v5, v25;
	[tilespmem:v18+s12+$0x800] =	vst.idx.add.f32.msk $0xffff, v61  }
0x429: {  	[tilespmem:v18+s12+$0xC00] =	vst.idx.add.f32.msk $0xffff, v9;
	v9 =	vmul.f32 v6, v25  }
0x42a: {  	v63 =	vmul.f32 v8, v25;
	[tilespmem:v18+s12+$0x1000] =	vst.idx.add.f32.msk $0xffff, v62  }
0x42b: {  	[tilespmem:v18+s12+$0x1400] =	vst.idx.add.f32.msk $0xffff, v9;
	v9 =	vmul.f32 v0, v25  }
0x42c: {  	v1 =	vmul.f32 v1, v26;
	[tilespmem:v18+s12+$0x1800] =	vst.idx.add.f32.msk $0xffff, v63  }
0x42d: {  	v2 =	vmul.f32 v2, v26;
	[tilespmem:v18+s12+$0x1C00] =	vst.idx.add.f32.msk $0xffff, v9  }
0x42e: {  	[tilespmem:v15+s12+$0x0] =	vst.idx.add.f32.msk $0xffff, v1;
	v1 =	vmul.f32 v3, v26  }
0x42f: {  	[tilespmem:v15+s12+$0x400] =	vst.idx.add.f32.msk $0xffff, v2;
	v2 =	vmul.f32 v4, v26  }
0x430: {  	[tilespmem:v15+s12+$0x800] =	vst.idx.add.f32.msk $0xffff, v1;
	v1 =	vmul.f32 v5, v26  }
0x431: {  	[tilespmem:v15+s12+$0xC00] =	vst.idx.add.f32.msk $0xffff, v2;
	v2 =	vmul.f32 v6, v26  }
0x432: {  	[tilespmem:v15+s12+$0x1000] =	vst.idx.add.f32.msk $0xffff, v1;
	v1 =	vmul.f32 v8, v26  }
0x433: {  	[tilespmem:v15+s12+$0x1400] =	vst.idx.add.f32.msk $0xffff, v2  }
0x434: {  	s14 =	simm.s32 $0x8000;
	s15 =	smov.u32 s4;
	v0 =	vmul.f32 v0, v26;
	[tilespmem:v15+s12+$0x1800] =	vst.idx.add.f32.msk $0xffff, v1  }
.LBB2_33:
0x435: {  	p1 =	sne.s32 s14, $0x38000  }
0x436: {  	[tilespmem:v15+s12+$0x1C00] =	vst.idx.add.f32.msk $0xffff, v0;
	s15 =	sadd.s32 $0x208, s15;
	s12 =	smov.u32 s14;
	s14 =	sadd.s32 $0x8000, s14  }
0x437: {  	v27 =	vld [tilespmem:s15+$0xC3]  }
0x438: {  	v34 =	vld [tilespmem:s15+$0xFFFFFEFC]  }
0x439: {  	v33 =	vld [tilespmem:s15+$0xFFFFFF3D]  }
0x43a: {  	v32 =	vld [tilespmem:s15+$0xFFFFFF7E]  }
0x43b: {  	v31 =	vld [tilespmem:s15+$0xFFFFFFBF]  }
0x43c: {  	v30 =	vld [tilespmem:s15+$0x0]  }
0x43d: {  	v28 =	vld [tilespmem:s15+$0x41];
	v0 =	vmul.f32 v34, v19  }
0x43e: {  	s12 =	sshra.s32 s12, $0x2;
	v29 =	vld [tilespmem:s15+$0x82];
	v1 =	vmul.f32 v33, v19  }
0x43f: {  	[tilespmem:v11+s12+$0x0] =	vst.idx.add.f32.msk $0xffff, v0;
	v0 =	vmul.f32 v32, v19  }
0x440: {  	[tilespmem:v11+s12+$0x400] =	vst.idx.add.f32.msk $0xffff, v1;
	v1 =	vmul.f32 v31, v19  }
0x441: {  	[tilespmem:v11+s12+$0x800] =	vst.idx.add.f32.msk $0xffff, v0;
	v0 =	vmul.f32 v30, v19  }
0x442: {  	[tilespmem:v11+s12+$0xC00] =	vst.idx.add.f32.msk $0xffff, v1;
	v1 =	vmul.f32 v28, v19  }
0x443: {  	[tilespmem:v11+s12+$0x1000] =	vst.idx.add.f32.msk $0xffff, v0;
	v0 =	vmul.f32 v29, v19  }
0x444: {  	[tilespmem:v11+s12+$0x1400] =	vst.idx.add.f32.msk $0xffff, v1;
	v1 =	vmul.f32 v27, v19  }
0x445: {  	[tilespmem:v11+s12+$0x1800] =	vst.idx.add.f32.msk $0xffff, v0;
	v0 =	vmul.f32 v34, v20  }
0x446: {  	[tilespmem:v11+s12+$0x1C00] =	vst.idx.add.f32.msk $0xffff, v1;
	v1 =	vmul.f32 v33, v20  }
0x447: {  	[tilespmem:v12+s12+$0x0] =	vst.idx.add.f32.msk $0xffff, v0;
	v0 =	vmul.f32 v32, v20  }
0x448: {  	[tilespmem:v12+s12+$0x400] =	vst.idx.add.f32.msk $0xffff, v1;
	v1 =	vmul.f32 v31, v20  }
0x449: {  	[tilespmem:v12+s12+$0x800] =	vst.idx.add.f32.msk $0xffff, v0;
	v0 =	vmul.f32 v30, v20  }
0x44a: {  	[tilespmem:v12+s12+$0xC00] =	vst.idx.add.f32.msk $0xffff, v1;
	v1 =	vmul.f32 v28, v20  }
0x44b: {  	[tilespmem:v12+s12+$0x1000] =	vst.idx.add.f32.msk $0xffff, v0;
	v0 =	vmul.f32 v29, v20  }
0x44c: {  	[tilespmem:v12+s12+$0x1400] =	vst.idx.add.f32.msk $0xffff, v1;
	v1 =	vmul.f32 v27, v20  }
0x44d: {  	[tilespmem:v12+s12+$0x1800] =	vst.idx.add.f32.msk $0xffff, v0;
	v0 =	vmul.f32 v34, v21  }
0x44e: {  	[tilespmem:v12+s12+$0x1C00] =	vst.idx.add.f32.msk $0xffff, v1;
	v1 =	vmul.f32 v33, v21  }
0x44f: {  	[tilespmem:v13+s12+$0x0] =	vst.idx.add.f32.msk $0xffff, v0;
	v0 =	vmul.f32 v32, v21  }
0x450: {  	[tilespmem:v13+s12+$0x400] =	vst.idx.add.f32.msk $0xffff, v1;
	v1 =	vmul.f32 v31, v21  }
0x451: {  	[tilespmem:v13+s12+$0x800] =	vst.idx.add.f32.msk $0xffff, v0;
	v0 =	vmul.f32 v30, v21  }
0x452: {  	[tilespmem:v13+s12+$0xC00] =	vst.idx.add.f32.msk $0xffff, v1;
	v1 =	vmul.f32 v28, v21  }
0x453: {  	[tilespmem:v13+s12+$0x1000] =	vst.idx.add.f32.msk $0xffff, v0;
	v0 =	vmul.f32 v29, v21  }
0x454: {  	[tilespmem:v13+s12+$0x1400] =	vst.idx.add.f32.msk $0xffff, v1;
	v1 =	vmul.f32 v27, v21  }
0x455: {  	[tilespmem:v13+s12+$0x1800] =	vst.idx.add.f32.msk $0xffff, v0;
	v0 =	vmul.f32 v34, v22  }
0x456: {  	[tilespmem:v13+s12+$0x1C00] =	vst.idx.add.f32.msk $0xffff, v1;
	v1 =	vmul.f32 v33, v22  }
0x457: {  	[tilespmem:v14+s12+$0x0] =	vst.idx.add.f32.msk $0xffff, v0;
	v0 =	vmul.f32 v32, v22  }
0x458: {  	[tilespmem:v14+s12+$0x400] =	vst.idx.add.f32.msk $0xffff, v1;
	v1 =	vmul.f32 v31, v22  }
0x459: {  	[tilespmem:v14+s12+$0x800] =	vst.idx.add.f32.msk $0xffff, v0;
	v0 =	vmul.f32 v30, v22  }
0x45a: {  	[tilespmem:v14+s12+$0xC00] =	vst.idx.add.f32.msk $0xffff, v1;
	v1 =	vmul.f32 v28, v22  }
0x45b: {  	[tilespmem:v14+s12+$0x1000] =	vst.idx.add.f32.msk $0xffff, v0;
	v0 =	vmul.f32 v29, v22  }
0x45c: {  	[tilespmem:v14+s12+$0x1400] =	vst.idx.add.f32.msk $0xffff, v1;
	v1 =	vmul.f32 v27, v22  }
0x45d: {  	[tilespmem:v14+s12+$0x1800] =	vst.idx.add.f32.msk $0xffff, v0;
	v0 =	vmul.f32 v34, v23  }
0x45e: {  	[tilespmem:v14+s12+$0x1C00] =	vst.idx.add.f32.msk $0xffff, v1;
	v1 =	vmul.f32 v33, v23  }
0x45f: {  	[tilespmem:v16+s12+$0x0] =	vst.idx.add.f32.msk $0xffff, v0;
	v0 =	vmul.f32 v32, v23  }
0x460: {  	[tilespmem:v16+s12+$0x400] =	vst.idx.add.f32.msk $0xffff, v1;
	v1 =	vmul.f32 v31, v23  }
0x461: {  	[tilespmem:v16+s12+$0x800] =	vst.idx.add.f32.msk $0xffff, v0;
	v0 =	vmul.f32 v30, v23  }
0x462: {  	[tilespmem:v16+s12+$0xC00] =	vst.idx.add.f32.msk $0xffff, v1;
	v1 =	vmul.f32 v28, v23  }
0x463: {  	[tilespmem:v16+s12+$0x1000] =	vst.idx.add.f32.msk $0xffff, v0;
	v0 =	vmul.f32 v29, v23  }
0x464: {  	[tilespmem:v16+s12+$0x1400] =	vst.idx.add.f32.msk $0xffff, v1;
	v1 =	vmul.f32 v27, v23  }
0x465: {  	[tilespmem:v16+s12+$0x1800] =	vst.idx.add.f32.msk $0xffff, v0;
	v0 =	vmul.f32 v34, v24  }
0x466: {  	[tilespmem:v16+s12+$0x1C00] =	vst.idx.add.f32.msk $0xffff, v1;
	v1 =	vmul.f32 v33, v24  }
0x467: {  	[tilespmem:v17+s12+$0x0] =	vst.idx.add.f32.msk $0xffff, v0;
	v0 =	vmul.f32 v32, v24  }
0x468: {  	[tilespmem:v17+s12+$0x400] =	vst.idx.add.f32.msk $0xffff, v1;
	v1 =	vmul.f32 v31, v24  }
0x469: {  	[tilespmem:v17+s12+$0x800] =	vst.idx.add.f32.msk $0xffff, v0;
	v0 =	vmul.f32 v30, v24  }
0x46a: {  	[tilespmem:v17+s12+$0xC00] =	vst.idx.add.f32.msk $0xffff, v1;
	v1 =	vmul.f32 v28, v24  }
0x46b: {  	[tilespmem:v17+s12+$0x1000] =	vst.idx.add.f32.msk $0xffff, v0;
	v0 =	vmul.f32 v29, v24  }
0x46c: {  	[tilespmem:v17+s12+$0x1400] =	vst.idx.add.f32.msk $0xffff, v1;
	v1 =	vmul.f32 v27, v24  }
0x46d: {  	[tilespmem:v17+s12+$0x1800] =	vst.idx.add.f32.msk $0xffff, v0;
	v0 =	vmul.f32 v34, v25  }
0x46e: {  	[tilespmem:v17+s12+$0x1C00] =	vst.idx.add.f32.msk $0xffff, v1;
	v1 =	vmul.f32 v33, v25  }
0x46f: {  	[tilespmem:v18+s12+$0x0] =	vst.idx.add.f32.msk $0xffff, v0;
	v0 =	vmul.f32 v32, v25  }
0x470: {  	[tilespmem:v18+s12+$0x400] =	vst.idx.add.f32.msk $0xffff, v1;
	v1 =	vmul.f32 v31, v25  }
0x471: {  	[tilespmem:v18+s12+$0x800] =	vst.idx.add.f32.msk $0xffff, v0;
	v0 =	vmul.f32 v30, v25  }
0x472: {  	[tilespmem:v18+s12+$0xC00] =	vst.idx.add.f32.msk $0xffff, v1;
	v1 =	vmul.f32 v28, v25  }
0x473: {  	[tilespmem:v18+s12+$0x1000] =	vst.idx.add.f32.msk $0xffff, v0;
	v0 =	vmul.f32 v29, v25  }
0x474: {  	[tilespmem:v18+s12+$0x1400] =	vst.idx.add.f32.msk $0xffff, v1;
	v1 =	vmul.f32 v27, v25  }
0x475: {  	[tilespmem:v18+s12+$0x1800] =	vst.idx.add.f32.msk $0xffff, v0;
	v0 =	vmul.f32 v34, v26  }
0x476: {  	[tilespmem:v18+s12+$0x1C00] =	vst.idx.add.f32.msk $0xffff, v1;
	v1 =	vmul.f32 v33, v26  }
0x477: {  	[tilespmem:v15+s12+$0x0] =	vst.idx.add.f32.msk $0xffff, v0;
	v0 =	vmul.f32 v32, v26  }
0x478: {  	[tilespmem:v15+s12+$0x400] =	vst.idx.add.f32.msk $0xffff, v1;
	v1 =	vmul.f32 v31, v26  }
.Ltmp17:
0x479: {  	[tilespmem:v15+s12+$0x800] =	vst.idx.add.f32.msk $0xffff, v0;
	v0 =	vmul.f32 v30, v26;
	(pc) =	sbr.rel @p1 .LBB2_33-.Ltmp17, $4  }
0x47a: {  	[tilespmem:v15+s12+$0xC00] =	vst.idx.add.f32.msk $0xffff, v1;
	v1 =	vmul.f32 v28, v26  }
0x47b: {  	v2 =	vmul.f32 v29, v26;
	[tilespmem:v15+s12+$0x1000] =	vst.idx.add.f32.msk $0xffff, v0  }
0x47c: {  	v0 =	vmul.f32 v27, v26;
	[tilespmem:v15+s12+$0x1400] =	vst.idx.add.f32.msk $0xffff, v1  }
0x47d: {  	[tilespmem:v15+s12+$0x1800] =	vst.idx.add.f32.msk $0xffff, v2  }
0x47e: {  	s3 =	sadd.s32 $0x1, s3  }
0x47f: {  	p1 =	sne.s32 s3, $0x4  }
.Ltmp18:
0x480: {  	_ = 	snop;
	(pc) =	sbr.rel @p1 .LBB2_32-.Ltmp18, $2  }
0x481: {  	_ =	sdelay $0x2  }
0x482: {  	[tilespmem:v15+s12+$0x1C00] =	vst.idx.add.f32.msk $0xffff, v0;
	s4 =	sadd.s32 $0x10, s4  }
.Ltmp19:
0x483: {  	(pc) =	sbr.rel @p0 .LBB2_37-.Ltmp19, $1  }
0x484: {  	_ =	sdelay $0x3  }
0x485: {  	s3 =	rddreg [dreg:$0x9]  }
0x486: {  	s2 =	sadd.s32 s2, s3  }
0x487: {  	s3 =	sshll.u32 s2, $0x3  }
.Ltmp20:
0x488: {  	s3 =	sand.u32 $0x1FFFFE00, s3;
	(pc) =	sbr.rel .LBB2_23-.Ltmp20, $4  }
0x489: {  	s4 =	simm.s32 $0x19000;
	s3 =	sadd.s32 s6, s3  }
0x48a: {  	[tilespmem:s4], [sflag:$0x2] =	stream.linear.gather [hbm4b:s3+s5], $0x1000, $0x38;
	[tilespmem:$0x1D800] =	vst v63  }
0x48b: {  	s13 =	sadd.s32 $0x1, s13;
	s2 =	sadd.s32 s1, s2  }
0x48c: {  	[tilespmem:s24], [sflag:$0x2] =	stream.linear.gather [hbm4b:s2+s5], $0x200, $0x38;
	[tilespmem:$0x1D800] =	vst v63  }
.LBB2_38:
0x48d: {  	_ =	sfence.sel $0x180000  }
0x48e: {  	[bflag:$0x0] =	sbarrier.arrive $0xFFFF  }
0x48f: {  	_ =	strace $0x90000047  }
0x490: {  	s0 =	stileid.u32;
	[bflag:$0x2] =	sbarrier.arrive $0xFFFF  }
0x491: {  	p0 =	sne.s32 s0, $0x0;
	s0 =	rddreg [dreg:$0x4]  }
0x492: {  	s0 =	sadd.s32 @!p0 $0x100000, s0  }
0x493: {  	[sflag:s0] =	ssyncadd.tile.s32 @!p0 $0x1;
	_ =	shalt  }
.Lfunc_end2:
_tile_overlayer_lowered:
.L_overlay_start_2:
0x494: {  	(tag) =	ssettag $0x2  }
0x495: {  	s0 =	rddreg [dreg:$0x0];
	s2 =	stileid.u32  }
0x496: {  	s1 =	rddreg [dreg:$0x1];
	p0 =	sne.s32 s2, $0x0  }
0x497: {  	s3 =	rddreg [dreg:$0x2];
	[bflag:$0x3] =	sbarrier.arrive $0xFFFF;
	s2 =	simm.s32 @!p0 $0x1C05  }
0x498: {  	[timem:s3], [sflag:s2] =	dma.local @!p0 [hbm:s0], s1  }
0x499: {  	s0 =	simm.s32 @!p0 $0x5  }
0x49a: {  	_ =	swait.ge @!p0 [sflag:s0], s1  }
0x49b: {  	s1 =	ssub.s32 @!p0 $0x0, s1;
	[sflag:s0] =	ssyncset.done @!p0 $0x0  }
0x49c: {  	[sflag:s0] =	ssyncadd.s32 @!p0 s1  }
0x49d: {  	[bflag:$0x3] =	sbarrier.arrive $0xFFFF  }
0x49e: {  	_ =	shalt  }

</sc_bundles>
